<compile_context>
chip_gen: v7x
topology: tpu7x:2x2x1
jax: 0.10.2.dev20260603
libtpu: 0.0.44.dev20260713+nightly
codegen_flags: <defaults>
</compile_context>

<pallas_src>
import functools

import jax
import jax.numpy as jnp
from jax import lax
from jax.experimental import pallas as pl
from jax.experimental.pallas import tpu as pltpu
from jax.experimental.pallas import tpu_sc as plsc

N = 10000
E = 320000
FEAT = 128
H = 128
B = 128
NUM_CONV = 3
EPS = 1e-5

NC = 2
NS = 16
NW = NC * NS
L = 16

E_PAD = 323584
EPT = E_PAD // NW
CHUNK = 128
NCH = EPT // CHUNK
NCHT = E_PAD // CHUNK
K_A = 139
K_B = NCHT // NS - K_A
ACC_ROWS = 10240
ROWS_PT = ACC_ROWS // NS
DEG_PAD = 10016
TRASH = N

_mesh = plsc.VectorSubcoreMesh(core_axis_name="c", subcore_axis_name="s")


@functools.partial(
    pl.kernel,
    out_type=(
        jax.ShapeDtypeStruct((NW, DEG_PAD), jnp.float32),
        jax.ShapeDtypeStruct((NCHT, 2, CHUNK), jnp.int32),
    ),
    mesh=_mesh,
    scratch_types=[
        pltpu.VMEM((DEG_PAD,), jnp.float32),
        pltpu.VMEM((NCH, 2, CHUNK), jnp.int32),
        pltpu.VMEM((NCH, 2, CHUNK), jnp.int32),
    ],
    compiler_params=pltpu.CompilerParams(needs_layout_passes=False),
)
def _sc_deg(rc_hbm, degp_hbm, rcadj_hbm, deg_v, rc_v, out_v):
    wid = lax.axis_index("s") * NC + lax.axis_index("c")

    pltpu.sync_copy(rc_hbm.at[pl.ds(wid * NCH, NCH)], rc_v)

    def zero(i, _):
        deg_v[pl.ds(i * L, L)] = jnp.zeros((L,), jnp.float32)
        return 0

    lax.fori_loop(0, DEG_PAD // L, zero, 0)

    def chunk(j, _):
        def vec(i, _):
            r = rc_v[j, 0, pl.ds(i * L, L)]
            c = rc_v[j, 1, pl.ds(i * L, L)]
            self_e = r == c
            w = jnp.where(self_e, 0.0, 1.0).astype(jnp.float32)
            plsc.addupdate_scatter(deg_v, [r], w)
            out_v[j, 0, pl.ds(i * L, L)] = r
            out_v[j, 1, pl.ds(i * L, L)] = jnp.where(self_e, TRASH, c)
            return 0

        lax.fori_loop(0, CHUNK // L, vec, 0)
        return 0

    lax.fori_loop(0, NCH, chunk, 0)
    pltpu.sync_copy(out_v, rcadj_hbm.at[pl.ds(wid * NCH, NCH)])
    pltpu.sync_copy(deg_v, degp_hbm.at[wid])




@functools.partial(
    pl.kernel,
    out_type=jax.ShapeDtypeStruct((NC, ACC_ROWS, H), jnp.float32),
    mesh=_mesh,
    scratch_types=[
        pltpu.VMEM_SHARED((ACC_ROWS, H), jnp.float32),
        pltpu.VMEM((2, CHUNK), jnp.int32),
        pltpu.VMEM((2, CHUNK), jnp.int32),
        pltpu.VMEM((CHUNK, H), jnp.float32),
        pltpu.VMEM((CHUNK, H), jnp.float32),
        pltpu.SemaphoreType.DMA,
        pltpu.SemaphoreType.DMA,
        pltpu.SemaphoreType.DMA,
        pltpu.SemaphoreType.DMA,
    ],
    compiler_params=pltpu.CompilerParams(needs_layout_passes=False),
)
def _sc_prop(mp_hbm, rc_hbm, out_hbm, acc, i0, i1, g0, g1,
             gsem0, gsem1, isem0, isem1):
    cid = lax.axis_index("c")
    sid = lax.axis_index("s")
    cnt = jnp.where(cid == 0, K_A, K_B)
    start = jnp.where(cid == 0, sid * K_A, NS * K_A + sid * K_B)

    ibs = (i0, i1)
    gs = (g0, g1)
    gsems = (gsem0, gsem1)
    isems = (isem0, isem1)

    with jax.named_scope("acc_zero"):
        def zrow(i, _):
            g0[i // 8, pl.ds((i % 8) * L, L)] = jnp.zeros((L,), jnp.float32)
            return 0

        lax.fori_loop(0, CHUNK * (H // L), zrow, 0)

        def zacc(i, _):
            pltpu.sync_copy(
                g0, acc.at[pl.ds(sid * ROWS_PT + i * CHUNK, CHUNK)])
            return 0

        lax.fori_loop(0, ROWS_PT // CHUNK, zacc, 0)
        plsc.subcore_barrier()

    def prefetch_idx(j, slot):
        pltpu.async_copy(rc_hbm.at[start + j], ibs[slot], isems[slot])

    def gather(j, slot):
        pltpu.make_async_copy(rc_hbm.at[start + j], ibs[slot],
                              isems[slot]).wait()
        pltpu.async_copy(mp_hbm.at[ibs[slot].at[0]], gs[slot], gsems[slot])

    def scatter(j, slot):
        pltpu.make_async_copy(
            mp_hbm.at[ibs[slot].at[0]], gs[slot], gsems[slot]).wait()
        pltpu.sync_copy(gs[slot], acc.at[ibs[slot].at[1]], add=True)

    with jax.named_scope("edges"):
        prefetch_idx(0, 0)
        gather(0, 0)
        prefetch_idx(1, 1)

        def step(t, _):
            j = 2 * t + 1
            gather(j, 1)
            scatter(j - 1, 0)
            prefetch_idx(j + 1, 0)
            gather(j + 1, 0)
            scatter(j, 1)
            prefetch_idx(j + 2, 1)
            return 0

        lax.fori_loop(0, (cnt - 3) // 2, step, 0)
        gather(cnt - 2, 1)
        scatter(cnt - 3, 0)
        prefetch_idx(cnt - 1, 0)
        gather(cnt - 1, 0)
        scatter(cnt - 2, 1)
        scatter(cnt - 1, 0)

    with jax.named_scope("dump"):
        plsc.subcore_barrier()

        def dmp(i, _):
            r = sid * ROWS_PT + i * CHUNK
            pltpu.sync_copy(acc.at[pl.ds(r, CHUNK)], g0)
            pltpu.sync_copy(g0, out_hbm.at[cid, pl.ds(r, CHUNK)])
            return 0

        lax.fori_loop(0, ROWS_PT // CHUNK, dmp, 0)




def _bn(v, g, b):
    mean = jnp.mean(v, axis=0, keepdims=True)
    var = jnp.mean((v - mean) ** 2, axis=0, keepdims=True)
    return (v - mean) * lax.rsqrt(var + EPS) * g + b


def _tc(body, out_shape):
    return pl.pallas_call(body, out_shape=out_shape)


def _k_dinv(degp_ref, out_ref):
    deg = jnp.sum(degp_ref[...], axis=0, keepdims=True) + 1.0
    out_ref[...] = lax.rsqrt(deg)


def _k_front(x_ref, g_ref, b_ref, w_ref, out_ref):
    h = _bn(x_ref[...], g_ref[...], b_ref[...])
    out_ref[...] = jnp.maximum(
        jnp.dot(h, w_ref[...], preferred_element_type=jnp.float32), 0.0)


def _k_pre(h_ref, g_ref, b_ref, w_ref, dinv_ref, out_ref):
    hn = _bn(h_ref[...], g_ref[...], b_ref[...])
    m = jnp.dot(hn, w_ref[...], preferred_element_type=jnp.float32)
    out_ref[...] = dinv_ref[...] * m


def _k_mid(h_ref, p_ref, mp_ref, dinv_ref, bias_ref, g_ref, b_ref, w_ref,
           hout_ref, mout_ref):
    dinv = dinv_ref[...]
    psum = p_ref[0, :N, :] + p_ref[1, :N, :]
    tot = dinv * (psum + mp_ref[...]) + bias_ref[...]
    hnew = h_ref[...] + jnp.maximum(tot, 0.0)
    hout_ref[...] = hnew
    hn = _bn(hnew, g_ref[...], b_ref[...])
    m = jnp.dot(hn, w_ref[...], preferred_element_type=jnp.float32)
    mout_ref[...] = dinv * m


def _k_last(h_ref, p_ref, mp_ref, dinv_ref, bias_ref, hout_ref):
    dinv = dinv_ref[...]
    psum = p_ref[0, :N, :] + p_ref[1, :N, :]
    tot = dinv * (psum + mp_ref[...]) + bias_ref[...]
    hout_ref[...] = h_ref[...] + jnp.maximum(tot, 0.0)


def _k_head(h_ref, batch_ref, fg_ref, fb_ref, wfc_ref, bfc_ref,
            hg_ref, hb_ref, wcl_ref, bcl_ref, out_ref):
    onehot = (batch_ref[...] == lax.broadcasted_iota(jnp.int32, (N, B), 1)
              ).astype(jnp.float32)
    xg = lax.dot_general(onehot, h_ref[...],
                         dimension_numbers=(((0,), (0,)), ((), ())),
                         preferred_element_type=jnp.float32)
    z = _bn(xg, fg_ref[...], fb_ref[...])
    z = jnp.maximum(
        jnp.dot(z, wfc_ref[...], preferred_element_type=jnp.float32)
        + bfc_ref[...], 0.0)
    z = _bn(z, hg_ref[...], hb_ref[...])
    u = jnp.dot(z, wcl_ref[...],
                preferred_element_type=jnp.float32) + bcl_ref[...]
    umax = jnp.max(u, axis=-1, keepdims=True)
    lse = jnp.log(jnp.sum(jnp.exp(u - umax), axis=-1, keepdims=True)) + umax
    out_ref[...] = u - lse




def kernel(x, edge_index, batch, bn_feat_g, bn_feat_b, W_feat, conv_bn_g,
           conv_bn_b, conv_W, conv_b, bn_fc_g, bn_fc_b, W_fc, b_fc,
           bn_hidden_g, bn_hidden_b, W_class, b_class):
    f32 = jnp.float32
    pad = jnp.zeros((E_PAD - E,), jnp.int32)
    rowp = jnp.concatenate([edge_index[0], pad]).reshape(NCHT, CHUNK)
    colp = jnp.concatenate([edge_index[1], pad]).reshape(NCHT, CHUNK)
    rc = jnp.stack([rowp, colp], axis=1)

    degp, rcadj = _sc_deg(rc)

    dinv_full = _tc(_k_dinv, jax.ShapeDtypeStruct((1, DEG_PAD), f32))(degp)
    dinv = dinv_full[0, :N].reshape(N, 1)

    r2 = lambda a: a.reshape(1, -1)
    h = _tc(_k_front, jax.ShapeDtypeStruct((N, H), f32))(
        x, r2(bn_feat_g), r2(bn_feat_b), W_feat)

    mp = _tc(_k_pre, jax.ShapeDtypeStruct((N, H), f32))(
        h, r2(conv_bn_g[0]), r2(conv_bn_b[0]), conv_W[0], dinv)

    for i in range(NUM_CONV):
        p = _sc_prop(mp, rcadj)
        if i < NUM_CONV - 1:
            h, mp = _tc(
                _k_mid,
                (jax.ShapeDtypeStruct((N, H), f32),
                 jax.ShapeDtypeStruct((N, H), f32)),
            )(h, p, mp, dinv, r2(conv_b[i]), r2(conv_bn_g[i + 1]),
              r2(conv_bn_b[i + 1]), conv_W[i + 1])
        else:
            h = _tc(_k_last, jax.ShapeDtypeStruct((N, H), f32))(
                h, p, mp, dinv, r2(conv_b[i]))

    out = _tc(_k_head, jax.ShapeDtypeStruct((B, H), f32))(
        h, batch.reshape(N, 1), r2(bn_fc_g), r2(bn_fc_b), W_fc, r2(b_fc),
        r2(bn_hidden_g), r2(bn_hidden_b), W_class, r2(b_class))
    return out

# --- scband reference (transcript-rebuilt; emitter-appended) ---
"""Pipeline reference for scband-res-gcnnew-41068477284997 (READ-ONLY COPY).

The authoritative reference and input builder live on the scoring server;
editing this copy changes nothing except your own understanding.
"""

import jax, jax.numpy as jnp
import numpy as np

N = 10000
E = 320000
FEAT = 128
H = 128
B = 128
NUM_CONV = 3
EPS = 1e-5

def glorot(key, shape):
    lim = float(np.sqrt(6.0 / (shape[-2] + shape[-1])))
    return jax.random.uniform(key, shape, minval=-lim, maxval=lim, dtype=jnp.float32)

def setup_inputs(seed: int = 0):
    key = jax.random.key(seed)
    ks = jax.random.split(key, 8)
    inp = {}
    inp["x"] = jax.random.normal(ks[0], (N, FEAT), dtype=jnp.float32)
    inp["edge_index"] = jax.random.randint(ks[1], (2, E), 0, N, dtype=jnp.int32)
    inp["batch"] = jnp.sort(jax.random.randint(ks[2], (N,), 0, B, dtype=jnp.int32))
    inp["bn_feat_g"] = jnp.ones((FEAT,), jnp.float32)
    inp["bn_feat_b"] = jnp.zeros((FEAT,), jnp.float32)
    inp["W_feat"] = glorot(ks[3], (FEAT, H))
    inp["conv_bn_g"] = jnp.ones((NUM_CONV, H), jnp.float32)
    inp["conv_bn_b"] = jnp.zeros((NUM_CONV, H), jnp.float32)
    inp["conv_W"] = glorot(ks[4], (NUM_CONV, H, H))
    inp["conv_b"] = jnp.zeros((NUM_CONV, H), jnp.float32)
    inp["bn_fc_g"] = jnp.ones((H,), jnp.float32)
    inp["bn_fc_b"] = jnp.zeros((H,), jnp.float32)
    inp["W_fc"] = glorot(ks[5], (H, H))
    inp["b_fc"] = jnp.zeros((H,), jnp.float32)
    inp["bn_hidden_g"] = jnp.ones((H,), jnp.float32)
    inp["bn_hidden_b"] = jnp.zeros((H,), jnp.float32)
    inp["W_class"] = glorot(ks[6], (H, H))
    inp["b_class"] = jnp.zeros((H,), jnp.float32)
    return inp

def _batch_norm(x, g, b):
    mean = jnp.mean(x, axis=0)
    var = jnp.var(x, axis=0)
    return (x - mean) / jnp.sqrt(var + EPS) * g + b

def _build_norm(edge_index, n):
    # remove self loops, add self loops, compute symmetric GCN normalization
    row0 = edge_index[0]
    col0 = edge_index[1]
    w0 = (row0 != col0).astype(jnp.float32)
    loop = jnp.arange(n, dtype=row0.dtype)
    row = jnp.concatenate([row0, loop])
    col = jnp.concatenate([col0, loop])
    w = jnp.concatenate([w0, jnp.ones((n,), jnp.float32)])
    deg = jnp.zeros((n,), jnp.float32).at[row].add(w)
    dinv = jnp.where(deg > 0, deg ** -0.5, 0.0)
    norm = dinv[row] * w * dinv[col]
    return row, col, norm

def _gcn_propagate(x, row, col, norm, n):
    # message: norm * x_j (x_j = x[row]); aggregate 'add' at col
    msgs = norm[:, None] * jnp.take(x, row, axis=0)
    return jnp.zeros((n, x.shape[1]), x.dtype).at[col].add(msgs)

def reference(x, edge_index, batch, bn_feat_g, bn_feat_b, W_feat, conv_bn_g, conv_bn_b, conv_W, conv_b, bn_fc_g, bn_fc_b, W_fc, b_fc, bn_hidden_g, bn_hidden_b, W_class, b_class):
    n = x.shape[0]
    row, col, norm = _build_norm(edge_index, n)
    # bn_feat + conv_feat (gfn=True -> plain linear, no bias, no propagation)
    h = _batch_norm(x, bn_feat_g, bn_feat_b)
    h = jax.nn.relu(jnp.matmul(h, W_feat))
    # residual GCN conv blocks
    for i in range(NUM_CONV):
        h_ = _batch_norm(h, conv_bn_g[i], conv_bn_b[i])
        h_ = jnp.matmul(h_, conv_W[i])
        h_ = _gcn_propagate(h_, row, col, norm, n) + conv_b[i]
        h_ = jax.nn.relu(h_)
        h = h + h_  # conv_residual=True
    # global sum pool per graph
    xg = jax.ops.segment_sum(h, batch, num_segments=B)
    # fc layers (num_fc_layers=2 -> 1 hidden lin + class lin), fc_residual=False
    x_ = _batch_norm(xg, bn_fc_g, bn_fc_b)
    xg = jax.nn.relu(jnp.matmul(x_, W_fc) + b_fc)
    xg = _batch_norm(xg, bn_hidden_g, bn_hidden_b)
    out = jnp.matmul(xg, W_class) + b_class
    return jax.nn.log_softmax(out, axis=-1)

if __name__ == "__main__":
    import jax
    _d = setup_inputs()
    print(jax.jit(kernel)(*tuple(_d.values())))

</pallas_src>

<mosaic_0001>
#map = affine_map<(d0, d1) -> (0, 0)>
#map1 = affine_map<(d0, d1) -> (0, 0, 0)>
module attributes {stable_mosaic.version = 14 : i64} {
  func.func @_sc_prop(%arg0: i32, %arg1: i32, %arg2: memref<10000x128xf32, #tpu.memory_space<hbm>>, %arg3: memref<2528x2x128xi32, #tpu.memory_space<hbm>>, %arg4: memref<2x10240x128xf32, #tpu.memory_space<hbm>>, %arg5: memref<10240x128xf32, #tpu.memory_space<vmem_shared>>, %arg6: memref<2x128xi32, #tpu.memory_space<vmem>>, %arg7: memref<2x128xi32, #tpu.memory_space<vmem>>, %arg8: memref<128x128xf32, #tpu.memory_space<vmem>>, %arg9: memref<128x128xf32, #tpu.memory_space<vmem>>, %arg10: memref<!tpu.dma_semaphore, #tpu.memory_space<semaphore_mem>>, %arg11: memref<!tpu.dma_semaphore, #tpu.memory_space<semaphore_mem>>, %arg12: memref<!tpu.dma_semaphore, #tpu.memory_space<semaphore_mem>>, %arg13: memref<!tpu.dma_semaphore, #tpu.memory_space<semaphore_mem>>) attributes {dimension_semantics = [#tpu.dimension_semantics<core_parallel>, #tpu.dimension_semantics<subcore_parallel>], iteration_bounds = array<i64: 2, 16>, scalar_prefetch = 0 : i64, scratch_operands = 9 : i64, tpu.core_type = #tpu.core_type<sc_vector_subcore>, window_params = [{transform_indices = #map}, {transform_indices = #map1}, {transform_indices = #map1}]} {
    %eq3A = arith.constant 0 : i32
    %eq3A_0 = arith.cmpi eq, %arg0, %eq3A : i32
    %jit3A = arith.constant 139 : i32
    %jit3A_1 = arith.constant 19 : i32
    %select_n3A = arith.select %eq3A_0, %jit3A, %jit3A_1 : i32
    %eq3A_2 = arith.constant 0 : i32
    %eq3A_3 = arith.cmpi eq, %arg0, %eq3A_2 : i32
    %mul3A = arith.constant 139 : i32
    %mul3A_4 = arith.muli %arg1, %mul3A : i32
    %mul3A_5 = arith.constant 19 : i32
    %mul3A_6 = arith.muli %arg1, %mul3A_5 : i32
    %add3A = arith.constant 2224 : i32
    %add3A_7 = arith.addi %add3A, %mul3A_6 : i32
    %select_n3A_8 = arith.select %eq3A_3, %mul3A_4, %add3A_7 : i32
    "tpu.trace_start"() <{level = 10 : i32, message = "acc_zero"}> : () -> ()
    %scan3A = arith.constant 0 : i32
    %scan3A_9 = arith.constant 0 : i32
    %scan3A_10 = arith.constant 1024 : i32
    %scan3A_11 = arith.addi %scan3A_9, %scan3A_10 : i32
    %scan3A_12 = arith.constant 1 : i32
    %scan3A_13 = scf.for %scan3A_172 = %scan3A_9 to %scan3A_11 step %scan3A_12 iter_args(%scan3A_173 = %scan3A) -> (i32)  : i32 {
      %broadcast_in_dim3A = arith.constant 0.000000e+00 : f32
      %broadcast_in_dim3A_174 = vector.broadcast %broadcast_in_dim3A : f32 to vector<16xf32>
      %jit3A_175 = arith.constant 8 : i32
      %div3A_176 = arith.divsi %scan3A_172, %jit3A_175 : i32
      %sign3A_177 = arith.constant 0 : i32
      %sign3A_178 = arith.cmpi sgt, %scan3A_172, %sign3A_177 : i32
      %sign3A_179 = arith.extui %sign3A_178 : i1 to i32
      %sign3A_180 = arith.constant 0 : i32
      %sign3A_181 = arith.cmpi slt, %scan3A_172, %sign3A_180 : i32
      %sign3A_182 = arith.extui %sign3A_181 : i1 to i32
      %sign3A_183 = arith.subi %sign3A_179, %sign3A_182 : i32
      %sign3A_184 = arith.constant 0 : i32
      %sign3A_185 = arith.cmpi sgt, %jit3A_175, %sign3A_184 : i32
      %sign3A_186 = arith.extui %sign3A_185 : i1 to i32
      %sign3A_187 = arith.constant 0 : i32
      %sign3A_188 = arith.cmpi slt, %jit3A_175, %sign3A_187 : i32
      %sign3A_189 = arith.extui %sign3A_188 : i1 to i32
      %sign3A_190 = arith.subi %sign3A_186, %sign3A_189 : i32
      %ne3A_191 = arith.cmpi ne, %sign3A_183, %sign3A_190 : i32
      %rem3A_192 = arith.remsi %scan3A_172, %jit3A_175 : i32
      %ne3A_193 = arith.constant 0 : i32
      %ne3A_194 = arith.cmpi ne, %rem3A_192, %ne3A_193 : i32
      %and3A_195 = arith.andi %ne3A_191, %ne3A_194 : i1
      %sub3A_196 = arith.constant 1 : i32
      %sub3A_197 = arith.subi %div3A_176, %sub3A_196 : i32
      %select_n3A_198 = arith.select %and3A_195, %sub3A_197, %div3A_176 : i32
      %jit3A_199 = arith.constant 8 : i32
      %eq3A_200 = arith.constant 0 : i32
      %eq3A_201 = arith.cmpi eq, %jit3A_199, %eq3A_200 : i32
      %jit3A_202 = arith.constant 1 : i32
      %select_n3A_203 = arith.select %eq3A_201, %jit3A_202, %jit3A_199 : i32
      %rem3A_204 = arith.remsi %scan3A_172, %select_n3A_203 : i32
      %ne3A_205 = arith.constant 0 : i32
      %ne3A_206 = arith.cmpi ne, %rem3A_204, %ne3A_205 : i32
      %lt3A = arith.constant 0 : i32
      %lt3A_207 = arith.cmpi slt, %rem3A_204, %lt3A : i32
      %lt3A_208 = arith.constant 0 : i32
      %lt3A_209 = arith.cmpi slt, %select_n3A_203, %lt3A_208 : i32
      %ne3A_210 = arith.xori %lt3A_207, %lt3A_209 : i1
      %and3A_211 = arith.andi %ne3A_210, %ne3A_206 : i1
      %add3A_212 = arith.addi %rem3A_204, %select_n3A_203 : i32
      %select_n3A_213 = arith.select %and3A_211, %add3A_212, %rem3A_204 : i32
      %mul3A_214 = arith.constant 16 : i32
      %mul3A_215 = arith.muli %select_n3A_213, %mul3A_214 : i32
      %swap3A = arith.index_cast %select_n3A_198 : i32 to index
      %swap3A_216 = arith.index_cast %mul3A_215 : i32 to index
      %swap3A_217 = tpu.vector_load %arg8[%swap3A, %swap3A_216] {strides = array<i32>} : memref<128x128xf32, #tpu.memory_space<vmem>>, vector<16xf32>,
      tpu.vector_store %arg8[%swap3A, %swap3A_216], %broadcast_in_dim3A_174 {strides = array<i32>} : memref<128x128xf32, #tpu.memory_space<vmem>>, vector<16xf32>,
      %scan3A_218 = arith.constant 0 : i32
      scf.yield %scan3A_218 : i32
    }
    %scan3A_14 = arith.constant 1024 : i32
    %scan3A_15 = arith.constant 0 : i32
    %scan3A_16 = arith.constant 0 : i32
    %scan3A_17 = arith.constant 5 : i32
    %scan3A_18 = arith.addi %scan3A_16, %scan3A_17 : i32
    %scan3A_19 = arith.constant 1 : i32
    %scan3A_20 = scf.for %scan3A_172 = %scan3A_16 to %scan3A_18 step %scan3A_19 iter_args(%scan3A_173 = %scan3A_15) -> (i32)  : i32 {
      %mul3A_174 = arith.constant 640 : i32
      %mul3A_175 = arith.muli %arg1, %mul3A_174 : i32
      %mul3A_176 = arith.constant 128 : i32
      %mul3A_177 = arith.muli %scan3A_172, %mul3A_176 : i32
      %add3A_178 = arith.addi %mul3A_175, %mul3A_177 : i32
      "tpu.region"() ({
        %run_scoped3A_180 = tpu.sem_alloc : memref<!tpu.dma_semaphore, #tpu.memory_space<semaphore_mem>>
        %dma_start3A_181 = arith.constant 0 : i32
        %dma_start3A_182 = tpu.memref_slice %arg5[%add3A_178, %dma_start3A_181] : memref<10240x128xf32, #tpu.memory_space<vmem_shared>> -> memref<128x128xf32, #tpu.memory_space<vmem_shared>>
        %dma_start3A_183 = arith.constant 0 : i32
        %dma_start3A_184 = tpu.memref_slice %arg5[%add3A_178, %dma_start3A_183] : memref<10240x128xf32, #tpu.memory_space<vmem_shared>> -> memref<128x128xf32, #tpu.memory_space<vmem_shared>>
        tpu.enqueue_dma source(%arg8 : memref<128x128xf32, #tpu.memory_space<vmem>>) target(%dma_start3A_184 : memref<128x128xf32, #tpu.memory_space<vmem_shared>>) target_semaphore(%run_scoped3A_180 : memref<!tpu.dma_semaphore, #tpu.memory_space<semaphore_mem>>)
        %dma_wait3A_185 = arith.constant 0 : i32
        %dma_wait3A_186 = tpu.memref_slice %arg5[%add3A_178, %dma_wait3A_185] : memref<10240x128xf32, #tpu.memory_space<vmem_shared>> -> memref<128x128xf32, #tpu.memory_space<vmem_shared>>
        %dma_wait3A_187 = arith.constant 0 : i32
        %dma_wait3A_188 = tpu.memref_slice %arg5[%add3A_178, %dma_wait3A_187] : memref<10240x128xf32, #tpu.memory_space<vmem_shared>> -> memref<128x128xf32, #tpu.memory_space<vmem_shared>>
        tpu.wait_dma2 semaphore(%run_scoped3A_180 : memref<!tpu.dma_semaphore, #tpu.memory_space<semaphore_mem>>) src(%arg8 : memref<128x128xf32, #tpu.memory_space<vmem>>) dst(%dma_wait3A_188 : memref<128x128xf32, #tpu.memory_space<vmem_shared>>)
        tpu.yield
      }) : () -> ()
      %scan3A_179 = arith.constant 0 : i32
      scf.yield %scan3A_179 : i32
    }
    %scan3A_21 = arith.constant 5 : i32
    %barrier3A = arith.constant 0 : index
    tpu.barrier barrier_id(%barrier3A)
    "tpu.trace_stop"() : () -> ()
    "tpu.trace_start"() <{level = 10 : i32, message = "edges"}> : () -> ()
    %add3A_22 = arith.constant 0 : i32
    %add3A_23 = arith.addi %select_n3A_8, %add3A_22 : i32
    %dma_start3A = arith.constant 0 : i32
    %dma_start3A_24 = arith.constant 0 : i32
    %dma_start3A_25 = tpu.memref_slice %arg3[%add3A_23, %dma_start3A, %dma_start3A_24] : memref<2528x2x128xi32, #tpu.memory_space<hbm>> -> memref<1x2x128xi32, #tpu.memory_space<hbm>>
    %dma_start3A_26 = tpu.memref_squeeze %dma_start3A_25 : memref<1x2x128xi32, #tpu.memory_space<hbm>> -> memref<2x128xi32, #tpu.memory_space<hbm>>
    %dma_start3A_27 = arith.constant 0 : i32
    %dma_start3A_28 = arith.constant 0 : i32
    %dma_start3A_29 = tpu.memref_slice %arg3[%add3A_23, %dma_start3A_27, %dma_start3A_28] : memref<2528x2x128xi32, #tpu.memory_space<hbm>> -> memref<1x2x128xi32, #tpu.memory_space<hbm>>
    %dma_start3A_30 = tpu.memref_squeeze %dma_start3A_29 : memref<1x2x128xi32, #tpu.memory_space<hbm>> -> memref<2x128xi32, #tpu.memory_space<hbm>>
    tpu.enqueue_dma source(%dma_start3A_30 : memref<2x128xi32, #tpu.memory_space<hbm>>) target(%arg6 : memref<2x128xi32, #tpu.memory_space<vmem>>) target_semaphore(%arg12 : memref<!tpu.dma_semaphore, #tpu.memory_space<semaphore_mem>>)
    %add3A_31 = arith.constant 0 : i32
    %add3A_32 = arith.addi %select_n3A_8, %add3A_31 : i32
    %dma_wait3A = arith.constant 0 : i32
    %dma_wait3A_33 = arith.constant 0 : i32
    %dma_wait3A_34 = tpu.memref_slice %arg3[%add3A_32, %dma_wait3A, %dma_wait3A_33] : memref<2528x2x128xi32, #tpu.memory_space<hbm>> -> memref<1x2x128xi32, #tpu.memory_space<hbm>>
    %dma_wait3A_35 = tpu.memref_squeeze %dma_wait3A_34 : memref<1x2x128xi32, #tpu.memory_space<hbm>> -> memref<2x128xi32, #tpu.memory_space<hbm>>
    %dma_wait3A_36 = arith.constant 0 : i32
    %dma_wait3A_37 = arith.constant 0 : i32
    %dma_wait3A_38 = tpu.memref_slice %arg3[%add3A_32, %dma_wait3A_36, %dma_wait3A_37] : memref<2528x2x128xi32, #tpu.memory_space<hbm>> -> memref<1x2x128xi32, #tpu.memory_space<hbm>>
    %dma_wait3A_39 = tpu.memref_squeeze %dma_wait3A_38 : memref<1x2x128xi32, #tpu.memory_space<hbm>> -> memref<2x128xi32, #tpu.memory_space<hbm>>
    tpu.wait_dma2 semaphore(%arg12 : memref<!tpu.dma_semaphore, #tpu.memory_space<semaphore_mem>>) src(%dma_wait3A_39 : memref<2x128xi32, #tpu.memory_space<hbm>>) dst(%arg6 : memref<2x128xi32, #tpu.memory_space<vmem>>)
    %dma_start3A_40 = arith.constant 0 : i32
    %dma_start3A_41 = arith.constant 0 : i32
    %dma_start3A_42 = tpu.memref_slice %arg6[%dma_start3A_40, %dma_start3A_41] : memref<2x128xi32, #tpu.memory_space<vmem>> -> memref<1x128xi32, #tpu.memory_space<vmem>>
    %dma_start3A_43 = tpu.memref_squeeze %dma_start3A_42 : memref<1x128xi32, #tpu.memory_space<vmem>> -> memref<128xi32, #tpu.memory_space<vmem>>
    %dma_start3A_44 = arith.constant 0 : i32
    %dma_start3A_45 = arith.constant 0 : i32
    %dma_start3A_46 = tpu.memref_slice %arg2[%dma_start3A_44, %dma_start3A_45] : memref<10000x128xf32, #tpu.memory_space<hbm>> -> memref<10000x128xf32, #tpu.memory_space<hbm>>
    tpu.enqueue_indirect_dma source(%dma_start3A_46 : memref<10000x128xf32, #tpu.memory_space<hbm>>) target(%arg8 : memref<128x128xf32, #tpu.memory_space<vmem>>) offsets(%dma_start3A_43 : memref<128xi32, #tpu.memory_space<vmem>>) semaphore(%arg10 : memref<!tpu.dma_semaphore, #tpu.memory_space<semaphore_mem>>)
    %add3A_47 = arith.constant 1 : i32
    %add3A_48 = arith.addi %select_n3A_8, %add3A_47 : i32
    %dma_start3A_49 = arith.constant 0 : i32
    %dma_start3A_50 = arith.constant 0 : i32
    %dma_start3A_51 = tpu.memref_slice %arg3[%add3A_48, %dma_start3A_49, %dma_start3A_50] : memref<2528x2x128xi32, #tpu.memory_space<hbm>> -> memref<1x2x128xi32, #tpu.memory_space<hbm>>
    %dma_start3A_52 = tpu.memref_squeeze %dma_start3A_51 : memref<1x2x128xi32, #tpu.memory_space<hbm>> -> memref<2x128xi32, #tpu.memory_space<hbm>>
    %dma_start3A_53 = arith.constant 0 : i32
    %dma_start3A_54 = arith.constant 0 : i32
    %dma_start3A_55 = tpu.memref_slice %arg3[%add3A_48, %dma_start3A_53, %dma_start3A_54] : memref<2528x2x128xi32, #tpu.memory_space<hbm>> -> memref<1x2x128xi32, #tpu.memory_space<hbm>>
    %dma_start3A_56 = tpu.memref_squeeze %dma_start3A_55 : memref<1x2x128xi32, #tpu.memory_space<hbm>> -> memref<2x128xi32, #tpu.memory_space<hbm>>
    tpu.enqueue_dma source(%dma_start3A_56 : memref<2x128xi32, #tpu.memory_space<hbm>>) target(%arg7 : memref<2x128xi32, #tpu.memory_space<vmem>>) target_semaphore(%arg13 : memref<!tpu.dma_semaphore, #tpu.memory_space<semaphore_mem>>)
    %sub3A = arith.constant 3 : i32
    %sub3A_57 = arith.subi %select_n3A, %sub3A : i32
    %jit3A_58 = arith.constant 2 : i32
    %div3A = arith.divsi %sub3A_57, %jit3A_58 : i32
    %sign3A = arith.constant 0 : i32
    %sign3A_59 = arith.cmpi sgt, %sub3A_57, %sign3A : i32
    %sign3A_60 = arith.extui %sign3A_59 : i1 to i32
    %sign3A_61 = arith.constant 0 : i32
    %sign3A_62 = arith.cmpi slt, %sub3A_57, %sign3A_61 : i32
    %sign3A_63 = arith.extui %sign3A_62 : i1 to i32
    %sign3A_64 = arith.subi %sign3A_60, %sign3A_63 : i32
    %sign3A_65 = arith.constant 0 : i32
    %sign3A_66 = arith.cmpi sgt, %jit3A_58, %sign3A_65 : i32
    %sign3A_67 = arith.extui %sign3A_66 : i1 to i32
    %sign3A_68 = arith.constant 0 : i32
    %sign3A_69 = arith.cmpi slt, %jit3A_58, %sign3A_68 : i32
    %sign3A_70 = arith.extui %sign3A_69 : i1 to i32
    %sign3A_71 = arith.subi %sign3A_67, %sign3A_70 : i32
    %ne3A = arith.cmpi ne, %sign3A_64, %sign3A_71 : i32
    %rem3A = arith.remsi %sub3A_57, %jit3A_58 : i32
    %ne3A_72 = arith.constant 0 : i32
    %ne3A_73 = arith.cmpi ne, %rem3A, %ne3A_72 : i32
    %and3A = arith.andi %ne3A, %ne3A_73 : i1
    %sub3A_74 = arith.constant 1 : i32
    %sub3A_75 = arith.subi %div3A, %sub3A_74 : i32
    %select_n3A_76 = arith.select %and3A, %sub3A_75, %div3A : i32
    %while3A = arith.constant 0 : i32
    %while3A_77 = arith.constant 0 : i32
    %while3A_78 = arith.subi %select_n3A_76, %while3A : i32
    %while3A_79 = arith.addi %while3A, %while3A_78 : i32
    %while3A_80 = arith.constant 1 : i32
    %while3A_81 = arith.divsi %while3A_78, %while3A_80 : i32
    %while3A_82 = arith.muli %while3A_81, %while3A_80 : i32
    %while3A_83 = arith.addi %while3A, %while3A_82 : i32
    %while3A_84 = arith.constant 1 : i32
    %while3A_85 = scf.for %while3A_172 = %while3A to %while3A_83 step %while3A_84 iter_args(%while3A_173 = %while3A_77) -> (i32)  : i32 {
      %mul3A_174 = arith.constant 2 : i32
      %mul3A_175 = arith.muli %mul3A_174, %while3A_172 : i32
      %add3A_176 = arith.constant 1 : i32
      %add3A_177 = arith.addi %mul3A_175, %add3A_176 : i32
      %add3A_178 = arith.addi %select_n3A_8, %add3A_177 : i32
      %dma_wait3A_179 = arith.constant 0 : i32
      %dma_wait3A_180 = arith.constant 0 : i32
      %dma_wait3A_181 = tpu.memref_slice %arg3[%add3A_178, %dma_wait3A_179, %dma_wait3A_180] : memref<2528x2x128xi32, #tpu.memory_space<hbm>> -> memref<1x2x128xi32, #tpu.memory_space<hbm>>
      %dma_wait3A_182 = tpu.memref_squeeze %dma_wait3A_181 : memref<1x2x128xi32, #tpu.memory_space<hbm>> -> memref<2x128xi32, #tpu.memory_space<hbm>>
      %dma_wait3A_183 = arith.constant 0 : i32
      %dma_wait3A_184 = arith.constant 0 : i32
      %dma_wait3A_185 = tpu.memref_slice %arg3[%add3A_178, %dma_wait3A_183, %dma_wait3A_184] : memref<2528x2x128xi32, #tpu.memory_space<hbm>> -> memref<1x2x128xi32, #tpu.memory_space<hbm>>
      %dma_wait3A_186 = tpu.memref_squeeze %dma_wait3A_185 : memref<1x2x128xi32, #tpu.memory_space<hbm>> -> memref<2x128xi32, #tpu.memory_space<hbm>>
      tpu.wait_dma2 semaphore(%arg13 : memref<!tpu.dma_semaphore, #tpu.memory_space<semaphore_mem>>) src(%dma_wait3A_186 : memref<2x128xi32, #tpu.memory_space<hbm>>) dst(%arg7 : memref<2x128xi32, #tpu.memory_space<vmem>>)
      %dma_start3A_187 = arith.constant 0 : i32
      %dma_start3A_188 = arith.constant 0 : i32
      %dma_start3A_189 = tpu.memref_slice %arg7[%dma_start3A_187, %dma_start3A_188] : memref<2x128xi32, #tpu.memory_space<vmem>> -> memref<1x128xi32, #tpu.memory_space<vmem>>
      %dma_start3A_190 = tpu.memref_squeeze %dma_start3A_189 : memref<1x128xi32, #tpu.memory_space<vmem>> -> memref<128xi32, #tpu.memory_space<vmem>>
      %dma_start3A_191 = arith.constant 0 : i32
      %dma_start3A_192 = arith.constant 0 : i32
      %dma_start3A_193 = tpu.memref_slice %arg2[%dma_start3A_191, %dma_start3A_192] : memref<10000x128xf32, #tpu.memory_space<hbm>> -> memref<10000x128xf32, #tpu.memory_space<hbm>>
      tpu.enqueue_indirect_dma source(%dma_start3A_193 : memref<10000x128xf32, #tpu.memory_space<hbm>>) target(%arg9 : memref<128x128xf32, #tpu.memory_space<vmem>>) offsets(%dma_start3A_190 : memref<128xi32, #tpu.memory_space<vmem>>) semaphore(%arg11 : memref<!tpu.dma_semaphore, #tpu.memory_space<semaphore_mem>>)
      %sub3A_194 = arith.constant 1 : i32
      %sub3A_195 = arith.subi %add3A_177, %sub3A_194 : i32
      %dma_wait3A_196 = arith.constant 0 : i32
      %dma_wait3A_197 = arith.constant 0 : i32
      %dma_wait3A_198 = tpu.memref_slice %arg6[%dma_wait3A_196, %dma_wait3A_197] : memref<2x128xi32, #tpu.memory_space<vmem>> -> memref<1x128xi32, #tpu.memory_space<vmem>>
      %dma_wait3A_199 = tpu.memref_squeeze %dma_wait3A_198 : memref<1x128xi32, #tpu.memory_space<vmem>> -> memref<128xi32, #tpu.memory_space<vmem>>
      %dma_wait3A_200 = arith.constant 0 : i32
      %dma_wait3A_201 = arith.constant 0 : i32
      %dma_wait3A_202 = tpu.memref_slice %arg2[%dma_wait3A_200, %dma_wait3A_201] : memref<10000x128xf32, #tpu.memory_space<hbm>> -> memref<10000x128xf32, #tpu.memory_space<hbm>>
      tpu.wait_indirect_dma semaphore(%arg10 : memref<!tpu.dma_semaphore, #tpu.memory_space<semaphore_mem>>) src(%dma_wait3A_202 : memref<10000x128xf32, #tpu.memory_space<hbm>>) dst(%arg8 : memref<128x128xf32, #tpu.memory_space<vmem>>)
      %run_scoped3A_203 = arith.constant 1 : i32
      "tpu.region"() ({
        %run_scoped3A_253 = tpu.sem_alloc : memref<!tpu.dma_semaphore, #tpu.memory_space<semaphore_mem>>
        %dma_start3A_254 = arith.constant 0 : i32
        %dma_start3A_255 = tpu.memref_slice %arg6[%run_scoped3A_203, %dma_start3A_254] : memref<2x128xi32, #tpu.memory_space<vmem>> -> memref<1x128xi32, #tpu.memory_space<vmem>>
        %dma_start3A_256 = tpu.memref_squeeze %dma_start3A_255 : memref<1x128xi32, #tpu.memory_space<vmem>> -> memref<128xi32, #tpu.memory_space<vmem>>
        %dma_start3A_257 = arith.constant 0 : i32
        %dma_start3A_258 = arith.constant 0 : i32
        %dma_start3A_259 = tpu.memref_slice %arg5[%dma_start3A_257, %dma_start3A_258] : memref<10240x128xf32, #tpu.memory_space<vmem_shared>> -> memref<10240x128xf32, #tpu.memory_space<vmem_shared>>
        tpu.enqueue_indirect_dma source(%arg8 : memref<128x128xf32, #tpu.memory_space<vmem>>) target(%dma_start3A_259 : memref<10240x128xf32, #tpu.memory_space<vmem_shared>>) offsets(%dma_start3A_256 : memref<128xi32, #tpu.memory_space<vmem>>) semaphore(%run_scoped3A_253 : memref<!tpu.dma_semaphore, #tpu.memory_space<semaphore_mem>>) {add = true}
        %dma_wait3A_260 = arith.constant 0 : i32
        %dma_wait3A_261 = tpu.memref_slice %arg6[%run_scoped3A_203, %dma_wait3A_260] : memref<2x128xi32, #tpu.memory_space<vmem>> -> memref<1x128xi32, #tpu.memory_space<vmem>>
        %dma_wait3A_262 = tpu.memref_squeeze %dma_wait3A_261 : memref<1x128xi32, #tpu.memory_space<vmem>> -> memref<128xi32, #tpu.memory_space<vmem>>
        %dma_wait3A_263 = arith.constant 0 : i32
        %dma_wait3A_264 = arith.constant 0 : i32
        %dma_wait3A_265 = tpu.memref_slice %arg5[%dma_wait3A_263, %dma_wait3A_264] : memref<10240x128xf32, #tpu.memory_space<vmem_shared>> -> memref<10240x128xf32, #tpu.memory_space<vmem_shared>>
        tpu.wait_indirect_dma semaphore(%run_scoped3A_253 : memref<!tpu.dma_semaphore, #tpu.memory_space<semaphore_mem>>) src(%arg8 : memref<128x128xf32, #tpu.memory_space<vmem>>) dst(%dma_wait3A_265 : memref<10240x128xf32, #tpu.memory_space<vmem_shared>>)
        tpu.yield
      }) : () -> ()
      %add3A_204 = arith.constant 1 : i32
      %add3A_205 = arith.addi %add3A_177, %add3A_204 : i32
      %add3A_206 = arith.addi %select_n3A_8, %add3A_205 : i32
      %dma_start3A_207 = arith.constant 0 : i32
      %dma_start3A_208 = arith.constant 0 : i32
      %dma_start3A_209 = tpu.memref_slice %arg3[%add3A_206, %dma_start3A_207, %dma_start3A_208] : memref<2528x2x128xi32, #tpu.memory_space<hbm>> -> memref<1x2x128xi32, #tpu.memory_space<hbm>>
      %dma_start3A_210 = tpu.memref_squeeze %dma_start3A_209 : memref<1x2x128xi32, #tpu.memory_space<hbm>> -> memref<2x128xi32, #tpu.memory_space<hbm>>
      %dma_start3A_211 = arith.constant 0 : i32
      %dma_start3A_212 = arith.constant 0 : i32
      %dma_start3A_213 = tpu.memref_slice %arg3[%add3A_206, %dma_start3A_211, %dma_start3A_212] : memref<2528x2x128xi32, #tpu.memory_space<hbm>> -> memref<1x2x128xi32, #tpu.memory_space<hbm>>
      %dma_start3A_214 = tpu.memref_squeeze %dma_start3A_213 : memref<1x2x128xi32, #tpu.memory_space<hbm>> -> memref<2x128xi32, #tpu.memory_space<hbm>>
      tpu.enqueue_dma source(%dma_start3A_214 : memref<2x128xi32, #tpu.memory_space<hbm>>) target(%arg6 : memref<2x128xi32, #tpu.memory_space<vmem>>) target_semaphore(%arg12 : memref<!tpu.dma_semaphore, #tpu.memory_space<semaphore_mem>>)
      %add3A_215 = arith.constant 1 : i32
      %add3A_216 = arith.addi %add3A_177, %add3A_215 : i32
      %add3A_217 = arith.addi %select_n3A_8, %add3A_216 : i32
      %dma_wait3A_218 = arith.constant 0 : i32
      %dma_wait3A_219 = arith.constant 0 : i32
      %dma_wait3A_220 = tpu.memref_slice %arg3[%add3A_217, %dma_wait3A_218, %dma_wait3A_219] : memref<2528x2x128xi32, #tpu.memory_space<hbm>> -> memref<1x2x128xi32, #tpu.memory_space<hbm>>
      %dma_wait3A_221 = tpu.memref_squeeze %dma_wait3A_220 : memref<1x2x128xi32, #tpu.memory_space<hbm>> -> memref<2x128xi32, #tpu.memory_space<hbm>>
      %dma_wait3A_222 = arith.constant 0 : i32
      %dma_wait3A_223 = arith.constant 0 : i32
      %dma_wait3A_224 = tpu.memref_slice %arg3[%add3A_217, %dma_wait3A_222, %dma_wait3A_223] : memref<2528x2x128xi32, #tpu.memory_space<hbm>> -> memref<1x2x128xi32, #tpu.memory_space<hbm>>
      %dma_wait3A_225 = tpu.memref_squeeze %dma_wait3A_224 : memref<1x2x128xi32, #tpu.memory_space<hbm>> -> memref<2x128xi32, #tpu.memory_space<hbm>>
      tpu.wait_dma2 semaphore(%arg12 : memref<!tpu.dma_semaphore, #tpu.memory_space<semaphore_mem>>) src(%dma_wait3A_225 : memref<2x128xi32, #tpu.memory_space<hbm>>) dst(%arg6 : memref<2x128xi32, #tpu.memory_space<vmem>>)
      %dma_start3A_226 = arith.constant 0 : i32
      %dma_start3A_227 = arith.constant 0 : i32
      %dma_start3A_228 = tpu.memref_slice %arg6[%dma_start3A_226, %dma_start3A_227] : memref<2x128xi32, #tpu.memory_space<vmem>> -> memref<1x128xi32, #tpu.memory_space<vmem>>
      %dma_start3A_229 = tpu.memref_squeeze %dma_start3A_228 : memref<1x128xi32, #tpu.memory_space<vmem>> -> memref<128xi32, #tpu.memory_space<vmem>>
      %dma_start3A_230 = arith.constant 0 : i32
      %dma_start3A_231 = arith.constant 0 : i32
      %dma_start3A_232 = tpu.memref_slice %arg2[%dma_start3A_230, %dma_start3A_231] : memref<10000x128xf32, #tpu.memory_space<hbm>> -> memref<10000x128xf32, #tpu.memory_space<hbm>>
      tpu.enqueue_indirect_dma source(%dma_start3A_232 : memref<10000x128xf32, #tpu.memory_space<hbm>>) target(%arg8 : memref<128x128xf32, #tpu.memory_space<vmem>>) offsets(%dma_start3A_229 : memref<128xi32, #tpu.memory_space<vmem>>) semaphore(%arg10 : memref<!tpu.dma_semaphore, #tpu.memory_space<semaphore_mem>>)
      %dma_wait3A_233 = arith.constant 0 : i32
      %dma_wait3A_234 = arith.constant 0 : i32
      %dma_wait3A_235 = tpu.memref_slice %arg7[%dma_wait3A_233, %dma_wait3A_234] : memref<2x128xi32, #tpu.memory_space<vmem>> -> memref<1x128xi32, #tpu.memory_space<vmem>>
      %dma_wait3A_236 = tpu.memref_squeeze %dma_wait3A_235 : memref<1x128xi32, #tpu.memory_space<vmem>> -> memref<128xi32, #tpu.memory_space<vmem>>
      %dma_wait3A_237 = arith.constant 0 : i32
      %dma_wait3A_238 = arith.constant 0 : i32
      %dma_wait3A_239 = tpu.memref_slice %arg2[%dma_wait3A_237, %dma_wait3A_238] : memref<10000x128xf32, #tpu.memory_space<hbm>> -> memref<10000x128xf32, #tpu.memory_space<hbm>>
      tpu.wait_indirect_dma semaphore(%arg11 : memref<!tpu.dma_semaphore, #tpu.memory_space<semaphore_mem>>) src(%dma_wait3A_239 : memref<10000x128xf32, #tpu.memory_space<hbm>>) dst(%arg9 : memref<128x128xf32, #tpu.memory_space<vmem>>)
      %run_scoped3A_240 = arith.constant 1 : i32
      "tpu.region"() ({
        %run_scoped3A_253 = tpu.sem_alloc : memref<!tpu.dma_semaphore, #tpu.memory_space<semaphore_mem>>
        %dma_start3A_254 = arith.constant 0 : i32
        %dma_start3A_255 = tpu.memref_slice %arg7[%run_scoped3A_240, %dma_start3A_254] : memref<2x128xi32, #tpu.memory_space<vmem>> -> memref<1x128xi32, #tpu.memory_space<vmem>>
        %dma_start3A_256 = tpu.memref_squeeze %dma_start3A_255 : memref<1x128xi32, #tpu.memory_space<vmem>> -> memref<128xi32, #tpu.memory_space<vmem>>
        %dma_start3A_257 = arith.constant 0 : i32
        %dma_start3A_258 = arith.constant 0 : i32
        %dma_start3A_259 = tpu.memref_slice %arg5[%dma_start3A_257, %dma_start3A_258] : memref<10240x128xf32, #tpu.memory_space<vmem_shared>> -> memref<10240x128xf32, #tpu.memory_space<vmem_shared>>
        tpu.enqueue_indirect_dma source(%arg9 : memref<128x128xf32, #tpu.memory_space<vmem>>) target(%dma_start3A_259 : memref<10240x128xf32, #tpu.memory_space<vmem_shared>>) offsets(%dma_start3A_256 : memref<128xi32, #tpu.memory_space<vmem>>) semaphore(%run_scoped3A_253 : memref<!tpu.dma_semaphore, #tpu.memory_space<semaphore_mem>>) {add = true}
        %dma_wait3A_260 = arith.constant 0 : i32
        %dma_wait3A_261 = tpu.memref_slice %arg7[%run_scoped3A_240, %dma_wait3A_260] : memref<2x128xi32, #tpu.memory_space<vmem>> -> memref<1x128xi32, #tpu.memory_space<vmem>>
        %dma_wait3A_262 = tpu.memref_squeeze %dma_wait3A_261 : memref<1x128xi32, #tpu.memory_space<vmem>> -> memref<128xi32, #tpu.memory_space<vmem>>
        %dma_wait3A_263 = arith.constant 0 : i32
        %dma_wait3A_264 = arith.constant 0 : i32
        %dma_wait3A_265 = tpu.memref_slice %arg5[%dma_wait3A_263, %dma_wait3A_264] : memref<10240x128xf32, #tpu.memory_space<vmem_shared>> -> memref<10240x128xf32, #tpu.memory_space<vmem_shared>>
        tpu.wait_indirect_dma semaphore(%run_scoped3A_253 : memref<!tpu.dma_semaphore, #tpu.memory_space<semaphore_mem>>) src(%arg9 : memref<128x128xf32, #tpu.memory_space<vmem>>) dst(%dma_wait3A_265 : memref<10240x128xf32, #tpu.memory_space<vmem_shared>>)
        tpu.yield
      }) : () -> ()
      %add3A_241 = arith.constant 2 : i32
      %add3A_242 = arith.addi %add3A_177, %add3A_241 : i32
      %add3A_243 = arith.addi %select_n3A_8, %add3A_242 : i32
      %dma_start3A_244 = arith.constant 0 : i32
      %dma_start3A_245 = arith.constant 0 : i32
      %dma_start3A_246 = tpu.memref_slice %arg3[%add3A_243, %dma_start3A_244, %dma_start3A_245] : memref<2528x2x128xi32, #tpu.memory_space<hbm>> -> memref<1x2x128xi32, #tpu.memory_space<hbm>>
      %dma_start3A_247 = tpu.memref_squeeze %dma_start3A_246 : memref<1x2x128xi32, #tpu.memory_space<hbm>> -> memref<2x128xi32, #tpu.memory_space<hbm>>
      %dma_start3A_248 = arith.constant 0 : i32
      %dma_start3A_249 = arith.constant 0 : i32
      %dma_start3A_250 = tpu.memref_slice %arg3[%add3A_243, %dma_start3A_248, %dma_start3A_249] : memref<2528x2x128xi32, #tpu.memory_space<hbm>> -> memref<1x2x128xi32, #tpu.memory_space<hbm>>
      %dma_start3A_251 = tpu.memref_squeeze %dma_start3A_250 : memref<1x2x128xi32, #tpu.memory_space<hbm>> -> memref<2x128xi32, #tpu.memory_space<hbm>>
      tpu.enqueue_dma source(%dma_start3A_251 : memref<2x128xi32, #tpu.memory_space<hbm>>) target(%arg7 : memref<2x128xi32, #tpu.memory_space<vmem>>) target_semaphore(%arg13 : memref<!tpu.dma_semaphore, #tpu.memory_space<semaphore_mem>>)
      %while3A_252 = arith.constant 0 : i32
      scf.yield %while3A_252 : i32
    }
    %while3A_86 = arith.constant 1 : i32
    %while3A_87 = scf.for %while3A_172 = %while3A_83 to %while3A_79 step %while3A_86 iter_args(%while3A_173 = %while3A_85) -> (i32)  : i32 {
      %mul3A_174 = arith.constant 2 : i32
      %mul3A_175 = arith.muli %mul3A_174, %while3A_172 : i32
      %add3A_176 = arith.constant 1 : i32
      %add3A_177 = arith.addi %mul3A_175, %add3A_176 : i32
      %add3A_178 = arith.addi %select_n3A_8, %add3A_177 : i32
      %dma_wait3A_179 = arith.constant 0 : i32
      %dma_wait3A_180 = arith.constant 0 : i32
      %dma_wait3A_181 = tpu.memref_slice %arg3[%add3A_178, %dma_wait3A_179, %dma_wait3A_180] : memref<2528x2x128xi32, #tpu.memory_space<hbm>> -> memref<1x2x128xi32, #tpu.memory_space<hbm>>
      %dma_wait3A_182 = tpu.memref_squeeze %dma_wait3A_181 : memref<1x2x128xi32, #tpu.memory_space<hbm>> -> memref<2x128xi32, #tpu.memory_space<hbm>>
      %dma_wait3A_183 = arith.constant 0 : i32
      %dma_wait3A_184 = arith.constant 0 : i32
      %dma_wait3A_185 = tpu.memref_slice %arg3[%add3A_178, %dma_wait3A_183, %dma_wait3A_184] : memref<2528x2x128xi32, #tpu.memory_space<hbm>> -> memref<1x2x128xi32, #tpu.memory_space<hbm>>
      %dma_wait3A_186 = tpu.memref_squeeze %dma_wait3A_185 : memref<1x2x128xi32, #tpu.memory_space<hbm>> -> memref<2x128xi32, #tpu.memory_space<hbm>>
      tpu.wait_dma2 semaphore(%arg13 : memref<!tpu.dma_semaphore, #tpu.memory_space<semaphore_mem>>) src(%dma_wait3A_186 : memref<2x128xi32, #tpu.memory_space<hbm>>) dst(%arg7 : memref<2x128xi32, #tpu.memory_space<vmem>>)
      %dma_start3A_187 = arith.constant 0 : i32
      %dma_start3A_188 = arith.constant 0 : i32
      %dma_start3A_189 = tpu.memref_slice %arg7[%dma_start3A_187, %dma_start3A_188] : memref<2x128xi32, #tpu.memory_space<vmem>> -> memref<1x128xi32, #tpu.memory_space<vmem>>
      %dma_start3A_190 = tpu.memref_squeeze %dma_start3A_189 : memref<1x128xi32, #tpu.memory_space<vmem>> -> memref<128xi32, #tpu.memory_space<vmem>>
      %dma_start3A_191 = arith.constant 0 : i32
      %dma_start3A_192 = arith.constant 0 : i32
      %dma_start3A_193 = tpu.memref_slice %arg2[%dma_start3A_191, %dma_start3A_192] : memref<10000x128xf32, #tpu.memory_space<hbm>> -> memref<10000x128xf32, #tpu.memory_space<hbm>>
      tpu.enqueue_indirect_dma source(%dma_start3A_193 : memref<10000x128xf32, #tpu.memory_space<hbm>>) target(%arg9 : memref<128x128xf32, #tpu.memory_space<vmem>>) offsets(%dma_start3A_190 : memref<128xi32, #tpu.memory_space<vmem>>) semaphore(%arg11 : memref<!tpu.dma_semaphore, #tpu.memory_space<semaphore_mem>>)
      %sub3A_194 = arith.constant 1 : i32
      %sub3A_195 = arith.subi %add3A_177, %sub3A_194 : i32
      %dma_wait3A_196 = arith.constant 0 : i32
      %dma_wait3A_197 = arith.constant 0 : i32
      %dma_wait3A_198 = tpu.memref_slice %arg6[%dma_wait3A_196, %dma_wait3A_197] : memref<2x128xi32, #tpu.memory_space<vmem>> -> memref<1x128xi32, #tpu.memory_space<vmem>>
      %dma_wait3A_199 = tpu.memref_squeeze %dma_wait3A_198 : memref<1x128xi32, #tpu.memory_space<vmem>> -> memref<128xi32, #tpu.memory_space<vmem>>
      %dma_wait3A_200 = arith.constant 0 : i32
      %dma_wait3A_201 = arith.constant 0 : i32
      %dma_wait3A_202 = tpu.memref_slice %arg2[%dma_wait3A_200, %dma_wait3A_201] : memref<10000x128xf32, #tpu.memory_space<hbm>> -> memref<10000x128xf32, #tpu.memory_space<hbm>>
      tpu.wait_indirect_dma semaphore(%arg10 : memref<!tpu.dma_semaphore, #tpu.memory_space<semaphore_mem>>) src(%dma_wait3A_202 : memref<10000x128xf32, #tpu.memory_space<hbm>>) dst(%arg8 : memref<128x128xf32, #tpu.memory_space<vmem>>)
      %run_scoped3A_203 = arith.constant 1 : i32
      "tpu.region"() ({
        %run_scoped3A_253 = tpu.sem_alloc : memref<!tpu.dma_semaphore, #tpu.memory_space<semaphore_mem>>
        %dma_start3A_254 = arith.constant 0 : i32
        %dma_start3A_255 = tpu.memref_slice %arg6[%run_scoped3A_203, %dma_start3A_254] : memref<2x128xi32, #tpu.memory_space<vmem>> -> memref<1x128xi32, #tpu.memory_space<vmem>>
        %dma_start3A_256 = tpu.memref_squeeze %dma_start3A_255 : memref<1x128xi32, #tpu.memory_space<vmem>> -> memref<128xi32, #tpu.memory_space<vmem>>
        %dma_start3A_257 = arith.constant 0 : i32
        %dma_start3A_258 = arith.constant 0 : i32
        %dma_start3A_259 = tpu.memref_slice %arg5[%dma_start3A_257, %dma_start3A_258] : memref<10240x128xf32, #tpu.memory_space<vmem_shared>> -> memref<10240x128xf32, #tpu.memory_space<vmem_shared>>
        tpu.enqueue_indirect_dma source(%arg8 : memref<128x128xf32, #tpu.memory_space<vmem>>) target(%dma_start3A_259 : memref<10240x128xf32, #tpu.memory_space<vmem_shared>>) offsets(%dma_start3A_256 : memref<128xi32, #tpu.memory_space<vmem>>) semaphore(%run_scoped3A_253 : memref<!tpu.dma_semaphore, #tpu.memory_space<semaphore_mem>>) {add = true}
        %dma_wait3A_260 = arith.constant 0 : i32
        %dma_wait3A_261 = tpu.memref_slice %arg6[%run_scoped3A_203, %dma_wait3A_260] : memref<2x128xi32, #tpu.memory_space<vmem>> -> memref<1x128xi32, #tpu.memory_space<vmem>>
        %dma_wait3A_262 = tpu.memref_squeeze %dma_wait3A_261 : memref<1x128xi32, #tpu.memory_space<vmem>> -> memref<128xi32, #tpu.memory_space<vmem>>
        %dma_wait3A_263 = arith.constant 0 : i32
        %dma_wait3A_264 = arith.constant 0 : i32
        %dma_wait3A_265 = tpu.memref_slice %arg5[%dma_wait3A_263, %dma_wait3A_264] : memref<10240x128xf32, #tpu.memory_space<vmem_shared>> -> memref<10240x128xf32, #tpu.memory_space<vmem_shared>>
        tpu.wait_indirect_dma semaphore(%run_scoped3A_253 : memref<!tpu.dma_semaphore, #tpu.memory_space<semaphore_mem>>) src(%arg8 : memref<128x128xf32, #tpu.memory_space<vmem>>) dst(%dma_wait3A_265 : memref<10240x128xf32, #tpu.memory_space<vmem_shared>>)
        tpu.yield
      }) : () -> ()
      %add3A_204 = arith.constant 1 : i32
      %add3A_205 = arith.addi %add3A_177, %add3A_204 : i32
      %add3A_206 = arith.addi %select_n3A_8, %add3A_205 : i32
      %dma_start3A_207 = arith.constant 0 : i32
      %dma_start3A_208 = arith.constant 0 : i32
      %dma_start3A_209 = tpu.memref_slice %arg3[%add3A_206, %dma_start3A_207, %dma_start3A_208] : memref<2528x2x128xi32, #tpu.memory_space<hbm>> -> memref<1x2x128xi32, #tpu.memory_space<hbm>>
      %dma_start3A_210 = tpu.memref_squeeze %dma_start3A_209 : memref<1x2x128xi32, #tpu.memory_space<hbm>> -> memref<2x128xi32, #tpu.memory_space<hbm>>
      %dma_start3A_211 = arith.constant 0 : i32
      %dma_start3A_212 = arith.constant 0 : i32
      %dma_start3A_213 = tpu.memref_slice %arg3[%add3A_206, %dma_start3A_211, %dma_start3A_212] : memref<2528x2x128xi32, #tpu.memory_space<hbm>> -> memref<1x2x128xi32, #tpu.memory_space<hbm>>
      %dma_start3A_214 = tpu.memref_squeeze %dma_start3A_213 : memref<1x2x128xi32, #tpu.memory_space<hbm>> -> memref<2x128xi32, #tpu.memory_space<hbm>>
      tpu.enqueue_dma source(%dma_start3A_214 : memref<2x128xi32, #tpu.memory_space<hbm>>) target(%arg6 : memref<2x128xi32, #tpu.memory_space<vmem>>) target_semaphore(%arg12 : memref<!tpu.dma_semaphore, #tpu.memory_space<semaphore_mem>>)
      %add3A_215 = arith.constant 1 : i32
      %add3A_216 = arith.addi %add3A_177, %add3A_215 : i32
      %add3A_217 = arith.addi %select_n3A_8, %add3A_216 : i32
      %dma_wait3A_218 = arith.constant 0 : i32
      %dma_wait3A_219 = arith.constant 0 : i32
      %dma_wait3A_220 = tpu.memref_slice %arg3[%add3A_217, %dma_wait3A_218, %dma_wait3A_219] : memref<2528x2x128xi32, #tpu.memory_space<hbm>> -> memref<1x2x128xi32, #tpu.memory_space<hbm>>
      %dma_wait3A_221 = tpu.memref_squeeze %dma_wait3A_220 : memref<1x2x128xi32, #tpu.memory_space<hbm>> -> memref<2x128xi32, #tpu.memory_space<hbm>>
      %dma_wait3A_222 = arith.constant 0 : i32
      %dma_wait3A_223 = arith.constant 0 : i32
      %dma_wait3A_224 = tpu.memref_slice %arg3[%add3A_217, %dma_wait3A_222, %dma_wait3A_223] : memref<2528x2x128xi32, #tpu.memory_space<hbm>> -> memref<1x2x128xi32, #tpu.memory_space<hbm>>
      %dma_wait3A_225 = tpu.memref_squeeze %dma_wait3A_224 : memref<1x2x128xi32, #tpu.memory_space<hbm>> -> memref<2x128xi32, #tpu.memory_space<hbm>>
      tpu.wait_dma2 semaphore(%arg12 : memref<!tpu.dma_semaphore, #tpu.memory_space<semaphore_mem>>) src(%dma_wait3A_225 : memref<2x128xi32, #tpu.memory_space<hbm>>) dst(%arg6 : memref<2x128xi32, #tpu.memory_space<vmem>>)
      %dma_start3A_226 = arith.constant 0 : i32
      %dma_start3A_227 = arith.constant 0 : i32
      %dma_start3A_228 = tpu.memref_slice %arg6[%dma_start3A_226, %dma_start3A_227] : memref<2x128xi32, #tpu.memory_space<vmem>> -> memref<1x128xi32, #tpu.memory_space<vmem>>
      %dma_start3A_229 = tpu.memref_squeeze %dma_start3A_228 : memref<1x128xi32, #tpu.memory_space<vmem>> -> memref<128xi32, #tpu.memory_space<vmem>>
      %dma_start3A_230 = arith.constant 0 : i32
      %dma_start3A_231 = arith.constant 0 : i32
      %dma_start3A_232 = tpu.memref_slice %arg2[%dma_start3A_230, %dma_start3A_231] : memref<10000x128xf32, #tpu.memory_space<hbm>> -> memref<10000x128xf32, #tpu.memory_space<hbm>>
      tpu.enqueue_indirect_dma source(%dma_start3A_232 : memref<10000x128xf32, #tpu.memory_space<hbm>>) target(%arg8 : memref<128x128xf32, #tpu.memory_space<vmem>>) offsets(%dma_start3A_229 : memref<128xi32, #tpu.memory_space<vmem>>) semaphore(%arg10 : memref<!tpu.dma_semaphore, #tpu.memory_space<semaphore_mem>>)
      %dma_wait3A_233 = arith.constant 0 : i32
      %dma_wait3A_234 = arith.constant 0 : i32
      %dma_wait3A_235 = tpu.memref_slice %arg7[%dma_wait3A_233, %dma_wait3A_234] : memref<2x128xi32, #tpu.memory_space<vmem>> -> memref<1x128xi32, #tpu.memory_space<vmem>>
      %dma_wait3A_236 = tpu.memref_squeeze %dma_wait3A_235 : memref<1x128xi32, #tpu.memory_space<vmem>> -> memref<128xi32, #tpu.memory_space<vmem>>
      %dma_wait3A_237 = arith.constant 0 : i32
      %dma_wait3A_238 = arith.constant 0 : i32
      %dma_wait3A_239 = tpu.memref_slice %arg2[%dma_wait3A_237, %dma_wait3A_238] : memref<10000x128xf32, #tpu.memory_space<hbm>> -> memref<10000x128xf32, #tpu.memory_space<hbm>>
      tpu.wait_indirect_dma semaphore(%arg11 : memref<!tpu.dma_semaphore, #tpu.memory_space<semaphore_mem>>) src(%dma_wait3A_239 : memref<10000x128xf32, #tpu.memory_space<hbm>>) dst(%arg9 : memref<128x128xf32, #tpu.memory_space<vmem>>)
      %run_scoped3A_240 = arith.constant 1 : i32
      "tpu.region"() ({
        %run_scoped3A_253 = tpu.sem_alloc : memref<!tpu.dma_semaphore, #tpu.memory_space<semaphore_mem>>
        %dma_start3A_254 = arith.constant 0 : i32
        %dma_start3A_255 = tpu.memref_slice %arg7[%run_scoped3A_240, %dma_start3A_254] : memref<2x128xi32, #tpu.memory_space<vmem>> -> memref<1x128xi32, #tpu.memory_space<vmem>>
        %dma_start3A_256 = tpu.memref_squeeze %dma_start3A_255 : memref<1x128xi32, #tpu.memory_space<vmem>> -> memref<128xi32, #tpu.memory_space<vmem>>
        %dma_start3A_257 = arith.constant 0 : i32
        %dma_start3A_258 = arith.constant 0 : i32
        %dma_start3A_259 = tpu.memref_slice %arg5[%dma_start3A_257, %dma_start3A_258] : memref<10240x128xf32, #tpu.memory_space<vmem_shared>> -> memref<10240x128xf32, #tpu.memory_space<vmem_shared>>
        tpu.enqueue_indirect_dma source(%arg9 : memref<128x128xf32, #tpu.memory_space<vmem>>) target(%dma_start3A_259 : memref<10240x128xf32, #tpu.memory_space<vmem_shared>>) offsets(%dma_start3A_256 : memref<128xi32, #tpu.memory_space<vmem>>) semaphore(%run_scoped3A_253 : memref<!tpu.dma_semaphore, #tpu.memory_space<semaphore_mem>>) {add = true}
        %dma_wait3A_260 = arith.constant 0 : i32
        %dma_wait3A_261 = tpu.memref_slice %arg7[%run_scoped3A_240, %dma_wait3A_260] : memref<2x128xi32, #tpu.memory_space<vmem>> -> memref<1x128xi32, #tpu.memory_space<vmem>>
        %dma_wait3A_262 = tpu.memref_squeeze %dma_wait3A_261 : memref<1x128xi32, #tpu.memory_space<vmem>> -> memref<128xi32, #tpu.memory_space<vmem>>
        %dma_wait3A_263 = arith.constant 0 : i32
        %dma_wait3A_264 = arith.constant 0 : i32
        %dma_wait3A_265 = tpu.memref_slice %arg5[%dma_wait3A_263, %dma_wait3A_264] : memref<10240x128xf32, #tpu.memory_space<vmem_shared>> -> memref<10240x128xf32, #tpu.memory_space<vmem_shared>>
        tpu.wait_indirect_dma semaphore(%run_scoped3A_253 : memref<!tpu.dma_semaphore, #tpu.memory_space<semaphore_mem>>) src(%arg9 : memref<128x128xf32, #tpu.memory_space<vmem>>) dst(%dma_wait3A_265 : memref<10240x128xf32, #tpu.memory_space<vmem_shared>>)
        tpu.yield
      }) : () -> ()
      %add3A_241 = arith.constant 2 : i32
      %add3A_242 = arith.addi %add3A_177, %add3A_241 : i32
      %add3A_243 = arith.addi %select_n3A_8, %add3A_242 : i32
      %dma_start3A_244 = arith.constant 0 : i32
      %dma_start3A_245 = arith.constant 0 : i32
      %dma_start3A_246 = tpu.memref_slice %arg3[%add3A_243, %dma_start3A_244, %dma_start3A_245] : memref<2528x2x128xi32, #tpu.memory_space<hbm>> -> memref<1x2x128xi32, #tpu.memory_space<hbm>>
      %dma_start3A_247 = tpu.memref_squeeze %dma_start3A_246 : memref<1x2x128xi32, #tpu.memory_space<hbm>> -> memref<2x128xi32, #tpu.memory_space<hbm>>
      %dma_start3A_248 = arith.constant 0 : i32
      %dma_start3A_249 = arith.constant 0 : i32
      %dma_start3A_250 = tpu.memref_slice %arg3[%add3A_243, %dma_start3A_248, %dma_start3A_249] : memref<2528x2x128xi32, #tpu.memory_space<hbm>> -> memref<1x2x128xi32, #tpu.memory_space<hbm>>
      %dma_start3A_251 = tpu.memref_squeeze %dma_start3A_250 : memref<1x2x128xi32, #tpu.memory_space<hbm>> -> memref<2x128xi32, #tpu.memory_space<hbm>>
      tpu.enqueue_dma source(%dma_start3A_251 : memref<2x128xi32, #tpu.memory_space<hbm>>) target(%arg7 : memref<2x128xi32, #tpu.memory_space<vmem>>) target_semaphore(%arg13 : memref<!tpu.dma_semaphore, #tpu.memory_space<semaphore_mem>>)
      %while3A_252 = arith.constant 0 : i32
      scf.yield %while3A_252 : i32
    }
    %sub3A_88 = arith.constant 2 : i32
    %sub3A_89 = arith.subi %select_n3A, %sub3A_88 : i32
    %add3A_90 = arith.addi %select_n3A_8, %sub3A_89 : i32
    %dma_wait3A_91 = arith.constant 0 : i32
    %dma_wait3A_92 = arith.constant 0 : i32
    %dma_wait3A_93 = tpu.memref_slice %arg3[%add3A_90, %dma_wait3A_91, %dma_wait3A_92] : memref<2528x2x128xi32, #tpu.memory_space<hbm>> -> memref<1x2x128xi32, #tpu.memory_space<hbm>>
    %dma_wait3A_94 = tpu.memref_squeeze %dma_wait3A_93 : memref<1x2x128xi32, #tpu.memory_space<hbm>> -> memref<2x128xi32, #tpu.memory_space<hbm>>
    %dma_wait3A_95 = arith.constant 0 : i32
    %dma_wait3A_96 = arith.constant 0 : i32
    %dma_wait3A_97 = tpu.memref_slice %arg3[%add3A_90, %dma_wait3A_95, %dma_wait3A_96] : memref<2528x2x128xi32, #tpu.memory_space<hbm>> -> memref<1x2x128xi32, #tpu.memory_space<hbm>>
    %dma_wait3A_98 = tpu.memref_squeeze %dma_wait3A_97 : memref<1x2x128xi32, #tpu.memory_space<hbm>> -> memref<2x128xi32, #tpu.memory_space<hbm>>
    tpu.wait_dma2 semaphore(%arg13 : memref<!tpu.dma_semaphore, #tpu.memory_space<semaphore_mem>>) src(%dma_wait3A_98 : memref<2x128xi32, #tpu.memory_space<hbm>>) dst(%arg7 : memref<2x128xi32, #tpu.memory_space<vmem>>)
    %dma_start3A_99 = arith.constant 0 : i32
    %dma_start3A_100 = arith.constant 0 : i32
    %dma_start3A_101 = tpu.memref_slice %arg7[%dma_start3A_99, %dma_start3A_100] : memref<2x128xi32, #tpu.memory_space<vmem>> -> memref<1x128xi32, #tpu.memory_space<vmem>>
    %dma_start3A_102 = tpu.memref_squeeze %dma_start3A_101 : memref<1x128xi32, #tpu.memory_space<vmem>> -> memref<128xi32, #tpu.memory_space<vmem>>
    %dma_start3A_103 = arith.constant 0 : i32
    %dma_start3A_104 = arith.constant 0 : i32
    %dma_start3A_105 = tpu.memref_slice %arg2[%dma_start3A_103, %dma_start3A_104] : memref<10000x128xf32, #tpu.memory_space<hbm>> -> memref<10000x128xf32, #tpu.memory_space<hbm>>
    tpu.enqueue_indirect_dma source(%dma_start3A_105 : memref<10000x128xf32, #tpu.memory_space<hbm>>) target(%arg9 : memref<128x128xf32, #tpu.memory_space<vmem>>) offsets(%dma_start3A_102 : memref<128xi32, #tpu.memory_space<vmem>>) semaphore(%arg11 : memref<!tpu.dma_semaphore, #tpu.memory_space<semaphore_mem>>)
    %sub3A_106 = arith.constant 3 : i32
    %sub3A_107 = arith.subi %select_n3A, %sub3A_106 : i32
    %dma_wait3A_108 = arith.constant 0 : i32
    %dma_wait3A_109 = arith.constant 0 : i32
    %dma_wait3A_110 = tpu.memref_slice %arg6[%dma_wait3A_108, %dma_wait3A_109] : memref<2x128xi32, #tpu.memory_space<vmem>> -> memref<1x128xi32, #tpu.memory_space<vmem>>
    %dma_wait3A_111 = tpu.memref_squeeze %dma_wait3A_110 : memref<1x128xi32, #tpu.memory_space<vmem>> -> memref<128xi32, #tpu.memory_space<vmem>>
    %dma_wait3A_112 = arith.constant 0 : i32
    %dma_wait3A_113 = arith.constant 0 : i32
    %dma_wait3A_114 = tpu.memref_slice %arg2[%dma_wait3A_112, %dma_wait3A_113] : memref<10000x128xf32, #tpu.memory_space<hbm>> -> memref<10000x128xf32, #tpu.memory_space<hbm>>
    tpu.wait_indirect_dma semaphore(%arg10 : memref<!tpu.dma_semaphore, #tpu.memory_space<semaphore_mem>>) src(%dma_wait3A_114 : memref<10000x128xf32, #tpu.memory_space<hbm>>) dst(%arg8 : memref<128x128xf32, #tpu.memory_space<vmem>>)
    %run_scoped3A = arith.constant 1 : i32
    "tpu.region"() ({
      %run_scoped3A_172 = tpu.sem_alloc : memref<!tpu.dma_semaphore, #tpu.memory_space<semaphore_mem>>
      %dma_start3A_173 = arith.constant 0 : i32
      %dma_start3A_174 = tpu.memref_slice %arg6[%run_scoped3A, %dma_start3A_173] : memref<2x128xi32, #tpu.memory_space<vmem>> -> memref<1x128xi32, #tpu.memory_space<vmem>>
      %dma_start3A_175 = tpu.memref_squeeze %dma_start3A_174 : memref<1x128xi32, #tpu.memory_space<vmem>> -> memref<128xi32, #tpu.memory_space<vmem>>
      %dma_start3A_176 = arith.constant 0 : i32
      %dma_start3A_177 = arith.constant 0 : i32
      %dma_start3A_178 = tpu.memref_slice %arg5[%dma_start3A_176, %dma_start3A_177] : memref<10240x128xf32, #tpu.memory_space<vmem_shared>> -> memref<10240x128xf32, #tpu.memory_space<vmem_shared>>
      tpu.enqueue_indirect_dma source(%arg8 : memref<128x128xf32, #tpu.memory_space<vmem>>) target(%dma_start3A_178 : memref<10240x128xf32, #tpu.memory_space<vmem_shared>>) offsets(%dma_start3A_175 : memref<128xi32, #tpu.memory_space<vmem>>) semaphore(%run_scoped3A_172 : memref<!tpu.dma_semaphore, #tpu.memory_space<semaphore_mem>>) {add = true}
      %dma_wait3A_179 = arith.constant 0 : i32
      %dma_wait3A_180 = tpu.memref_slice %arg6[%run_scoped3A, %dma_wait3A_179] : memref<2x128xi32, #tpu.memory_space<vmem>> -> memref<1x128xi32, #tpu.memory_space<vmem>>
      %dma_wait3A_181 = tpu.memref_squeeze %dma_wait3A_180 : memref<1x128xi32, #tpu.memory_space<vmem>> -> memref<128xi32, #tpu.memory_space<vmem>>
      %dma_wait3A_182 = arith.constant 0 : i32
      %dma_wait3A_183 = arith.constant 0 : i32
      %dma_wait3A_184 = tpu.memref_slice %arg5[%dma_wait3A_182, %dma_wait3A_183] : memref<10240x128xf32, #tpu.memory_space<vmem_shared>> -> memref<10240x128xf32, #tpu.memory_space<vmem_shared>>
      tpu.wait_indirect_dma semaphore(%run_scoped3A_172 : memref<!tpu.dma_semaphore, #tpu.memory_space<semaphore_mem>>) src(%arg8 : memref<128x128xf32, #tpu.memory_space<vmem>>) dst(%dma_wait3A_184 : memref<10240x128xf32, #tpu.memory_space<vmem_shared>>)
      tpu.yield
    }) : () -> ()
    %sub3A_115 = arith.constant 1 : i32
    %sub3A_116 = arith.subi %select_n3A, %sub3A_115 : i32
    %add3A_117 = arith.addi %select_n3A_8, %sub3A_116 : i32
    %dma_start3A_118 = arith.constant 0 : i32
    %dma_start3A_119 = arith.constant 0 : i32
    %dma_start3A_120 = tpu.memref_slice %arg3[%add3A_117, %dma_start3A_118, %dma_start3A_119] : memref<2528x2x128xi32, #tpu.memory_space<hbm>> -> memref<1x2x128xi32, #tpu.memory_space<hbm>>
    %dma_start3A_121 = tpu.memref_squeeze %dma_start3A_120 : memref<1x2x128xi32, #tpu.memory_space<hbm>> -> memref<2x128xi32, #tpu.memory_space<hbm>>
    %dma_start3A_122 = arith.constant 0 : i32
    %dma_start3A_123 = arith.constant 0 : i32
    %dma_start3A_124 = tpu.memref_slice %arg3[%add3A_117, %dma_start3A_122, %dma_start3A_123] : memref<2528x2x128xi32, #tpu.memory_space<hbm>> -> memref<1x2x128xi32, #tpu.memory_space<hbm>>
    %dma_start3A_125 = tpu.memref_squeeze %dma_start3A_124 : memref<1x2x128xi32, #tpu.memory_space<hbm>> -> memref<2x128xi32, #tpu.memory_space<hbm>>
    tpu.enqueue_dma source(%dma_start3A_125 : memref<2x128xi32, #tpu.memory_space<hbm>>) target(%arg6 : memref<2x128xi32, #tpu.memory_space<vmem>>) target_semaphore(%arg12 : memref<!tpu.dma_semaphore, #tpu.memory_space<semaphore_mem>>)
    %sub3A_126 = arith.constant 1 : i32
    %sub3A_127 = arith.subi %select_n3A, %sub3A_126 : i32
    %add3A_128 = arith.addi %select_n3A_8, %sub3A_127 : i32
    %dma_wait3A_129 = arith.constant 0 : i32
    %dma_wait3A_130 = arith.constant 0 : i32
    %dma_wait3A_131 = tpu.memref_slice %arg3[%add3A_128, %dma_wait3A_129, %dma_wait3A_130] : memref<2528x2x128xi32, #tpu.memory_space<hbm>> -> memref<1x2x128xi32, #tpu.memory_space<hbm>>
    %dma_wait3A_132 = tpu.memref_squeeze %dma_wait3A_131 : memref<1x2x128xi32, #tpu.memory_space<hbm>> -> memref<2x128xi32, #tpu.memory_space<hbm>>
    %dma_wait3A_133 = arith.constant 0 : i32
    %dma_wait3A_134 = arith.constant 0 : i32
    %dma_wait3A_135 = tpu.memref_slice %arg3[%add3A_128, %dma_wait3A_133, %dma_wait3A_134] : memref<2528x2x128xi32, #tpu.memory_space<hbm>> -> memref<1x2x128xi32, #tpu.memory_space<hbm>>
    %dma_wait3A_136 = tpu.memref_squeeze %dma_wait3A_135 : memref<1x2x128xi32, #tpu.memory_space<hbm>> -> memref<2x128xi32, #tpu.memory_space<hbm>>
    tpu.wait_dma2 semaphore(%arg12 : memref<!tpu.dma_semaphore, #tpu.memory_space<semaphore_mem>>) src(%dma_wait3A_136 : memref<2x128xi32, #tpu.memory_space<hbm>>) dst(%arg6 : memref<2x128xi32, #tpu.memory_space<vmem>>)
    %dma_start3A_137 = arith.constant 0 : i32
    %dma_start3A_138 = arith.constant 0 : i32
    %dma_start3A_139 = tpu.memref_slice %arg6[%dma_start3A_137, %dma_start3A_138] : memref<2x128xi32, #tpu.memory_space<vmem>> -> memref<1x128xi32, #tpu.memory_space<vmem>>
    %dma_start3A_140 = tpu.memref_squeeze %dma_start3A_139 : memref<1x128xi32, #tpu.memory_space<vmem>> -> memref<128xi32, #tpu.memory_space<vmem>>
    %dma_start3A_141 = arith.constant 0 : i32
    %dma_start3A_142 = arith.constant 0 : i32
    %dma_start3A_143 = tpu.memref_slice %arg2[%dma_start3A_141, %dma_start3A_142] : memref<10000x128xf32, #tpu.memory_space<hbm>> -> memref<10000x128xf32, #tpu.memory_space<hbm>>
    tpu.enqueue_indirect_dma source(%dma_start3A_143 : memref<10000x128xf32, #tpu.memory_space<hbm>>) target(%arg8 : memref<128x128xf32, #tpu.memory_space<vmem>>) offsets(%dma_start3A_140 : memref<128xi32, #tpu.memory_space<vmem>>) semaphore(%arg10 : memref<!tpu.dma_semaphore, #tpu.memory_space<semaphore_mem>>)
    %sub3A_144 = arith.constant 2 : i32
    %sub3A_145 = arith.subi %select_n3A, %sub3A_144 : i32
    %dma_wait3A_146 = arith.constant 0 : i32
    %dma_wait3A_147 = arith.constant 0 : i32
    %dma_wait3A_148 = tpu.memref_slice %arg7[%dma_wait3A_146, %dma_wait3A_147] : memref<2x128xi32, #tpu.memory_space<vmem>> -> memref<1x128xi32, #tpu.memory_space<vmem>>
    %dma_wait3A_149 = tpu.memref_squeeze %dma_wait3A_148 : memref<1x128xi32, #tpu.memory_space<vmem>> -> memref<128xi32, #tpu.memory_space<vmem>>
    %dma_wait3A_150 = arith.constant 0 : i32
    %dma_wait3A_151 = arith.constant 0 : i32
    %dma_wait3A_152 = tpu.memref_slice %arg2[%dma_wait3A_150, %dma_wait3A_151] : memref<10000x128xf32, #tpu.memory_space<hbm>> -> memref<10000x128xf32, #tpu.memory_space<hbm>>
    tpu.wait_indirect_dma semaphore(%arg11 : memref<!tpu.dma_semaphore, #tpu.memory_space<semaphore_mem>>) src(%dma_wait3A_152 : memref<10000x128xf32, #tpu.memory_space<hbm>>) dst(%arg9 : memref<128x128xf32, #tpu.memory_space<vmem>>)
    %run_scoped3A_153 = arith.constant 1 : i32
    "tpu.region"() ({
      %run_scoped3A_172 = tpu.sem_alloc : memref<!tpu.dma_semaphore, #tpu.memory_space<semaphore_mem>>
      %dma_start3A_173 = arith.constant 0 : i32
      %dma_start3A_174 = tpu.memref_slice %arg7[%run_scoped3A_153, %dma_start3A_173] : memref<2x128xi32, #tpu.memory_space<vmem>> -> memref<1x128xi32, #tpu.memory_space<vmem>>
      %dma_start3A_175 = tpu.memref_squeeze %dma_start3A_174 : memref<1x128xi32, #tpu.memory_space<vmem>> -> memref<128xi32, #tpu.memory_space<vmem>>
      %dma_start3A_176 = arith.constant 0 : i32
      %dma_start3A_177 = arith.constant 0 : i32
      %dma_start3A_178 = tpu.memref_slice %arg5[%dma_start3A_176, %dma_start3A_177] : memref<10240x128xf32, #tpu.memory_space<vmem_shared>> -> memref<10240x128xf32, #tpu.memory_space<vmem_shared>>
      tpu.enqueue_indirect_dma source(%arg9 : memref<128x128xf32, #tpu.memory_space<vmem>>) target(%dma_start3A_178 : memref<10240x128xf32, #tpu.memory_space<vmem_shared>>) offsets(%dma_start3A_175 : memref<128xi32, #tpu.memory_space<vmem>>) semaphore(%run_scoped3A_172 : memref<!tpu.dma_semaphore, #tpu.memory_space<semaphore_mem>>) {add = true}
      %dma_wait3A_179 = arith.constant 0 : i32
      %dma_wait3A_180 = tpu.memref_slice %arg7[%run_scoped3A_153, %dma_wait3A_179] : memref<2x128xi32, #tpu.memory_space<vmem>> -> memref<1x128xi32, #tpu.memory_space<vmem>>
      %dma_wait3A_181 = tpu.memref_squeeze %dma_wait3A_180 : memref<1x128xi32, #tpu.memory_space<vmem>> -> memref<128xi32, #tpu.memory_space<vmem>>
      %dma_wait3A_182 = arith.constant 0 : i32
      %dma_wait3A_183 = arith.constant 0 : i32
      %dma_wait3A_184 = tpu.memref_slice %arg5[%dma_wait3A_182, %dma_wait3A_183] : memref<10240x128xf32, #tpu.memory_space<vmem_shared>> -> memref<10240x128xf32, #tpu.memory_space<vmem_shared>>
      tpu.wait_indirect_dma semaphore(%run_scoped3A_172 : memref<!tpu.dma_semaphore, #tpu.memory_space<semaphore_mem>>) src(%arg9 : memref<128x128xf32, #tpu.memory_space<vmem>>) dst(%dma_wait3A_184 : memref<10240x128xf32, #tpu.memory_space<vmem_shared>>)
      tpu.yield
    }) : () -> ()
    %sub3A_154 = arith.constant 1 : i32
    %sub3A_155 = arith.subi %select_n3A, %sub3A_154 : i32
    %dma_wait3A_156 = arith.constant 0 : i32
    %dma_wait3A_157 = arith.constant 0 : i32
    %dma_wait3A_158 = tpu.memref_slice %arg6[%dma_wait3A_156, %dma_wait3A_157] : memref<2x128xi32, #tpu.memory_space<vmem>> -> memref<1x128xi32, #tpu.memory_space<vmem>>
    %dma_wait3A_159 = tpu.memref_squeeze %dma_wait3A_158 : memref<1x128xi32, #tpu.memory_space<vmem>> -> memref<128xi32, #tpu.memory_space<vmem>>
    %dma_wait3A_160 = arith.constant 0 : i32
    %dma_wait3A_161 = arith.constant 0 : i32
    %dma_wait3A_162 = tpu.memref_slice %arg2[%dma_wait3A_160, %dma_wait3A_161] : memref<10000x128xf32, #tpu.memory_space<hbm>> -> memref<10000x128xf32, #tpu.memory_space<hbm>>
    tpu.wait_indirect_dma semaphore(%arg10 : memref<!tpu.dma_semaphore, #tpu.memory_space<semaphore_mem>>) src(%dma_wait3A_162 : memref<10000x128xf32, #tpu.memory_space<hbm>>) dst(%arg8 : memref<128x128xf32, #tpu.memory_space<vmem>>)
    %run_scoped3A_163 = arith.constant 1 : i32
    "tpu.region"() ({
      %run_scoped3A_172 = tpu.sem_alloc : memref<!tpu.dma_semaphore, #tpu.memory_space<semaphore_mem>>
      %dma_start3A_173 = arith.constant 0 : i32
      %dma_start3A_174 = tpu.memref_slice %arg6[%run_scoped3A_163, %dma_start3A_173] : memref<2x128xi32, #tpu.memory_space<vmem>> -> memref<1x128xi32, #tpu.memory_space<vmem>>
      %dma_start3A_175 = tpu.memref_squeeze %dma_start3A_174 : memref<1x128xi32, #tpu.memory_space<vmem>> -> memref<128xi32, #tpu.memory_space<vmem>>
      %dma_start3A_176 = arith.constant 0 : i32
      %dma_start3A_177 = arith.constant 0 : i32
      %dma_start3A_178 = tpu.memref_slice %arg5[%dma_start3A_176, %dma_start3A_177] : memref<10240x128xf32, #tpu.memory_space<vmem_shared>> -> memref<10240x128xf32, #tpu.memory_space<vmem_shared>>
      tpu.enqueue_indirect_dma source(%arg8 : memref<128x128xf32, #tpu.memory_space<vmem>>) target(%dma_start3A_178 : memref<10240x128xf32, #tpu.memory_space<vmem_shared>>) offsets(%dma_start3A_175 : memref<128xi32, #tpu.memory_space<vmem>>) semaphore(%run_scoped3A_172 : memref<!tpu.dma_semaphore, #tpu.memory_space<semaphore_mem>>) {add = true}
      %dma_wait3A_179 = arith.constant 0 : i32
      %dma_wait3A_180 = tpu.memref_slice %arg6[%run_scoped3A_163, %dma_wait3A_179] : memref<2x128xi32, #tpu.memory_space<vmem>> -> memref<1x128xi32, #tpu.memory_space<vmem>>
      %dma_wait3A_181 = tpu.memref_squeeze %dma_wait3A_180 : memref<1x128xi32, #tpu.memory_space<vmem>> -> memref<128xi32, #tpu.memory_space<vmem>>
      %dma_wait3A_182 = arith.constant 0 : i32
      %dma_wait3A_183 = arith.constant 0 : i32
      %dma_wait3A_184 = tpu.memref_slice %arg5[%dma_wait3A_182, %dma_wait3A_183] : memref<10240x128xf32, #tpu.memory_space<vmem_shared>> -> memref<10240x128xf32, #tpu.memory_space<vmem_shared>>
      tpu.wait_indirect_dma semaphore(%run_scoped3A_172 : memref<!tpu.dma_semaphore, #tpu.memory_space<semaphore_mem>>) src(%arg8 : memref<128x128xf32, #tpu.memory_space<vmem>>) dst(%dma_wait3A_184 : memref<10240x128xf32, #tpu.memory_space<vmem_shared>>)
      tpu.yield
    }) : () -> ()
    "tpu.trace_stop"() : () -> ()
    "tpu.trace_start"() <{level = 10 : i32, message = "dump"}> : () -> ()
    %barrier3A_164 = arith.constant 0 : index
    tpu.barrier barrier_id(%barrier3A_164)
    %scan3A_165 = arith.constant 0 : i32
    %scan3A_166 = arith.constant 0 : i32
    %scan3A_167 = arith.constant 5 : i32
    %scan3A_168 = arith.addi %scan3A_166, %scan3A_167 : i32
    %scan3A_169 = arith.constant 1 : i32
    %scan3A_170 = scf.for %scan3A_172 = %scan3A_166 to %scan3A_168 step %scan3A_169 iter_args(%scan3A_173 = %scan3A_165) -> (i32)  : i32 {
      %mul3A_174 = arith.constant 640 : i32
      %mul3A_175 = arith.muli %arg1, %mul3A_174 : i32
      %mul3A_176 = arith.constant 128 : i32
      %mul3A_177 = arith.muli %scan3A_172, %mul3A_176 : i32
      %add3A_178 = arith.addi %mul3A_175, %mul3A_177 : i32
      "tpu.region"() ({
        %run_scoped3A_180 = tpu.sem_alloc : memref<!tpu.dma_semaphore, #tpu.memory_space<semaphore_mem>>
        %dma_start3A_181 = arith.constant 0 : i32
        %dma_start3A_182 = tpu.memref_slice %arg5[%add3A_178, %dma_start3A_181] : memref<10240x128xf32, #tpu.memory_space<vmem_shared>> -> memref<128x128xf32, #tpu.memory_space<vmem_shared>>
        %dma_start3A_183 = arith.constant 0 : i32
        %dma_start3A_184 = tpu.memref_slice %arg5[%add3A_178, %dma_start3A_183] : memref<10240x128xf32, #tpu.memory_space<vmem_shared>> -> memref<128x128xf32, #tpu.memory_space<vmem_shared>>
        tpu.enqueue_dma source(%dma_start3A_184 : memref<128x128xf32, #tpu.memory_space<vmem_shared>>) target(%arg8 : memref<128x128xf32, #tpu.memory_space<vmem>>) target_semaphore(%run_scoped3A_180 : memref<!tpu.dma_semaphore, #tpu.memory_space<semaphore_mem>>)
        %dma_wait3A_185 = arith.constant 0 : i32
        %dma_wait3A_186 = tpu.memref_slice %arg5[%add3A_178, %dma_wait3A_185] : memref<10240x128xf32, #tpu.memory_space<vmem_shared>> -> memref<128x128xf32, #tpu.memory_space<vmem_shared>>
        %dma_wait3A_187 = arith.constant 0 : i32
        %dma_wait3A_188 = tpu.memref_slice %arg5[%add3A_178, %dma_wait3A_187] : memref<10240x128xf32, #tpu.memory_space<vmem_shared>> -> memref<128x128xf32, #tpu.memory_space<vmem_shared>>
        tpu.wait_dma2 semaphore(%run_scoped3A_180 : memref<!tpu.dma_semaphore, #tpu.memory_space<semaphore_mem>>) src(%dma_wait3A_188 : memref<128x128xf32, #tpu.memory_space<vmem_shared>>) dst(%arg8 : memref<128x128xf32, #tpu.memory_space<vmem>>)
        tpu.yield
      }) : () -> ()
      "tpu.region"() ({
        %run_scoped3A_180 = tpu.sem_alloc : memref<!tpu.dma_semaphore, #tpu.memory_space<semaphore_mem>>
        %dma_start3A_181 = arith.constant 0 : i32
        %dma_start3A_182 = tpu.memref_slice %arg4[%arg0, %add3A_178, %dma_start3A_181] : memref<2x10240x128xf32, #tpu.memory_space<hbm>> -> memref<1x128x128xf32, #tpu.memory_space<hbm>>
        %dma_start3A_183 = tpu.memref_squeeze %dma_start3A_182 : memref<1x128x128xf32, #tpu.memory_space<hbm>> -> memref<128x128xf32, #tpu.memory_space<hbm>>
        %dma_start3A_184 = arith.constant 0 : i32
        %dma_start3A_185 = tpu.memref_slice %arg4[%arg0, %add3A_178, %dma_start3A_184] : memref<2x10240x128xf32, #tpu.memory_space<hbm>> -> memref<1x128x128xf32, #tpu.memory_space<hbm>>
        %dma_start3A_186 = tpu.memref_squeeze %dma_start3A_185 : memref<1x128x128xf32, #tpu.memory_space<hbm>> -> memref<128x128xf32, #tpu.memory_space<hbm>>
        tpu.enqueue_dma source(%arg8 : memref<128x128xf32, #tpu.memory_space<vmem>>) target(%dma_start3A_186 : memref<128x128xf32, #tpu.memory_space<hbm>>) target_semaphore(%run_scoped3A_180 : memref<!tpu.dma_semaphore, #tpu.memory_space<semaphore_mem>>)
        %dma_wait3A_187 = arith.constant 0 : i32
        %dma_wait3A_188 = tpu.memref_slice %arg4[%arg0, %add3A_178, %dma_wait3A_187] : memref<2x10240x128xf32, #tpu.memory_space<hbm>> -> memref<1x128x128xf32, #tpu.memory_space<hbm>>
        %dma_wait3A_189 = tpu.memref_squeeze %dma_wait3A_188 : memref<1x128x128xf32, #tpu.memory_space<hbm>> -> memref<128x128xf32, #tpu.memory_space<hbm>>
        %dma_wait3A_190 = arith.constant 0 : i32
        %dma_wait3A_191 = tpu.memref_slice %arg4[%arg0, %add3A_178, %dma_wait3A_190] : memref<2x10240x128xf32, #tpu.memory_space<hbm>> -> memref<1x128x128xf32, #tpu.memory_space<hbm>>
        %dma_wait3A_192 = tpu.memref_squeeze %dma_wait3A_191 : memref<1x128x128xf32, #tpu.memory_space<hbm>> -> memref<128x128xf32, #tpu.memory_space<hbm>>
        tpu.wait_dma2 semaphore(%run_scoped3A_180 : memref<!tpu.dma_semaphore, #tpu.memory_space<semaphore_mem>>) src(%arg8 : memref<128x128xf32, #tpu.memory_space<vmem>>) dst(%dma_wait3A_192 : memref<128x128xf32, #tpu.memory_space<hbm>>)
        tpu.yield
      }) : () -> ()
      %scan3A_179 = arith.constant 0 : i32
      scf.yield %scan3A_179 : i32
    }
    %scan3A_171 = arith.constant 5 : i32
    "tpu.trace_stop"() : () -> ()
    return
  }
}

#map = affine_map<(d0, d1) -> (0, 0)>
#map1 = affine_map<(d0, d1) -> (0, 0, 0)>
module attributes {stable_mosaic.version = 14 : i64} {
  func.func @_sc_prop(%arg0: i32, %arg1: i32, %arg2: memref<10000x128xf32, #tpu.memory_space<hbm>>, %arg3: memref<2528x2x128xi32, #tpu.memory_space<hbm>>, %arg4: memref<2x10240x128xf32, #tpu.memory_space<hbm>>, %arg5: memref<10240x128xf32, #tpu.memory_space<vmem_shared>>, %arg6: memref<2x128xi32, #tpu.memory_space<vmem>>, %arg7: memref<2x128xi32, #tpu.memory_space<vmem>>, %arg8: memref<128x128xf32, #tpu.memory_space<vmem>>, %arg9: memref<128x128xf32, #tpu.memory_space<vmem>>, %arg10: memref<!tpu.dma_semaphore, #tpu.memory_space<semaphore_mem>>, %arg11: memref<!tpu.dma_semaphore, #tpu.memory_space<semaphore_mem>>, %arg12: memref<!tpu.dma_semaphore, #tpu.memory_space<semaphore_mem>>, %arg13: memref<!tpu.dma_semaphore, #tpu.memory_space<semaphore_mem>>) attributes {dimension_semantics = [#tpu.dimension_semantics<core_parallel>, #tpu.dimension_semantics<subcore_parallel>], iteration_bounds = array<i64: 2, 16>, scalar_prefetch = 0 : i64, scratch_operands = 9 : i64, tpu.core_type = #tpu.core_type<sc_vector_subcore>, window_params = [{transform_indices = #map}, {transform_indices = #map1}, {transform_indices = #map1}]} {
    %eq3A = arith.constant 0 : i32
    %eq3A_0 = arith.cmpi eq, %arg0, %eq3A : i32
    %jit3A = arith.constant 139 : i32
    %jit3A_1 = arith.constant 19 : i32
    %select_n3A = arith.select %eq3A_0, %jit3A, %jit3A_1 : i32
    %eq3A_2 = arith.constant 0 : i32
    %eq3A_3 = arith.cmpi eq, %arg0, %eq3A_2 : i32
    %mul3A = arith.constant 139 : i32
    %mul3A_4 = arith.muli %arg1, %mul3A : i32
    %mul3A_5 = arith.constant 19 : i32
    %mul3A_6 = arith.muli %arg1, %mul3A_5 : i32
    %add3A = arith.constant 2224 : i32
    %add3A_7 = arith.addi %add3A, %mul3A_6 : i32
    %select_n3A_8 = arith.select %eq3A_3, %mul3A_4, %add3A_7 : i32
    "tpu.trace_start"() <{level = 10 : i32, message = "acc_zero"}> : () -> ()
    %scan3A = arith.constant 0 : i32
    %scan3A_9 = arith.constant 0 : i32
    %scan3A_10 = arith.constant 1024 : i32
    %scan3A_11 = arith.addi %scan3A_9, %scan3A_10 : i32
    %scan3A_12 = arith.constant 1 : i32
    %scan3A_13 = scf.for %scan3A_172 = %scan3A_9 to %scan3A_11 step %scan3A_12 iter_args(%scan3A_173 = %scan3A) -> (i32)  : i32 {
      %broadcast_in_dim3A = arith.constant 0.000000e+00 : f32
      %broadcast_in_dim3A_174 = vector.broadcast %broadcast_in_dim3A : f32 to vector<16xf32>
      %jit3A_175 = arith.constant 8 : i32
      %div3A_176 = arith.divsi %scan3A_172, %jit3A_175 : i32
      %sign3A_177 = arith.constant 0 : i32
      %sign3A_178 = arith.cmpi sgt, %scan3A_172, %sign3A_177 : i32
      %sign3A_179 = arith.extui %sign3A_178 : i1 to i32
      %sign3A_180 = arith.constant 0 : i32
      %sign3A_181 = arith.cmpi slt, %scan3A_172, %sign3A_180 : i32
      %sign3A_182 = arith.extui %sign3A_181 : i1 to i32
      %sign3A_183 = arith.subi %sign3A_179, %sign3A_182 : i32
      %sign3A_184 = arith.constant 0 : i32
      %sign3A_185 = arith.cmpi sgt, %jit3A_175, %sign3A_184 : i32
      %sign3A_186 = arith.extui %sign3A_185 : i1 to i32
      %sign3A_187 = arith.constant 0 : i32
      %sign3A_188 = arith.cmpi slt, %jit3A_175, %sign3A_187 : i32
      %sign3A_189 = arith.extui %sign3A_188 : i1 to i32
      %sign3A_190 = arith.subi %sign3A_186, %sign3A_189 : i32
      %ne3A_191 = arith.cmpi ne, %sign3A_183, %sign3A_190 : i32
      %rem3A_192 = arith.remsi %scan3A_172, %jit3A_175 : i32
      %ne3A_193 = arith.constant 0 : i32
      %ne3A_194 = arith.cmpi ne, %rem3A_192, %ne3A_193 : i32
      %and3A_195 = arith.andi %ne3A_191, %ne3A_194 : i1
      %sub3A_196 = arith.constant 1 : i32
      %sub3A_197 = arith.subi %div3A_176, %sub3A_196 : i32
      %select_n3A_198 = arith.select %and3A_195, %sub3A_197, %div3A_176 : i32
      %jit3A_199 = arith.constant 8 : i32
      %eq3A_200 = arith.constant 0 : i32
      %eq3A_201 = arith.cmpi eq, %jit3A_199, %eq3A_200 : i32
      %jit3A_202 = arith.constant 1 : i32
      %select_n3A_203 = arith.select %eq3A_201, %jit3A_202, %jit3A_199 : i32
      %rem3A_204 = arith.remsi %scan3A_172, %select_n3A_203 : i32
      %ne3A_205 = arith.constant 0 : i32
      %ne3A_206 = arith.cmpi ne, %rem3A_204, %ne3A_205 : i32
      %lt3A = arith.constant 0 : i32
      %lt3A_207 = arith.cmpi slt, %rem3A_204, %lt3A : i32
      %lt3A_208 = arith.constant 0 : i32
      %lt3A_209 = arith.cmpi slt, %select_n3A_203, %lt3A_208 : i32
      %ne3A_210 = arith.xori %lt3A_207, %lt3A_209 : i1
      %and3A_211 = arith.andi %ne3A_210, %ne3A_206 : i1
      %add3A_212 = arith.addi %rem3A_204, %select_n3A_203 : i32
      %select_n3A_213 = arith.select %and3A_211, %add3A_212, %rem3A_204 : i32
      %mul3A_214 = arith.constant 16 : i32
      %mul3A_215 = arith.muli %select_n3A_213, %mul3A_214 : i32
      %swap3A = arith.index_cast %select_n3A_198 : i32 to index
      %swap3A_216 = arith.index_cast %mul3A_215 : i32 to index
      %swap3A_217 = tpu.vector_load %arg8[%swap3A, %swap3A_216] {strides = array<i32>} : memref<128x128xf32, #tpu.memory_space<vmem>>, vector<16xf32>,
      tpu.vector_store %arg8[%swap3A, %swap3A_216], %broadcast_in_dim3A_174 {strides = array<i32>} : memref<128x128xf32, #tpu.memory_space<vmem>>, vector<16xf32>,
      %scan3A_218 = arith.constant 0 : i32
      scf.yield %scan3A_218 : i32
    }
    %scan3A_14 = arith.constant 1024 : i32
    %scan3A_15 = arith.constant 0 : i32
    %scan3A_16 = arith.constant 0 : i32
    %scan3A_17 = arith.constant 5 : i32
    %scan3A_18 = arith.addi %scan3A_16, %scan3A_17 : i32
    %scan3A_19 = arith.constant 1 : i32
    %scan3A_20 = scf.for %scan3A_172 = %scan3A_16 to %scan3A_18 step %scan3A_19 iter_args(%scan3A_173 = %scan3A_15) -> (i32)  : i32 {
      %mul3A_174 = arith.constant 640 : i32
      %mul3A_175 = arith.muli %arg1, %mul3A_174 : i32
      %mul3A_176 = arith.constant 128 : i32
      %mul3A_177 = arith.muli %scan3A_172, %mul3A_176 : i32
      %add3A_178 = arith.addi %mul3A_175, %mul3A_177 : i32
      "tpu.region"() ({
        %run_scoped3A_180 = tpu.sem_alloc : memref<!tpu.dma_semaphore, #tpu.memory_space<semaphore_mem>>
        %dma_start3A_181 = arith.constant 0 : i32
        %dma_start3A_182 = tpu.memref_slice %arg5[%add3A_178, %dma_start3A_181] : memref<10240x128xf32, #tpu.memory_space<vmem_shared>> -> memref<128x128xf32, #tpu.memory_space<vmem_shared>>
        %dma_start3A_183 = arith.constant 0 : i32
        %dma_start3A_184 = tpu.memref_slice %arg5[%add3A_178, %dma_start3A_183] : memref<10240x128xf32, #tpu.memory_space<vmem_shared>> -> memref<128x128xf32, #tpu.memory_space<vmem_shared>>
        tpu.enqueue_dma source(%arg8 : memref<128x128xf32, #tpu.memory_space<vmem>>) target(%dma_start3A_184 : memref<128x128xf32, #tpu.memory_space<vmem_shared>>) target_semaphore(%run_scoped3A_180 : memref<!tpu.dma_semaphore, #tpu.memory_space<semaphore_mem>>)
        %dma_wait3A_185 = arith.constant 0 : i32
        %dma_wait3A_186 = tpu.memref_slice %arg5[%add3A_178, %dma_wait3A_185] : memref<10240x128xf32, #tpu.memory_space<vmem_shared>> -> memref<128x128xf32, #tpu.memory_space<vmem_shared>>
        %dma_wait3A_187 = arith.constant 0 : i32
        %dma_wait3A_188 = tpu.memref_slice %arg5[%add3A_178, %dma_wait3A_187] : memref<10240x128xf32, #tpu.memory_space<vmem_shared>> -> memref<128x128xf32, #tpu.memory_space<vmem_shared>>
        tpu.wait_dma2 semaphore(%run_scoped3A_180 : memref<!tpu.dma_semaphore, #tpu.memory_space<semaphore_mem>>) src(%arg8 : memref<128x128xf32, #tpu.memory_space<vmem>>) dst(%dma_wait3A_188 : memref<128x128xf32, #tpu.memory_space<vmem_shared>>)
        tpu.yield
      }) : () -> ()
      %scan3A_179 = arith.constant 0 : i32
      scf.yield %scan3A_179 : i32
    }
    %scan3A_21 = arith.constant 5 : i32
    %barrier3A = arith.constant 0 : index
    tpu.barrier barrier_id(%barrier3A)
    "tpu.trace_stop"() : () -> ()
    "tpu.trace_start"() <{level = 10 : i32, message = "edges"}> : () -> ()
    %add3A_22 = arith.constant 0 : i32
    %add3A_23 = arith.addi %select_n3A_8, %add3A_22 : i32
    %dma_start3A = arith.constant 0 : i32
    %dma_start3A_24 = arith.constant 0 : i32
    %dma_start3A_25 = tpu.memref_slice %arg3[%add3A_23, %dma_start3A, %dma_start3A_24] : memref<2528x2x128xi32, #tpu.memory_space<hbm>> -> memref<1x2x128xi32, #tpu.memory_space<hbm>>
    %dma_start3A_26 = tpu.memref_squeeze %dma_start3A_25 : memref<1x2x128xi32, #tpu.memory_space<hbm>> -> memref<2x128xi32, #tpu.memory_space<hbm>>
    %dma_start3A_27 = arith.constant 0 : i32
    %dma_start3A_28 = arith.constant 0 : i32
    %dma_start3A_29 = tpu.memref_slice %arg3[%add3A_23, %dma_start3A_27, %dma_start3A_28] : memref<2528x2x128xi32, #tpu.memory_space<hbm>> -> memref<1x2x128xi32, #tpu.memory_space<hbm>>
    %dma_start3A_30 = tpu.memref_squeeze %dma_start3A_29 : memref<1x2x128xi32, #tpu.memory_space<hbm>> -> memref<2x128xi32, #tpu.memory_space<hbm>>
    tpu.enqueue_dma source(%dma_start3A_30 : memref<2x128xi32, #tpu.memory_space<hbm>>) target(%arg6 : memref<2x128xi32, #tpu.memory_space<vmem>>) target_semaphore(%arg12 : memref<!tpu.dma_semaphore, #tpu.memory_space<semaphore_mem>>)
    %add3A_31 = arith.constant 0 : i32
    %add3A_32 = arith.addi %select_n3A_8, %add3A_31 : i32
    %dma_wait3A = arith.constant 0 : i32
    %dma_wait3A_33 = arith.constant 0 : i32
    %dma_wait3A_34 = tpu.memref_slice %arg3[%add3A_32, %dma_wait3A, %dma_wait3A_33] : memref<2528x2x128xi32, #tpu.memory_space<hbm>> -> memref<1x2x128xi32, #tpu.memory_space<hbm>>
    %dma_wait3A_35 = tpu.memref_squeeze %dma_wait3A_34 : memref<1x2x128xi32, #tpu.memory_space<hbm>> -> memref<2x128xi32, #tpu.memory_space<hbm>>
    %dma_wait3A_36 = arith.constant 0 : i32
    %dma_wait3A_37 = arith.constant 0 : i32
    %dma_wait3A_38 = tpu.memref_slice %arg3[%add3A_32, %dma_wait3A_36, %dma_wait3A_37] : memref<2528x2x128xi32, #tpu.memory_space<hbm>> -> memref<1x2x128xi32, #tpu.memory_space<hbm>>
    %dma_wait3A_39 = tpu.memref_squeeze %dma_wait3A_38 : memref<1x2x128xi32, #tpu.memory_space<hbm>> -> memref<2x128xi32, #tpu.memory_space<hbm>>
    tpu.wait_dma2 semaphore(%arg12 : memref<!tpu.dma_semaphore, #tpu.memory_space<semaphore_mem>>) src(%dma_wait3A_39 : memref<2x128xi32, #tpu.memory_space<hbm>>) dst(%arg6 : memref<2x128xi32, #tpu.memory_space<vmem>>)
    %dma_start3A_40 = arith.constant 0 : i32
    %dma_start3A_41 = arith.constant 0 : i32
    %dma_start3A_42 = tpu.memref_slice %arg6[%dma_start3A_40, %dma_start3A_41] : memref<2x128xi32, #tpu.memory_space<vmem>> -> memref<1x128xi32, #tpu.memory_space<vmem>>
    %dma_start3A_43 = tpu.memref_squeeze %dma_start3A_42 : memref<1x128xi32, #tpu.memory_space<vmem>> -> memref<128xi32, #tpu.memory_space<vmem>>
    %dma_start3A_44 = arith.constant 0 : i32
    %dma_start3A_45 = arith.constant 0 : i32
    %dma_start3A_46 = tpu.memref_slice %arg2[%dma_start3A_44, %dma_start3A_45] : memref<10000x128xf32, #tpu.memory_space<hbm>> -> memref<10000x128xf32, #tpu.memory_space<hbm>>
    tpu.enqueue_indirect_dma source(%dma_start3A_46 : memref<10000x128xf32, #tpu.memory_space<hbm>>) target(%arg8 : memref<128x128xf32, #tpu.memory_space<vmem>>) offsets(%dma_start3A_43 : memref<128xi32, #tpu.memory_space<vmem>>) semaphore(%arg10 : memref<!tpu.dma_semaphore, #tpu.memory_space<semaphore_mem>>)
    %add3A_47 = arith.constant 1 : i32
    %add3A_48 = arith.addi %select_n3A_8, %add3A_47 : i32
    %dma_start3A_49 = arith.constant 0 : i32
    %dma_start3A_50 = arith.constant 0 : i32
    %dma_start3A_51 = tpu.memref_slice %arg3[%add3A_48, %dma_start3A_49, %dma_start3A_50] : memref<2528x2x128xi32, #tpu.memory_space<hbm>> -> memref<1x2x128xi32, #tpu.memory_space<hbm>>
    %dma_start3A_52 = tpu.memref_squeeze %dma_start3A_51 : memref<1x2x128xi32, #tpu.memory_space<hbm>> -> memref<2x128xi32, #tpu.memory_space<hbm>>
    %dma_start3A_53 = arith.constant 0 : i32
    %dma_start3A_54 = arith.constant 0 : i32
    %dma_start3A_55 = tpu.memref_slice %arg3[%add3A_48, %dma_start3A_53, %dma_start3A_54] : memref<2528x2x128xi32, #tpu.memory_space<hbm>> -> memref<1x2x128xi32, #tpu.memory_space<hbm>>
    %dma_start3A_56 = tpu.memref_squeeze %dma_start3A_55 : memref<1x2x128xi32, #tpu.memory_space<hbm>> -> memref<2x128xi32, #tpu.memory_space<hbm>>
    tpu.enqueue_dma source(%dma_start3A_56 : memref<2x128xi32, #tpu.memory_space<hbm>>) target(%arg7 : memref<2x128xi32, #tpu.memory_space<vmem>>) target_semaphore(%arg13 : memref<!tpu.dma_semaphore, #tpu.memory_space<semaphore_mem>>)
    %sub3A = arith.constant 3 : i32
    %sub3A_57 = arith.subi %select_n3A, %sub3A : i32
    %jit3A_58 = arith.constant 2 : i32
    %div3A = arith.divsi %sub3A_57, %jit3A_58 : i32
    %sign3A = arith.constant 0 : i32
    %sign3A_59 = arith.cmpi sgt, %sub3A_57, %sign3A : i32
    %sign3A_60 = arith.extui %sign3A_59 : i1 to i32
    %sign3A_61 = arith.constant 0 : i32
    %sign3A_62 = arith.cmpi slt, %sub3A_57, %sign3A_61 : i32
    %sign3A_63 = arith.extui %sign3A_62 : i1 to i32
    %sign3A_64 = arith.subi %sign3A_60, %sign3A_63 : i32
    %sign3A_65 = arith.constant 0 : i32
    %sign3A_66 = arith.cmpi sgt, %jit3A_58, %sign3A_65 : i32
    %sign3A_67 = arith.extui %sign3A_66 : i1 to i32
    %sign3A_68 = arith.constant 0 : i32
    %sign3A_69 = arith.cmpi slt, %jit3A_58, %sign3A_68 : i32
    %sign3A_70 = arith.extui %sign3A_69 : i1 to i32
    %sign3A_71 = arith.subi %sign3A_67, %sign3A_70 : i32
    %ne3A = arith.cmpi ne, %sign3A_64, %sign3A_71 : i32
    %rem3A = arith.remsi %sub3A_57, %jit3A_58 : i32
    %ne3A_72 = arith.constant 0 : i32
    %ne3A_73 = arith.cmpi ne, %rem3A, %ne3A_72 : i32
    %and3A = arith.andi %ne3A, %ne3A_73 : i1
    %sub3A_74 = arith.constant 1 : i32
    %sub3A_75 = arith.subi %div3A, %sub3A_74 : i32
    %select_n3A_76 = arith.select %and3A, %sub3A_75, %div3A : i32
    %while3A = arith.constant 0 : i32
    %while3A_77 = arith.constant 0 : i32
    %while3A_78 = arith.subi %select_n3A_76, %while3A : i32
    %while3A_79 = arith.addi %while3A, %while3A_78 : i32
    %while3A_80 = arith.constant 1 : i32
    %while3A_81 = arith.divsi %while3A_78, %while3A_80 : i32
    %while3A_82 = arith.muli %while3A_81, %while3A_80 : i32
    %while3A_83 = arith.addi %while3A, %while3A_82 : i32
    %while3A_84 = arith.constant 1 : i32
    %while3A_85 = scf.for %while3A_172 = %while3A to %while3A_83 step %while3A_84 iter_args(%while3A_173 = %while3A_77) -> (i32)  : i32 {
      %mul3A_174 = arith.constant 2 : i32
      %mul3A_175 = arith.muli %mul3A_174, %while3A_172 : i32
      %add3A_176 = arith.constant 1 : i32
      %add3A_177 = arith.addi %mul3A_175, %add3A_176 : i32
      %add3A_178 = arith.addi %select_n3A_8, %add3A_177 : i32
      %dma_wait3A_179 = arith.constant 0 : i32
      %dma_wait3A_180 = arith.constant 0 : i32
      %dma_wait3A_181 = tpu.memref_slice %arg3[%add3A_178, %dma_wait3A_179, %dma_wait3A_180] : memref<2528x2x128xi32, #tpu.memory_space<hbm>> -> memref<1x2x128xi32, #tpu.memory_space<hbm>>
      %dma_wait3A_182 = tpu.memref_squeeze %dma_wait3A_181 : memref<1x2x128xi32, #tpu.memory_space<hbm>> -> memref<2x128xi32, #tpu.memory_space<hbm>>
      %dma_wait3A_183 = arith.constant 0 : i32
      %dma_wait3A_184 = arith.constant 0 : i32
      %dma_wait3A_185 = tpu.memref_slice %arg3[%add3A_178, %dma_wait3A_183, %dma_wait3A_184] : memref<2528x2x128xi32, #tpu.memory_space<hbm>> -> memref<1x2x128xi32, #tpu.memory_space<hbm>>
      %dma_wait3A_186 = tpu.memref_squeeze %dma_wait3A_185 : memref<1x2x128xi32, #tpu.memory_space<hbm>> -> memref<2x128xi32, #tpu.memory_space<hbm>>
      tpu.wait_dma2 semaphore(%arg13 : memref<!tpu.dma_semaphore, #tpu.memory_space<semaphore_mem>>) src(%dma_wait3A_186 : memref<2x128xi32, #tpu.memory_space<hbm>>) dst(%arg7 : memref<2x128xi32, #tpu.memory_space<vmem>>)
      %dma_start3A_187 = arith.constant 0 : i32
      %dma_start3A_188 = arith.constant 0 : i32
      %dma_start3A_189 = tpu.memref_slice %arg7[%dma_start3A_187, %dma_start3A_188] : memref<2x128xi32, #tpu.memory_space<vmem>> -> memref<1x128xi32, #tpu.memory_space<vmem>>
      %dma_start3A_190 = tpu.memref_squeeze %dma_start3A_189 : memref<1x128xi32, #tpu.memory_space<vmem>> -> memref<128xi32, #tpu.memory_space<vmem>>
      %dma_start3A_191 = arith.constant 0 : i32
      %dma_start3A_192 = arith.constant 0 : i32
      %dma_start3A_193 = tpu.memref_slice %arg2[%dma_start3A_191, %dma_start3A_192] : memref<10000x128xf32, #tpu.memory_space<hbm>> -> memref<10000x128xf32, #tpu.memory_space<hbm>>
      tpu.enqueue_indirect_dma source(%dma_start3A_193 : memref<10000x128xf32, #tpu.memory_space<hbm>>) target(%arg9 : memref<128x128xf32, #tpu.memory_space<vmem>>) offsets(%dma_start3A_190 : memref<128xi32, #tpu.memory_space<vmem>>) semaphore(%arg11 : memref<!tpu.dma_semaphore, #tpu.memory_space<semaphore_mem>>)
      %sub3A_194 = arith.constant 1 : i32
      %sub3A_195 = arith.subi %add3A_177, %sub3A_194 : i32
      %dma_wait3A_196 = arith.constant 0 : i32
      %dma_wait3A_197 = arith.constant 0 : i32
      %dma_wait3A_198 = tpu.memref_slice %arg6[%dma_wait3A_196, %dma_wait3A_197] : memref<2x128xi32, #tpu.memory_space<vmem>> -> memref<1x128xi32, #tpu.memory_space<vmem>>
      %dma_wait3A_199 = tpu.memref_squeeze %dma_wait3A_198 : memref<1x128xi32, #tpu.memory_space<vmem>> -> memref<128xi32, #tpu.memory_space<vmem>>
      %dma_wait3A_200 = arith.constant 0 : i32
      %dma_wait3A_201 = arith.constant 0 : i32
      %dma_wait3A_202 = tpu.memref_slice %arg2[%dma_wait3A_200, %dma_wait3A_201] : memref<10000x128xf32, #tpu.memory_space<hbm>> -> memref<10000x128xf32, #tpu.memory_space<hbm>>
      tpu.wait_indirect_dma semaphore(%arg10 : memref<!tpu.dma_semaphore, #tpu.memory_space<semaphore_mem>>) src(%dma_wait3A_202 : memref<10000x128xf32, #tpu.memory_space<hbm>>) dst(%arg8 : memref<128x128xf32, #tpu.memory_space<vmem>>)
      %run_scoped3A_203 = arith.constant 1 : i32
      "tpu.region"() ({
        %run_scoped3A_253 = tpu.sem_alloc : memref<!tpu.dma_semaphore, #tpu.memory_space<semaphore_mem>>
        %dma_start3A_254 = arith.constant 0 : i32
        %dma_start3A_255 = tpu.memref_slice %arg6[%run_scoped3A_203, %dma_start3A_254] : memref<2x128xi32, #tpu.memory_space<vmem>> -> memref<1x128xi32, #tpu.memory_space<vmem>>
        %dma_start3A_256 = tpu.memref_squeeze %dma_start3A_255 : memref<1x128xi32, #tpu.memory_space<vmem>> -> memref<128xi32, #tpu.memory_space<vmem>>
        %dma_start3A_257 = arith.constant 0 : i32
        %dma_start3A_258 = arith.constant 0 : i32
        %dma_start3A_259 = tpu.memref_slice %arg5[%dma_start3A_257, %dma_start3A_258] : memref<10240x128xf32, #tpu.memory_space<vmem_shared>> -> memref<10240x128xf32, #tpu.memory_space<vmem_shared>>
        tpu.enqueue_indirect_dma source(%arg8 : memref<128x128xf32, #tpu.memory_space<vmem>>) target(%dma_start3A_259 : memref<10240x128xf32, #tpu.memory_space<vmem_shared>>) offsets(%dma_start3A_256 : memref<128xi32, #tpu.memory_space<vmem>>) semaphore(%run_scoped3A_253 : memref<!tpu.dma_semaphore, #tpu.memory_space<semaphore_mem>>) {add = true}
        %dma_wait3A_260 = arith.constant 0 : i32
        %dma_wait3A_261 = tpu.memref_slice %arg6[%run_scoped3A_203, %dma_wait3A_260] : memref<2x128xi32, #tpu.memory_space<vmem>> -> memref<1x128xi32, #tpu.memory_space<vmem>>
        %dma_wait3A_262 = tpu.memref_squeeze %dma_wait3A_261 : memref<1x128xi32, #tpu.memory_space<vmem>> -> memref<128xi32, #tpu.memory_space<vmem>>
        %dma_wait3A_263 = arith.constant 0 : i32
        %dma_wait3A_264 = arith.constant 0 : i32
        %dma_wait3A_265 = tpu.memref_slice %arg5[%dma_wait3A_263, %dma_wait3A_264] : memref<10240x128xf32, #tpu.memory_space<vmem_shared>> -> memref<10240x128xf32, #tpu.memory_space<vmem_shared>>
        tpu.wait_indirect_dma semaphore(%run_scoped3A_253 : memref<!tpu.dma_semaphore, #tpu.memory_space<semaphore_mem>>) src(%arg8 : memref<128x128xf32, #tpu.memory_space<vmem>>) dst(%dma_wait3A_265 : memref<10240x128xf32, #tpu.memory_space<vmem_shared>>)
        tpu.yield
      }) : () -> ()
      %add3A_204 = arith.constant 1 : i32
      %add3A_205 = arith.addi %add3A_177, %add3A_204 : i32
      %add3A_206 = arith.addi %select_n3A_8, %add3A_205 : i32
      %dma_start3A_207 = arith.constant 0 : i32
      %dma_start3A_208 = arith.constant 0 : i32
      %dma_start3A_209 = tpu.memref_slice %arg3[%add3A_206, %dma_start3A_207, %dma_start3A_208] : memref<2528x2x128xi32, #tpu.memory_space<hbm>> -> memref<1x2x128xi32, #tpu.memory_space<hbm>>
      %dma_start3A_210 = tpu.memref_squeeze %dma_start3A_209 : memref<1x2x128xi32, #tpu.memory_space<hbm>> -> memref<2x128xi32, #tpu.memory_space<hbm>>
      %dma_start3A_211 = arith.constant 0 : i32
      %dma_start3A_212 = arith.constant 0 : i32
      %dma_start3A_213 = tpu.memref_slice %arg3[%add3A_206, %dma_start3A_211, %dma_start3A_212] : memref<2528x2x128xi32, #tpu.memory_space<hbm>> -> memref<1x2x128xi32, #tpu.memory_space<hbm>>
      %dma_start3A_214 = tpu.memref_squeeze %dma_start3A_213 : memref<1x2x128xi32, #tpu.memory_space<hbm>> -> memref<2x128xi32, #tpu.memory_space<hbm>>
      tpu.enqueue_dma source(%dma_start3A_214 : memref<2x128xi32, #tpu.memory_space<hbm>>) target(%arg6 : memref<2x128xi32, #tpu.memory_space<vmem>>) target_semaphore(%arg12 : memref<!tpu.dma_semaphore, #tpu.memory_space<semaphore_mem>>)
      %add3A_215 = arith.constant 1 : i32
      %add3A_216 = arith.addi %add3A_177, %add3A_215 : i32
      %add3A_217 = arith.addi %select_n3A_8, %add3A_216 : i32
      %dma_wait3A_218 = arith.constant 0 : i32
      %dma_wait3A_219 = arith.constant 0 : i32
      %dma_wait3A_220 = tpu.memref_slice %arg3[%add3A_217, %dma_wait3A_218, %dma_wait3A_219] : memref<2528x2x128xi32, #tpu.memory_space<hbm>> -> memref<1x2x128xi32, #tpu.memory_space<hbm>>
      %dma_wait3A_221 = tpu.memref_squeeze %dma_wait3A_220 : memref<1x2x128xi32, #tpu.memory_space<hbm>> -> memref<2x128xi32, #tpu.memory_space<hbm>>
      %dma_wait3A_222 = arith.constant 0 : i32
      %dma_wait3A_223 = arith.constant 0 : i32
      %dma_wait3A_224 = tpu.memref_slice %arg3[%add3A_217, %dma_wait3A_222, %dma_wait3A_223] : memref<2528x2x128xi32, #tpu.memory_space<hbm>> -> memref<1x2x128xi32, #tpu.memory_space<hbm>>
      %dma_wait3A_225 = tpu.memref_squeeze %dma_wait3A_224 : memref<1x2x128xi32, #tpu.memory_space<hbm>> -> memref<2x128xi32, #tpu.memory_space<hbm>>
      tpu.wait_dma2 semaphore(%arg12 : memref<!tpu.dma_semaphore, #tpu.memory_space<semaphore_mem>>) src(%dma_wait3A_225 : memref<2x128xi32, #tpu.memory_space<hbm>>) dst(%arg6 : memref<2x128xi32, #tpu.memory_space<vmem>>)
      %dma_start3A_226 = arith.constant 0 : i32
      %dma_start3A_227 = arith.constant 0 : i32
      %dma_start3A_228 = tpu.memref_slice %arg6[%dma_start3A_226, %dma_start3A_227] : memref<2x128xi32, #tpu.memory_space<vmem>> -> memref<1x128xi32, #tpu.memory_space<vmem>>
      %dma_start3A_229 = tpu.memref_squeeze %dma_start3A_228 : memref<1x128xi32, #tpu.memory_space<vmem>> -> memref<128xi32, #tpu.memory_space<vmem>>
      %dma_start3A_230 = arith.constant 0 : i32
      %dma_start3A_231 = arith.constant 0 : i32
      %dma_start3A_232 = tpu.memref_slice %arg2[%dma_start3A_230, %dma_start3A_231] : memref<10000x128xf32, #tpu.memory_space<hbm>> -> memref<10000x128xf32, #tpu.memory_space<hbm>>
      tpu.enqueue_indirect_dma source(%dma_start3A_232 : memref<10000x128xf32, #tpu.memory_space<hbm>>) target(%arg8 : memref<128x128xf32, #tpu.memory_space<vmem>>) offsets(%dma_start3A_229 : memref<128xi32, #tpu.memory_space<vmem>>) semaphore(%arg10 : memref<!tpu.dma_semaphore, #tpu.memory_space<semaphore_mem>>)
      %dma_wait3A_233 = arith.constant 0 : i32
      %dma_wait3A_234 = arith.constant 0 : i32
      %dma_wait3A_235 = tpu.memref_slice %arg7[%dma_wait3A_233, %dma_wait3A_234] : memref<2x128xi32, #tpu.memory_space<vmem>> -> memref<1x128xi32, #tpu.memory_space<vmem>>
      %dma_wait3A_236 = tpu.memref_squeeze %dma_wait3A_235 : memref<1x128xi32, #tpu.memory_space<vmem>> -> memref<128xi32, #tpu.memory_space<vmem>>
      %dma_wait3A_237 = arith.constant 0 : i32
      %dma_wait3A_238 = arith.constant 0 : i32
      %dma_wait3A_239 = tpu.memref_slice %arg2[%dma_wait3A_237, %dma_wait3A_238] : memref<10000x128xf32, #tpu.memory_space<hbm>> -> memref<10000x128xf32, #tpu.memory_space<hbm>>
      tpu.wait_indirect_dma semaphore(%arg11 : memref<!tpu.dma_semaphore, #tpu.memory_space<semaphore_mem>>) src(%dma_wait3A_239 : memref<10000x128xf32, #tpu.memory_space<hbm>>) dst(%arg9 : memref<128x128xf32, #tpu.memory_space<vmem>>)
      %run_scoped3A_240 = arith.constant 1 : i32
      "tpu.region"() ({
        %run_scoped3A_253 = tpu.sem_alloc : memref<!tpu.dma_semaphore, #tpu.memory_space<semaphore_mem>>
        %dma_start3A_254 = arith.constant 0 : i32
        %dma_start3A_255 = tpu.memref_slice %arg7[%run_scoped3A_240, %dma_start3A_254] : memref<2x128xi32, #tpu.memory_space<vmem>> -> memref<1x128xi32, #tpu.memory_space<vmem>>
        %dma_start3A_256 = tpu.memref_squeeze %dma_start3A_255 : memref<1x128xi32, #tpu.memory_space<vmem>> -> memref<128xi32, #tpu.memory_space<vmem>>
        %dma_start3A_257 = arith.constant 0 : i32
        %dma_start3A_258 = arith.constant 0 : i32
        %dma_start3A_259 = tpu.memref_slice %arg5[%dma_start3A_257, %dma_start3A_258] : memref<10240x128xf32, #tpu.memory_space<vmem_shared>> -> memref<10240x128xf32, #tpu.memory_space<vmem_shared>>
        tpu.enqueue_indirect_dma source(%arg9 : memref<128x128xf32, #tpu.memory_space<vmem>>) target(%dma_start3A_259 : memref<10240x128xf32, #tpu.memory_space<vmem_shared>>) offsets(%dma_start3A_256 : memref<128xi32, #tpu.memory_space<vmem>>) semaphore(%run_scoped3A_253 : memref<!tpu.dma_semaphore, #tpu.memory_space<semaphore_mem>>) {add = true}
        %dma_wait3A_260 = arith.constant 0 : i32
        %dma_wait3A_261 = tpu.memref_slice %arg7[%run_scoped3A_240, %dma_wait3A_260] : memref<2x128xi32, #tpu.memory_space<vmem>> -> memref<1x128xi32, #tpu.memory_space<vmem>>
        %dma_wait3A_262 = tpu.memref_squeeze %dma_wait3A_261 : memref<1x128xi32, #tpu.memory_space<vmem>> -> memref<128xi32, #tpu.memory_space<vmem>>
        %dma_wait3A_263 = arith.constant 0 : i32
        %dma_wait3A_264 = arith.constant 0 : i32
        %dma_wait3A_265 = tpu.memref_slice %arg5[%dma_wait3A_263, %dma_wait3A_264] : memref<10240x128xf32, #tpu.memory_space<vmem_shared>> -> memref<10240x128xf32, #tpu.memory_space<vmem_shared>>
        tpu.wait_indirect_dma semaphore(%run_scoped3A_253 : memref<!tpu.dma_semaphore, #tpu.memory_space<semaphore_mem>>) src(%arg9 : memref<128x128xf32, #tpu.memory_space<vmem>>) dst(%dma_wait3A_265 : memref<10240x128xf32, #tpu.memory_space<vmem_shared>>)
        tpu.yield
      }) : () -> ()
      %add3A_241 = arith.constant 2 : i32
      %add3A_242 = arith.addi %add3A_177, %add3A_241 : i32
      %add3A_243 = arith.addi %select_n3A_8, %add3A_242 : i32
      %dma_start3A_244 = arith.constant 0 : i32
      %dma_start3A_245 = arith.constant 0 : i32
      %dma_start3A_246 = tpu.memref_slice %arg3[%add3A_243, %dma_start3A_244, %dma_start3A_245] : memref<2528x2x128xi32, #tpu.memory_space<hbm>> -> memref<1x2x128xi32, #tpu.memory_space<hbm>>
      %dma_start3A_247 = tpu.memref_squeeze %dma_start3A_246 : memref<1x2x128xi32, #tpu.memory_space<hbm>> -> memref<2x128xi32, #tpu.memory_space<hbm>>
      %dma_start3A_248 = arith.constant 0 : i32
      %dma_start3A_249 = arith.constant 0 : i32
      %dma_start3A_250 = tpu.memref_slice %arg3[%add3A_243, %dma_start3A_248, %dma_start3A_249] : memref<2528x2x128xi32, #tpu.memory_space<hbm>> -> memref<1x2x128xi32, #tpu.memory_space<hbm>>
      %dma_start3A_251 = tpu.memref_squeeze %dma_start3A_250 : memref<1x2x128xi32, #tpu.memory_space<hbm>> -> memref<2x128xi32, #tpu.memory_space<hbm>>
      tpu.enqueue_dma source(%dma_start3A_251 : memref<2x128xi32, #tpu.memory_space<hbm>>) target(%arg7 : memref<2x128xi32, #tpu.memory_space<vmem>>) target_semaphore(%arg13 : memref<!tpu.dma_semaphore, #tpu.memory_space<semaphore_mem>>)
      %while3A_252 = arith.constant 0 : i32
      scf.yield %while3A_252 : i32
    }
    %while3A_86 = arith.constant 1 : i32
    %while3A_87 = scf.for %while3A_172 = %while3A_83 to %while3A_79 step %while3A_86 iter_args(%while3A_173 = %while3A_85) -> (i32)  : i32 {
      %mul3A_174 = arith.constant 2 : i32
      %mul3A_175 = arith.muli %mul3A_174, %while3A_172 : i32
      %add3A_176 = arith.constant 1 : i32
      %add3A_177 = arith.addi %mul3A_175, %add3A_176 : i32
      %add3A_178 = arith.addi %select_n3A_8, %add3A_177 : i32
      %dma_wait3A_179 = arith.constant 0 : i32
      %dma_wait3A_180 = arith.constant 0 : i32
      %dma_wait3A_181 = tpu.memref_slice %arg3[%add3A_178, %dma_wait3A_179, %dma_wait3A_180] : memref<2528x2x128xi32, #tpu.memory_space<hbm>> -> memref<1x2x128xi32, #tpu.memory_space<hbm>>
      %dma_wait3A_182 = tpu.memref_squeeze %dma_wait3A_181 : memref<1x2x128xi32, #tpu.memory_space<hbm>> -> memref<2x128xi32, #tpu.memory_space<hbm>>
      %dma_wait3A_183 = arith.constant 0 : i32
      %dma_wait3A_184 = arith.constant 0 : i32
      %dma_wait3A_185 = tpu.memref_slice %arg3[%add3A_178, %dma_wait3A_183, %dma_wait3A_184] : memref<2528x2x128xi32, #tpu.memory_space<hbm>> -> memref<1x2x128xi32, #tpu.memory_space<hbm>>
      %dma_wait3A_186 = tpu.memref_squeeze %dma_wait3A_185 : memref<1x2x128xi32, #tpu.memory_space<hbm>> -> memref<2x128xi32, #tpu.memory_space<hbm>>
      tpu.wait_dma2 semaphore(%arg13 : memref<!tpu.dma_semaphore, #tpu.memory_space<semaphore_mem>>) src(%dma_wait3A_186 : memref<2x128xi32, #tpu.memory_space<hbm>>) dst(%arg7 : memref<2x128xi32, #tpu.memory_space<vmem>>)
      %dma_start3A_187 = arith.constant 0 : i32
      %dma_start3A_188 = arith.constant 0 : i32
      %dma_start3A_189 = tpu.memref_slice %arg7[%dma_start3A_187, %dma_start3A_188] : memref<2x128xi32, #tpu.memory_space<vmem>> -> memref<1x128xi32, #tpu.memory_space<vmem>>
      %dma_start3A_190 = tpu.memref_squeeze %dma_start3A_189 : memref<1x128xi32, #tpu.memory_space<vmem>> -> memref<128xi32, #tpu.memory_space<vmem>>
      %dma_start3A_191 = arith.constant 0 : i32
      %dma_start3A_192 = arith.constant 0 : i32
      %dma_start3A_193 = tpu.memref_slice %arg2[%dma_start3A_191, %dma_start3A_192] : memref<10000x128xf32, #tpu.memory_space<hbm>> -> memref<10000x128xf32, #tpu.memory_space<hbm>>
      tpu.enqueue_indirect_dma source(%dma_start3A_193 : memref<10000x128xf32, #tpu.memory_space<hbm>>) target(%arg9 : memref<128x128xf32, #tpu.memory_space<vmem>>) offsets(%dma_start3A_190 : memref<128xi32, #tpu.memory_space<vmem>>) semaphore(%arg11 : memref<!tpu.dma_semaphore, #tpu.memory_space<semaphore_mem>>)
      %sub3A_194 = arith.constant 1 : i32
      %sub3A_195 = arith.subi %add3A_177, %sub3A_194 : i32
      %dma_wait3A_196 = arith.constant 0 : i32
      %dma_wait3A_197 = arith.constant 0 : i32
      %dma_wait3A_198 = tpu.memref_slice %arg6[%dma_wait3A_196, %dma_wait3A_197] : memref<2x128xi32, #tpu.memory_space<vmem>> -> memref<1x128xi32, #tpu.memory_space<vmem>>
      %dma_wait3A_199 = tpu.memref_squeeze %dma_wait3A_198 : memref<1x128xi32, #tpu.memory_space<vmem>> -> memref<128xi32, #tpu.memory_space<vmem>>
      %dma_wait3A_200 = arith.constant 0 : i32
      %dma_wait3A_201 = arith.constant 0 : i32
      %dma_wait3A_202 = tpu.memref_slice %arg2[%dma_wait3A_200, %dma_wait3A_201] : memref<10000x128xf32, #tpu.memory_space<hbm>> -> memref<10000x128xf32, #tpu.memory_space<hbm>>
      tpu.wait_indirect_dma semaphore(%arg10 : memref<!tpu.dma_semaphore, #tpu.memory_space<semaphore_mem>>) src(%dma_wait3A_202 : memref<10000x128xf32, #tpu.memory_space<hbm>>) dst(%arg8 : memref<128x128xf32, #tpu.memory_space<vmem>>)
      %run_scoped3A_203 = arith.constant 1 : i32
      "tpu.region"() ({
        %run_scoped3A_253 = tpu.sem_alloc : memref<!tpu.dma_semaphore, #tpu.memory_space<semaphore_mem>>
        %dma_start3A_254 = arith.constant 0 : i32
        %dma_start3A_255 = tpu.memref_slice %arg6[%run_scoped3A_203, %dma_start3A_254] : memref<2x128xi32, #tpu.memory_space<vmem>> -> memref<1x128xi32, #tpu.memory_space<vmem>>
        %dma_start3A_256 = tpu.memref_squeeze %dma_start3A_255 : memref<1x128xi32, #tpu.memory_space<vmem>> -> memref<128xi32, #tpu.memory_space<vmem>>
        %dma_start3A_257 = arith.constant 0 : i32
        %dma_start3A_258 = arith.constant 0 : i32
        %dma_start3A_259 = tpu.memref_slice %arg5[%dma_start3A_257, %dma_start3A_258] : memref<10240x128xf32, #tpu.memory_space<vmem_shared>> -> memref<10240x128xf32, #tpu.memory_space<vmem_shared>>
        tpu.enqueue_indirect_dma source(%arg8 : memref<128x128xf32, #tpu.memory_space<vmem>>) target(%dma_start3A_259 : memref<10240x128xf32, #tpu.memory_space<vmem_shared>>) offsets(%dma_start3A_256 : memref<128xi32, #tpu.memory_space<vmem>>) semaphore(%run_scoped3A_253 : memref<!tpu.dma_semaphore, #tpu.memory_space<semaphore_mem>>) {add = true}
        %dma_wait3A_260 = arith.constant 0 : i32
        %dma_wait3A_261 = tpu.memref_slice %arg6[%run_scoped3A_203, %dma_wait3A_260] : memref<2x128xi32, #tpu.memory_space<vmem>> -> memref<1x128xi32, #tpu.memory_space<vmem>>
        %dma_wait3A_262 = tpu.memref_squeeze %dma_wait3A_261 : memref<1x128xi32, #tpu.memory_space<vmem>> -> memref<128xi32, #tpu.memory_space<vmem>>
        %dma_wait3A_263 = arith.constant 0 : i32
        %dma_wait3A_264 = arith.constant 0 : i32
        %dma_wait3A_265 = tpu.memref_slice %arg5[%dma_wait3A_263, %dma_wait3A_264] : memref<10240x128xf32, #tpu.memory_space<vmem_shared>> -> memref<10240x128xf32, #tpu.memory_space<vmem_shared>>
        tpu.wait_indirect_dma semaphore(%run_scoped3A_253 : memref<!tpu.dma_semaphore, #tpu.memory_space<semaphore_mem>>) src(%arg8 : memref<128x128xf32, #tpu.memory_space<vmem>>) dst(%dma_wait3A_265 : memref<10240x128xf32, #tpu.memory_space<vmem_shared>>)
        tpu.yield
      }) : () -> ()
      %add3A_204 = arith.constant 1 : i32
      %add3A_205 = arith.addi %add3A_177, %add3A_204 : i32
      %add3A_206 = arith.addi %select_n3A_8, %add3A_205 : i32
      %dma_start3A_207 = arith.constant 0 : i32
      %dma_start3A_208 = arith.constant 0 : i32
      %dma_start3A_209 = tpu.memref_slice %arg3[%add3A_206, %dma_start3A_207, %dma_start3A_208] : memref<2528x2x128xi32, #tpu.memory_space<hbm>> -> memref<1x2x128xi32, #tpu.memory_space<hbm>>
      %dma_start3A_210 = tpu.memref_squeeze %dma_start3A_209 : memref<1x2x128xi32, #tpu.memory_space<hbm>> -> memref<2x128xi32, #tpu.memory_space<hbm>>
      %dma_start3A_211 = arith.constant 0 : i32
      %dma_start3A_212 = arith.constant 0 : i32
      %dma_start3A_213 = tpu.memref_slice %arg3[%add3A_206, %dma_start3A_211, %dma_start3A_212] : memref<2528x2x128xi32, #tpu.memory_space<hbm>> -> memref<1x2x128xi32, #tpu.memory_space<hbm>>
      %dma_start3A_214 = tpu.memref_squeeze %dma_start3A_213 : memref<1x2x128xi32, #tpu.memory_space<hbm>> -> memref<2x128xi32, #tpu.memory_space<hbm>>
      tpu.enqueue_dma source(%dma_start3A_214 : memref<2x128xi32, #tpu.memory_space<hbm>>) target(%arg6 : memref<2x128xi32, #tpu.memory_space<vmem>>) target_semaphore(%arg12 : memref<!tpu.dma_semaphore, #tpu.memory_space<semaphore_mem>>)
      %add3A_215 = arith.constant 1 : i32
      %add3A_216 = arith.addi %add3A_177, %add3A_215 : i32
      %add3A_217 = arith.addi %select_n3A_8, %add3A_216 : i32
      %dma_wait3A_218 = arith.constant 0 : i32
      %dma_wait3A_219 = arith.constant 0 : i32
      %dma_wait3A_220 = tpu.memref_slice %arg3[%add3A_217, %dma_wait3A_218, %dma_wait3A_219] : memref<2528x2x128xi32, #tpu.memory_space<hbm>> -> memref<1x2x128xi32, #tpu.memory_space<hbm>>
      %dma_wait3A_221 = tpu.memref_squeeze %dma_wait3A_220 : memref<1x2x128xi32, #tpu.memory_space<hbm>> -> memref<2x128xi32, #tpu.memory_space<hbm>>
      %dma_wait3A_222 = arith.constant 0 : i32
      %dma_wait3A_223 = arith.constant 0 : i32
      %dma_wait3A_224 = tpu.memref_slice %arg3[%add3A_217, %dma_wait3A_222, %dma_wait3A_223] : memref<2528x2x128xi32, #tpu.memory_space<hbm>> -> memref<1x2x128xi32, #tpu.memory_space<hbm>>
      %dma_wait3A_225 = tpu.memref_squeeze %dma_wait3A_224 : memref<1x2x128xi32, #tpu.memory_space<hbm>> -> memref<2x128xi32, #tpu.memory_space<hbm>>
      tpu.wait_dma2 semaphore(%arg12 : memref<!tpu.dma_semaphore, #tpu.memory_space<semaphore_mem>>) src(%dma_wait3A_225 : memref<2x128xi32, #tpu.memory_space<hbm>>) dst(%arg6 : memref<2x128xi32, #tpu.memory_space<vmem>>)
      %dma_start3A_226 = arith.constant 0 : i32
      %dma_start3A_227 = arith.constant 0 : i32
      %dma_start3A_228 = tpu.memref_slice %arg6[%dma_start3A_226, %dma_start3A_227] : memref<2x128xi32, #tpu.memory_space<vmem>> -> memref<1x128xi32, #tpu.memory_space<vmem>>
      %dma_start3A_229 = tpu.memref_squeeze %dma_start3A_228 : memref<1x128xi32, #tpu.memory_space<vmem>> -> memref<128xi32, #tpu.memory_space<vmem>>
      %dma_start3A_230 = arith.constant 0 : i32
      %dma_start3A_231 = arith.constant 0 : i32
      %dma_start3A_232 = tpu.memref_slice %arg2[%dma_start3A_230, %dma_start3A_231] : memref<10000x128xf32, #tpu.memory_space<hbm>> -> memref<10000x128xf32, #tpu.memory_space<hbm>>
      tpu.enqueue_indirect_dma source(%dma_start3A_232 : memref<10000x128xf32, #tpu.memory_space<hbm>>) target(%arg8 : memref<128x128xf32, #tpu.memory_space<vmem>>) offsets(%dma_start3A_229 : memref<128xi32, #tpu.memory_space<vmem>>) semaphore(%arg10 : memref<!tpu.dma_semaphore, #tpu.memory_space<semaphore_mem>>)
      %dma_wait3A_233 = arith.constant 0 : i32
      %dma_wait3A_234 = arith.constant 0 : i32
      %dma_wait3A_235 = tpu.memref_slice %arg7[%dma_wait3A_233, %dma_wait3A_234] : memref<2x128xi32, #tpu.memory_space<vmem>> -> memref<1x128xi32, #tpu.memory_space<vmem>>
      %dma_wait3A_236 = tpu.memref_squeeze %dma_wait3A_235 : memref<1x128xi32, #tpu.memory_space<vmem>> -> memref<128xi32, #tpu.memory_space<vmem>>
      %dma_wait3A_237 = arith.constant 0 : i32
      %dma_wait3A_238 = arith.constant 0 : i32
      %dma_wait3A_239 = tpu.memref_slice %arg2[%dma_wait3A_237, %dma_wait3A_238] : memref<10000x128xf32, #tpu.memory_space<hbm>> -> memref<10000x128xf32, #tpu.memory_space<hbm>>
      tpu.wait_indirect_dma semaphore(%arg11 : memref<!tpu.dma_semaphore, #tpu.memory_space<semaphore_mem>>) src(%dma_wait3A_239 : memref<10000x128xf32, #tpu.memory_space<hbm>>) dst(%arg9 : memref<128x128xf32, #tpu.memory_space<vmem>>)
      %run_scoped3A_240 = arith.constant 1 : i32
      "tpu.region"() ({
        %run_scoped3A_253 = tpu.sem_alloc : memref<!tpu.dma_semaphore, #tpu.memory_space<semaphore_mem>>
        %dma_start3A_254 = arith.constant 0 : i32
        %dma_start3A_255 = tpu.memref_slice %arg7[%run_scoped3A_240, %dma_start3A_254] : memref<2x128xi32, #tpu.memory_space<vmem>> -> memref<1x128xi32, #tpu.memory_space<vmem>>
        %dma_start3A_256 = tpu.memref_squeeze %dma_start3A_255 : memref<1x128xi32, #tpu.memory_space<vmem>> -> memref<128xi32, #tpu.memory_space<vmem>>
        %dma_start3A_257 = arith.constant 0 : i32
        %dma_start3A_258 = arith.constant 0 : i32
        %dma_start3A_259 = tpu.memref_slice %arg5[%dma_start3A_257, %dma_start3A_258] : memref<10240x128xf32, #tpu.memory_space<vmem_shared>> -> memref<10240x128xf32, #tpu.memory_space<vmem_shared>>
        tpu.enqueue_indirect_dma source(%arg9 : memref<128x128xf32, #tpu.memory_space<vmem>>) target(%dma_start3A_259 : memref<10240x128xf32, #tpu.memory_space<vmem_shared>>) offsets(%dma_start3A_256 : memref<128xi32, #tpu.memory_space<vmem>>) semaphore(%run_scoped3A_253 : memref<!tpu.dma_semaphore, #tpu.memory_space<semaphore_mem>>) {add = true}
        %dma_wait3A_260 = arith.constant 0 : i32
        %dma_wait3A_261 = tpu.memref_slice %arg7[%run_scoped3A_240, %dma_wait3A_260] : memref<2x128xi32, #tpu.memory_space<vmem>> -> memref<1x128xi32, #tpu.memory_space<vmem>>
        %dma_wait3A_262 = tpu.memref_squeeze %dma_wait3A_261 : memref<1x128xi32, #tpu.memory_space<vmem>> -> memref<128xi32, #tpu.memory_space<vmem>>
        %dma_wait3A_263 = arith.constant 0 : i32
        %dma_wait3A_264 = arith.constant 0 : i32
        %dma_wait3A_265 = tpu.memref_slice %arg5[%dma_wait3A_263, %dma_wait3A_264] : memref<10240x128xf32, #tpu.memory_space<vmem_shared>> -> memref<10240x128xf32, #tpu.memory_space<vmem_shared>>
        tpu.wait_indirect_dma semaphore(%run_scoped3A_253 : memref<!tpu.dma_semaphore, #tpu.memory_space<semaphore_mem>>) src(%arg9 : memref<128x128xf32, #tpu.memory_space<vmem>>) dst(%dma_wait3A_265 : memref<10240x128xf32, #tpu.memory_space<vmem_shared>>)
        tpu.yield
      }) : () -> ()
      %add3A_241 = arith.constant 2 : i32
      %add3A_242 = arith.addi %add3A_177, %add3A_241 : i32
      %add3A_243 = arith.addi %select_n3A_8, %add3A_242 : i32
      %dma_start3A_244 = arith.constant 0 : i32
      %dma_start3A_245 = arith.constant 0 : i32
      %dma_start3A_246 = tpu.memref_slice %arg3[%add3A_243, %dma_start3A_244, %dma_start3A_245] : memref<2528x2x128xi32, #tpu.memory_space<hbm>> -> memref<1x2x128xi32, #tpu.memory_space<hbm>>
      %dma_start3A_247 = tpu.memref_squeeze %dma_start3A_246 : memref<1x2x128xi32, #tpu.memory_space<hbm>> -> memref<2x128xi32, #tpu.memory_space<hbm>>
      %dma_start3A_248 = arith.constant 0 : i32
      %dma_start3A_249 = arith.constant 0 : i32
      %dma_start3A_250 = tpu.memref_slice %arg3[%add3A_243, %dma_start3A_248, %dma_start3A_249] : memref<2528x2x128xi32, #tpu.memory_space<hbm>> -> memref<1x2x128xi32, #tpu.memory_space<hbm>>
      %dma_start3A_251 = tpu.memref_squeeze %dma_start3A_250 : memref<1x2x128xi32, #tpu.memory_space<hbm>> -> memref<2x128xi32, #tpu.memory_space<hbm>>
      tpu.enqueue_dma source(%dma_start3A_251 : memref<2x128xi32, #tpu.memory_space<hbm>>) target(%arg7 : memref<2x128xi32, #tpu.memory_space<vmem>>) target_semaphore(%arg13 : memref<!tpu.dma_semaphore, #tpu.memory_space<semaphore_mem>>)
      %while3A_252 = arith.constant 0 : i32
      scf.yield %while3A_252 : i32
    }
    %sub3A_88 = arith.constant 2 : i32
    %sub3A_89 = arith.subi %select_n3A, %sub3A_88 : i32
    %add3A_90 = arith.addi %select_n3A_8, %sub3A_89 : i32
    %dma_wait3A_91 = arith.constant 0 : i32
    %dma_wait3A_92 = arith.constant 0 : i32
    %dma_wait3A_93 = tpu.memref_slice %arg3[%add3A_90, %dma_wait3A_91, %dma_wait3A_92] : memref<2528x2x128xi32, #tpu.memory_space<hbm>> -> memref<1x2x128xi32, #tpu.memory_space<hbm>>
    %dma_wait3A_94 = tpu.memref_squeeze %dma_wait3A_93 : memref<1x2x128xi32, #tpu.memory_space<hbm>> -> memref<2x128xi32, #tpu.memory_space<hbm>>
    %dma_wait3A_95 = arith.constant 0 : i32
    %dma_wait3A_96 = arith.constant 0 : i32
    %dma_wait3A_97 = tpu.memref_slice %arg3[%add3A_90, %dma_wait3A_95, %dma_wait3A_96] : memref<2528x2x128xi32, #tpu.memory_space<hbm>> -> memref<1x2x128xi32, #tpu.memory_space<hbm>>
    %dma_wait3A_98 = tpu.memref_squeeze %dma_wait3A_97 : memref<1x2x128xi32, #tpu.memory_space<hbm>> -> memref<2x128xi32, #tpu.memory_space<hbm>>
    tpu.wait_dma2 semaphore(%arg13 : memref<!tpu.dma_semaphore, #tpu.memory_space<semaphore_mem>>) src(%dma_wait3A_98 : memref<2x128xi32, #tpu.memory_space<hbm>>) dst(%arg7 : memref<2x128xi32, #tpu.memory_space<vmem>>)
    %dma_start3A_99 = arith.constant 0 : i32
    %dma_start3A_100 = arith.constant 0 : i32
    %dma_start3A_101 = tpu.memref_slice %arg7[%dma_start3A_99, %dma_start3A_100] : memref<2x128xi32, #tpu.memory_space<vmem>> -> memref<1x128xi32, #tpu.memory_space<vmem>>
    %dma_start3A_102 = tpu.memref_squeeze %dma_start3A_101 : memref<1x128xi32, #tpu.memory_space<vmem>> -> memref<128xi32, #tpu.memory_space<vmem>>
    %dma_start3A_103 = arith.constant 0 : i32
    %dma_start3A_104 = arith.constant 0 : i32
    %dma_start3A_105 = tpu.memref_slice %arg2[%dma_start3A_103, %dma_start3A_104] : memref<10000x128xf32, #tpu.memory_space<hbm>> -> memref<10000x128xf32, #tpu.memory_space<hbm>>
    tpu.enqueue_indirect_dma source(%dma_start3A_105 : memref<10000x128xf32, #tpu.memory_space<hbm>>) target(%arg9 : memref<128x128xf32, #tpu.memory_space<vmem>>) offsets(%dma_start3A_102 : memref<128xi32, #tpu.memory_space<vmem>>) semaphore(%arg11 : memref<!tpu.dma_semaphore, #tpu.memory_space<semaphore_mem>>)
    %sub3A_106 = arith.constant 3 : i32
    %sub3A_107 = arith.subi %select_n3A, %sub3A_106 : i32
    %dma_wait3A_108 = arith.constant 0 : i32
    %dma_wait3A_109 = arith.constant 0 : i32
    %dma_wait3A_110 = tpu.memref_slice %arg6[%dma_wait3A_108, %dma_wait3A_109] : memref<2x128xi32, #tpu.memory_space<vmem>> -> memref<1x128xi32, #tpu.memory_space<vmem>>
    %dma_wait3A_111 = tpu.memref_squeeze %dma_wait3A_110 : memref<1x128xi32, #tpu.memory_space<vmem>> -> memref<128xi32, #tpu.memory_space<vmem>>
    %dma_wait3A_112 = arith.constant 0 : i32
    %dma_wait3A_113 = arith.constant 0 : i32
    %dma_wait3A_114 = tpu.memref_slice %arg2[%dma_wait3A_112, %dma_wait3A_113] : memref<10000x128xf32, #tpu.memory_space<hbm>> -> memref<10000x128xf32, #tpu.memory_space<hbm>>
    tpu.wait_indirect_dma semaphore(%arg10 : memref<!tpu.dma_semaphore, #tpu.memory_space<semaphore_mem>>) src(%dma_wait3A_114 : memref<10000x128xf32, #tpu.memory_space<hbm>>) dst(%arg8 : memref<128x128xf32, #tpu.memory_space<vmem>>)
    %run_scoped3A = arith.constant 1 : i32
    "tpu.region"() ({
      %run_scoped3A_172 = tpu.sem_alloc : memref<!tpu.dma_semaphore, #tpu.memory_space<semaphore_mem>>
      %dma_start3A_173 = arith.constant 0 : i32
      %dma_start3A_174 = tpu.memref_slice %arg6[%run_scoped3A, %dma_start3A_173] : memref<2x128xi32, #tpu.memory_space<vmem>> -> memref<1x128xi32, #tpu.memory_space<vmem>>
      %dma_start3A_175 = tpu.memref_squeeze %dma_start3A_174 : memref<1x128xi32, #tpu.memory_space<vmem>> -> memref<128xi32, #tpu.memory_space<vmem>>
      %dma_start3A_176 = arith.constant 0 : i32
      %dma_start3A_177 = arith.constant 0 : i32
      %dma_start3A_178 = tpu.memref_slice %arg5[%dma_start3A_176, %dma_start3A_177] : memref<10240x128xf32, #tpu.memory_space<vmem_shared>> -> memref<10240x128xf32, #tpu.memory_space<vmem_shared>>
      tpu.enqueue_indirect_dma source(%arg8 : memref<128x128xf32, #tpu.memory_space<vmem>>) target(%dma_start3A_178 : memref<10240x128xf32, #tpu.memory_space<vmem_shared>>) offsets(%dma_start3A_175 : memref<128xi32, #tpu.memory_space<vmem>>) semaphore(%run_scoped3A_172 : memref<!tpu.dma_semaphore, #tpu.memory_space<semaphore_mem>>) {add = true}
      %dma_wait3A_179 = arith.constant 0 : i32
      %dma_wait3A_180 = tpu.memref_slice %arg6[%run_scoped3A, %dma_wait3A_179] : memref<2x128xi32, #tpu.memory_space<vmem>> -> memref<1x128xi32, #tpu.memory_space<vmem>>
      %dma_wait3A_181 = tpu.memref_squeeze %dma_wait3A_180 : memref<1x128xi32, #tpu.memory_space<vmem>> -> memref<128xi32, #tpu.memory_space<vmem>>
      %dma_wait3A_182 = arith.constant 0 : i32
      %dma_wait3A_183 = arith.constant 0 : i32
      %dma_wait3A_184 = tpu.memref_slice %arg5[%dma_wait3A_182, %dma_wait3A_183] : memref<10240x128xf32, #tpu.memory_space<vmem_shared>> -> memref<10240x128xf32, #tpu.memory_space<vmem_shared>>
      tpu.wait_indirect_dma semaphore(%run_scoped3A_172 : memref<!tpu.dma_semaphore, #tpu.memory_space<semaphore_mem>>) src(%arg8 : memref<128x128xf32, #tpu.memory_space<vmem>>) dst(%dma_wait3A_184 : memref<10240x128xf32, #tpu.memory_space<vmem_shared>>)
      tpu.yield
    }) : () -> ()
    %sub3A_115 = arith.constant 1 : i32
    %sub3A_116 = arith.subi %select_n3A, %sub3A_115 : i32
    %add3A_117 = arith.addi %select_n3A_8, %sub3A_116 : i32
    %dma_start3A_118 = arith.constant 0 : i32
    %dma_start3A_119 = arith.constant 0 : i32
    %dma_start3A_120 = tpu.memref_slice %arg3[%add3A_117, %dma_start3A_118, %dma_start3A_119] : memref<2528x2x128xi32, #tpu.memory_space<hbm>> -> memref<1x2x128xi32, #tpu.memory_space<hbm>>
    %dma_start3A_121 = tpu.memref_squeeze %dma_start3A_120 : memref<1x2x128xi32, #tpu.memory_space<hbm>> -> memref<2x128xi32, #tpu.memory_space<hbm>>
    %dma_start3A_122 = arith.constant 0 : i32
    %dma_start3A_123 = arith.constant 0 : i32
    %dma_start3A_124 = tpu.memref_slice %arg3[%add3A_117, %dma_start3A_122, %dma_start3A_123] : memref<2528x2x128xi32, #tpu.memory_space<hbm>> -> memref<1x2x128xi32, #tpu.memory_space<hbm>>
    %dma_start3A_125 = tpu.memref_squeeze %dma_start3A_124 : memref<1x2x128xi32, #tpu.memory_space<hbm>> -> memref<2x128xi32, #tpu.memory_space<hbm>>
    tpu.enqueue_dma source(%dma_start3A_125 : memref<2x128xi32, #tpu.memory_space<hbm>>) target(%arg6 : memref<2x128xi32, #tpu.memory_space<vmem>>) target_semaphore(%arg12 : memref<!tpu.dma_semaphore, #tpu.memory_space<semaphore_mem>>)
    %sub3A_126 = arith.constant 1 : i32
    %sub3A_127 = arith.subi %select_n3A, %sub3A_126 : i32
    %add3A_128 = arith.addi %select_n3A_8, %sub3A_127 : i32
    %dma_wait3A_129 = arith.constant 0 : i32
    %dma_wait3A_130 = arith.constant 0 : i32
    %dma_wait3A_131 = tpu.memref_slice %arg3[%add3A_128, %dma_wait3A_129, %dma_wait3A_130] : memref<2528x2x128xi32, #tpu.memory_space<hbm>> -> memref<1x2x128xi32, #tpu.memory_space<hbm>>
    %dma_wait3A_132 = tpu.memref_squeeze %dma_wait3A_131 : memref<1x2x128xi32, #tpu.memory_space<hbm>> -> memref<2x128xi32, #tpu.memory_space<hbm>>
    %dma_wait3A_133 = arith.constant 0 : i32
    %dma_wait3A_134 = arith.constant 0 : i32
    %dma_wait3A_135 = tpu.memref_slice %arg3[%add3A_128, %dma_wait3A_133, %dma_wait3A_134] : memref<2528x2x128xi32, #tpu.memory_space<hbm>> -> memref<1x2x128xi32, #tpu.memory_space<hbm>>
    %dma_wait3A_136 = tpu.memref_squeeze %dma_wait3A_135 : memref<1x2x128xi32, #tpu.memory_space<hbm>> -> memref<2x128xi32, #tpu.memory_space<hbm>>
    tpu.wait_dma2 semaphore(%arg12 : memref<!tpu.dma_semaphore, #tpu.memory_space<semaphore_mem>>) src(%dma_wait3A_136 : memref<2x128xi32, #tpu.memory_space<hbm>>) dst(%arg6 : memref<2x128xi32, #tpu.memory_space<vmem>>)
    %dma_start3A_137 = arith.constant 0 : i32
    %dma_start3A_138 = arith.constant 0 : i32
    %dma_start3A_139 = tpu.memref_slice %arg6[%dma_start3A_137, %dma_start3A_138] : memref<2x128xi32, #tpu.memory_space<vmem>> -> memref<1x128xi32, #tpu.memory_space<vmem>>
    %dma_start3A_140 = tpu.memref_squeeze %dma_start3A_139 : memref<1x128xi32, #tpu.memory_space<vmem>> -> memref<128xi32, #tpu.memory_space<vmem>>
    %dma_start3A_141 = arith.constant 0 : i32
    %dma_start3A_142 = arith.constant 0 : i32
    %dma_start3A_143 = tpu.memref_slice %arg2[%dma_start3A_141, %dma_start3A_142] : memref<10000x128xf32, #tpu.memory_space<hbm>> -> memref<10000x128xf32, #tpu.memory_space<hbm>>
    tpu.enqueue_indirect_dma source(%dma_start3A_143 : memref<10000x128xf32, #tpu.memory_space<hbm>>) target(%arg8 : memref<128x128xf32, #tpu.memory_space<vmem>>) offsets(%dma_start3A_140 : memref<128xi32, #tpu.memory_space<vmem>>) semaphore(%arg10 : memref<!tpu.dma_semaphore, #tpu.memory_space<semaphore_mem>>)
    %sub3A_144 = arith.constant 2 : i32
    %sub3A_145 = arith.subi %select_n3A, %sub3A_144 : i32
    %dma_wait3A_146 = arith.constant 0 : i32
    %dma_wait3A_147 = arith.constant 0 : i32
    %dma_wait3A_148 = tpu.memref_slice %arg7[%dma_wait3A_146, %dma_wait3A_147] : memref<2x128xi32, #tpu.memory_space<vmem>> -> memref<1x128xi32, #tpu.memory_space<vmem>>
    %dma_wait3A_149 = tpu.memref_squeeze %dma_wait3A_148 : memref<1x128xi32, #tpu.memory_space<vmem>> -> memref<128xi32, #tpu.memory_space<vmem>>
    %dma_wait3A_150 = arith.constant 0 : i32
    %dma_wait3A_151 = arith.constant 0 : i32
    %dma_wait3A_152 = tpu.memref_slice %arg2[%dma_wait3A_150, %dma_wait3A_151] : memref<10000x128xf32, #tpu.memory_space<hbm>> -> memref<10000x128xf32, #tpu.memory_space<hbm>>
    tpu.wait_indirect_dma semaphore(%arg11 : memref<!tpu.dma_semaphore, #tpu.memory_space<semaphore_mem>>) src(%dma_wait3A_152 : memref<10000x128xf32, #tpu.memory_space<hbm>>) dst(%arg9 : memref<128x128xf32, #tpu.memory_space<vmem>>)
    %run_scoped3A_153 = arith.constant 1 : i32
    "tpu.region"() ({
      %run_scoped3A_172 = tpu.sem_alloc : memref<!tpu.dma_semaphore, #tpu.memory_space<semaphore_mem>>
      %dma_start3A_173 = arith.constant 0 : i32
      %dma_start3A_174 = tpu.memref_slice %arg7[%run_scoped3A_153, %dma_start3A_173] : memref<2x128xi32, #tpu.memory_space<vmem>> -> memref<1x128xi32, #tpu.memory_space<vmem>>
      %dma_start3A_175 = tpu.memref_squeeze %dma_start3A_174 : memref<1x128xi32, #tpu.memory_space<vmem>> -> memref<128xi32, #tpu.memory_space<vmem>>
      %dma_start3A_176 = arith.constant 0 : i32
      %dma_start3A_177 = arith.constant 0 : i32
      %dma_start3A_178 = tpu.memref_slice %arg5[%dma_start3A_176, %dma_start3A_177] : memref<10240x128xf32, #tpu.memory_space<vmem_shared>> -> memref<10240x128xf32, #tpu.memory_space<vmem_shared>>
      tpu.enqueue_indirect_dma source(%arg9 : memref<128x128xf32, #tpu.memory_space<vmem>>) target(%dma_start3A_178 : memref<10240x128xf32, #tpu.memory_space<vmem_shared>>) offsets(%dma_start3A_175 : memref<128xi32, #tpu.memory_space<vmem>>) semaphore(%run_scoped3A_172 : memref<!tpu.dma_semaphore, #tpu.memory_space<semaphore_mem>>) {add = true}
      %dma_wait3A_179 = arith.constant 0 : i32
      %dma_wait3A_180 = tpu.memref_slice %arg7[%run_scoped3A_153, %dma_wait3A_179] : memref<2x128xi32, #tpu.memory_space<vmem>> -> memref<1x128xi32, #tpu.memory_space<vmem>>
      %dma_wait3A_181 = tpu.memref_squeeze %dma_wait3A_180 : memref<1x128xi32, #tpu.memory_space<vmem>> -> memref<128xi32, #tpu.memory_space<vmem>>
      %dma_wait3A_182 = arith.constant 0 : i32
      %dma_wait3A_183 = arith.constant 0 : i32
      %dma_wait3A_184 = tpu.memref_slice %arg5[%dma_wait3A_182, %dma_wait3A_183] : memref<10240x128xf32, #tpu.memory_space<vmem_shared>> -> memref<10240x128xf32, #tpu.memory_space<vmem_shared>>
      tpu.wait_indirect_dma semaphore(%run_scoped3A_172 : memref<!tpu.dma_semaphore, #tpu.memory_space<semaphore_mem>>) src(%arg9 : memref<128x128xf32, #tpu.memory_space<vmem>>) dst(%dma_wait3A_184 : memref<10240x128xf32, #tpu.memory_space<vmem_shared>>)
      tpu.yield
    }) : () -> ()
    %sub3A_154 = arith.constant 1 : i32
    %sub3A_155 = arith.subi %select_n3A, %sub3A_154 : i32
    %dma_wait3A_156 = arith.constant 0 : i32
    %dma_wait3A_157 = arith.constant 0 : i32
    %dma_wait3A_158 = tpu.memref_slice %arg6[%dma_wait3A_156, %dma_wait3A_157] : memref<2x128xi32, #tpu.memory_space<vmem>> -> memref<1x128xi32, #tpu.memory_space<vmem>>
    %dma_wait3A_159 = tpu.memref_squeeze %dma_wait3A_158 : memref<1x128xi32, #tpu.memory_space<vmem>> -> memref<128xi32, #tpu.memory_space<vmem>>
    %dma_wait3A_160 = arith.constant 0 : i32
    %dma_wait3A_161 = arith.constant 0 : i32
    %dma_wait3A_162 = tpu.memref_slice %arg2[%dma_wait3A_160, %dma_wait3A_161] : memref<10000x128xf32, #tpu.memory_space<hbm>> -> memref<10000x128xf32, #tpu.memory_space<hbm>>
    tpu.wait_indirect_dma semaphore(%arg10 : memref<!tpu.dma_semaphore, #tpu.memory_space<semaphore_mem>>) src(%dma_wait3A_162 : memref<10000x128xf32, #tpu.memory_space<hbm>>) dst(%arg8 : memref<128x128xf32, #tpu.memory_space<vmem>>)
    %run_scoped3A_163 = arith.constant 1 : i32
    "tpu.region"() ({
      %run_scoped3A_172 = tpu.sem_alloc : memref<!tpu.dma_semaphore, #tpu.memory_space<semaphore_mem>>
      %dma_start3A_173 = arith.constant 0 : i32
      %dma_start3A_174 = tpu.memref_slice %arg6[%run_scoped3A_163, %dma_start3A_173] : memref<2x128xi32, #tpu.memory_space<vmem>> -> memref<1x128xi32, #tpu.memory_space<vmem>>
      %dma_start3A_175 = tpu.memref_squeeze %dma_start3A_174 : memref<1x128xi32, #tpu.memory_space<vmem>> -> memref<128xi32, #tpu.memory_space<vmem>>
      %dma_start3A_176 = arith.constant 0 : i32
      %dma_start3A_177 = arith.constant 0 : i32
      %dma_start3A_178 = tpu.memref_slice %arg5[%dma_start3A_176, %dma_start3A_177] : memref<10240x128xf32, #tpu.memory_space<vmem_shared>> -> memref<10240x128xf32, #tpu.memory_space<vmem_shared>>
      tpu.enqueue_indirect_dma source(%arg8 : memref<128x128xf32, #tpu.memory_space<vmem>>) target(%dma_start3A_178 : memref<10240x128xf32, #tpu.memory_space<vmem_shared>>) offsets(%dma_start3A_175 : memref<128xi32, #tpu.memory_space<vmem>>) semaphore(%run_scoped3A_172 : memref<!tpu.dma_semaphore, #tpu.memory_space<semaphore_mem>>) {add = true}
      %dma_wait3A_179 = arith.constant 0 : i32
      %dma_wait3A_180 = tpu.memref_slice %arg6[%run_scoped3A_163, %dma_wait3A_179] : memref<2x128xi32, #tpu.memory_space<vmem>> -> memref<1x128xi32, #tpu.memory_space<vmem>>
      %dma_wait3A_181 = tpu.memref_squeeze %dma_wait3A_180 : memref<1x128xi32, #tpu.memory_space<vmem>> -> memref<128xi32, #tpu.memory_space<vmem>>
      %dma_wait3A_182 = arith.constant 0 : i32
      %dma_wait3A_183 = arith.constant 0 : i32
      %dma_wait3A_184 = tpu.memref_slice %arg5[%dma_wait3A_182, %dma_wait3A_183] : memref<10240x128xf32, #tpu.memory_space<vmem_shared>> -> memref<10240x128xf32, #tpu.memory_space<vmem_shared>>
      tpu.wait_indirect_dma semaphore(%run_scoped3A_172 : memref<!tpu.dma_semaphore, #tpu.memory_space<semaphore_mem>>) src(%arg8 : memref<128x128xf32, #tpu.memory_space<vmem>>) dst(%dma_wait3A_184 : memref<10240x128xf32, #tpu.memory_space<vmem_shared>>)
      tpu.yield
    }) : () -> ()
    "tpu.trace_stop"() : () -> ()
    "tpu.trace_start"() <{level = 10 : i32, message = "dump"}> : () -> ()
    %barrier3A_164 = arith.constant 0 : index
    tpu.barrier barrier_id(%barrier3A_164)
    %scan3A_165 = arith.constant 0 : i32
    %scan3A_166 = arith.constant 0 : i32
    %scan3A_167 = arith.constant 5 : i32
    %scan3A_168 = arith.addi %scan3A_166, %scan3A_167 : i32
    %scan3A_169 = arith.constant 1 : i32
    %scan3A_170 = scf.for %scan3A_172 = %scan3A_166 to %scan3A_168 step %scan3A_169 iter_args(%scan3A_173 = %scan3A_165) -> (i32)  : i32 {
      %mul3A_174 = arith.constant 640 : i32
      %mul3A_175 = arith.muli %arg1, %mul3A_174 : i32
      %mul3A_176 = arith.constant 128 : i32
      %mul3A_177 = arith.muli %scan3A_172, %mul3A_176 : i32
      %add3A_178 = arith.addi %mul3A_175, %mul3A_177 : i32
      "tpu.region"() ({
        %run_scoped3A_180 = tpu.sem_alloc : memref<!tpu.dma_semaphore, #tpu.memory_space<semaphore_mem>>
        %dma_start3A_181 = arith.constant 0 : i32
        %dma_start3A_182 = tpu.memref_slice %arg5[%add3A_178, %dma_start3A_181] : memref<10240x128xf32, #tpu.memory_space<vmem_shared>> -> memref<128x128xf32, #tpu.memory_space<vmem_shared>>
        %dma_start3A_183 = arith.constant 0 : i32
        %dma_start3A_184 = tpu.memref_slice %arg5[%add3A_178, %dma_start3A_183] : memref<10240x128xf32, #tpu.memory_space<vmem_shared>> -> memref<128x128xf32, #tpu.memory_space<vmem_shared>>
        tpu.enqueue_dma source(%dma_start3A_184 : memref<128x128xf32, #tpu.memory_space<vmem_shared>>) target(%arg8 : memref<128x128xf32, #tpu.memory_space<vmem>>) target_semaphore(%run_scoped3A_180 : memref<!tpu.dma_semaphore, #tpu.memory_space<semaphore_mem>>)
        %dma_wait3A_185 = arith.constant 0 : i32
        %dma_wait3A_186 = tpu.memref_slice %arg5[%add3A_178, %dma_wait3A_185] : memref<10240x128xf32, #tpu.memory_space<vmem_shared>> -> memref<128x128xf32, #tpu.memory_space<vmem_shared>>
        %dma_wait3A_187 = arith.constant 0 : i32
        %dma_wait3A_188 = tpu.memref_slice %arg5[%add3A_178, %dma_wait3A_187] : memref<10240x128xf32, #tpu.memory_space<vmem_shared>> -> memref<128x128xf32, #tpu.memory_space<vmem_shared>>
        tpu.wait_dma2 semaphore(%run_scoped3A_180 : memref<!tpu.dma_semaphore, #tpu.memory_space<semaphore_mem>>) src(%dma_wait3A_188 : memref<128x128xf32, #tpu.memory_space<vmem_shared>>) dst(%arg8 : memref<128x128xf32, #tpu.memory_space<vmem>>)
        tpu.yield
      }) : () -> ()
      "tpu.region"() ({
        %run_scoped3A_180 = tpu.sem_alloc : memref<!tpu.dma_semaphore, #tpu.memory_space<semaphore_mem>>
        %dma_start3A_181 = arith.constant 0 : i32
        %dma_start3A_182 = tpu.memref_slice %arg4[%arg0, %add3A_178, %dma_start3A_181] : memref<2x10240x128xf32, #tpu.memory_space<hbm>> -> memref<1x128x128xf32, #tpu.memory_space<hbm>>
        %dma_start3A_183 = tpu.memref_squeeze %dma_start3A_182 : memref<1x128x128xf32, #tpu.memory_space<hbm>> -> memref<128x128xf32, #tpu.memory_space<hbm>>
        %dma_start3A_184 = arith.constant 0 : i32
        %dma_start3A_185 = tpu.memref_slice %arg4[%arg0, %add3A_178, %dma_start3A_184] : memref<2x10240x128xf32, #tpu.memory_space<hbm>> -> memref<1x128x128xf32, #tpu.memory_space<hbm>>
        %dma_start3A_186 = tpu.memref_squeeze %dma_start3A_185 : memref<1x128x128xf32, #tpu.memory_space<hbm>> -> memref<128x128xf32, #tpu.memory_space<hbm>>
        tpu.enqueue_dma source(%arg8 : memref<128x128xf32, #tpu.memory_space<vmem>>) target(%dma_start3A_186 : memref<128x128xf32, #tpu.memory_space<hbm>>) target_semaphore(%run_scoped3A_180 : memref<!tpu.dma_semaphore, #tpu.memory_space<semaphore_mem>>)
        %dma_wait3A_187 = arith.constant 0 : i32
        %dma_wait3A_188 = tpu.memref_slice %arg4[%arg0, %add3A_178, %dma_wait3A_187] : memref<2x10240x128xf32, #tpu.memory_space<hbm>> -> memref<1x128x128xf32, #tpu.memory_space<hbm>>
        %dma_wait3A_189 = tpu.memref_squeeze %dma_wait3A_188 : memref<1x128x128xf32, #tpu.memory_space<hbm>> -> memref<128x128xf32, #tpu.memory_space<hbm>>
        %dma_wait3A_190 = arith.constant 0 : i32
        %dma_wait3A_191 = tpu.memref_slice %arg4[%arg0, %add3A_178, %dma_wait3A_190] : memref<2x10240x128xf32, #tpu.memory_space<hbm>> -> memref<1x128x128xf32, #tpu.memory_space<hbm>>
        %dma_wait3A_192 = tpu.memref_squeeze %dma_wait3A_191 : memref<1x128x128xf32, #tpu.memory_space<hbm>> -> memref<128x128xf32, #tpu.memory_space<hbm>>
        tpu.wait_dma2 semaphore(%run_scoped3A_180 : memref<!tpu.dma_semaphore, #tpu.memory_space<semaphore_mem>>) src(%arg8 : memref<128x128xf32, #tpu.memory_space<vmem>>) dst(%dma_wait3A_192 : memref<128x128xf32, #tpu.memory_space<hbm>>)
        tpu.yield
      }) : () -> ()
      %scan3A_179 = arith.constant 0 : i32
      scf.yield %scan3A_179 : i32
    }
    %scan3A_171 = arith.constant 5 : i32
    "tpu.trace_stop"() : () -> ()
    return
  }
}

#map = affine_map<(d0, d1) -> (0, 0, 0)>
#map1 = affine_map<(d0, d1) -> (0, 0)>
module attributes {stable_mosaic.version = 14 : i64} {
  func.func @_sc_deg(%arg0: i32, %arg1: i32, %arg2: memref<2528x2x128xi32, #tpu.memory_space<hbm>>, %arg3: memref<32x10016xf32, #tpu.memory_space<hbm>>, %arg4: memref<2528x2x128xi32, #tpu.memory_space<hbm>>, %arg5: memref<10016xf32, #tpu.memory_space<vmem>>, %arg6: memref<79x2x128xi32, #tpu.memory_space<vmem>>, %arg7: memref<79x2x128xi32, #tpu.memory_space<vmem>>) attributes {dimension_semantics = [#tpu.dimension_semantics<core_parallel>, #tpu.dimension_semantics<subcore_parallel>], iteration_bounds = array<i64: 2, 16>, scalar_prefetch = 0 : i64, scratch_operands = 3 : i64, tpu.core_type = #tpu.core_type<sc_vector_subcore>, window_params = [{transform_indices = #map}, {transform_indices = #map1}, {transform_indices = #map}]} {
    %mul3A = arith.constant 2 : i32
    %mul3A_0 = arith.muli %arg1, %mul3A : i32
    %add3A = arith.addi %mul3A_0, %arg0 : i32
    %mul3A_1 = arith.constant 79 : i32
    %mul3A_2 = arith.muli %add3A, %mul3A_1 : i32
    "tpu.region"() ({
      %run_scoped3A = tpu.sem_alloc : memref<!tpu.dma_semaphore, #tpu.memory_space<semaphore_mem>>
      %dma_start3A = arith.constant 0 : i32
      %dma_start3A_18 = arith.constant 0 : i32
      %dma_start3A_19 = tpu.memref_slice %arg2[%mul3A_2, %dma_start3A, %dma_start3A_18] : memref<2528x2x128xi32, #tpu.memory_space<hbm>> -> memref<79x2x128xi32, #tpu.memory_space<hbm>>
      %dma_start3A_20 = arith.constant 0 : i32
      %dma_start3A_21 = arith.constant 0 : i32
      %dma_start3A_22 = tpu.memref_slice %arg2[%mul3A_2, %dma_start3A_20, %dma_start3A_21] : memref<2528x2x128xi32, #tpu.memory_space<hbm>> -> memref<79x2x128xi32, #tpu.memory_space<hbm>>
      tpu.enqueue_dma source(%dma_start3A_22 : memref<79x2x128xi32, #tpu.memory_space<hbm>>) target(%arg6 : memref<79x2x128xi32, #tpu.memory_space<vmem>>) target_semaphore(%run_scoped3A : memref<!tpu.dma_semaphore, #tpu.memory_space<semaphore_mem>>)
      %dma_wait3A = arith.constant 0 : i32
      %dma_wait3A_23 = arith.constant 0 : i32
      %dma_wait3A_24 = tpu.memref_slice %arg2[%mul3A_2, %dma_wait3A, %dma_wait3A_23] : memref<2528x2x128xi32, #tpu.memory_space<hbm>> -> memref<79x2x128xi32, #tpu.memory_space<hbm>>
      %dma_wait3A_25 = arith.constant 0 : i32
      %dma_wait3A_26 = arith.constant 0 : i32
      %dma_wait3A_27 = tpu.memref_slice %arg2[%mul3A_2, %dma_wait3A_25, %dma_wait3A_26] : memref<2528x2x128xi32, #tpu.memory_space<hbm>> -> memref<79x2x128xi32, #tpu.memory_space<hbm>>
      tpu.wait_dma2 semaphore(%run_scoped3A : memref<!tpu.dma_semaphore, #tpu.memory_space<semaphore_mem>>) src(%dma_wait3A_27 : memref<79x2x128xi32, #tpu.memory_space<hbm>>) dst(%arg6 : memref<79x2x128xi32, #tpu.memory_space<vmem>>)
      tpu.yield
    }) : () -> ()
    %scan3A = arith.constant 0 : i32
    %scan3A_3 = arith.constant 0 : i32
    %scan3A_4 = arith.constant 626 : i32
    %scan3A_5 = arith.addi %scan3A_3, %scan3A_4 : i32
    %scan3A_6 = arith.constant 1 : i32
    %scan3A_7 = scf.for %scan3A_18 = %scan3A_3 to %scan3A_5 step %scan3A_6 iter_args(%scan3A_19 = %scan3A) -> (i32)  : i32 {
      %broadcast_in_dim3A = arith.constant 0.000000e+00 : f32
      %broadcast_in_dim3A_20 = vector.broadcast %broadcast_in_dim3A : f32 to vector<16xf32>
      %mul3A_21 = arith.constant 16 : i32
      %mul3A_22 = arith.muli %scan3A_18, %mul3A_21 : i32
      %swap3A = arith.index_cast %mul3A_22 : i32 to index
      %swap3A_23 = tpu.vector_load %arg5[%swap3A] {strides = array<i32>} : memref<10016xf32, #tpu.memory_space<vmem>>, vector<16xf32>,
      tpu.vector_store %arg5[%swap3A], %broadcast_in_dim3A_20 {strides = array<i32>} : memref<10016xf32, #tpu.memory_space<vmem>>, vector<16xf32>,
      %scan3A_24 = arith.constant 0 : i32
      scf.yield %scan3A_24 : i32
    }
    %scan3A_8 = arith.constant 626 : i32
    %scan3A_9 = arith.constant 0 : i32
    %scan3A_10 = arith.constant 0 : i32
    %scan3A_11 = arith.constant 79 : i32
    %scan3A_12 = arith.addi %scan3A_10, %scan3A_11 : i32
    %scan3A_13 = arith.constant 1 : i32
    %scan3A_14 = scf.for %scan3A_18 = %scan3A_10 to %scan3A_12 step %scan3A_13 iter_args(%scan3A_19 = %scan3A_9) -> (i32)  : i32 {
      %scan3A_20 = arith.constant 0 : i32
      %scan3A_21 = arith.constant 0 : i32
      %scan3A_22 = arith.constant 8 : i32
      %scan3A_23 = arith.addi %scan3A_21, %scan3A_22 : i32
      %scan3A_24 = arith.constant 1 : i32
      %scan3A_25 = scf.for %scan3A_28 = %scan3A_21 to %scan3A_23 step %scan3A_24 iter_args(%scan3A_29 = %scan3A_20) -> (i32)  : i32 {
        %mul3A_30 = arith.constant 16 : i32
        %mul3A_31 = arith.muli %scan3A_28, %mul3A_30 : i32
        %get3A = arith.constant 0 : i32
        %get3A_32 = arith.index_cast %scan3A_18 : i32 to index
        %get3A_33 = arith.index_cast %get3A : i32 to index
        %get3A_34 = arith.index_cast %mul3A_31 : i32 to index
        %get3A_35 = tpu.vector_load %arg6[%get3A_32, %get3A_33, %get3A_34] {strides = array<i32>} : memref<79x2x128xi32, #tpu.memory_space<vmem>>, vector<16xi32>,
        %mul3A_36 = arith.constant 16 : i32
        %mul3A_37 = arith.muli %scan3A_28, %mul3A_36 : i32
        %get3A_38 = arith.constant 1 : i32
        %get3A_39 = arith.index_cast %scan3A_18 : i32 to index
        %get3A_40 = arith.index_cast %get3A_38 : i32 to index
        %get3A_41 = arith.index_cast %mul3A_37 : i32 to index
        %get3A_42 = tpu.vector_load %arg6[%get3A_39, %get3A_40, %get3A_41] {strides = array<i32>} : memref<79x2x128xi32, #tpu.memory_space<vmem>>, vector<16xi32>,
        %eq3A = arith.cmpi eq, %get3A_35, %get3A_42 : vector<16xi32>
        %jit3A = arith.constant 0.000000e+00 : f32
        %jit3A_43 = arith.constant 1.000000e+00 : f32
        %broadcast_in_dim3A = vector.broadcast %jit3A : f32 to vector<16xf32>
        %broadcast_in_dim3A_44 = vector.broadcast %jit3A_43 : f32 to vector<16xf32>
        %select_n3A = arith.select %eq3A, %broadcast_in_dim3A, %broadcast_in_dim3A_44 : vector<16xi1>, vector<16xf32>
        tpu.vector_store_idx %arg5[%get3A_35], %select_n3A {add = true} : memref<10016xf32, #tpu.memory_space<vmem>>[vector<16xi32>], vector<16xf32>,
        %mul3A_45 = arith.constant 16 : i32
        %mul3A_46 = arith.muli %scan3A_28, %mul3A_45 : i32
        %swap3A = arith.constant 0 : i32
        %swap3A_47 = arith.index_cast %scan3A_18 : i32 to index
        %swap3A_48 = arith.index_cast %swap3A : i32 to index
        %swap3A_49 = arith.index_cast %mul3A_46 : i32 to index
        %swap3A_50 = tpu.vector_load %arg7[%swap3A_47, %swap3A_48, %swap3A_49] {strides = array<i32>} : memref<79x2x128xi32, #tpu.memory_space<vmem>>, vector<16xi32>,
        tpu.vector_store %arg7[%swap3A_47, %swap3A_48, %swap3A_49], %get3A_35 {strides = array<i32>} : memref<79x2x128xi32, #tpu.memory_space<vmem>>, vector<16xi32>,
        %jit3A_51 = arith.constant 10000 : i32
        %broadcast_in_dim3A_52 = vector.broadcast %jit3A_51 : i32 to vector<16xi32>
        %select_n3A_53 = arith.select %eq3A, %broadcast_in_dim3A_52, %get3A_42 : vector<16xi1>, vector<16xi32>
        %mul3A_54 = arith.constant 16 : i32
        %mul3A_55 = arith.muli %scan3A_28, %mul3A_54 : i32
        %swap3A_56 = arith.constant 1 : i32
        %swap3A_57 = arith.index_cast %scan3A_18 : i32 to index
        %swap3A_58 = arith.index_cast %swap3A_56 : i32 to index
        %swap3A_59 = arith.index_cast %mul3A_55 : i32 to index
        %swap3A_60 = tpu.vector_load %arg7[%swap3A_57, %swap3A_58, %swap3A_59] {strides = array<i32>} : memref<79x2x128xi32, #tpu.memory_space<vmem>>, vector<16xi32>,
        tpu.vector_store %arg7[%swap3A_57, %swap3A_58, %swap3A_59], %select_n3A_53 {strides = array<i32>} : memref<79x2x128xi32, #tpu.memory_space<vmem>>, vector<16xi32>,
        %scan3A_61 = arith.constant 0 : i32
        scf.yield %scan3A_61 : i32
      }
      %scan3A_26 = arith.constant 8 : i32
      %scan3A_27 = arith.constant 0 : i32
      scf.yield %scan3A_27 : i32
    }
    %scan3A_15 = arith.constant 79 : i32
    %mul3A_16 = arith.constant 79 : i32
    %mul3A_17 = arith.muli %add3A, %mul3A_16 : i32
    "tpu.region"() ({
      %run_scoped3A = tpu.sem_alloc : memref<!tpu.dma_semaphore, #tpu.memory_space<semaphore_mem>>
      %dma_start3A = arith.constant 0 : i32
      %dma_start3A_18 = arith.constant 0 : i32
      %dma_start3A_19 = tpu.memref_slice %arg4[%mul3A_17, %dma_start3A, %dma_start3A_18] : memref<2528x2x128xi32, #tpu.memory_space<hbm>> -> memref<79x2x128xi32, #tpu.memory_space<hbm>>
      %dma_start3A_20 = arith.constant 0 : i32
      %dma_start3A_21 = arith.constant 0 : i32
      %dma_start3A_22 = tpu.memref_slice %arg4[%mul3A_17, %dma_start3A_20, %dma_start3A_21] : memref<2528x2x128xi32, #tpu.memory_space<hbm>> -> memref<79x2x128xi32, #tpu.memory_space<hbm>>
      tpu.enqueue_dma source(%arg7 : memref<79x2x128xi32, #tpu.memory_space<vmem>>) target(%dma_start3A_22 : memref<79x2x128xi32, #tpu.memory_space<hbm>>) target_semaphore(%run_scoped3A : memref<!tpu.dma_semaphore, #tpu.memory_space<semaphore_mem>>)
      %dma_wait3A = arith.constant 0 : i32
      %dma_wait3A_23 = arith.constant 0 : i32
      %dma_wait3A_24 = tpu.memref_slice %arg4[%mul3A_17, %dma_wait3A, %dma_wait3A_23] : memref<2528x2x128xi32, #tpu.memory_space<hbm>> -> memref<79x2x128xi32, #tpu.memory_space<hbm>>
      %dma_wait3A_25 = arith.constant 0 : i32
      %dma_wait3A_26 = arith.constant 0 : i32
      %dma_wait3A_27 = tpu.memref_slice %arg4[%mul3A_17, %dma_wait3A_25, %dma_wait3A_26] : memref<2528x2x128xi32, #tpu.memory_space<hbm>> -> memref<79x2x128xi32, #tpu.memory_space<hbm>>
      tpu.wait_dma2 semaphore(%run_scoped3A : memref<!tpu.dma_semaphore, #tpu.memory_space<semaphore_mem>>) src(%arg7 : memref<79x2x128xi32, #tpu.memory_space<vmem>>) dst(%dma_wait3A_27 : memref<79x2x128xi32, #tpu.memory_space<hbm>>)
      tpu.yield
    }) : () -> ()
    "tpu.region"() ({
      %run_scoped3A = tpu.sem_alloc : memref<!tpu.dma_semaphore, #tpu.memory_space<semaphore_mem>>
      %dma_start3A = arith.constant 0 : i32
      %dma_start3A_18 = tpu.memref_slice %arg3[%add3A, %dma_start3A] : memref<32x10016xf32, #tpu.memory_space<hbm>> -> memref<1x10016xf32, #tpu.memory_space<hbm>>
      %dma_start3A_19 = tpu.memref_squeeze %dma_start3A_18 : memref<1x10016xf32, #tpu.memory_space<hbm>> -> memref<10016xf32, #tpu.memory_space<hbm>>
      %dma_start3A_20 = arith.constant 0 : i32
      %dma_start3A_21 = tpu.memref_slice %arg3[%add3A, %dma_start3A_20] : memref<32x10016xf32, #tpu.memory_space<hbm>> -> memref<1x10016xf32, #tpu.memory_space<hbm>>
      %dma_start3A_22 = tpu.memref_squeeze %dma_start3A_21 : memref<1x10016xf32, #tpu.memory_space<hbm>> -> memref<10016xf32, #tpu.memory_space<hbm>>
      tpu.enqueue_dma source(%arg5 : memref<10016xf32, #tpu.memory_space<vmem>>) target(%dma_start3A_22 : memref<10016xf32, #tpu.memory_space<hbm>>) target_semaphore(%run_scoped3A : memref<!tpu.dma_semaphore, #tpu.memory_space<semaphore_mem>>)
      %dma_wait3A = arith.constant 0 : i32
      %dma_wait3A_23 = tpu.memref_slice %arg3[%add3A, %dma_wait3A] : memref<32x10016xf32, #tpu.memory_space<hbm>> -> memref<1x10016xf32, #tpu.memory_space<hbm>>
      %dma_wait3A_24 = tpu.memref_squeeze %dma_wait3A_23 : memref<1x10016xf32, #tpu.memory_space<hbm>> -> memref<10016xf32, #tpu.memory_space<hbm>>
      %dma_wait3A_25 = arith.constant 0 : i32
      %dma_wait3A_26 = tpu.memref_slice %arg3[%add3A, %dma_wait3A_25] : memref<32x10016xf32, #tpu.memory_space<hbm>> -> memref<1x10016xf32, #tpu.memory_space<hbm>>
      %dma_wait3A_27 = tpu.memref_squeeze %dma_wait3A_26 : memref<1x10016xf32, #tpu.memory_space<hbm>> -> memref<10016xf32, #tpu.memory_space<hbm>>
      tpu.wait_dma2 semaphore(%run_scoped3A : memref<!tpu.dma_semaphore, #tpu.memory_space<semaphore_mem>>) src(%arg5 : memref<10016xf32, #tpu.memory_space<vmem>>) dst(%dma_wait3A_27 : memref<10016xf32, #tpu.memory_space<hbm>>)
      tpu.yield
    }) : () -> ()
    return
  }
}

#map = affine_map<(d0, d1) -> (0, 0)>
#map1 = affine_map<(d0, d1) -> (0, 0, 0)>
module attributes {stable_mosaic.version = 14 : i64} {
  func.func @_sc_prop(%arg0: i32, %arg1: i32, %arg2: memref<10000x128xf32, #tpu.memory_space<hbm>>, %arg3: memref<2528x2x128xi32, #tpu.memory_space<hbm>>, %arg4: memref<2x10240x128xf32, #tpu.memory_space<hbm>>, %arg5: memref<10240x128xf32, #tpu.memory_space<vmem_shared>>, %arg6: memref<2x128xi32, #tpu.memory_space<vmem>>, %arg7: memref<2x128xi32, #tpu.memory_space<vmem>>, %arg8: memref<128x128xf32, #tpu.memory_space<vmem>>, %arg9: memref<128x128xf32, #tpu.memory_space<vmem>>, %arg10: memref<!tpu.dma_semaphore, #tpu.memory_space<semaphore_mem>>, %arg11: memref<!tpu.dma_semaphore, #tpu.memory_space<semaphore_mem>>, %arg12: memref<!tpu.dma_semaphore, #tpu.memory_space<semaphore_mem>>, %arg13: memref<!tpu.dma_semaphore, #tpu.memory_space<semaphore_mem>>) attributes {dimension_semantics = [#tpu.dimension_semantics<core_parallel>, #tpu.dimension_semantics<subcore_parallel>], iteration_bounds = array<i64: 2, 16>, scalar_prefetch = 0 : i64, scratch_operands = 9 : i64, tpu.core_type = #tpu.core_type<sc_vector_subcore>, window_params = [{transform_indices = #map}, {transform_indices = #map1}, {transform_indices = #map1}]} {
    %eq3A = arith.constant 0 : i32
    %eq3A_0 = arith.cmpi eq, %arg0, %eq3A : i32
    %jit3A = arith.constant 139 : i32
    %jit3A_1 = arith.constant 19 : i32
    %select_n3A = arith.select %eq3A_0, %jit3A, %jit3A_1 : i32
    %eq3A_2 = arith.constant 0 : i32
    %eq3A_3 = arith.cmpi eq, %arg0, %eq3A_2 : i32
    %mul3A = arith.constant 139 : i32
    %mul3A_4 = arith.muli %arg1, %mul3A : i32
    %mul3A_5 = arith.constant 19 : i32
    %mul3A_6 = arith.muli %arg1, %mul3A_5 : i32
    %add3A = arith.constant 2224 : i32
    %add3A_7 = arith.addi %add3A, %mul3A_6 : i32
    %select_n3A_8 = arith.select %eq3A_3, %mul3A_4, %add3A_7 : i32
    "tpu.trace_start"() <{level = 10 : i32, message = "acc_zero"}> : () -> ()
    %scan3A = arith.constant 0 : i32
    %scan3A_9 = arith.constant 0 : i32
    %scan3A_10 = arith.constant 1024 : i32
    %scan3A_11 = arith.addi %scan3A_9, %scan3A_10 : i32
    %scan3A_12 = arith.constant 1 : i32
    %scan3A_13 = scf.for %scan3A_172 = %scan3A_9 to %scan3A_11 step %scan3A_12 iter_args(%scan3A_173 = %scan3A) -> (i32)  : i32 {
      %broadcast_in_dim3A = arith.constant 0.000000e+00 : f32
      %broadcast_in_dim3A_174 = vector.broadcast %broadcast_in_dim3A : f32 to vector<16xf32>
      %jit3A_175 = arith.constant 8 : i32
      %div3A_176 = arith.divsi %scan3A_172, %jit3A_175 : i32
      %sign3A_177 = arith.constant 0 : i32
      %sign3A_178 = arith.cmpi sgt, %scan3A_172, %sign3A_177 : i32
      %sign3A_179 = arith.extui %sign3A_178 : i1 to i32
      %sign3A_180 = arith.constant 0 : i32
      %sign3A_181 = arith.cmpi slt, %scan3A_172, %sign3A_180 : i32
      %sign3A_182 = arith.extui %sign3A_181 : i1 to i32
      %sign3A_183 = arith.subi %sign3A_179, %sign3A_182 : i32
      %sign3A_184 = arith.constant 0 : i32
      %sign3A_185 = arith.cmpi sgt, %jit3A_175, %sign3A_184 : i32
      %sign3A_186 = arith.extui %sign3A_185 : i1 to i32
      %sign3A_187 = arith.constant 0 : i32
      %sign3A_188 = arith.cmpi slt, %jit3A_175, %sign3A_187 : i32
      %sign3A_189 = arith.extui %sign3A_188 : i1 to i32
      %sign3A_190 = arith.subi %sign3A_186, %sign3A_189 : i32
      %ne3A_191 = arith.cmpi ne, %sign3A_183, %sign3A_190 : i32
      %rem3A_192 = arith.remsi %scan3A_172, %jit3A_175 : i32
      %ne3A_193 = arith.constant 0 : i32
      %ne3A_194 = arith.cmpi ne, %rem3A_192, %ne3A_193 : i32
      %and3A_195 = arith.andi %ne3A_191, %ne3A_194 : i1
      %sub3A_196 = arith.constant 1 : i32
      %sub3A_197 = arith.subi %div3A_176, %sub3A_196 : i32
      %select_n3A_198 = arith.select %and3A_195, %sub3A_197, %div3A_176 : i32
      %jit3A_199 = arith.constant 8 : i32
      %eq3A_200 = arith.constant 0 : i32
      %eq3A_201 = arith.cmpi eq, %jit3A_199, %eq3A_200 : i32
      %jit3A_202 = arith.constant 1 : i32
      %select_n3A_203 = arith.select %eq3A_201, %jit3A_202, %jit3A_199 : i32
      %rem3A_204 = arith.remsi %scan3A_172, %select_n3A_203 : i32
      %ne3A_205 = arith.constant 0 : i32
      %ne3A_206 = arith.cmpi ne, %rem3A_204, %ne3A_205 : i32
      %lt3A = arith.constant 0 : i32
      %lt3A_207 = arith.cmpi slt, %rem3A_204, %lt3A : i32
      %lt3A_208 = arith.constant 0 : i32
      %lt3A_209 = arith.cmpi slt, %select_n3A_203, %lt3A_208 : i32
      %ne3A_210 = arith.xori %lt3A_207, %lt3A_209 : i1
      %and3A_211 = arith.andi %ne3A_210, %ne3A_206 : i1
      %add3A_212 = arith.addi %rem3A_204, %select_n3A_203 : i32
      %select_n3A_213 = arith.select %and3A_211, %add3A_212, %rem3A_204 : i32
      %mul3A_214 = arith.constant 16 : i32
      %mul3A_215 = arith.muli %select_n3A_213, %mul3A_214 : i32
      %swap3A = arith.index_cast %select_n3A_198 : i32 to index
      %swap3A_216 = arith.index_cast %mul3A_215 : i32 to index
      %swap3A_217 = tpu.vector_load %arg8[%swap3A, %swap3A_216] {strides = array<i32>} : memref<128x128xf32, #tpu.memory_space<vmem>>, vector<16xf32>,
      tpu.vector_store %arg8[%swap3A, %swap3A_216], %broadcast_in_dim3A_174 {strides = array<i32>} : memref<128x128xf32, #tpu.memory_space<vmem>>, vector<16xf32>,
      %scan3A_218 = arith.constant 0 : i32
      scf.yield %scan3A_218 : i32
    }
    %scan3A_14 = arith.constant 1024 : i32
    %scan3A_15 = arith.constant 0 : i32
    %scan3A_16 = arith.constant 0 : i32
    %scan3A_17 = arith.constant 5 : i32
    %scan3A_18 = arith.addi %scan3A_16, %scan3A_17 : i32
    %scan3A_19 = arith.constant 1 : i32
    %scan3A_20 = scf.for %scan3A_172 = %scan3A_16 to %scan3A_18 step %scan3A_19 iter_args(%scan3A_173 = %scan3A_15) -> (i32)  : i32 {
      %mul3A_174 = arith.constant 640 : i32
      %mul3A_175 = arith.muli %arg1, %mul3A_174 : i32
      %mul3A_176 = arith.constant 128 : i32
      %mul3A_177 = arith.muli %scan3A_172, %mul3A_176 : i32
      %add3A_178 = arith.addi %mul3A_175, %mul3A_177 : i32
      "tpu.region"() ({
        %run_scoped3A_180 = tpu.sem_alloc : memref<!tpu.dma_semaphore, #tpu.memory_space<semaphore_mem>>
        %dma_start3A_181 = arith.constant 0 : i32
        %dma_start3A_182 = tpu.memref_slice %arg5[%add3A_178, %dma_start3A_181] : memref<10240x128xf32, #tpu.memory_space<vmem_shared>> -> memref<128x128xf32, #tpu.memory_space<vmem_shared>>
        %dma_start3A_183 = arith.constant 0 : i32
        %dma_start3A_184 = tpu.memref_slice %arg5[%add3A_178, %dma_start3A_183] : memref<10240x128xf32, #tpu.memory_space<vmem_shared>> -> memref<128x128xf32, #tpu.memory_space<vmem_shared>>
        tpu.enqueue_dma source(%arg8 : memref<128x128xf32, #tpu.memory_space<vmem>>) target(%dma_start3A_184 : memref<128x128xf32, #tpu.memory_space<vmem_shared>>) target_semaphore(%run_scoped3A_180 : memref<!tpu.dma_semaphore, #tpu.memory_space<semaphore_mem>>)
        %dma_wait3A_185 = arith.constant 0 : i32
        %dma_wait3A_186 = tpu.memref_slice %arg5[%add3A_178, %dma_wait3A_185] : memref<10240x128xf32, #tpu.memory_space<vmem_shared>> -> memref<128x128xf32, #tpu.memory_space<vmem_shared>>
        %dma_wait3A_187 = arith.constant 0 : i32
        %dma_wait3A_188 = tpu.memref_slice %arg5[%add3A_178, %dma_wait3A_187] : memref<10240x128xf32, #tpu.memory_space<vmem_shared>> -> memref<128x128xf32, #tpu.memory_space<vmem_shared>>
        tpu.wait_dma2 semaphore(%run_scoped3A_180 : memref<!tpu.dma_semaphore, #tpu.memory_space<semaphore_mem>>) src(%arg8 : memref<128x128xf32, #tpu.memory_space<vmem>>) dst(%dma_wait3A_188 : memref<128x128xf32, #tpu.memory_space<vmem_shared>>)
        tpu.yield
      }) : () -> ()
      %scan3A_179 = arith.constant 0 : i32
      scf.yield %scan3A_179 : i32
    }
    %scan3A_21 = arith.constant 5 : i32
    %barrier3A = arith.constant 0 : index
    tpu.barrier barrier_id(%barrier3A)
    "tpu.trace_stop"() : () -> ()
    "tpu.trace_start"() <{level = 10 : i32, message = "edges"}> : () -> ()
    %add3A_22 = arith.constant 0 : i32
    %add3A_23 = arith.addi %select_n3A_8, %add3A_22 : i32
    %dma_start3A = arith.constant 0 : i32
    %dma_start3A_24 = arith.constant 0 : i32
    %dma_start3A_25 = tpu.memref_slice %arg3[%add3A_23, %dma_start3A, %dma_start3A_24] : memref<2528x2x128xi32, #tpu.memory_space<hbm>> -> memref<1x2x128xi32, #tpu.memory_space<hbm>>
    %dma_start3A_26 = tpu.memref_squeeze %dma_start3A_25 : memref<1x2x128xi32, #tpu.memory_space<hbm>> -> memref<2x128xi32, #tpu.memory_space<hbm>>
    %dma_start3A_27 = arith.constant 0 : i32
    %dma_start3A_28 = arith.constant 0 : i32
    %dma_start3A_29 = tpu.memref_slice %arg3[%add3A_23, %dma_start3A_27, %dma_start3A_28] : memref<2528x2x128xi32, #tpu.memory_space<hbm>> -> memref<1x2x128xi32, #tpu.memory_space<hbm>>
    %dma_start3A_30 = tpu.memref_squeeze %dma_start3A_29 : memref<1x2x128xi32, #tpu.memory_space<hbm>> -> memref<2x128xi32, #tpu.memory_space<hbm>>
    tpu.enqueue_dma source(%dma_start3A_30 : memref<2x128xi32, #tpu.memory_space<hbm>>) target(%arg6 : memref<2x128xi32, #tpu.memory_space<vmem>>) target_semaphore(%arg12 : memref<!tpu.dma_semaphore, #tpu.memory_space<semaphore_mem>>)
    %add3A_31 = arith.constant 0 : i32
    %add3A_32 = arith.addi %select_n3A_8, %add3A_31 : i32
    %dma_wait3A = arith.constant 0 : i32
    %dma_wait3A_33 = arith.constant 0 : i32
    %dma_wait3A_34 = tpu.memref_slice %arg3[%add3A_32, %dma_wait3A, %dma_wait3A_33] : memref<2528x2x128xi32, #tpu.memory_space<hbm>> -> memref<1x2x128xi32, #tpu.memory_space<hbm>>
    %dma_wait3A_35 = tpu.memref_squeeze %dma_wait3A_34 : memref<1x2x128xi32, #tpu.memory_space<hbm>> -> memref<2x128xi32, #tpu.memory_space<hbm>>
    %dma_wait3A_36 = arith.constant 0 : i32
    %dma_wait3A_37 = arith.constant 0 : i32
    %dma_wait3A_38 = tpu.memref_slice %arg3[%add3A_32, %dma_wait3A_36, %dma_wait3A_37] : memref<2528x2x128xi32, #tpu.memory_space<hbm>> -> memref<1x2x128xi32, #tpu.memory_space<hbm>>
    %dma_wait3A_39 = tpu.memref_squeeze %dma_wait3A_38 : memref<1x2x128xi32, #tpu.memory_space<hbm>> -> memref<2x128xi32, #tpu.memory_space<hbm>>
    tpu.wait_dma2 semaphore(%arg12 : memref<!tpu.dma_semaphore, #tpu.memory_space<semaphore_mem>>) src(%dma_wait3A_39 : memref<2x128xi32, #tpu.memory_space<hbm>>) dst(%arg6 : memref<2x128xi32, #tpu.memory_space<vmem>>)
    %dma_start3A_40 = arith.constant 0 : i32
    %dma_start3A_41 = arith.constant 0 : i32
    %dma_start3A_42 = tpu.memref_slice %arg6[%dma_start3A_40, %dma_start3A_41] : memref<2x128xi32, #tpu.memory_space<vmem>> -> memref<1x128xi32, #tpu.memory_space<vmem>>
    %dma_start3A_43 = tpu.memref_squeeze %dma_start3A_42 : memref<1x128xi32, #tpu.memory_space<vmem>> -> memref<128xi32, #tpu.memory_space<vmem>>
    %dma_start3A_44 = arith.constant 0 : i32
    %dma_start3A_45 = arith.constant 0 : i32
    %dma_start3A_46 = tpu.memref_slice %arg2[%dma_start3A_44, %dma_start3A_45] : memref<10000x128xf32, #tpu.memory_space<hbm>> -> memref<10000x128xf32, #tpu.memory_space<hbm>>
    tpu.enqueue_indirect_dma source(%dma_start3A_46 : memref<10000x128xf32, #tpu.memory_space<hbm>>) target(%arg8 : memref<128x128xf32, #tpu.memory_space<vmem>>) offsets(%dma_start3A_43 : memref<128xi32, #tpu.memory_space<vmem>>) semaphore(%arg10 : memref<!tpu.dma_semaphore, #tpu.memory_space<semaphore_mem>>)
    %add3A_47 = arith.constant 1 : i32
    %add3A_48 = arith.addi %select_n3A_8, %add3A_47 : i32
    %dma_start3A_49 = arith.constant 0 : i32
    %dma_start3A_50 = arith.constant 0 : i32
    %dma_start3A_51 = tpu.memref_slice %arg3[%add3A_48, %dma_start3A_49, %dma_start3A_50] : memref<2528x2x128xi32, #tpu.memory_space<hbm>> -> memref<1x2x128xi32, #tpu.memory_space<hbm>>
    %dma_start3A_52 = tpu.memref_squeeze %dma_start3A_51 : memref<1x2x128xi32, #tpu.memory_space<hbm>> -> memref<2x128xi32, #tpu.memory_space<hbm>>
    %dma_start3A_53 = arith.constant 0 : i32
    %dma_start3A_54 = arith.constant 0 : i32
    %dma_start3A_55 = tpu.memref_slice %arg3[%add3A_48, %dma_start3A_53, %dma_start3A_54] : memref<2528x2x128xi32, #tpu.memory_space<hbm>> -> memref<1x2x128xi32, #tpu.memory_space<hbm>>
    %dma_start3A_56 = tpu.memref_squeeze %dma_start3A_55 : memref<1x2x128xi32, #tpu.memory_space<hbm>> -> memref<2x128xi32, #tpu.memory_space<hbm>>
    tpu.enqueue_dma source(%dma_start3A_56 : memref<2x128xi32, #tpu.memory_space<hbm>>) target(%arg7 : memref<2x128xi32, #tpu.memory_space<vmem>>) target_semaphore(%arg13 : memref<!tpu.dma_semaphore, #tpu.memory_space<semaphore_mem>>)
    %sub3A = arith.constant 3 : i32
    %sub3A_57 = arith.subi %select_n3A, %sub3A : i32
    %jit3A_58 = arith.constant 2 : i32
    %div3A = arith.divsi %sub3A_57, %jit3A_58 : i32
    %sign3A = arith.constant 0 : i32
    %sign3A_59 = arith.cmpi sgt, %sub3A_57, %sign3A : i32
    %sign3A_60 = arith.extui %sign3A_59 : i1 to i32
    %sign3A_61 = arith.constant 0 : i32
    %sign3A_62 = arith.cmpi slt, %sub3A_57, %sign3A_61 : i32
    %sign3A_63 = arith.extui %sign3A_62 : i1 to i32
    %sign3A_64 = arith.subi %sign3A_60, %sign3A_63 : i32
    %sign3A_65 = arith.constant 0 : i32
    %sign3A_66 = arith.cmpi sgt, %jit3A_58, %sign3A_65 : i32
    %sign3A_67 = arith.extui %sign3A_66 : i1 to i32
    %sign3A_68 = arith.constant 0 : i32
    %sign3A_69 = arith.cmpi slt, %jit3A_58, %sign3A_68 : i32
    %sign3A_70 = arith.extui %sign3A_69 : i1 to i32
    %sign3A_71 = arith.subi %sign3A_67, %sign3A_70 : i32
    %ne3A = arith.cmpi ne, %sign3A_64, %sign3A_71 : i32
    %rem3A = arith.remsi %sub3A_57, %jit3A_58 : i32
    %ne3A_72 = arith.constant 0 : i32
    %ne3A_73 = arith.cmpi ne, %rem3A, %ne3A_72 : i32
    %and3A = arith.andi %ne3A, %ne3A_73 : i1
    %sub3A_74 = arith.constant 1 : i32
    %sub3A_75 = arith.subi %div3A, %sub3A_74 : i32
    %select_n3A_76 = arith.select %and3A, %sub3A_75, %div3A : i32
    %while3A = arith.constant 0 : i32
    %while3A_77 = arith.constant 0 : i32
    %while3A_78 = arith.subi %select_n3A_76, %while3A : i32
    %while3A_79 = arith.addi %while3A, %while3A_78 : i32
    %while3A_80 = arith.constant 1 : i32
    %while3A_81 = arith.divsi %while3A_78, %while3A_80 : i32
    %while3A_82 = arith.muli %while3A_81, %while3A_80 : i32
    %while3A_83 = arith.addi %while3A, %while3A_82 : i32
    %while3A_84 = arith.constant 1 : i32
    %while3A_85 = scf.for %while3A_172 = %while3A to %while3A_83 step %while3A_84 iter_args(%while3A_173 = %while3A_77) -> (i32)  : i32 {
      %mul3A_174 = arith.constant 2 : i32
      %mul3A_175 = arith.muli %mul3A_174, %while3A_172 : i32
      %add3A_176 = arith.constant 1 : i32
      %add3A_177 = arith.addi %mul3A_175, %add3A_176 : i32
      %add3A_178 = arith.addi %select_n3A_8, %add3A_177 : i32
      %dma_wait3A_179 = arith.constant 0 : i32
      %dma_wait3A_180 = arith.constant 0 : i32
      %dma_wait3A_181 = tpu.memref_slice %arg3[%add3A_178, %dma_wait3A_179, %dma_wait3A_180] : memref<2528x2x128xi32, #tpu.memory_space<hbm>> -> memref<1x2x128xi32, #tpu.memory_space<hbm>>
      %dma_wait3A_182 = tpu.memref_squeeze %dma_wait3A_181 : memref<1x2x128xi32, #tpu.memory_space<hbm>> -> memref<2x128xi32, #tpu.memory_space<hbm>>
      %dma_wait3A_183 = arith.constant 0 : i32
      %dma_wait3A_184 = arith.constant 0 : i32
      %dma_wait3A_185 = tpu.memref_slice %arg3[%add3A_178, %dma_wait3A_183, %dma_wait3A_184] : memref<2528x2x128xi32, #tpu.memory_space<hbm>> -> memref<1x2x128xi32, #tpu.memory_space<hbm>>
      %dma_wait3A_186 = tpu.memref_squeeze %dma_wait3A_185 : memref<1x2x128xi32, #tpu.memory_space<hbm>> -> memref<2x128xi32, #tpu.memory_space<hbm>>
      tpu.wait_dma2 semaphore(%arg13 : memref<!tpu.dma_semaphore, #tpu.memory_space<semaphore_mem>>) src(%dma_wait3A_186 : memref<2x128xi32, #tpu.memory_space<hbm>>) dst(%arg7 : memref<2x128xi32, #tpu.memory_space<vmem>>)
      %dma_start3A_187 = arith.constant 0 : i32
      %dma_start3A_188 = arith.constant 0 : i32
      %dma_start3A_189 = tpu.memref_slice %arg7[%dma_start3A_187, %dma_start3A_188] : memref<2x128xi32, #tpu.memory_space<vmem>> -> memref<1x128xi32, #tpu.memory_space<vmem>>
      %dma_start3A_190 = tpu.memref_squeeze %dma_start3A_189 : memref<1x128xi32, #tpu.memory_space<vmem>> -> memref<128xi32, #tpu.memory_space<vmem>>
      %dma_start3A_191 = arith.constant 0 : i32
      %dma_start3A_192 = arith.constant 0 : i32
      %dma_start3A_193 = tpu.memref_slice %arg2[%dma_start3A_191, %dma_start3A_192] : memref<10000x128xf32, #tpu.memory_space<hbm>> -> memref<10000x128xf32, #tpu.memory_space<hbm>>
      tpu.enqueue_indirect_dma source(%dma_start3A_193 : memref<10000x128xf32, #tpu.memory_space<hbm>>) target(%arg9 : memref<128x128xf32, #tpu.memory_space<vmem>>) offsets(%dma_start3A_190 : memref<128xi32, #tpu.memory_space<vmem>>) semaphore(%arg11 : memref<!tpu.dma_semaphore, #tpu.memory_space<semaphore_mem>>)
      %sub3A_194 = arith.constant 1 : i32
      %sub3A_195 = arith.subi %add3A_177, %sub3A_194 : i32
      %dma_wait3A_196 = arith.constant 0 : i32
      %dma_wait3A_197 = arith.constant 0 : i32
      %dma_wait3A_198 = tpu.memref_slice %arg6[%dma_wait3A_196, %dma_wait3A_197] : memref<2x128xi32, #tpu.memory_space<vmem>> -> memref<1x128xi32, #tpu.memory_space<vmem>>
      %dma_wait3A_199 = tpu.memref_squeeze %dma_wait3A_198 : memref<1x128xi32, #tpu.memory_space<vmem>> -> memref<128xi32, #tpu.memory_space<vmem>>
      %dma_wait3A_200 = arith.constant 0 : i32
      %dma_wait3A_201 = arith.constant 0 : i32
      %dma_wait3A_202 = tpu.memref_slice %arg2[%dma_wait3A_200, %dma_wait3A_201] : memref<10000x128xf32, #tpu.memory_space<hbm>> -> memref<10000x128xf32, #tpu.memory_space<hbm>>
      tpu.wait_indirect_dma semaphore(%arg10 : memref<!tpu.dma_semaphore, #tpu.memory_space<semaphore_mem>>) src(%dma_wait3A_202 : memref<10000x128xf32, #tpu.memory_space<hbm>>) dst(%arg8 : memref<128x128xf32, #tpu.memory_space<vmem>>)
      %run_scoped3A_203 = arith.constant 1 : i32
      "tpu.region"() ({
        %run_scoped3A_253 = tpu.sem_alloc : memref<!tpu.dma_semaphore, #tpu.memory_space<semaphore_mem>>
        %dma_start3A_254 = arith.constant 0 : i32
        %dma_start3A_255 = tpu.memref_slice %arg6[%run_scoped3A_203, %dma_start3A_254] : memref<2x128xi32, #tpu.memory_space<vmem>> -> memref<1x128xi32, #tpu.memory_space<vmem>>
        %dma_start3A_256 = tpu.memref_squeeze %dma_start3A_255 : memref<1x128xi32, #tpu.memory_space<vmem>> -> memref<128xi32, #tpu.memory_space<vmem>>
        %dma_start3A_257 = arith.constant 0 : i32
        %dma_start3A_258 = arith.constant 0 : i32
        %dma_start3A_259 = tpu.memref_slice %arg5[%dma_start3A_257, %dma_start3A_258] : memref<10240x128xf32, #tpu.memory_space<vmem_shared>> -> memref<10240x128xf32, #tpu.memory_space<vmem_shared>>
        tpu.enqueue_indirect_dma source(%arg8 : memref<128x128xf32, #tpu.memory_space<vmem>>) target(%dma_start3A_259 : memref<10240x128xf32, #tpu.memory_space<vmem_shared>>) offsets(%dma_start3A_256 : memref<128xi32, #tpu.memory_space<vmem>>) semaphore(%run_scoped3A_253 : memref<!tpu.dma_semaphore, #tpu.memory_space<semaphore_mem>>) {add = true}
        %dma_wait3A_260 = arith.constant 0 : i32
        %dma_wait3A_261 = tpu.memref_slice %arg6[%run_scoped3A_203, %dma_wait3A_260] : memref<2x128xi32, #tpu.memory_space<vmem>> -> memref<1x128xi32, #tpu.memory_space<vmem>>
        %dma_wait3A_262 = tpu.memref_squeeze %dma_wait3A_261 : memref<1x128xi32, #tpu.memory_space<vmem>> -> memref<128xi32, #tpu.memory_space<vmem>>
        %dma_wait3A_263 = arith.constant 0 : i32
        %dma_wait3A_264 = arith.constant 0 : i32
        %dma_wait3A_265 = tpu.memref_slice %arg5[%dma_wait3A_263, %dma_wait3A_264] : memref<10240x128xf32, #tpu.memory_space<vmem_shared>> -> memref<10240x128xf32, #tpu.memory_space<vmem_shared>>
        tpu.wait_indirect_dma semaphore(%run_scoped3A_253 : memref<!tpu.dma_semaphore, #tpu.memory_space<semaphore_mem>>) src(%arg8 : memref<128x128xf32, #tpu.memory_space<vmem>>) dst(%dma_wait3A_265 : memref<10240x128xf32, #tpu.memory_space<vmem_shared>>)
        tpu.yield
      }) : () -> ()
      %add3A_204 = arith.constant 1 : i32
      %add3A_205 = arith.addi %add3A_177, %add3A_204 : i32
      %add3A_206 = arith.addi %select_n3A_8, %add3A_205 : i32
      %dma_start3A_207 = arith.constant 0 : i32
      %dma_start3A_208 = arith.constant 0 : i32
      %dma_start3A_209 = tpu.memref_slice %arg3[%add3A_206, %dma_start3A_207, %dma_start3A_208] : memref<2528x2x128xi32, #tpu.memory_space<hbm>> -> memref<1x2x128xi32, #tpu.memory_space<hbm>>
      %dma_start3A_210 = tpu.memref_squeeze %dma_start3A_209 : memref<1x2x128xi32, #tpu.memory_space<hbm>> -> memref<2x128xi32, #tpu.memory_space<hbm>>
      %dma_start3A_211 = arith.constant 0 : i32
      %dma_start3A_212 = arith.constant 0 : i32
      %dma_start3A_213 = tpu.memref_slice %arg3[%add3A_206, %dma_start3A_211, %dma_start3A_212] : memref<2528x2x128xi32, #tpu.memory_space<hbm>> -> memref<1x2x128xi32, #tpu.memory_space<hbm>>
      %dma_start3A_214 = tpu.memref_squeeze %dma_start3A_213 : memref<1x2x128xi32, #tpu.memory_space<hbm>> -> memref<2x128xi32, #tpu.memory_space<hbm>>
      tpu.enqueue_dma source(%dma_start3A_214 : memref<2x128xi32, #tpu.memory_space<hbm>>) target(%arg6 : memref<2x128xi32, #tpu.memory_space<vmem>>) target_semaphore(%arg12 : memref<!tpu.dma_semaphore, #tpu.memory_space<semaphore_mem>>)
      %add3A_215 = arith.constant 1 : i32
      %add3A_216 = arith.addi %add3A_177, %add3A_215 : i32
      %add3A_217 = arith.addi %select_n3A_8, %add3A_216 : i32
      %dma_wait3A_218 = arith.constant 0 : i32
      %dma_wait3A_219 = arith.constant 0 : i32
      %dma_wait3A_220 = tpu.memref_slice %arg3[%add3A_217, %dma_wait3A_218, %dma_wait3A_219] : memref<2528x2x128xi32, #tpu.memory_space<hbm>> -> memref<1x2x128xi32, #tpu.memory_space<hbm>>
      %dma_wait3A_221 = tpu.memref_squeeze %dma_wait3A_220 : memref<1x2x128xi32, #tpu.memory_space<hbm>> -> memref<2x128xi32, #tpu.memory_space<hbm>>
      %dma_wait3A_222 = arith.constant 0 : i32
      %dma_wait3A_223 = arith.constant 0 : i32
      %dma_wait3A_224 = tpu.memref_slice %arg3[%add3A_217, %dma_wait3A_222, %dma_wait3A_223] : memref<2528x2x128xi32, #tpu.memory_space<hbm>> -> memref<1x2x128xi32, #tpu.memory_space<hbm>>
      %dma_wait3A_225 = tpu.memref_squeeze %dma_wait3A_224 : memref<1x2x128xi32, #tpu.memory_space<hbm>> -> memref<2x128xi32, #tpu.memory_space<hbm>>
      tpu.wait_dma2 semaphore(%arg12 : memref<!tpu.dma_semaphore, #tpu.memory_space<semaphore_mem>>) src(%dma_wait3A_225 : memref<2x128xi32, #tpu.memory_space<hbm>>) dst(%arg6 : memref<2x128xi32, #tpu.memory_space<vmem>>)
      %dma_start3A_226 = arith.constant 0 : i32
      %dma_start3A_227 = arith.constant 0 : i32
      %dma_start3A_228 = tpu.memref_slice %arg6[%dma_start3A_226, %dma_start3A_227] : memref<2x128xi32, #tpu.memory_space<vmem>> -> memref<1x128xi32, #tpu.memory_space<vmem>>
      %dma_start3A_229 = tpu.memref_squeeze %dma_start3A_228 : memref<1x128xi32, #tpu.memory_space<vmem>> -> memref<128xi32, #tpu.memory_space<vmem>>
      %dma_start3A_230 = arith.constant 0 : i32
      %dma_start3A_231 = arith.constant 0 : i32
      %dma_start3A_232 = tpu.memref_slice %arg2[%dma_start3A_230, %dma_start3A_231] : memref<10000x128xf32, #tpu.memory_space<hbm>> -> memref<10000x128xf32, #tpu.memory_space<hbm>>
      tpu.enqueue_indirect_dma source(%dma_start3A_232 : memref<10000x128xf32, #tpu.memory_space<hbm>>) target(%arg8 : memref<128x128xf32, #tpu.memory_space<vmem>>) offsets(%dma_start3A_229 : memref<128xi32, #tpu.memory_space<vmem>>) semaphore(%arg10 : memref<!tpu.dma_semaphore, #tpu.memory_space<semaphore_mem>>)
      %dma_wait3A_233 = arith.constant 0 : i32
      %dma_wait3A_234 = arith.constant 0 : i32
      %dma_wait3A_235 = tpu.memref_slice %arg7[%dma_wait3A_233, %dma_wait3A_234] : memref<2x128xi32, #tpu.memory_space<vmem>> -> memref<1x128xi32, #tpu.memory_space<vmem>>
      %dma_wait3A_236 = tpu.memref_squeeze %dma_wait3A_235 : memref<1x128xi32, #tpu.memory_space<vmem>> -> memref<128xi32, #tpu.memory_space<vmem>>
      %dma_wait3A_237 = arith.constant 0 : i32
      %dma_wait3A_238 = arith.constant 0 : i32
      %dma_wait3A_239 = tpu.memref_slice %arg2[%dma_wait3A_237, %dma_wait3A_238] : memref<10000x128xf32, #tpu.memory_space<hbm>> -> memref<10000x128xf32, #tpu.memory_space<hbm>>
      tpu.wait_indirect_dma semaphore(%arg11 : memref<!tpu.dma_semaphore, #tpu.memory_space<semaphore_mem>>) src(%dma_wait3A_239 : memref<10000x128xf32, #tpu.memory_space<hbm>>) dst(%arg9 : memref<128x128xf32, #tpu.memory_space<vmem>>)
      %run_scoped3A_240 = arith.constant 1 : i32
      "tpu.region"() ({
        %run_scoped3A_253 = tpu.sem_alloc : memref<!tpu.dma_semaphore, #tpu.memory_space<semaphore_mem>>
        %dma_start3A_254 = arith.constant 0 : i32
        %dma_start3A_255 = tpu.memref_slice %arg7[%run_scoped3A_240, %dma_start3A_254] : memref<2x128xi32, #tpu.memory_space<vmem>> -> memref<1x128xi32, #tpu.memory_space<vmem>>
        %dma_start3A_256 = tpu.memref_squeeze %dma_start3A_255 : memref<1x128xi32, #tpu.memory_space<vmem>> -> memref<128xi32, #tpu.memory_space<vmem>>
        %dma_start3A_257 = arith.constant 0 : i32
        %dma_start3A_258 = arith.constant 0 : i32
        %dma_start3A_259 = tpu.memref_slice %arg5[%dma_start3A_257, %dma_start3A_258] : memref<10240x128xf32, #tpu.memory_space<vmem_shared>> -> memref<10240x128xf32, #tpu.memory_space<vmem_shared>>
        tpu.enqueue_indirect_dma source(%arg9 : memref<128x128xf32, #tpu.memory_space<vmem>>) target(%dma_start3A_259 : memref<10240x128xf32, #tpu.memory_space<vmem_shared>>) offsets(%dma_start3A_256 : memref<128xi32, #tpu.memory_space<vmem>>) semaphore(%run_scoped3A_253 : memref<!tpu.dma_semaphore, #tpu.memory_space<semaphore_mem>>) {add = true}
        %dma_wait3A_260 = arith.constant 0 : i32
        %dma_wait3A_261 = tpu.memref_slice %arg7[%run_scoped3A_240, %dma_wait3A_260] : memref<2x128xi32, #tpu.memory_space<vmem>> -> memref<1x128xi32, #tpu.memory_space<vmem>>
        %dma_wait3A_262 = tpu.memref_squeeze %dma_wait3A_261 : memref<1x128xi32, #tpu.memory_space<vmem>> -> memref<128xi32, #tpu.memory_space<vmem>>
        %dma_wait3A_263 = arith.constant 0 : i32
        %dma_wait3A_264 = arith.constant 0 : i32
        %dma_wait3A_265 = tpu.memref_slice %arg5[%dma_wait3A_263, %dma_wait3A_264] : memref<10240x128xf32, #tpu.memory_space<vmem_shared>> -> memref<10240x128xf32, #tpu.memory_space<vmem_shared>>
        tpu.wait_indirect_dma semaphore(%run_scoped3A_253 : memref<!tpu.dma_semaphore, #tpu.memory_space<semaphore_mem>>) src(%arg9 : memref<128x128xf32, #tpu.memory_space<vmem>>) dst(%dma_wait3A_265 : memref<10240x128xf32, #tpu.memory_space<vmem_shared>>)
        tpu.yield
      }) : () -> ()
      %add3A_241 = arith.constant 2 : i32
      %add3A_242 = arith.addi %add3A_177, %add3A_241 : i32
      %add3A_243 = arith.addi %select_n3A_8, %add3A_242 : i32
      %dma_start3A_244 = arith.constant 0 : i32
      %dma_start3A_245 = arith.constant 0 : i32
      %dma_start3A_246 = tpu.memref_slice %arg3[%add3A_243, %dma_start3A_244, %dma_start3A_245] : memref<2528x2x128xi32, #tpu.memory_space<hbm>> -> memref<1x2x128xi32, #tpu.memory_space<hbm>>
      %dma_start3A_247 = tpu.memref_squeeze %dma_start3A_246 : memref<1x2x128xi32, #tpu.memory_space<hbm>> -> memref<2x128xi32, #tpu.memory_space<hbm>>
      %dma_start3A_248 = arith.constant 0 : i32
      %dma_start3A_249 = arith.constant 0 : i32
      %dma_start3A_250 = tpu.memref_slice %arg3[%add3A_243, %dma_start3A_248, %dma_start3A_249] : memref<2528x2x128xi32, #tpu.memory_space<hbm>> -> memref<1x2x128xi32, #tpu.memory_space<hbm>>
      %dma_start3A_251 = tpu.memref_squeeze %dma_start3A_250 : memref<1x2x128xi32, #tpu.memory_space<hbm>> -> memref<2x128xi32, #tpu.memory_space<hbm>>
      tpu.enqueue_dma source(%dma_start3A_251 : memref<2x128xi32, #tpu.memory_space<hbm>>) target(%arg7 : memref<2x128xi32, #tpu.memory_space<vmem>>) target_semaphore(%arg13 : memref<!tpu.dma_semaphore, #tpu.memory_space<semaphore_mem>>)
      %while3A_252 = arith.constant 0 : i32
      scf.yield %while3A_252 : i32
    }
    %while3A_86 = arith.constant 1 : i32
    %while3A_87 = scf.for %while3A_172 = %while3A_83 to %while3A_79 step %while3A_86 iter_args(%while3A_173 = %while3A_85) -> (i32)  : i32 {
      %mul3A_174 = arith.constant 2 : i32
      %mul3A_175 = arith.muli %mul3A_174, %while3A_172 : i32
      %add3A_176 = arith.constant 1 : i32
      %add3A_177 = arith.addi %mul3A_175, %add3A_176 : i32
      %add3A_178 = arith.addi %select_n3A_8, %add3A_177 : i32
      %dma_wait3A_179 = arith.constant 0 : i32
      %dma_wait3A_180 = arith.constant 0 : i32
      %dma_wait3A_181 = tpu.memref_slice %arg3[%add3A_178, %dma_wait3A_179, %dma_wait3A_180] : memref<2528x2x128xi32, #tpu.memory_space<hbm>> -> memref<1x2x128xi32, #tpu.memory_space<hbm>>
      %dma_wait3A_182 = tpu.memref_squeeze %dma_wait3A_181 : memref<1x2x128xi32, #tpu.memory_space<hbm>> -> memref<2x128xi32, #tpu.memory_space<hbm>>
      %dma_wait3A_183 = arith.constant 0 : i32
      %dma_wait3A_184 = arith.constant 0 : i32
      %dma_wait3A_185 = tpu.memref_slice %arg3[%add3A_178, %dma_wait3A_183, %dma_wait3A_184] : memref<2528x2x128xi32, #tpu.memory_space<hbm>> -> memref<1x2x128xi32, #tpu.memory_space<hbm>>
      %dma_wait3A_186 = tpu.memref_squeeze %dma_wait3A_185 : memref<1x2x128xi32, #tpu.memory_space<hbm>> -> memref<2x128xi32, #tpu.memory_space<hbm>>
      tpu.wait_dma2 semaphore(%arg13 : memref<!tpu.dma_semaphore, #tpu.memory_space<semaphore_mem>>) src(%dma_wait3A_186 : memref<2x128xi32, #tpu.memory_space<hbm>>) dst(%arg7 : memref<2x128xi32, #tpu.memory_space<vmem>>)
      %dma_start3A_187 = arith.constant 0 : i32
      %dma_start3A_188 = arith.constant 0 : i32
      %dma_start3A_189 = tpu.memref_slice %arg7[%dma_start3A_187, %dma_start3A_188] : memref<2x128xi32, #tpu.memory_space<vmem>> -> memref<1x128xi32, #tpu.memory_space<vmem>>
      %dma_start3A_190 = tpu.memref_squeeze %dma_start3A_189 : memref<1x128xi32, #tpu.memory_space<vmem>> -> memref<128xi32, #tpu.memory_space<vmem>>
      %dma_start3A_191 = arith.constant 0 : i32
      %dma_start3A_192 = arith.constant 0 : i32
      %dma_start3A_193 = tpu.memref_slice %arg2[%dma_start3A_191, %dma_start3A_192] : memref<10000x128xf32, #tpu.memory_space<hbm>> -> memref<10000x128xf32, #tpu.memory_space<hbm>>
      tpu.enqueue_indirect_dma source(%dma_start3A_193 : memref<10000x128xf32, #tpu.memory_space<hbm>>) target(%arg9 : memref<128x128xf32, #tpu.memory_space<vmem>>) offsets(%dma_start3A_190 : memref<128xi32, #tpu.memory_space<vmem>>) semaphore(%arg11 : memref<!tpu.dma_semaphore, #tpu.memory_space<semaphore_mem>>)
      %sub3A_194 = arith.constant 1 : i32
      %sub3A_195 = arith.subi %add3A_177, %sub3A_194 : i32
      %dma_wait3A_196 = arith.constant 0 : i32
      %dma_wait3A_197 = arith.constant 0 : i32
      %dma_wait3A_198 = tpu.memref_slice %arg6[%dma_wait3A_196, %dma_wait3A_197] : memref<2x128xi32, #tpu.memory_space<vmem>> -> memref<1x128xi32, #tpu.memory_space<vmem>>
      %dma_wait3A_199 = tpu.memref_squeeze %dma_wait3A_198 : memref<1x128xi32, #tpu.memory_space<vmem>> -> memref<128xi32, #tpu.memory_space<vmem>>
      %dma_wait3A_200 = arith.constant 0 : i32
      %dma_wait3A_201 = arith.constant 0 : i32
      %dma_wait3A_202 = tpu.memref_slice %arg2[%dma_wait3A_200, %dma_wait3A_201] : memref<10000x128xf32, #tpu.memory_space<hbm>> -> memref<10000x128xf32, #tpu.memory_space<hbm>>
      tpu.wait_indirect_dma semaphore(%arg10 : memref<!tpu.dma_semaphore, #tpu.memory_space<semaphore_mem>>) src(%dma_wait3A_202 : memref<10000x128xf32, #tpu.memory_space<hbm>>) dst(%arg8 : memref<128x128xf32, #tpu.memory_space<vmem>>)
      %run_scoped3A_203 = arith.constant 1 : i32
      "tpu.region"() ({
        %run_scoped3A_253 = tpu.sem_alloc : memref<!tpu.dma_semaphore, #tpu.memory_space<semaphore_mem>>
        %dma_start3A_254 = arith.constant 0 : i32
        %dma_start3A_255 = tpu.memref_slice %arg6[%run_scoped3A_203, %dma_start3A_254] : memref<2x128xi32, #tpu.memory_space<vmem>> -> memref<1x128xi32, #tpu.memory_space<vmem>>
        %dma_start3A_256 = tpu.memref_squeeze %dma_start3A_255 : memref<1x128xi32, #tpu.memory_space<vmem>> -> memref<128xi32, #tpu.memory_space<vmem>>
        %dma_start3A_257 = arith.constant 0 : i32
        %dma_start3A_258 = arith.constant 0 : i32
        %dma_start3A_259 = tpu.memref_slice %arg5[%dma_start3A_257, %dma_start3A_258] : memref<10240x128xf32, #tpu.memory_space<vmem_shared>> -> memref<10240x128xf32, #tpu.memory_space<vmem_shared>>
        tpu.enqueue_indirect_dma source(%arg8 : memref<128x128xf32, #tpu.memory_space<vmem>>) target(%dma_start3A_259 : memref<10240x128xf32, #tpu.memory_space<vmem_shared>>) offsets(%dma_start3A_256 : memref<128xi32, #tpu.memory_space<vmem>>) semaphore(%run_scoped3A_253 : memref<!tpu.dma_semaphore, #tpu.memory_space<semaphore_mem>>) {add = true}
        %dma_wait3A_260 = arith.constant 0 : i32
        %dma_wait3A_261 = tpu.memref_slice %arg6[%run_scoped3A_203, %dma_wait3A_260] : memref<2x128xi32, #tpu.memory_space<vmem>> -> memref<1x128xi32, #tpu.memory_space<vmem>>
        %dma_wait3A_262 = tpu.memref_squeeze %dma_wait3A_261 : memref<1x128xi32, #tpu.memory_space<vmem>> -> memref<128xi32, #tpu.memory_space<vmem>>
        %dma_wait3A_263 = arith.constant 0 : i32
        %dma_wait3A_264 = arith.constant 0 : i32
        %dma_wait3A_265 = tpu.memref_slice %arg5[%dma_wait3A_263, %dma_wait3A_264] : memref<10240x128xf32, #tpu.memory_space<vmem_shared>> -> memref<10240x128xf32, #tpu.memory_space<vmem_shared>>
        tpu.wait_indirect_dma semaphore(%run_scoped3A_253 : memref<!tpu.dma_semaphore, #tpu.memory_space<semaphore_mem>>) src(%arg8 : memref<128x128xf32, #tpu.memory_space<vmem>>) dst(%dma_wait3A_265 : memref<10240x128xf32, #tpu.memory_space<vmem_shared>>)
        tpu.yield
      }) : () -> ()
      %add3A_204 = arith.constant 1 : i32
      %add3A_205 = arith.addi %add3A_177, %add3A_204 : i32
      %add3A_206 = arith.addi %select_n3A_8, %add3A_205 : i32
      %dma_start3A_207 = arith.constant 0 : i32
      %dma_start3A_208 = arith.constant 0 : i32
      %dma_start3A_209 = tpu.memref_slice %arg3[%add3A_206, %dma_start3A_207, %dma_start3A_208] : memref<2528x2x128xi32, #tpu.memory_space<hbm>> -> memref<1x2x128xi32, #tpu.memory_space<hbm>>
      %dma_start3A_210 = tpu.memref_squeeze %dma_start3A_209 : memref<1x2x128xi32, #tpu.memory_space<hbm>> -> memref<2x128xi32, #tpu.memory_space<hbm>>
      %dma_start3A_211 = arith.constant 0 : i32
      %dma_start3A_212 = arith.constant 0 : i32
      %dma_start3A_213 = tpu.memref_slice %arg3[%add3A_206, %dma_start3A_211, %dma_start3A_212] : memref<2528x2x128xi32, #tpu.memory_space<hbm>> -> memref<1x2x128xi32, #tpu.memory_space<hbm>>
      %dma_start3A_214 = tpu.memref_squeeze %dma_start3A_213 : memref<1x2x128xi32, #tpu.memory_space<hbm>> -> memref<2x128xi32, #tpu.memory_space<hbm>>
      tpu.enqueue_dma source(%dma_start3A_214 : memref<2x128xi32, #tpu.memory_space<hbm>>) target(%arg6 : memref<2x128xi32, #tpu.memory_space<vmem>>) target_semaphore(%arg12 : memref<!tpu.dma_semaphore, #tpu.memory_space<semaphore_mem>>)
      %add3A_215 = arith.constant 1 : i32
      %add3A_216 = arith.addi %add3A_177, %add3A_215 : i32
      %add3A_217 = arith.addi %select_n3A_8, %add3A_216 : i32
      %dma_wait3A_218 = arith.constant 0 : i32
      %dma_wait3A_219 = arith.constant 0 : i32
      %dma_wait3A_220 = tpu.memref_slice %arg3[%add3A_217, %dma_wait3A_218, %dma_wait3A_219] : memref<2528x2x128xi32, #tpu.memory_space<hbm>> -> memref<1x2x128xi32, #tpu.memory_space<hbm>>
      %dma_wait3A_221 = tpu.memref_squeeze %dma_wait3A_220 : memref<1x2x128xi32, #tpu.memory_space<hbm>> -> memref<2x128xi32, #tpu.memory_space<hbm>>
      %dma_wait3A_222 = arith.constant 0 : i32
      %dma_wait3A_223 = arith.constant 0 : i32
      %dma_wait3A_224 = tpu.memref_slice %arg3[%add3A_217, %dma_wait3A_222, %dma_wait3A_223] : memref<2528x2x128xi32, #tpu.memory_space<hbm>> -> memref<1x2x128xi32, #tpu.memory_space<hbm>>
      %dma_wait3A_225 = tpu.memref_squeeze %dma_wait3A_224 : memref<1x2x128xi32, #tpu.memory_space<hbm>> -> memref<2x128xi32, #tpu.memory_space<hbm>>
      tpu.wait_dma2 semaphore(%arg12 : memref<!tpu.dma_semaphore, #tpu.memory_space<semaphore_mem>>) src(%dma_wait3A_225 : memref<2x128xi32, #tpu.memory_space<hbm>>) dst(%arg6 : memref<2x128xi32, #tpu.memory_space<vmem>>)
      %dma_start3A_226 = arith.constant 0 : i32
      %dma_start3A_227 = arith.constant 0 : i32
      %dma_start3A_228 = tpu.memref_slice %arg6[%dma_start3A_226, %dma_start3A_227] : memref<2x128xi32, #tpu.memory_space<vmem>> -> memref<1x128xi32, #tpu.memory_space<vmem>>
      %dma_start3A_229 = tpu.memref_squeeze %dma_start3A_228 : memref<1x128xi32, #tpu.memory_space<vmem>> -> memref<128xi32, #tpu.memory_space<vmem>>
      %dma_start3A_230 = arith.constant 0 : i32
      %dma_start3A_231 = arith.constant 0 : i32
      %dma_start3A_232 = tpu.memref_slice %arg2[%dma_start3A_230, %dma_start3A_231] : memref<10000x128xf32, #tpu.memory_space<hbm>> -> memref<10000x128xf32, #tpu.memory_space<hbm>>
      tpu.enqueue_indirect_dma source(%dma_start3A_232 : memref<10000x128xf32, #tpu.memory_space<hbm>>) target(%arg8 : memref<128x128xf32, #tpu.memory_space<vmem>>) offsets(%dma_start3A_229 : memref<128xi32, #tpu.memory_space<vmem>>) semaphore(%arg10 : memref<!tpu.dma_semaphore, #tpu.memory_space<semaphore_mem>>)
      %dma_wait3A_233 = arith.constant 0 : i32
      %dma_wait3A_234 = arith.constant 0 : i32
      %dma_wait3A_235 = tpu.memref_slice %arg7[%dma_wait3A_233, %dma_wait3A_234] : memref<2x128xi32, #tpu.memory_space<vmem>> -> memref<1x128xi32, #tpu.memory_space<vmem>>
      %dma_wait3A_236 = tpu.memref_squeeze %dma_wait3A_235 : memref<1x128xi32, #tpu.memory_space<vmem>> -> memref<128xi32, #tpu.memory_space<vmem>>
      %dma_wait3A_237 = arith.constant 0 : i32
      %dma_wait3A_238 = arith.constant 0 : i32
      %dma_wait3A_239 = tpu.memref_slice %arg2[%dma_wait3A_237, %dma_wait3A_238] : memref<10000x128xf32, #tpu.memory_space<hbm>> -> memref<10000x128xf32, #tpu.memory_space<hbm>>
      tpu.wait_indirect_dma semaphore(%arg11 : memref<!tpu.dma_semaphore, #tpu.memory_space<semaphore_mem>>) src(%dma_wait3A_239 : memref<10000x128xf32, #tpu.memory_space<hbm>>) dst(%arg9 : memref<128x128xf32, #tpu.memory_space<vmem>>)
      %run_scoped3A_240 = arith.constant 1 : i32
      "tpu.region"() ({
        %run_scoped3A_253 = tpu.sem_alloc : memref<!tpu.dma_semaphore, #tpu.memory_space<semaphore_mem>>
        %dma_start3A_254 = arith.constant 0 : i32
        %dma_start3A_255 = tpu.memref_slice %arg7[%run_scoped3A_240, %dma_start3A_254] : memref<2x128xi32, #tpu.memory_space<vmem>> -> memref<1x128xi32, #tpu.memory_space<vmem>>
        %dma_start3A_256 = tpu.memref_squeeze %dma_start3A_255 : memref<1x128xi32, #tpu.memory_space<vmem>> -> memref<128xi32, #tpu.memory_space<vmem>>
        %dma_start3A_257 = arith.constant 0 : i32
        %dma_start3A_258 = arith.constant 0 : i32
        %dma_start3A_259 = tpu.memref_slice %arg5[%dma_start3A_257, %dma_start3A_258] : memref<10240x128xf32, #tpu.memory_space<vmem_shared>> -> memref<10240x128xf32, #tpu.memory_space<vmem_shared>>
        tpu.enqueue_indirect_dma source(%arg9 : memref<128x128xf32, #tpu.memory_space<vmem>>) target(%dma_start3A_259 : memref<10240x128xf32, #tpu.memory_space<vmem_shared>>) offsets(%dma_start3A_256 : memref<128xi32, #tpu.memory_space<vmem>>) semaphore(%run_scoped3A_253 : memref<!tpu.dma_semaphore, #tpu.memory_space<semaphore_mem>>) {add = true}
        %dma_wait3A_260 = arith.constant 0 : i32
        %dma_wait3A_261 = tpu.memref_slice %arg7[%run_scoped3A_240, %dma_wait3A_260] : memref<2x128xi32, #tpu.memory_space<vmem>> -> memref<1x128xi32, #tpu.memory_space<vmem>>
        %dma_wait3A_262 = tpu.memref_squeeze %dma_wait3A_261 : memref<1x128xi32, #tpu.memory_space<vmem>> -> memref<128xi32, #tpu.memory_space<vmem>>
        %dma_wait3A_263 = arith.constant 0 : i32
        %dma_wait3A_264 = arith.constant 0 : i32
        %dma_wait3A_265 = tpu.memref_slice %arg5[%dma_wait3A_263, %dma_wait3A_264] : memref<10240x128xf32, #tpu.memory_space<vmem_shared>> -> memref<10240x128xf32, #tpu.memory_space<vmem_shared>>
        tpu.wait_indirect_dma semaphore(%run_scoped3A_253 : memref<!tpu.dma_semaphore, #tpu.memory_space<semaphore_mem>>) src(%arg9 : memref<128x128xf32, #tpu.memory_space<vmem>>) dst(%dma_wait3A_265 : memref<10240x128xf32, #tpu.memory_space<vmem_shared>>)
        tpu.yield
      }) : () -> ()
      %add3A_241 = arith.constant 2 : i32
      %add3A_242 = arith.addi %add3A_177, %add3A_241 : i32
      %add3A_243 = arith.addi %select_n3A_8, %add3A_242 : i32
      %dma_start3A_244 = arith.constant 0 : i32
      %dma_start3A_245 = arith.constant 0 : i32
      %dma_start3A_246 = tpu.memref_slice %arg3[%add3A_243, %dma_start3A_244, %dma_start3A_245] : memref<2528x2x128xi32, #tpu.memory_space<hbm>> -> memref<1x2x128xi32, #tpu.memory_space<hbm>>
      %dma_start3A_247 = tpu.memref_squeeze %dma_start3A_246 : memref<1x2x128xi32, #tpu.memory_space<hbm>> -> memref<2x128xi32, #tpu.memory_space<hbm>>
      %dma_start3A_248 = arith.constant 0 : i32
      %dma_start3A_249 = arith.constant 0 : i32
      %dma_start3A_250 = tpu.memref_slice %arg3[%add3A_243, %dma_start3A_248, %dma_start3A_249] : memref<2528x2x128xi32, #tpu.memory_space<hbm>> -> memref<1x2x128xi32, #tpu.memory_space<hbm>>
      %dma_start3A_251 = tpu.memref_squeeze %dma_start3A_250 : memref<1x2x128xi32, #tpu.memory_space<hbm>> -> memref<2x128xi32, #tpu.memory_space<hbm>>
      tpu.enqueue_dma source(%dma_start3A_251 : memref<2x128xi32, #tpu.memory_space<hbm>>) target(%arg7 : memref<2x128xi32, #tpu.memory_space<vmem>>) target_semaphore(%arg13 : memref<!tpu.dma_semaphore, #tpu.memory_space<semaphore_mem>>)
      %while3A_252 = arith.constant 0 : i32
      scf.yield %while3A_252 : i32
    }
    %sub3A_88 = arith.constant 2 : i32
    %sub3A_89 = arith.subi %select_n3A, %sub3A_88 : i32
    %add3A_90 = arith.addi %select_n3A_8, %sub3A_89 : i32
    %dma_wait3A_91 = arith.constant 0 : i32
    %dma_wait3A_92 = arith.constant 0 : i32
    %dma_wait3A_93 = tpu.memref_slice %arg3[%add3A_90, %dma_wait3A_91, %dma_wait3A_92] : memref<2528x2x128xi32, #tpu.memory_space<hbm>> -> memref<1x2x128xi32, #tpu.memory_space<hbm>>
    %dma_wait3A_94 = tpu.memref_squeeze %dma_wait3A_93 : memref<1x2x128xi32, #tpu.memory_space<hbm>> -> memref<2x128xi32, #tpu.memory_space<hbm>>
    %dma_wait3A_95 = arith.constant 0 : i32
    %dma_wait3A_96 = arith.constant 0 : i32
    %dma_wait3A_97 = tpu.memref_slice %arg3[%add3A_90, %dma_wait3A_95, %dma_wait3A_96] : memref<2528x2x128xi32, #tpu.memory_space<hbm>> -> memref<1x2x128xi32, #tpu.memory_space<hbm>>
    %dma_wait3A_98 = tpu.memref_squeeze %dma_wait3A_97 : memref<1x2x128xi32, #tpu.memory_space<hbm>> -> memref<2x128xi32, #tpu.memory_space<hbm>>
    tpu.wait_dma2 semaphore(%arg13 : memref<!tpu.dma_semaphore, #tpu.memory_space<semaphore_mem>>) src(%dma_wait3A_98 : memref<2x128xi32, #tpu.memory_space<hbm>>) dst(%arg7 : memref<2x128xi32, #tpu.memory_space<vmem>>)
    %dma_start3A_99 = arith.constant 0 : i32
    %dma_start3A_100 = arith.constant 0 : i32
    %dma_start3A_101 = tpu.memref_slice %arg7[%dma_start3A_99, %dma_start3A_100] : memref<2x128xi32, #tpu.memory_space<vmem>> -> memref<1x128xi32, #tpu.memory_space<vmem>>
    %dma_start3A_102 = tpu.memref_squeeze %dma_start3A_101 : memref<1x128xi32, #tpu.memory_space<vmem>> -> memref<128xi32, #tpu.memory_space<vmem>>
    %dma_start3A_103 = arith.constant 0 : i32
    %dma_start3A_104 = arith.constant 0 : i32
    %dma_start3A_105 = tpu.memref_slice %arg2[%dma_start3A_103, %dma_start3A_104] : memref<10000x128xf32, #tpu.memory_space<hbm>> -> memref<10000x128xf32, #tpu.memory_space<hbm>>
    tpu.enqueue_indirect_dma source(%dma_start3A_105 : memref<10000x128xf32, #tpu.memory_space<hbm>>) target(%arg9 : memref<128x128xf32, #tpu.memory_space<vmem>>) offsets(%dma_start3A_102 : memref<128xi32, #tpu.memory_space<vmem>>) semaphore(%arg11 : memref<!tpu.dma_semaphore, #tpu.memory_space<semaphore_mem>>)
    %sub3A_106 = arith.constant 3 : i32
    %sub3A_107 = arith.subi %select_n3A, %sub3A_106 : i32
    %dma_wait3A_108 = arith.constant 0 : i32
    %dma_wait3A_109 = arith.constant 0 : i32
    %dma_wait3A_110 = tpu.memref_slice %arg6[%dma_wait3A_108, %dma_wait3A_109] : memref<2x128xi32, #tpu.memory_space<vmem>> -> memref<1x128xi32, #tpu.memory_space<vmem>>
    %dma_wait3A_111 = tpu.memref_squeeze %dma_wait3A_110 : memref<1x128xi32, #tpu.memory_space<vmem>> -> memref<128xi32, #tpu.memory_space<vmem>>
    %dma_wait3A_112 = arith.constant 0 : i32
    %dma_wait3A_113 = arith.constant 0 : i32
    %dma_wait3A_114 = tpu.memref_slice %arg2[%dma_wait3A_112, %dma_wait3A_113] : memref<10000x128xf32, #tpu.memory_space<hbm>> -> memref<10000x128xf32, #tpu.memory_space<hbm>>
    tpu.wait_indirect_dma semaphore(%arg10 : memref<!tpu.dma_semaphore, #tpu.memory_space<semaphore_mem>>) src(%dma_wait3A_114 : memref<10000x128xf32, #tpu.memory_space<hbm>>) dst(%arg8 : memref<128x128xf32, #tpu.memory_space<vmem>>)
    %run_scoped3A = arith.constant 1 : i32
    "tpu.region"() ({
      %run_scoped3A_172 = tpu.sem_alloc : memref<!tpu.dma_semaphore, #tpu.memory_space<semaphore_mem>>
      %dma_start3A_173 = arith.constant 0 : i32
      %dma_start3A_174 = tpu.memref_slice %arg6[%run_scoped3A, %dma_start3A_173] : memref<2x128xi32, #tpu.memory_space<vmem>> -> memref<1x128xi32, #tpu.memory_space<vmem>>
      %dma_start3A_175 = tpu.memref_squeeze %dma_start3A_174 : memref<1x128xi32, #tpu.memory_space<vmem>> -> memref<128xi32, #tpu.memory_space<vmem>>
      %dma_start3A_176 = arith.constant 0 : i32
      %dma_start3A_177 = arith.constant 0 : i32
      %dma_start3A_178 = tpu.memref_slice %arg5[%dma_start3A_176, %dma_start3A_177] : memref<10240x128xf32, #tpu.memory_space<vmem_shared>> -> memref<10240x128xf32, #tpu.memory_space<vmem_shared>>
      tpu.enqueue_indirect_dma source(%arg8 : memref<128x128xf32, #tpu.memory_space<vmem>>) target(%dma_start3A_178 : memref<10240x128xf32, #tpu.memory_space<vmem_shared>>) offsets(%dma_start3A_175 : memref<128xi32, #tpu.memory_space<vmem>>) semaphore(%run_scoped3A_172 : memref<!tpu.dma_semaphore, #tpu.memory_space<semaphore_mem>>) {add = true}
      %dma_wait3A_179 = arith.constant 0 : i32
      %dma_wait3A_180 = tpu.memref_slice %arg6[%run_scoped3A, %dma_wait3A_179] : memref<2x128xi32, #tpu.memory_space<vmem>> -> memref<1x128xi32, #tpu.memory_space<vmem>>
      %dma_wait3A_181 = tpu.memref_squeeze %dma_wait3A_180 : memref<1x128xi32, #tpu.memory_space<vmem>> -> memref<128xi32, #tpu.memory_space<vmem>>
      %dma_wait3A_182 = arith.constant 0 : i32
      %dma_wait3A_183 = arith.constant 0 : i32
      %dma_wait3A_184 = tpu.memref_slice %arg5[%dma_wait3A_182, %dma_wait3A_183] : memref<10240x128xf32, #tpu.memory_space<vmem_shared>> -> memref<10240x128xf32, #tpu.memory_space<vmem_shared>>
      tpu.wait_indirect_dma semaphore(%run_scoped3A_172 : memref<!tpu.dma_semaphore, #tpu.memory_space<semaphore_mem>>) src(%arg8 : memref<128x128xf32, #tpu.memory_space<vmem>>) dst(%dma_wait3A_184 : memref<10240x128xf32, #tpu.memory_space<vmem_shared>>)
      tpu.yield
    }) : () -> ()
    %sub3A_115 = arith.constant 1 : i32
    %sub3A_116 = arith.subi %select_n3A, %sub3A_115 : i32
    %add3A_117 = arith.addi %select_n3A_8, %sub3A_116 : i32
    %dma_start3A_118 = arith.constant 0 : i32
    %dma_start3A_119 = arith.constant 0 : i32
    %dma_start3A_120 = tpu.memref_slice %arg3[%add3A_117, %dma_start3A_118, %dma_start3A_119] : memref<2528x2x128xi32, #tpu.memory_space<hbm>> -> memref<1x2x128xi32, #tpu.memory_space<hbm>>
    %dma_start3A_121 = tpu.memref_squeeze %dma_start3A_120 : memref<1x2x128xi32, #tpu.memory_space<hbm>> -> memref<2x128xi32, #tpu.memory_space<hbm>>
    %dma_start3A_122 = arith.constant 0 : i32
    %dma_start3A_123 = arith.constant 0 : i32
    %dma_start3A_124 = tpu.memref_slice %arg3[%add3A_117, %dma_start3A_122, %dma_start3A_123] : memref<2528x2x128xi32, #tpu.memory_space<hbm>> -> memref<1x2x128xi32, #tpu.memory_space<hbm>>
    %dma_start3A_125 = tpu.memref_squeeze %dma_start3A_124 : memref<1x2x128xi32, #tpu.memory_space<hbm>> -> memref<2x128xi32, #tpu.memory_space<hbm>>
    tpu.enqueue_dma source(%dma_start3A_125 : memref<2x128xi32, #tpu.memory_space<hbm>>) target(%arg6 : memref<2x128xi32, #tpu.memory_space<vmem>>) target_semaphore(%arg12 : memref<!tpu.dma_semaphore, #tpu.memory_space<semaphore_mem>>)
    %sub3A_126 = arith.constant 1 : i32
    %sub3A_127 = arith.subi %select_n3A, %sub3A_126 : i32
    %add3A_128 = arith.addi %select_n3A_8, %sub3A_127 : i32
    %dma_wait3A_129 = arith.constant 0 : i32
    %dma_wait3A_130 = arith.constant 0 : i32
    %dma_wait3A_131 = tpu.memref_slice %arg3[%add3A_128, %dma_wait3A_129, %dma_wait3A_130] : memref<2528x2x128xi32, #tpu.memory_space<hbm>> -> memref<1x2x128xi32, #tpu.memory_space<hbm>>
    %dma_wait3A_132 = tpu.memref_squeeze %dma_wait3A_131 : memref<1x2x128xi32, #tpu.memory_space<hbm>> -> memref<2x128xi32, #tpu.memory_space<hbm>>
    %dma_wait3A_133 = arith.constant 0 : i32
    %dma_wait3A_134 = arith.constant 0 : i32
    %dma_wait3A_135 = tpu.memref_slice %arg3[%add3A_128, %dma_wait3A_133, %dma_wait3A_134] : memref<2528x2x128xi32, #tpu.memory_space<hbm>> -> memref<1x2x128xi32, #tpu.memory_space<hbm>>
    %dma_wait3A_136 = tpu.memref_squeeze %dma_wait3A_135 : memref<1x2x128xi32, #tpu.memory_space<hbm>> -> memref<2x128xi32, #tpu.memory_space<hbm>>
    tpu.wait_dma2 semaphore(%arg12 : memref<!tpu.dma_semaphore, #tpu.memory_space<semaphore_mem>>) src(%dma_wait3A_136 : memref<2x128xi32, #tpu.memory_space<hbm>>) dst(%arg6 : memref<2x128xi32, #tpu.memory_space<vmem>>)
    %dma_start3A_137 = arith.constant 0 : i32
    %dma_start3A_138 = arith.constant 0 : i32
    %dma_start3A_139 = tpu.memref_slice %arg6[%dma_start3A_137, %dma_start3A_138] : memref<2x128xi32, #tpu.memory_space<vmem>> -> memref<1x128xi32, #tpu.memory_space<vmem>>
    %dma_start3A_140 = tpu.memref_squeeze %dma_start3A_139 : memref<1x128xi32, #tpu.memory_space<vmem>> -> memref<128xi32, #tpu.memory_space<vmem>>
    %dma_start3A_141 = arith.constant 0 : i32
    %dma_start3A_142 = arith.constant 0 : i32
    %dma_start3A_143 = tpu.memref_slice %arg2[%dma_start3A_141, %dma_start3A_142] : memref<10000x128xf32, #tpu.memory_space<hbm>> -> memref<10000x128xf32, #tpu.memory_space<hbm>>
    tpu.enqueue_indirect_dma source(%dma_start3A_143 : memref<10000x128xf32, #tpu.memory_space<hbm>>) target(%arg8 : memref<128x128xf32, #tpu.memory_space<vmem>>) offsets(%dma_start3A_140 : memref<128xi32, #tpu.memory_space<vmem>>) semaphore(%arg10 : memref<!tpu.dma_semaphore, #tpu.memory_space<semaphore_mem>>)
    %sub3A_144 = arith.constant 2 : i32
    %sub3A_145 = arith.subi %select_n3A, %sub3A_144 : i32
    %dma_wait3A_146 = arith.constant 0 : i32
    %dma_wait3A_147 = arith.constant 0 : i32
    %dma_wait3A_148 = tpu.memref_slice %arg7[%dma_wait3A_146, %dma_wait3A_147] : memref<2x128xi32, #tpu.memory_space<vmem>> -> memref<1x128xi32, #tpu.memory_space<vmem>>
    %dma_wait3A_149 = tpu.memref_squeeze %dma_wait3A_148 : memref<1x128xi32, #tpu.memory_space<vmem>> -> memref<128xi32, #tpu.memory_space<vmem>>
    %dma_wait3A_150 = arith.constant 0 : i32
    %dma_wait3A_151 = arith.constant 0 : i32
    %dma_wait3A_152 = tpu.memref_slice %arg2[%dma_wait3A_150, %dma_wait3A_151] : memref<10000x128xf32, #tpu.memory_space<hbm>> -> memref<10000x128xf32, #tpu.memory_space<hbm>>
    tpu.wait_indirect_dma semaphore(%arg11 : memref<!tpu.dma_semaphore, #tpu.memory_space<semaphore_mem>>) src(%dma_wait3A_152 : memref<10000x128xf32, #tpu.memory_space<hbm>>) dst(%arg9 : memref<128x128xf32, #tpu.memory_space<vmem>>)
    %run_scoped3A_153 = arith.constant 1 : i32
    "tpu.region"() ({
      %run_scoped3A_172 = tpu.sem_alloc : memref<!tpu.dma_semaphore, #tpu.memory_space<semaphore_mem>>
      %dma_start3A_173 = arith.constant 0 : i32
      %dma_start3A_174 = tpu.memref_slice %arg7[%run_scoped3A_153, %dma_start3A_173] : memref<2x128xi32, #tpu.memory_space<vmem>> -> memref<1x128xi32, #tpu.memory_space<vmem>>
      %dma_start3A_175 = tpu.memref_squeeze %dma_start3A_174 : memref<1x128xi32, #tpu.memory_space<vmem>> -> memref<128xi32, #tpu.memory_space<vmem>>
      %dma_start3A_176 = arith.constant 0 : i32
      %dma_start3A_177 = arith.constant 0 : i32
      %dma_start3A_178 = tpu.memref_slice %arg5[%dma_start3A_176, %dma_start3A_177] : memref<10240x128xf32, #tpu.memory_space<vmem_shared>> -> memref<10240x128xf32, #tpu.memory_space<vmem_shared>>
      tpu.enqueue_indirect_dma source(%arg9 : memref<128x128xf32, #tpu.memory_space<vmem>>) target(%dma_start3A_178 : memref<10240x128xf32, #tpu.memory_space<vmem_shared>>) offsets(%dma_start3A_175 : memref<128xi32, #tpu.memory_space<vmem>>) semaphore(%run_scoped3A_172 : memref<!tpu.dma_semaphore, #tpu.memory_space<semaphore_mem>>) {add = true}
      %dma_wait3A_179 = arith.constant 0 : i32
      %dma_wait3A_180 = tpu.memref_slice %arg7[%run_scoped3A_153, %dma_wait3A_179] : memref<2x128xi32, #tpu.memory_space<vmem>> -> memref<1x128xi32, #tpu.memory_space<vmem>>
      %dma_wait3A_181 = tpu.memref_squeeze %dma_wait3A_180 : memref<1x128xi32, #tpu.memory_space<vmem>> -> memref<128xi32, #tpu.memory_space<vmem>>
      %dma_wait3A_182 = arith.constant 0 : i32
      %dma_wait3A_183 = arith.constant 0 : i32
      %dma_wait3A_184 = tpu.memref_slice %arg5[%dma_wait3A_182, %dma_wait3A_183] : memref<10240x128xf32, #tpu.memory_space<vmem_shared>> -> memref<10240x128xf32, #tpu.memory_space<vmem_shared>>
      tpu.wait_indirect_dma semaphore(%run_scoped3A_172 : memref<!tpu.dma_semaphore, #tpu.memory_space<semaphore_mem>>) src(%arg9 : memref<128x128xf32, #tpu.memory_space<vmem>>) dst(%dma_wait3A_184 : memref<10240x128xf32, #tpu.memory_space<vmem_shared>>)
      tpu.yield
    }) : () -> ()
    %sub3A_154 = arith.constant 1 : i32
    %sub3A_155 = arith.subi %select_n3A, %sub3A_154 : i32
    %dma_wait3A_156 = arith.constant 0 : i32
    %dma_wait3A_157 = arith.constant 0 : i32
    %dma_wait3A_158 = tpu.memref_slice %arg6[%dma_wait3A_156, %dma_wait3A_157] : memref<2x128xi32, #tpu.memory_space<vmem>> -> memref<1x128xi32, #tpu.memory_space<vmem>>
    %dma_wait3A_159 = tpu.memref_squeeze %dma_wait3A_158 : memref<1x128xi32, #tpu.memory_space<vmem>> -> memref<128xi32, #tpu.memory_space<vmem>>
    %dma_wait3A_160 = arith.constant 0 : i32
    %dma_wait3A_161 = arith.constant 0 : i32
    %dma_wait3A_162 = tpu.memref_slice %arg2[%dma_wait3A_160, %dma_wait3A_161] : memref<10000x128xf32, #tpu.memory_space<hbm>> -> memref<10000x128xf32, #tpu.memory_space<hbm>>
    tpu.wait_indirect_dma semaphore(%arg10 : memref<!tpu.dma_semaphore, #tpu.memory_space<semaphore_mem>>) src(%dma_wait3A_162 : memref<10000x128xf32, #tpu.memory_space<hbm>>) dst(%arg8 : memref<128x128xf32, #tpu.memory_space<vmem>>)
    %run_scoped3A_163 = arith.constant 1 : i32
    "tpu.region"() ({
      %run_scoped3A_172 = tpu.sem_alloc : memref<!tpu.dma_semaphore, #tpu.memory_space<semaphore_mem>>
      %dma_start3A_173 = arith.constant 0 : i32
      %dma_start3A_174 = tpu.memref_slice %arg6[%run_scoped3A_163, %dma_start3A_173] : memref<2x128xi32, #tpu.memory_space<vmem>> -> memref<1x128xi32, #tpu.memory_space<vmem>>
      %dma_start3A_175 = tpu.memref_squeeze %dma_start3A_174 : memref<1x128xi32, #tpu.memory_space<vmem>> -> memref<128xi32, #tpu.memory_space<vmem>>
      %dma_start3A_176 = arith.constant 0 : i32
      %dma_start3A_177 = arith.constant 0 : i32
      %dma_start3A_178 = tpu.memref_slice %arg5[%dma_start3A_176, %dma_start3A_177] : memref<10240x128xf32, #tpu.memory_space<vmem_shared>> -> memref<10240x128xf32, #tpu.memory_space<vmem_shared>>
      tpu.enqueue_indirect_dma source(%arg8 : memref<128x128xf32, #tpu.memory_space<vmem>>) target(%dma_start3A_178 : memref<10240x128xf32, #tpu.memory_space<vmem_shared>>) offsets(%dma_start3A_175 : memref<128xi32, #tpu.memory_space<vmem>>) semaphore(%run_scoped3A_172 : memref<!tpu.dma_semaphore, #tpu.memory_space<semaphore_mem>>) {add = true}
      %dma_wait3A_179 = arith.constant 0 : i32
      %dma_wait3A_180 = tpu.memref_slice %arg6[%run_scoped3A_163, %dma_wait3A_179] : memref<2x128xi32, #tpu.memory_space<vmem>> -> memref<1x128xi32, #tpu.memory_space<vmem>>
      %dma_wait3A_181 = tpu.memref_squeeze %dma_wait3A_180 : memref<1x128xi32, #tpu.memory_space<vmem>> -> memref<128xi32, #tpu.memory_space<vmem>>
      %dma_wait3A_182 = arith.constant 0 : i32
      %dma_wait3A_183 = arith.constant 0 : i32
      %dma_wait3A_184 = tpu.memref_slice %arg5[%dma_wait3A_182, %dma_wait3A_183] : memref<10240x128xf32, #tpu.memory_space<vmem_shared>> -> memref<10240x128xf32, #tpu.memory_space<vmem_shared>>
      tpu.wait_indirect_dma semaphore(%run_scoped3A_172 : memref<!tpu.dma_semaphore, #tpu.memory_space<semaphore_mem>>) src(%arg8 : memref<128x128xf32, #tpu.memory_space<vmem>>) dst(%dma_wait3A_184 : memref<10240x128xf32, #tpu.memory_space<vmem_shared>>)
      tpu.yield
    }) : () -> ()
    "tpu.trace_stop"() : () -> ()
    "tpu.trace_start"() <{level = 10 : i32, message = "dump"}> : () -> ()
    %barrier3A_164 = arith.constant 0 : index
    tpu.barrier barrier_id(%barrier3A_164)
    %scan3A_165 = arith.constant 0 : i32
    %scan3A_166 = arith.constant 0 : i32
    %scan3A_167 = arith.constant 5 : i32
    %scan3A_168 = arith.addi %scan3A_166, %scan3A_167 : i32
    %scan3A_169 = arith.constant 1 : i32
    %scan3A_170 = scf.for %scan3A_172 = %scan3A_166 to %scan3A_168 step %scan3A_169 iter_args(%scan3A_173 = %scan3A_165) -> (i32)  : i32 {
      %mul3A_174 = arith.constant 640 : i32
      %mul3A_175 = arith.muli %arg1, %mul3A_174 : i32
      %mul3A_176 = arith.constant 128 : i32
      %mul3A_177 = arith.muli %scan3A_172, %mul3A_176 : i32
      %add3A_178 = arith.addi %mul3A_175, %mul3A_177 : i32
      "tpu.region"() ({
        %run_scoped3A_180 = tpu.sem_alloc : memref<!tpu.dma_semaphore, #tpu.memory_space<semaphore_mem>>
        %dma_start3A_181 = arith.constant 0 : i32
        %dma_start3A_182 = tpu.memref_slice %arg5[%add3A_178, %dma_start3A_181] : memref<10240x128xf32, #tpu.memory_space<vmem_shared>> -> memref<128x128xf32, #tpu.memory_space<vmem_shared>>
        %dma_start3A_183 = arith.constant 0 : i32
        %dma_start3A_184 = tpu.memref_slice %arg5[%add3A_178, %dma_start3A_183] : memref<10240x128xf32, #tpu.memory_space<vmem_shared>> -> memref<128x128xf32, #tpu.memory_space<vmem_shared>>
        tpu.enqueue_dma source(%dma_start3A_184 : memref<128x128xf32, #tpu.memory_space<vmem_shared>>) target(%arg8 : memref<128x128xf32, #tpu.memory_space<vmem>>) target_semaphore(%run_scoped3A_180 : memref<!tpu.dma_semaphore, #tpu.memory_space<semaphore_mem>>)
        %dma_wait3A_185 = arith.constant 0 : i32
        %dma_wait3A_186 = tpu.memref_slice %arg5[%add3A_178, %dma_wait3A_185] : memref<10240x128xf32, #tpu.memory_space<vmem_shared>> -> memref<128x128xf32, #tpu.memory_space<vmem_shared>>
        %dma_wait3A_187 = arith.constant 0 : i32
        %dma_wait3A_188 = tpu.memref_slice %arg5[%add3A_178, %dma_wait3A_187] : memref<10240x128xf32, #tpu.memory_space<vmem_shared>> -> memref<128x128xf32, #tpu.memory_space<vmem_shared>>
        tpu.wait_dma2 semaphore(%run_scoped3A_180 : memref<!tpu.dma_semaphore, #tpu.memory_space<semaphore_mem>>) src(%dma_wait3A_188 : memref<128x128xf32, #tpu.memory_space<vmem_shared>>) dst(%arg8 : memref<128x128xf32, #tpu.memory_space<vmem>>)
        tpu.yield
      }) : () -> ()
      "tpu.region"() ({
        %run_scoped3A_180 = tpu.sem_alloc : memref<!tpu.dma_semaphore, #tpu.memory_space<semaphore_mem>>
        %dma_start3A_181 = arith.constant 0 : i32
        %dma_start3A_182 = tpu.memref_slice %arg4[%arg0, %add3A_178, %dma_start3A_181] : memref<2x10240x128xf32, #tpu.memory_space<hbm>> -> memref<1x128x128xf32, #tpu.memory_space<hbm>>
        %dma_start3A_183 = tpu.memref_squeeze %dma_start3A_182 : memref<1x128x128xf32, #tpu.memory_space<hbm>> -> memref<128x128xf32, #tpu.memory_space<hbm>>
        %dma_start3A_184 = arith.constant 0 : i32
        %dma_start3A_185 = tpu.memref_slice %arg4[%arg0, %add3A_178, %dma_start3A_184] : memref<2x10240x128xf32, #tpu.memory_space<hbm>> -> memref<1x128x128xf32, #tpu.memory_space<hbm>>
        %dma_start3A_186 = tpu.memref_squeeze %dma_start3A_185 : memref<1x128x128xf32, #tpu.memory_space<hbm>> -> memref<128x128xf32, #tpu.memory_space<hbm>>
        tpu.enqueue_dma source(%arg8 : memref<128x128xf32, #tpu.memory_space<vmem>>) target(%dma_start3A_186 : memref<128x128xf32, #tpu.memory_space<hbm>>) target_semaphore(%run_scoped3A_180 : memref<!tpu.dma_semaphore, #tpu.memory_space<semaphore_mem>>)
        %dma_wait3A_187 = arith.constant 0 : i32
        %dma_wait3A_188 = tpu.memref_slice %arg4[%arg0, %add3A_178, %dma_wait3A_187] : memref<2x10240x128xf32, #tpu.memory_space<hbm>> -> memref<1x128x128xf32, #tpu.memory_space<hbm>>
        %dma_wait3A_189 = tpu.memref_squeeze %dma_wait3A_188 : memref<1x128x128xf32, #tpu.memory_space<hbm>> -> memref<128x128xf32, #tpu.memory_space<hbm>>
        %dma_wait3A_190 = arith.constant 0 : i32
        %dma_wait3A_191 = tpu.memref_slice %arg4[%arg0, %add3A_178, %dma_wait3A_190] : memref<2x10240x128xf32, #tpu.memory_space<hbm>> -> memref<1x128x128xf32, #tpu.memory_space<hbm>>
        %dma_wait3A_192 = tpu.memref_squeeze %dma_wait3A_191 : memref<1x128x128xf32, #tpu.memory_space<hbm>> -> memref<128x128xf32, #tpu.memory_space<hbm>>
        tpu.wait_dma2 semaphore(%run_scoped3A_180 : memref<!tpu.dma_semaphore, #tpu.memory_space<semaphore_mem>>) src(%arg8 : memref<128x128xf32, #tpu.memory_space<vmem>>) dst(%dma_wait3A_192 : memref<128x128xf32, #tpu.memory_space<hbm>>)
        tpu.yield
      }) : () -> ()
      %scan3A_179 = arith.constant 0 : i32
      scf.yield %scan3A_179 : i32
    }
    %scan3A_171 = arith.constant 5 : i32
    "tpu.trace_stop"() : () -> ()
    return
  }
}

module attributes {stable_mosaic.version = 14 : i64} {
  func.func @_k_front(%arg0: memref<10000x128xf32, #tpu.memory_space<vmem>>, %arg1: memref<1x128xf32, #tpu.memory_space<vmem>>, %arg2: memref<1x128xf32, #tpu.memory_space<vmem>>, %arg3: memref<128x128xf32, #tpu.memory_space<vmem>>, %arg4: memref<10000x128xf32, #tpu.memory_space<vmem>>) attributes {dimension_semantics = [], scalar_prefetch = 0 : i64, scratch_operands = 0 : i64, tpu.core_type = #tpu.core_type<tc>} {
    %get3A = arith.constant 0 : index
    %get3A_0 = arith.constant 0 : index
    %get3A_1 = vector.load %arg0[%get3A, %get3A_0] : memref<10000x128xf32, #tpu.memory_space<vmem>>, vector<10000x128xf32>
    %get3A_2 = arith.constant 0 : index
    %get3A_3 = arith.constant 0 : index
    %get3A_4 = vector.load %arg1[%get3A_2, %get3A_3] : memref<1x128xf32, #tpu.memory_space<vmem>>, vector<1x128xf32>
    %get3A_5 = arith.constant 0 : index
    %get3A_6 = arith.constant 0 : index
    %get3A_7 = vector.load %arg2[%get3A_5, %get3A_6] : memref<1x128xf32, #tpu.memory_space<vmem>>, vector<1x128xf32>
    %reduce_sum3A = arith.constant dense<0.000000e+00> : vector<128xf32>
    %reduce_sum3A_8 = vector.multi_reduction <add>, %get3A_1, %reduce_sum3A [0] : vector<10000x128xf32> to vector<128xf32>
    %broadcast_in_dim3A = vector.shape_cast %reduce_sum3A_8 : vector<128xf32> to vector<1x128xf32>
    %div3A = arith.constant 1.000000e+04 : f32
    %div3A_9 = vector.broadcast %div3A : f32 to vector<1x128xf32>
    %div3A_10 = arith.divf %broadcast_in_dim3A, %div3A_9 : vector<1x128xf32>
    %sub3A = vector.broadcast %div3A_10 : vector<1x128xf32> to vector<10000x128xf32>
    %sub3A_11 = arith.subf %get3A_1, %sub3A : vector<10000x128xf32>
    %integer_pow3A = arith.mulf %sub3A_11, %sub3A_11 : vector<10000x128xf32>
    %reduce_sum3A_12 = arith.constant dense<0.000000e+00> : vector<128xf32>
    %reduce_sum3A_13 = vector.multi_reduction <add>, %integer_pow3A, %reduce_sum3A_12 [0] : vector<10000x128xf32> to vector<128xf32>
    %broadcast_in_dim3A_14 = vector.shape_cast %reduce_sum3A_13 : vector<128xf32> to vector<1x128xf32>
    %div3A_15 = arith.constant 1.000000e+04 : f32
    %div3A_16 = vector.broadcast %div3A_15 : f32 to vector<1x128xf32>
    %div3A_17 = arith.divf %broadcast_in_dim3A_14, %div3A_16 : vector<1x128xf32>
    %sub3A_18 = vector.broadcast %div3A_10 : vector<1x128xf32> to vector<10000x128xf32>
    %sub3A_19 = arith.subf %get3A_1, %sub3A_18 : vector<10000x128xf32>
    %add3A = arith.constant 9.99999974E-6 : f32
    %add3A_20 = vector.broadcast %add3A : f32 to vector<1x128xf32>
    %add3A_21 = arith.addf %div3A_17, %add3A_20 : vector<1x128xf32>
    %rsqrt3A = math.rsqrt %add3A_21 : vector<1x128xf32>
    %mul3A = vector.broadcast %rsqrt3A : vector<1x128xf32> to vector<10000x128xf32>
    %mul3A_22 = arith.mulf %sub3A_19, %mul3A : vector<10000x128xf32>
    %mul3A_23 = vector.broadcast %get3A_4 : vector<1x128xf32> to vector<10000x128xf32>
    %mul3A_24 = arith.mulf %mul3A_22, %mul3A_23 : vector<10000x128xf32>
    %add3A_25 = vector.broadcast %get3A_7 : vector<1x128xf32> to vector<10000x128xf32>
    %add3A_26 = arith.addf %mul3A_24, %add3A_25 : vector<10000x128xf32>
    %get3A_27 = arith.constant 0 : index
    %get3A_28 = arith.constant 0 : index
    %get3A_29 = vector.load %arg3[%get3A_27, %get3A_28] : memref<128x128xf32, #tpu.memory_space<vmem>>, vector<128x128xf32>
    %dot_general3A = arith.constant dense<0.000000e+00> : vector<10000x128xf32>
    %dot_general3A_30 = tpu.matmul %add3A_26, %get3A_29, %dot_general3A {dimension_numbers = #tpu.dot_dimension_numbers<[1], [0], [0], [1], [0, 0, 1, 1], [], []>, transpose_lhs_hint = false} : vector<10000x128xf32>, vector<128x128xf32>, vector<10000x128xf32> -> vector<10000x128xf32>
    %max3A = arith.constant 0.000000e+00 : f32
    %max3A_31 = vector.broadcast %max3A : f32 to vector<10000x128xf32>
    %max3A_32 = arith.maximumf %dot_general3A_30, %max3A_31 : vector<10000x128xf32>
    %swap3A = arith.constant 0 : index
    %swap3A_33 = arith.constant 0 : index
    %swap3A_34 = vector.load %arg4[%swap3A, %swap3A_33] : memref<10000x128xf32, #tpu.memory_space<vmem>>, vector<10000x128xf32>
    tpu.vector_store %arg4[%swap3A, %swap3A_33], %max3A_32 {strides = array<i32>} : memref<10000x128xf32, #tpu.memory_space<vmem>>, vector<10000x128xf32>,
    return
  }
}

module attributes {stable_mosaic.version = 14 : i64} {
  func.func @_k_dinv(%arg0: memref<32x10016xf32, #tpu.memory_space<vmem>>, %arg1: memref<1x10016xf32, #tpu.memory_space<vmem>>) attributes {dimension_semantics = [], scalar_prefetch = 0 : i64, scratch_operands = 0 : i64, tpu.core_type = #tpu.core_type<tc>} {
    %get3A = arith.constant 0 : index
    %get3A_0 = arith.constant 0 : index
    %get3A_1 = vector.load %arg0[%get3A, %get3A_0] : memref<32x10016xf32, #tpu.memory_space<vmem>>, vector<32x10016xf32>
    %reduce_sum3A = arith.constant dense<0.000000e+00> : vector<10016xf32>
    %reduce_sum3A_2 = vector.multi_reduction <add>, %get3A_1, %reduce_sum3A [0] : vector<32x10016xf32> to vector<10016xf32>
    %broadcast_in_dim3A = vector.shape_cast %reduce_sum3A_2 : vector<10016xf32> to vector<1x10016xf32>
    %add3A = arith.constant 1.000000e+00 : f32
    %add3A_3 = vector.broadcast %add3A : f32 to vector<1x10016xf32>
    %add3A_4 = arith.addf %broadcast_in_dim3A, %add3A_3 : vector<1x10016xf32>
    %rsqrt3A = math.rsqrt %add3A_4 : vector<1x10016xf32>
    %swap3A = arith.constant 0 : index
    %swap3A_5 = arith.constant 0 : index
    %swap3A_6 = vector.load %arg1[%swap3A, %swap3A_5] : memref<1x10016xf32, #tpu.memory_space<vmem>>, vector<1x10016xf32>
    tpu.vector_store %arg1[%swap3A, %swap3A_5], %rsqrt3A {strides = array<i32>} : memref<1x10016xf32, #tpu.memory_space<vmem>>, vector<1x10016xf32>,
    return
  }
}

module attributes {stable_mosaic.version = 14 : i64} {
  func.func @_k_pre(%arg0: memref<10000x128xf32, #tpu.memory_space<vmem>>, %arg1: memref<1x128xf32, #tpu.memory_space<vmem>>, %arg2: memref<1x128xf32, #tpu.memory_space<vmem>>, %arg3: memref<128x128xf32, #tpu.memory_space<vmem>>, %arg4: memref<10000x1xf32, #tpu.memory_space<vmem>>, %arg5: memref<10000x128xf32, #tpu.memory_space<vmem>>) attributes {dimension_semantics = [], scalar_prefetch = 0 : i64, scratch_operands = 0 : i64, tpu.core_type = #tpu.core_type<tc>} {
    %get3A = arith.constant 0 : index
    %get3A_0 = arith.constant 0 : index
    %get3A_1 = vector.load %arg0[%get3A, %get3A_0] : memref<10000x128xf32, #tpu.memory_space<vmem>>, vector<10000x128xf32>
    %get3A_2 = arith.constant 0 : index
    %get3A_3 = arith.constant 0 : index
    %get3A_4 = vector.load %arg1[%get3A_2, %get3A_3] : memref<1x128xf32, #tpu.memory_space<vmem>>, vector<1x128xf32>
    %get3A_5 = arith.constant 0 : index
    %get3A_6 = arith.constant 0 : index
    %get3A_7 = vector.load %arg2[%get3A_5, %get3A_6] : memref<1x128xf32, #tpu.memory_space<vmem>>, vector<1x128xf32>
    %reduce_sum3A = arith.constant dense<0.000000e+00> : vector<128xf32>
    %reduce_sum3A_8 = vector.multi_reduction <add>, %get3A_1, %reduce_sum3A [0] : vector<10000x128xf32> to vector<128xf32>
    %broadcast_in_dim3A = vector.shape_cast %reduce_sum3A_8 : vector<128xf32> to vector<1x128xf32>
    %div3A = arith.constant 1.000000e+04 : f32
    %div3A_9 = vector.broadcast %div3A : f32 to vector<1x128xf32>
    %div3A_10 = arith.divf %broadcast_in_dim3A, %div3A_9 : vector<1x128xf32>
    %sub3A = vector.broadcast %div3A_10 : vector<1x128xf32> to vector<10000x128xf32>
    %sub3A_11 = arith.subf %get3A_1, %sub3A : vector<10000x128xf32>
    %integer_pow3A = arith.mulf %sub3A_11, %sub3A_11 : vector<10000x128xf32>
    %reduce_sum3A_12 = arith.constant dense<0.000000e+00> : vector<128xf32>
    %reduce_sum3A_13 = vector.multi_reduction <add>, %integer_pow3A, %reduce_sum3A_12 [0] : vector<10000x128xf32> to vector<128xf32>
    %broadcast_in_dim3A_14 = vector.shape_cast %reduce_sum3A_13 : vector<128xf32> to vector<1x128xf32>
    %div3A_15 = arith.constant 1.000000e+04 : f32
    %div3A_16 = vector.broadcast %div3A_15 : f32 to vector<1x128xf32>
    %div3A_17 = arith.divf %broadcast_in_dim3A_14, %div3A_16 : vector<1x128xf32>
    %sub3A_18 = vector.broadcast %div3A_10 : vector<1x128xf32> to vector<10000x128xf32>
    %sub3A_19 = arith.subf %get3A_1, %sub3A_18 : vector<10000x128xf32>
    %add3A = arith.constant 9.99999974E-6 : f32
    %add3A_20 = vector.broadcast %add3A : f32 to vector<1x128xf32>
    %add3A_21 = arith.addf %div3A_17, %add3A_20 : vector<1x128xf32>
    %rsqrt3A = math.rsqrt %add3A_21 : vector<1x128xf32>
    %mul3A = vector.broadcast %rsqrt3A : vector<1x128xf32> to vector<10000x128xf32>
    %mul3A_22 = arith.mulf %sub3A_19, %mul3A : vector<10000x128xf32>
    %mul3A_23 = vector.broadcast %get3A_4 : vector<1x128xf32> to vector<10000x128xf32>
    %mul3A_24 = arith.mulf %mul3A_22, %mul3A_23 : vector<10000x128xf32>
    %add3A_25 = vector.broadcast %get3A_7 : vector<1x128xf32> to vector<10000x128xf32>
    %add3A_26 = arith.addf %mul3A_24, %add3A_25 : vector<10000x128xf32>
    %get3A_27 = arith.constant 0 : index
    %get3A_28 = arith.constant 0 : index
    %get3A_29 = vector.load %arg3[%get3A_27, %get3A_28] : memref<128x128xf32, #tpu.memory_space<vmem>>, vector<128x128xf32>
    %dot_general3A = arith.constant dense<0.000000e+00> : vector<10000x128xf32>
    %dot_general3A_30 = tpu.matmul %add3A_26, %get3A_29, %dot_general3A {dimension_numbers = #tpu.dot_dimension_numbers<[1], [0], [0], [1], [0, 0, 1, 1], [], []>, transpose_lhs_hint = false} : vector<10000x128xf32>, vector<128x128xf32>, vector<10000x128xf32> -> vector<10000x128xf32>
    %get3A_31 = arith.constant 0 : index
    %get3A_32 = arith.constant 0 : index
    %get3A_33 = vector.load %arg4[%get3A_31, %get3A_32] : memref<10000x1xf32, #tpu.memory_space<vmem>>, vector<10000x1xf32>
    %mul3A_34 = vector.broadcast %get3A_33 : vector<10000x1xf32> to vector<10000x128xf32>
    %mul3A_35 = arith.mulf %mul3A_34, %dot_general3A_30 : vector<10000x128xf32>
    %swap3A = arith.constant 0 : index
    %swap3A_36 = arith.constant 0 : index
    %swap3A_37 = vector.load %arg5[%swap3A, %swap3A_36] : memref<10000x128xf32, #tpu.memory_space<vmem>>, vector<10000x128xf32>
    tpu.vector_store %arg5[%swap3A, %swap3A_36], %mul3A_35 {strides = array<i32>} : memref<10000x128xf32, #tpu.memory_space<vmem>>, vector<10000x128xf32>,
    return
  }
}

module attributes {stable_mosaic.version = 14 : i64} {
  func.func @_k_mid(%arg0: memref<10000x128xf32, #tpu.memory_space<vmem>>, %arg1: memref<2x10240x128xf32, #tpu.memory_space<vmem>>, %arg2: memref<10000x128xf32, #tpu.memory_space<vmem>>, %arg3: memref<10000x1xf32, #tpu.memory_space<vmem>>, %arg4: memref<1x128xf32, #tpu.memory_space<vmem>>, %arg5: memref<1x128xf32, #tpu.memory_space<vmem>>, %arg6: memref<1x128xf32, #tpu.memory_space<vmem>>, %arg7: memref<128x128xf32, #tpu.memory_space<vmem>>, %arg8: memref<10000x128xf32, #tpu.memory_space<vmem>>, %arg9: memref<10000x128xf32, #tpu.memory_space<vmem>>) attributes {dimension_semantics = [], scalar_prefetch = 0 : i64, scratch_operands = 0 : i64, tpu.core_type = #tpu.core_type<tc>} {
    %get3A = arith.constant 0 : index
    %get3A_0 = arith.constant 0 : index
    %get3A_1 = vector.load %arg3[%get3A, %get3A_0] : memref<10000x1xf32, #tpu.memory_space<vmem>>, vector<10000x1xf32>
    %get3A_2 = arith.constant 0 : index
    %get3A_3 = arith.constant 0 : index
    %get3A_4 = arith.constant 0 : index
    %get3A_5 = vector.load %arg1[%get3A_2, %get3A_3, %get3A_4] : memref<2x10240x128xf32, #tpu.memory_space<vmem>>, vector<1x10000x128xf32>
    %get3A_6 = vector.shape_cast %get3A_5 : vector<1x10000x128xf32> to vector<10000x128xf32>
    %get3A_7 = arith.constant 1 : index
    %get3A_8 = arith.constant 0 : index
    %get3A_9 = arith.constant 0 : index
    %get3A_10 = vector.load %arg1[%get3A_7, %get3A_8, %get3A_9] : memref<2x10240x128xf32, #tpu.memory_space<vmem>>, vector<1x10000x128xf32>
    %get3A_11 = vector.shape_cast %get3A_10 : vector<1x10000x128xf32> to vector<10000x128xf32>
    %add3A = arith.addf %get3A_6, %get3A_11 : vector<10000x128xf32>
    %get3A_12 = arith.constant 0 : index
    %get3A_13 = arith.constant 0 : index
    %get3A_14 = vector.load %arg2[%get3A_12, %get3A_13] : memref<10000x128xf32, #tpu.memory_space<vmem>>, vector<10000x128xf32>
    %add3A_15 = arith.addf %add3A, %get3A_14 : vector<10000x128xf32>
    %mul3A = vector.broadcast %get3A_1 : vector<10000x1xf32> to vector<10000x128xf32>
    %mul3A_16 = arith.mulf %mul3A, %add3A_15 : vector<10000x128xf32>
    %get3A_17 = arith.constant 0 : index
    %get3A_18 = arith.constant 0 : index
    %get3A_19 = vector.load %arg4[%get3A_17, %get3A_18] : memref<1x128xf32, #tpu.memory_space<vmem>>, vector<1x128xf32>
    %add3A_20 = vector.broadcast %get3A_19 : vector<1x128xf32> to vector<10000x128xf32>
    %add3A_21 = arith.addf %mul3A_16, %add3A_20 : vector<10000x128xf32>
    %get3A_22 = arith.constant 0 : index
    %get3A_23 = arith.constant 0 : index
    %get3A_24 = vector.load %arg0[%get3A_22, %get3A_23] : memref<10000x128xf32, #tpu.memory_space<vmem>>, vector<10000x128xf32>
    %max3A = arith.constant 0.000000e+00 : f32
    %max3A_25 = vector.broadcast %max3A : f32 to vector<10000x128xf32>
    %max3A_26 = arith.maximumf %add3A_21, %max3A_25 : vector<10000x128xf32>
    %add3A_27 = arith.addf %get3A_24, %max3A_26 : vector<10000x128xf32>
    %swap3A = arith.constant 0 : index
    %swap3A_28 = arith.constant 0 : index
    %swap3A_29 = vector.load %arg8[%swap3A, %swap3A_28] : memref<10000x128xf32, #tpu.memory_space<vmem>>, vector<10000x128xf32>
    tpu.vector_store %arg8[%swap3A, %swap3A_28], %add3A_27 {strides = array<i32>} : memref<10000x128xf32, #tpu.memory_space<vmem>>, vector<10000x128xf32>,
    %get3A_30 = arith.constant 0 : index
    %get3A_31 = arith.constant 0 : index
    %get3A_32 = vector.load %arg5[%get3A_30, %get3A_31] : memref<1x128xf32, #tpu.memory_space<vmem>>, vector<1x128xf32>
    %get3A_33 = arith.constant 0 : index
    %get3A_34 = arith.constant 0 : index
    %get3A_35 = vector.load %arg6[%get3A_33, %get3A_34] : memref<1x128xf32, #tpu.memory_space<vmem>>, vector<1x128xf32>
    %reduce_sum3A = arith.constant dense<0.000000e+00> : vector<128xf32>
    %reduce_sum3A_36 = vector.multi_reduction <add>, %add3A_27, %reduce_sum3A [0] : vector<10000x128xf32> to vector<128xf32>
    %broadcast_in_dim3A = vector.shape_cast %reduce_sum3A_36 : vector<128xf32> to vector<1x128xf32>
    %div3A = arith.constant 1.000000e+04 : f32
    %div3A_37 = vector.broadcast %div3A : f32 to vector<1x128xf32>
    %div3A_38 = arith.divf %broadcast_in_dim3A, %div3A_37 : vector<1x128xf32>
    %sub3A = vector.broadcast %div3A_38 : vector<1x128xf32> to vector<10000x128xf32>
    %sub3A_39 = arith.subf %add3A_27, %sub3A : vector<10000x128xf32>
    %integer_pow3A = arith.mulf %sub3A_39, %sub3A_39 : vector<10000x128xf32>
    %reduce_sum3A_40 = arith.constant dense<0.000000e+00> : vector<128xf32>
    %reduce_sum3A_41 = vector.multi_reduction <add>, %integer_pow3A, %reduce_sum3A_40 [0] : vector<10000x128xf32> to vector<128xf32>
    %broadcast_in_dim3A_42 = vector.shape_cast %reduce_sum3A_41 : vector<128xf32> to vector<1x128xf32>
    %div3A_43 = arith.constant 1.000000e+04 : f32
    %div3A_44 = vector.broadcast %div3A_43 : f32 to vector<1x128xf32>
    %div3A_45 = arith.divf %broadcast_in_dim3A_42, %div3A_44 : vector<1x128xf32>
    %sub3A_46 = vector.broadcast %div3A_38 : vector<1x128xf32> to vector<10000x128xf32>
    %sub3A_47 = arith.subf %add3A_27, %sub3A_46 : vector<10000x128xf32>
    %add3A_48 = arith.constant 9.99999974E-6 : f32
    %add3A_49 = vector.broadcast %add3A_48 : f32 to vector<1x128xf32>
    %add3A_50 = arith.addf %div3A_45, %add3A_49 : vector<1x128xf32>
    %rsqrt3A = math.rsqrt %add3A_50 : vector<1x128xf32>
    %mul3A_51 = vector.broadcast %rsqrt3A : vector<1x128xf32> to vector<10000x128xf32>
    %mul3A_52 = arith.mulf %sub3A_47, %mul3A_51 : vector<10000x128xf32>
    %mul3A_53 = vector.broadcast %get3A_32 : vector<1x128xf32> to vector<10000x128xf32>
    %mul3A_54 = arith.mulf %mul3A_52, %mul3A_53 : vector<10000x128xf32>
    %add3A_55 = vector.broadcast %get3A_35 : vector<1x128xf32> to vector<10000x128xf32>
    %add3A_56 = arith.addf %mul3A_54, %add3A_55 : vector<10000x128xf32>
    %get3A_57 = arith.constant 0 : index
    %get3A_58 = arith.constant 0 : index
    %get3A_59 = vector.load %arg7[%get3A_57, %get3A_58] : memref<128x128xf32, #tpu.memory_space<vmem>>, vector<128x128xf32>
    %dot_general3A = arith.constant dense<0.000000e+00> : vector<10000x128xf32>
    %dot_general3A_60 = tpu.matmul %add3A_56, %get3A_59, %dot_general3A {dimension_numbers = #tpu.dot_dimension_numbers<[1], [0], [0], [1], [0, 0, 1, 1], [], []>, transpose_lhs_hint = false} : vector<10000x128xf32>, vector<128x128xf32>, vector<10000x128xf32> -> vector<10000x128xf32>
    %mul3A_61 = vector.broadcast %get3A_1 : vector<10000x1xf32> to vector<10000x128xf32>
    %mul3A_62 = arith.mulf %mul3A_61, %dot_general3A_60 : vector<10000x128xf32>
    %swap3A_63 = arith.constant 0 : index
    %swap3A_64 = arith.constant 0 : index
    %swap3A_65 = vector.load %arg9[%swap3A_63, %swap3A_64] : memref<10000x128xf32, #tpu.memory_space<vmem>>, vector<10000x128xf32>
    tpu.vector_store %arg9[%swap3A_63, %swap3A_64], %mul3A_62 {strides = array<i32>} : memref<10000x128xf32, #tpu.memory_space<vmem>>, vector<10000x128xf32>,
    return
  }
}

module attributes {stable_mosaic.version = 14 : i64} {
  func.func @_k_last(%arg0: memref<10000x128xf32, #tpu.memory_space<vmem>>, %arg1: memref<2x10240x128xf32, #tpu.memory_space<vmem>>, %arg2: memref<10000x128xf32, #tpu.memory_space<vmem>>, %arg3: memref<10000x1xf32, #tpu.memory_space<vmem>>, %arg4: memref<1x128xf32, #tpu.memory_space<vmem>>, %arg5: memref<10000x128xf32, #tpu.memory_space<vmem>>) attributes {dimension_semantics = [], scalar_prefetch = 0 : i64, scratch_operands = 0 : i64, tpu.core_type = #tpu.core_type<tc>} {
    %get3A = arith.constant 0 : index
    %get3A_0 = arith.constant 0 : index
    %get3A_1 = vector.load %arg3[%get3A, %get3A_0] : memref<10000x1xf32, #tpu.memory_space<vmem>>, vector<10000x1xf32>
    %get3A_2 = arith.constant 0 : index
    %get3A_3 = arith.constant 0 : index
    %get3A_4 = arith.constant 0 : index
    %get3A_5 = vector.load %arg1[%get3A_2, %get3A_3, %get3A_4] : memref<2x10240x128xf32, #tpu.memory_space<vmem>>, vector<1x10000x128xf32>
    %get3A_6 = vector.shape_cast %get3A_5 : vector<1x10000x128xf32> to vector<10000x128xf32>
    %get3A_7 = arith.constant 1 : index
    %get3A_8 = arith.constant 0 : index
    %get3A_9 = arith.constant 0 : index
    %get3A_10 = vector.load %arg1[%get3A_7, %get3A_8, %get3A_9] : memref<2x10240x128xf32, #tpu.memory_space<vmem>>, vector<1x10000x128xf32>
    %get3A_11 = vector.shape_cast %get3A_10 : vector<1x10000x128xf32> to vector<10000x128xf32>
    %add3A = arith.addf %get3A_6, %get3A_11 : vector<10000x128xf32>
    %get3A_12 = arith.constant 0 : index
    %get3A_13 = arith.constant 0 : index
    %get3A_14 = vector.load %arg2[%get3A_12, %get3A_13] : memref<10000x128xf32, #tpu.memory_space<vmem>>, vector<10000x128xf32>
    %add3A_15 = arith.addf %add3A, %get3A_14 : vector<10000x128xf32>
    %mul3A = vector.broadcast %get3A_1 : vector<10000x1xf32> to vector<10000x128xf32>
    %mul3A_16 = arith.mulf %mul3A, %add3A_15 : vector<10000x128xf32>
    %get3A_17 = arith.constant 0 : index
    %get3A_18 = arith.constant 0 : index
    %get3A_19 = vector.load %arg4[%get3A_17, %get3A_18] : memref<1x128xf32, #tpu.memory_space<vmem>>, vector<1x128xf32>
    %add3A_20 = vector.broadcast %get3A_19 : vector<1x128xf32> to vector<10000x128xf32>
    %add3A_21 = arith.addf %mul3A_16, %add3A_20 : vector<10000x128xf32>
    %get3A_22 = arith.constant 0 : index
    %get3A_23 = arith.constant 0 : index
    %get3A_24 = vector.load %arg0[%get3A_22, %get3A_23] : memref<10000x128xf32, #tpu.memory_space<vmem>>, vector<10000x128xf32>
    %max3A = arith.constant 0.000000e+00 : f32
    %max3A_25 = vector.broadcast %max3A : f32 to vector<10000x128xf32>
    %max3A_26 = arith.maximumf %add3A_21, %max3A_25 : vector<10000x128xf32>
    %add3A_27 = arith.addf %get3A_24, %max3A_26 : vector<10000x128xf32>
    %swap3A = arith.constant 0 : index
    %swap3A_28 = arith.constant 0 : index
    %swap3A_29 = vector.load %arg5[%swap3A, %swap3A_28] : memref<10000x128xf32, #tpu.memory_space<vmem>>, vector<10000x128xf32>
    tpu.vector_store %arg5[%swap3A, %swap3A_28], %add3A_27 {strides = array<i32>} : memref<10000x128xf32, #tpu.memory_space<vmem>>, vector<10000x128xf32>,
    return
  }
}

module attributes {stable_mosaic.version = 14 : i64} {
  func.func @_k_head(%arg0: memref<10000x128xf32, #tpu.memory_space<vmem>>, %arg1: memref<10000x1xi32, #tpu.memory_space<vmem>>, %arg2: memref<1x128xf32, #tpu.memory_space<vmem>>, %arg3: memref<1x128xf32, #tpu.memory_space<vmem>>, %arg4: memref<128x128xf32, #tpu.memory_space<vmem>>, %arg5: memref<1x128xf32, #tpu.memory_space<vmem>>, %arg6: memref<1x128xf32, #tpu.memory_space<vmem>>, %arg7: memref<1x128xf32, #tpu.memory_space<vmem>>, %arg8: memref<128x128xf32, #tpu.memory_space<vmem>>, %arg9: memref<1x128xf32, #tpu.memory_space<vmem>>, %arg10: memref<128x128xf32, #tpu.memory_space<vmem>>) attributes {dimension_semantics = [], scalar_prefetch = 0 : i64, scratch_operands = 0 : i64, tpu.core_type = #tpu.core_type<tc>} {
    %get3A = arith.constant 0 : index
    %get3A_0 = arith.constant 0 : index
    %get3A_1 = vector.load %arg1[%get3A, %get3A_0] : memref<10000x1xi32, #tpu.memory_space<vmem>>, vector<10000x1xi32>
    %iota3A = tpu.iota {dimensions = array<i32: 1>} : vector<10000x128xi32>
    %eq3A = vector.broadcast %get3A_1 : vector<10000x1xi32> to vector<10000x128xi32>
    %eq3A_2 = arith.cmpi eq, %eq3A, %iota3A : vector<10000x128xi32>
    %convert_element_type3A = arith.extui %eq3A_2 : vector<10000x128xi1> to vector<10000x128xi32>
    %convert_element_type3A_3 = arith.sitofp %convert_element_type3A : vector<10000x128xi32> to vector<10000x128xf32>
    %get3A_4 = arith.constant 0 : index
    %get3A_5 = arith.constant 0 : index
    %get3A_6 = vector.load %arg0[%get3A_4, %get3A_5] : memref<10000x128xf32, #tpu.memory_space<vmem>>, vector<10000x128xf32>
    %dot_general3A = arith.constant dense<0.000000e+00> : vector<128x128xf32>
    %dot_general3A_7 = tpu.matmul %convert_element_type3A_3, %get3A_6, %dot_general3A {dimension_numbers = #tpu.dot_dimension_numbers<[0], [0], [1], [1], [0, 1, 1, 1], [], []>, transpose_lhs_hint = false} : vector<10000x128xf32>, vector<10000x128xf32>, vector<128x128xf32> -> vector<128x128xf32>
    %get3A_8 = arith.constant 0 : index
    %get3A_9 = arith.constant 0 : index
    %get3A_10 = vector.load %arg2[%get3A_8, %get3A_9] : memref<1x128xf32, #tpu.memory_space<vmem>>, vector<1x128xf32>
    %get3A_11 = arith.constant 0 : index
    %get3A_12 = arith.constant 0 : index
    %get3A_13 = vector.load %arg3[%get3A_11, %get3A_12] : memref<1x128xf32, #tpu.memory_space<vmem>>, vector<1x128xf32>
    %reduce_sum3A = arith.constant dense<0.000000e+00> : vector<128xf32>
    %reduce_sum3A_14 = vector.multi_reduction <add>, %dot_general3A_7, %reduce_sum3A [0] : vector<128x128xf32> to vector<128xf32>
    %broadcast_in_dim3A = vector.shape_cast %reduce_sum3A_14 : vector<128xf32> to vector<1x128xf32>
    %div3A = arith.constant 1.280000e+02 : f32
    %div3A_15 = vector.broadcast %div3A : f32 to vector<1x128xf32>
    %div3A_16 = arith.divf %broadcast_in_dim3A, %div3A_15 : vector<1x128xf32>
    %sub3A = vector.broadcast %div3A_16 : vector<1x128xf32> to vector<128x128xf32>
    %sub3A_17 = arith.subf %dot_general3A_7, %sub3A : vector<128x128xf32>
    %integer_pow3A = arith.mulf %sub3A_17, %sub3A_17 : vector<128x128xf32>
    %reduce_sum3A_18 = arith.constant dense<0.000000e+00> : vector<128xf32>
    %reduce_sum3A_19 = vector.multi_reduction <add>, %integer_pow3A, %reduce_sum3A_18 [0] : vector<128x128xf32> to vector<128xf32>
    %broadcast_in_dim3A_20 = vector.shape_cast %reduce_sum3A_19 : vector<128xf32> to vector<1x128xf32>
    %div3A_21 = arith.constant 1.280000e+02 : f32
    %div3A_22 = vector.broadcast %div3A_21 : f32 to vector<1x128xf32>
    %div3A_23 = arith.divf %broadcast_in_dim3A_20, %div3A_22 : vector<1x128xf32>
    %sub3A_24 = vector.broadcast %div3A_16 : vector<1x128xf32> to vector<128x128xf32>
    %sub3A_25 = arith.subf %dot_general3A_7, %sub3A_24 : vector<128x128xf32>
    %add3A = arith.constant 9.99999974E-6 : f32
    %add3A_26 = vector.broadcast %add3A : f32 to vector<1x128xf32>
    %add3A_27 = arith.addf %div3A_23, %add3A_26 : vector<1x128xf32>
    %rsqrt3A = math.rsqrt %add3A_27 : vector<1x128xf32>
    %mul3A = vector.broadcast %rsqrt3A : vector<1x128xf32> to vector<128x128xf32>
    %mul3A_28 = arith.mulf %sub3A_25, %mul3A : vector<128x128xf32>
    %mul3A_29 = vector.broadcast %get3A_10 : vector<1x128xf32> to vector<128x128xf32>
    %mul3A_30 = arith.mulf %mul3A_28, %mul3A_29 : vector<128x128xf32>
    %add3A_31 = vector.broadcast %get3A_13 : vector<1x128xf32> to vector<128x128xf32>
    %add3A_32 = arith.addf %mul3A_30, %add3A_31 : vector<128x128xf32>
    %get3A_33 = arith.constant 0 : index
    %get3A_34 = arith.constant 0 : index
    %get3A_35 = vector.load %arg4[%get3A_33, %get3A_34] : memref<128x128xf32, #tpu.memory_space<vmem>>, vector<128x128xf32>
    %dot_general3A_36 = arith.constant dense<0.000000e+00> : vector<128x128xf32>
    %dot_general3A_37 = tpu.matmul %add3A_32, %get3A_35, %dot_general3A_36 {dimension_numbers = #tpu.dot_dimension_numbers<[1], [0], [0], [1], [0, 0, 1, 1], [], []>, transpose_lhs_hint = false} : vector<128x128xf32>, vector<128x128xf32>, vector<128x128xf32> -> vector<128x128xf32>
    %get3A_38 = arith.constant 0 : index
    %get3A_39 = arith.constant 0 : index
    %get3A_40 = vector.load %arg5[%get3A_38, %get3A_39] : memref<1x128xf32, #tpu.memory_space<vmem>>, vector<1x128xf32>
    %add3A_41 = vector.broadcast %get3A_40 : vector<1x128xf32> to vector<128x128xf32>
    %add3A_42 = arith.addf %dot_general3A_37, %add3A_41 : vector<128x128xf32>
    %max3A = arith.constant 0.000000e+00 : f32
    %max3A_43 = vector.broadcast %max3A : f32 to vector<128x128xf32>
    %max3A_44 = arith.maximumf %add3A_42, %max3A_43 : vector<128x128xf32>
    %get3A_45 = arith.constant 0 : index
    %get3A_46 = arith.constant 0 : index
    %get3A_47 = vector.load %arg6[%get3A_45, %get3A_46] : memref<1x128xf32, #tpu.memory_space<vmem>>, vector<1x128xf32>
    %get3A_48 = arith.constant 0 : index
    %get3A_49 = arith.constant 0 : index
    %get3A_50 = vector.load %arg7[%get3A_48, %get3A_49] : memref<1x128xf32, #tpu.memory_space<vmem>>, vector<1x128xf32>
    %reduce_sum3A_51 = arith.constant dense<0.000000e+00> : vector<128xf32>
    %reduce_sum3A_52 = vector.multi_reduction <add>, %max3A_44, %reduce_sum3A_51 [0] : vector<128x128xf32> to vector<128xf32>
    %broadcast_in_dim3A_53 = vector.shape_cast %reduce_sum3A_52 : vector<128xf32> to vector<1x128xf32>
    %div3A_54 = arith.constant 1.280000e+02 : f32
    %div3A_55 = vector.broadcast %div3A_54 : f32 to vector<1x128xf32>
    %div3A_56 = arith.divf %broadcast_in_dim3A_53, %div3A_55 : vector<1x128xf32>
    %sub3A_57 = vector.broadcast %div3A_56 : vector<1x128xf32> to vector<128x128xf32>
    %sub3A_58 = arith.subf %max3A_44, %sub3A_57 : vector<128x128xf32>
    %integer_pow3A_59 = arith.mulf %sub3A_58, %sub3A_58 : vector<128x128xf32>
    %reduce_sum3A_60 = arith.constant dense<0.000000e+00> : vector<128xf32>
    %reduce_sum3A_61 = vector.multi_reduction <add>, %integer_pow3A_59, %reduce_sum3A_60 [0] : vector<128x128xf32> to vector<128xf32>
    %broadcast_in_dim3A_62 = vector.shape_cast %reduce_sum3A_61 : vector<128xf32> to vector<1x128xf32>
    %div3A_63 = arith.constant 1.280000e+02 : f32
    %div3A_64 = vector.broadcast %div3A_63 : f32 to vector<1x128xf32>
    %div3A_65 = arith.divf %broadcast_in_dim3A_62, %div3A_64 : vector<1x128xf32>
    %sub3A_66 = vector.broadcast %div3A_56 : vector<1x128xf32> to vector<128x128xf32>
    %sub3A_67 = arith.subf %max3A_44, %sub3A_66 : vector<128x128xf32>
    %add3A_68 = arith.constant 9.99999974E-6 : f32
    %add3A_69 = vector.broadcast %add3A_68 : f32 to vector<1x128xf32>
    %add3A_70 = arith.addf %div3A_65, %add3A_69 : vector<1x128xf32>
    %rsqrt3A_71 = math.rsqrt %add3A_70 : vector<1x128xf32>
    %mul3A_72 = vector.broadcast %rsqrt3A_71 : vector<1x128xf32> to vector<128x128xf32>
    %mul3A_73 = arith.mulf %sub3A_67, %mul3A_72 : vector<128x128xf32>
    %mul3A_74 = vector.broadcast %get3A_47 : vector<1x128xf32> to vector<128x128xf32>
    %mul3A_75 = arith.mulf %mul3A_73, %mul3A_74 : vector<128x128xf32>
    %add3A_76 = vector.broadcast %get3A_50 : vector<1x128xf32> to vector<128x128xf32>
    %add3A_77 = arith.addf %mul3A_75, %add3A_76 : vector<128x128xf32>
    %get3A_78 = arith.constant 0 : index
    %get3A_79 = arith.constant 0 : index
    %get3A_80 = vector.load %arg8[%get3A_78, %get3A_79] : memref<128x128xf32, #tpu.memory_space<vmem>>, vector<128x128xf32>
    %dot_general3A_81 = arith.constant dense<0.000000e+00> : vector<128x128xf32>
    %dot_general3A_82 = tpu.matmul %add3A_77, %get3A_80, %dot_general3A_81 {dimension_numbers = #tpu.dot_dimension_numbers<[1], [0], [0], [1], [0, 0, 1, 1], [], []>, transpose_lhs_hint = false} : vector<128x128xf32>, vector<128x128xf32>, vector<128x128xf32> -> vector<128x128xf32>
    %get3A_83 = arith.constant 0 : index
    %get3A_84 = arith.constant 0 : index
    %get3A_85 = vector.load %arg9[%get3A_83, %get3A_84] : memref<1x128xf32, #tpu.memory_space<vmem>>, vector<1x128xf32>
    %add3A_86 = vector.broadcast %get3A_85 : vector<1x128xf32> to vector<128x128xf32>
    %add3A_87 = arith.addf %dot_general3A_82, %add3A_86 : vector<128x128xf32>
    %reduce_max3A = arith.constant dense<0xFF800000> : vector<128xf32>
    %reduce_max3A_88 = vector.multi_reduction <maximumf>, %add3A_87, %reduce_max3A [1] : vector<128x128xf32> to vector<128xf32>
    %broadcast_in_dim3A_89 = vector.shape_cast %reduce_max3A_88 : vector<128xf32> to vector<128x1xf32>
    %sub3A_90 = vector.broadcast %broadcast_in_dim3A_89 : vector<128x1xf32> to vector<128x128xf32>
    %sub3A_91 = arith.subf %add3A_87, %sub3A_90 : vector<128x128xf32>
    %exp3A = math.exp %sub3A_91 : vector<128x128xf32>
    %reduce_sum3A_92 = arith.constant dense<0.000000e+00> : vector<128xf32>
    %reduce_sum3A_93 = vector.multi_reduction <add>, %exp3A, %reduce_sum3A_92 [1] : vector<128x128xf32> to vector<128xf32>
    %broadcast_in_dim3A_94 = vector.shape_cast %reduce_sum3A_93 : vector<128xf32> to vector<128x1xf32>
    %log3A = math.log %broadcast_in_dim3A_94 : vector<128x1xf32>
    %add3A_95 = arith.addf %log3A, %broadcast_in_dim3A_89 : vector<128x1xf32>
    %sub3A_96 = vector.broadcast %add3A_95 : vector<128x1xf32> to vector<128x128xf32>
    %sub3A_97 = arith.subf %add3A_87, %sub3A_96 : vector<128x128xf32>
    %swap3A = arith.constant 0 : index
    %swap3A_98 = arith.constant 0 : index
    %swap3A_99 = vector.load %arg10[%swap3A, %swap3A_98] : memref<128x128xf32, #tpu.memory_space<vmem>>, vector<128x128xf32>
    tpu.vector_store %arg10[%swap3A, %swap3A_98], %sub3A_97 {strides = array<i32>} : memref<128x128xf32, #tpu.memory_space<vmem>>, vector<128x128xf32>,
    return
  }
}

</mosaic_0001>

<sc_bundles>
// kernel: kernel.13.cloned.1.call-start
scs
__scs_entry_jumppad:
0x0: {  	(pc) =	sbr.rel $0x88, $3  }
0x1: {  	(tag) =	ssettag $0x0;
	lr =	simm.s32 $0x1  }
0x2: {  	[smem:$0x3F8F] =	sst lr;
	_ =	strace $0xD0000000  }
0x3: {  	_ = 	snop  }
0x4: {  	_ = 	snop  }
0x5: {  	_ = 	snop  }
0x6: {  	_ = 	snop  }
0x7: {  	_ = 	snop  }
__scs_overlays_trampoline_lowered:
0x8: {  	[smem:$0x3F9E] =	sst s0  }
0x9: {  	[smem:$0x3F9F] =	sst s1  }
0xa: {  	[smem:$0x3FA0] =	sst s2  }
0xb: {  	[smem:$0x3FA1] =	sst s3  }
0xc: {  	[smem:$0x3FA2] =	sst s4  }
0xd: {  	[smem:$0x3FA3] =	sst s5  }
0xe: {  	[smem:$0x3FA4] =	sst s6  }
0xf: {  	[smem:$0x3FA5] =	sst s7  }
0x10: {  	[smem:$0x3FA6] =	sst s8  }
0x11: {  	[smem:$0x3FA7] =	sst s9;
	s0 =	simm.s32 @!p0 $0x0  }
0x12: {  	s1 =	sld [smem:$0x3F8D];
	s0 =	simm.s32 @p0 $0x1  }
0x13: {  	[smem:$0x3FA8] =	sst s0;
	s0 =	simm.s32 @!p1 $0x0  }
0x14: {  	s2 =	sld [smem:$0x3F8C];
	s0 =	simm.s32 @p1 $0x1  }
0x15: {  	[smem:$0x3FA9] =	sst s0;
	s0 =	simm.s32 @!p2 $0x0  }
0x16: {  	s3 =	sld [smem:$0x3FDB];
	s0 =	simm.s32 @p2 $0x1  }
0x17: {  	s4 =	simm.s32 $0x1BF5;
	[smem:$0x3FAB] =	sst s0  }
0x18: {  	s0 =	sld [smem:$0x3F8E];
	_ =	swait.ge [sflag:s4], $0x0  }
0x19: {  	s7 =	sld [smem:$0x3F8F]  }
0x1a: {  	s8 =	sadd.s32 $0xFFFFE003, lr  }
0x1b: {  	s9 =	sadd.s32 $0xFFFFFEF7, lr;
	s5 =	simm.s32 $0xFFFFFFFF;
	p2 =	slt.u32 s8, $0xFFFFF086  }
0x1c: {  	p1 =	slt.u32 s9, $0xF7A;
	s5 =	simm.s32 @!p2 $0x0  }
0x1d: {  	s5 =	simm.s32 @p1 $0x1;
	p0 =	seq.s32 s7, s2  }
0x1e: {  	s7 =	smul.u32 @!p0 $0xF7A, s2;
	p2 =	seq.s32 @!p0 s5, $0x0  }
0x1f: {  	s9 =	smul.u32 $0xF7A, s1;
	s8 =	simm.s32 @!p0 $0x1BF5;
	p2 =	por !p2, p0  }
0x20: {  	[sflag:s8] =	ssyncset.s32 @!p0 $0xFFFFF086;
	s6 =	sadd.s32 @!p0 s3, s7;
	s7 =	simm.s32 @!p0 $0x108  }
0x21: {  	s3 =	sadd.s32 s3, s9;
	s6 =	sadd.s32 @!p0 $0x88, s6;
	s7 =	simm.s32 @p2 $0x1082  }
0x22: {  	[simem:s7], [sflag:s8] =	dma.local @!p0 [hbm:s6], $0xF7A  }
0x23: {  	s9 =	sor.u32 $0xD0000000, s2;
	s6 =	simm.s32 $0x108;
	_ =	swait.ge @!p0 [sflag:s8], $0x0  }
0x24: {  	s3 =	sadd.s32 $0x88, s3;
	s6 =	simm.s32 @!p1 $0x1082;
	[sflag:s4] =	ssyncset.s32 $0xFFFFF086  }
0x25: {  	[simem:s6], [sflag:s4] =	dma.local [hbm:s3], $0xF7A  }
0x26: {  	[smem:$0x3F8F] =	sst s1;
	(tag) =	ssettag s2;
	_ =	strace s9  }
0x27: {  	s1 =	sld [smem:$0x3F9F]  }
0x28: {  	s2 =	sld [smem:$0x3FA0]  }
0x29: {  	s4 =	sld [smem:$0x3FA2]  }
0x2a: {  	p0 =	seq.s32 s5, $0x0;
	s5 =	sld [smem:$0x3FA3]  }
0x2b: {  	s6 =	sld [smem:$0x3FA4]  }
0x2c: {  	s7 =	sld [smem:$0x3FA5]  }
0x2d: {  	s3 =	simm.s32 $0x108;
	s8 =	sld [smem:$0x3FA6]  }
0x2e: {  	s3 =	simm.s32 @!p0 $0x1082;
	s9 =	sld [smem:$0x3FA7]  }
0x2f: {  	lr =	sadd.s32 s0, s3;
	s0 =	sld [smem:$0x3F9E]  }
0x30: {  	s3 =	sld [smem:$0x3FA1]  }
0x31: {  	[smem:$0x3FAA] =	sst s10  }
0x32: {  	s10 =	sld [smem:$0x3FA8];
	_ =	sdelay $0x3  }
0x33: {  	p0 =	seq.s32 s10, $0x1;
	s10 =	sld [smem:$0x3FAA];
	_ =	sdelay $0x3  }
0x34: {  	[smem:$0x3FAA] =	sst s10  }
0x35: {  	s10 =	sld [smem:$0x3FA9];
	_ =	sdelay $0x3  }
0x36: {  	p1 =	seq.s32 s10, $0x1;
	s10 =	sld [smem:$0x3FAA];
	_ =	sdelay $0x3  }
0x37: {  	[smem:$0x3FAA] =	sst s10  }
0x38: {  	s10 =	sld [smem:$0x3FAB]  }
0x39: {  	_ = 	snop;
	(pc) =	sbr.ind lr, $3  }
0x3a: {  	_ = 	snop  }
0x3b: {  	_ = 	snop  }
0x3c: {  	p2 =	seq.s32 s10, $0x1;
	s10 =	sld [smem:$0x3FAA]  }
0x3d: {  	_ =	shalt  }
0x3e: {  	_ =	shalt  }
0x3f: {  	_ =	shalt  }
0x40: {  	_ =	shalt  }
0x41: {  	_ =	shalt  }
0x42: {  	_ =	shalt  }
0x43: {  	_ =	shalt  }
0x44: {  	_ =	shalt  }
0x45: {  	_ =	shalt  }
0x46: {  	_ =	shalt  }
0x47: {  	_ =	shalt  }
0x48: {  	_ =	shalt  }
0x49: {  	_ =	shalt  }
0x4a: {  	_ =	shalt  }
0x4b: {  	_ =	shalt  }
0x4c: {  	_ =	shalt  }
0x4d: {  	_ =	shalt  }
0x4e: {  	_ =	shalt  }
0x4f: {  	_ =	shalt  }
0x50: {  	_ =	shalt  }
0x51: {  	_ =	shalt  }
0x52: {  	_ =	shalt  }
0x53: {  	_ =	shalt  }
0x54: {  	_ =	shalt  }
0x55: {  	_ =	shalt  }
0x56: {  	_ =	shalt  }
0x57: {  	_ =	shalt  }
0x58: {  	_ =	shalt  }
0x59: {  	_ =	shalt  }
0x5a: {  	_ =	shalt  }
0x5b: {  	_ =	shalt  }
0x5c: {  	_ =	shalt  }
0x5d: {  	_ =	shalt  }
0x5e: {  	_ =	shalt  }
0x5f: {  	_ =	shalt  }
0x60: {  	_ =	shalt  }
0x61: {  	_ =	shalt  }
0x62: {  	_ =	shalt  }
0x63: {  	_ =	shalt  }
0x64: {  	_ =	shalt  }
0x65: {  	_ =	shalt  }
0x66: {  	_ =	shalt  }
0x67: {  	_ =	shalt  }
0x68: {  	_ =	shalt  }
0x69: {  	_ =	shalt  }
0x6a: {  	_ =	shalt  }
0x6b: {  	_ =	shalt  }
0x6c: {  	_ =	shalt  }
0x6d: {  	_ =	shalt  }
0x6e: {  	_ =	shalt  }
0x6f: {  	_ =	shalt  }
0x70: {  	_ =	shalt  }
0x71: {  	_ =	shalt  }
0x72: {  	_ =	shalt  }
0x73: {  	_ =	shalt  }
0x74: {  	_ =	shalt  }
0x75: {  	_ =	shalt  }
0x76: {  	_ =	shalt  }
0x77: {  	_ =	shalt  }
0x78: {  	_ =	shalt  }
0x79: {  	_ =	shalt  }
0x7a: {  	_ =	shalt  }
0x7b: {  	_ =	shalt  }
0x7c: {  	_ =	shalt  }
0x7d: {  	_ =	shalt  }
0x7e: {  	_ =	shalt  }
0x7f: {  	_ =	shalt  }
0x80: {  	_ =	shalt  }
0x81: {  	_ =	shalt  }
0x82: {  	_ =	shalt  }
0x83: {  	_ =	shalt  }
0x84: {  	_ =	shalt  }
0x85: {  	_ =	shalt  }
0x86: {  	_ =	shalt  }
0x87: {  	_ =	shalt  }
.Lfunc_end0:
.L_simem_size_0:
called_computation_lowered:
.L_overlay_start_0:
0x88: {  	s2 =	sld [smem:$0x3FD9]  }
0x89: {  	s3 =	sld [smem:$0x3FFE];
	_ =	sdelay $0x1  }
0x8a: {  	s1 =	srdreg.scid  }
0x8b: {  	s0 =	sand.u32 $0x1, s1  }
0x8c: {  	s16 =	sshll.u32 s0, $0xA;
	s2 =	sadd.s32 s3, s2  }
0x8d: {  	s2 =	sadd.s32 s2, s16  }
0x8e: {  	[smem:$0x3FB6] =	sst s2  }
0x8f: {  	_ = 	snop  }
0x90: {  	(tm) =	ssettm $0x1  }
0x91: {  	s17 =	sld [smem:$0x3FFB];
	_ =	sdelay $0x3  }
0x92: {  	_ =	strace s17  }
0x93: {  	s2 =	sld [smem:$0x3FFC];
	_ =	sdelay $0x3  }
0x94: {  	_ =	strace s2  }
0x95: {  	s2 =	sld [smem:$0x3FFD];
	_ =	sdelay $0x3  }
0x96: {  	_ =	strace s2  }
0x97: {  	_ =	strace $0x8FFFFFFF  }
0x98: {  	s18 =	sld [smem:$0x3FDB];
	_ =	sdelay $0x1  }
0x99: {  	s19 =	simm.s32 $_scs_section_size  }
0x9a: {  	s4 =	simm.s32 $_size__tile_overlayer_lowered;
	s5 =	simm.s32 $_tile_overlayer_lowered  }
0x9b: {  	s22 =	simm.s32 $0x1BFF;
	s21 =	sshll.u32 s5, $0x1;
	s2 =	sadd.s32 s19, s18  }
0x9c: {  	s6 =	simm.s32 $0x0;
	s20 =	sshll.u32 s4, $0x1;
	s4 =	sadd.s32 s21, s2  }
0x9d: {  	[timem:s6], [sflag:s22] =	dma.local [hbm:s4], s20  }
0x9e: {  	_ =	swait.ge [sflag:s22], s20  }
0x9f: {  	s3 =	ssub.s32 $0x0, s20;
	[sflag:s22] =	ssyncset.done $0x0  }
0xa0: {  	[sflag:s22] =	ssyncadd.s32 s3;
	_ =	sdelay $0x1  }
0xa1: {  	s23 =	simm.s32 $0x1B8B  }
0xa2: {  	_ =	swait.ge [sflag:s23], $0x1  }
0xa3: {  	[sflag:s23] =	ssyncset.done $0x0  }
0xa4: {  	s25 =	simm.s32 $0x1B8E;
	s24 =	sld [smem:$0x3FFE];
	[sflag:s23] =	ssyncadd.s32 $0xFFFFFFFF  }
0xa5: {  	s26 =	simm.s32 $execute0_lowered;
	[smem:$0x3FD2] =	sst s25  }
0xa6: {  	s4 =	sshll.u32 s26, $0x1;
	_ =	strace $0x80000046;
	[dreg:$0x1] =	wrdreg $0xFFFFFFFF  }
0xa7: {  	s28 =	simm.s32 $_size_execute0_lowered;
	s2 =	sadd.s32 s2, s4;
	[dreg:$0x0] =	wrdreg $0x0  }
0xa8: {  	s4 =	sshll.u32 s28, $0x1;
	[dreg:$0x2] =	wrdreg s2  }
0xa9: {  	[dreg:$0x3] =	wrdreg s4  }
0xaa: {  	[dreg:$0x4] =	wrdreg $0xC0  }
0xab: {  	_ =	task [dreg:s6], $0x5FFFF  }
0xac: {  	[dreg:$0x1] =	wrdreg $0xFFFFFFFF  }
0xad: {  	[dreg:$0x0] =	wrdreg $0x60  }
0xae: {  	[dreg:$0x2] =	wrdreg s24  }
0xaf: {  	[dreg:$0x3] =	wrdreg $0x9  }
0xb0: {  	_ =	task.clear_ibuf [dreg:s6], $0x4FFFF;
	_ =	strace $0x90000046  }
0xb1: {  	s29 =	simm.s32 $0x9;
	_ =	strace $0x80000048  }
0xb2: {  	_ =	swait.ge [sflag:s29], $0x1  }
0xb3: {  	[sflag:s29] =	ssyncadd.s32 $0xFFFFFFFF  }
0xb4: {  	_ =	strace $0x90000048  }
0xb5: {  	_ =	sfence  }
0xb6: {  	s30 =	sld [smem:$0x0];
	_ =	sdelay $0x2  }
0xb7: {  	s31 =	sshll.u32 s1, $0xD;
	s1 =	sshrl.u32 s1, $0x2  }
0xb8: {  	s3 =	sand.u32 $0x4000, s31;
	s1 =	sadd.s32 s1, s30  }
0xb9: {  	s0 =	sor.u32 s3, s0;
	s1 =	sshll.u32 s1, $0x11  }
0xba: {  	s0 =	sor.u32 s1, s0  }
0xbb: {  	s0 =	sadd.s32 $0x8F2B, s0  }
0xbc: {  	[sflag:s0] =	ssyncadd.remote.s32 $0x1  }
0xbd: {  	_ =	sfence.sel $0xFFFF  }
0xbe: {  	[dreg:$0x0] =	wrdreg $0xFFFFFFFF;
	(pc) =	sbr.abs _section_cstart, $3  }
0xbf: {  	[dreg:$0x1] =	wrdreg $0xFFFFFFFF  }
0xc0: {  	_ =	task.clear_ibuf [dreg:s6], $0x2FFFF;
	_ =	strace $0x9FFFFFFF  }
0xc1: {  	(tm) =	ssettm $0x7FFFFFFF  }
tec
execute0_lowered:
.L_overlay_start_1:
0x0: {  	(tag) =	ssettag $0x1  }
0x1: {  	s1 =	srdreg.scid;
	s0 =	stileid.u32  }
0x2: {  	s3 =	rddreg [dreg:$0x0];
	s8 =	simm.s32 $0x1;
	s9 =	simm.s32 $0x7680  }
0x3: {  	s10 =	simm.s32 $0x80;
	s11 =	simm.s32 $0x400;
	s12 =	simm.s32 $0x0  }
0x4: {  	s4 =	sand.u32 $0x1, s1;
	s2 =	sshll.u32 s0, $0x1;
	s1 =	rddreg [dreg:$0x1]  }
0x5: {  	s6 =	sshrl.u32 s0, $0x2;
	s5 =	sor.u32 s4, s2;
	s2 =	simm.s32 $0x0  }
0x6: {  	s6 =	smul.u32 $0x13C00, s6;
	s4 =	ssub.s32 $0x2, s4;
	s7 =	sshll.u32 s5, $0x7  }
0x7: {  	[smem:$0x7FF] =	sst s2;
	s5 =	smul.u32 $0x9E0, s5;
	s7 =	sand.u32 $0x380, s7  }
0x8: {  	s31 =	sshrl.u32 s4, $0x1;
	_ =	strace $0x80000047;
	s6 =	sor.u32 s6, s7  }
0x9: {  	s5 =	sadd.s32 s5, s3;
	s7 =	ssub.s32 s4, s31;
	s6 =	sshrl.u32 s6, $0x3  }
0xa: {  	s4 =	sadd.s32 $0x24200, s5;
	s6 =	sadd.s32 s6, s3;
	s3 =	sadd.s32 $0x6800, s5  }
0xb: {  	v0 =	vimm.f32 $0.0e+00;
	v1 =	vimm.f32 $1.000000000e+00;
	s5 =	sadd.s32 $0x1A400, s6;
	s6 =	smax.u32 s7, $0x1;
	s7 =	simm.s32 $0x2780  }
.LBB2_1:
0xc: {  	[tilespmem:s7], [sflag:$0x1] =	stream.linear.gather [hbm4b:s3+s2], $0x4F00, $0x38;
	[tilespmem:$0xC580] =	vst v63  }
0xd: {  	_ =	swait.ge [sflag:s8], $0x4F00  }
0xe: {  	[sflag:s8] =	ssyncset.done $0x0  }
0xf: {  	s13 =	simm.s32 $0x0;
	[sflag:s8] =	ssyncadd.s32 $0xFFFFB100  }
.LBB2_2:
0x10: {  	p0 =	sne.s32 s13, $0x9C40  }
.Ltmp0:
0x11: {  	_ = 	snop;
	(pc) =	sbr.rel @p0 .LBB2_2-.Ltmp0, $3  }
0x12: {  	_ =	sdelay $0x1  }
0x13: {  	s14 =	sshra.s32 s13, $0x2  }
0x14: {  	s13 =	sadd.s32 $0x40, s13;
	[tilespmem:s14+$0x0] =	vst v0  }
0x15: {  	s13 =	simm.s32 $0x0  }
0x16: {  	v2 =	vld [tilespmem:s13+$0x2780]  }
0x17: {  	v3 =	vld [tilespmem:s13+$0x2800];
	_ =	sdelay $0x4  }
0x18: {  	vm0 =	veq.s32 v2, v3  }
0x19: {  	v4 =	vsel vm0, $0x0, v1  }
0x1a: {  	[tilespmem:v2+s2+$0x0] =	vst.idx.add.f32.msk $0xffff, v4  }
0x1b: {  	v4 =	vld [tilespmem:s13+$0x2790]  }
0x1c: {  	v5 =	vld [tilespmem:s13+$0x2810];
	_ =	sdelay $0x3  }
0x1d: {  	v3 =	vsel vm0, $0x2710, v3  }
0x1e: {  	[tilespmem:s13+$0x7700] =	vst v3;
	vm9 =	veq.s32 v4, v5  }
0x1f: {  	[tilespmem:s13+$0x7680] =	vst v2;
	v2 =	vsel vm9, $0x0, v1  }
0x20: {  	[tilespmem:v4+s2+$0x0] =	vst.idx.add.f32.msk $0xffff, v2  }
0x21: {  	v2 =	vld [tilespmem:s13+$0x27A0]  }
0x22: {  	v3 =	vld [tilespmem:s13+$0x2820];
	_ =	sdelay $0x3  }
0x23: {  	v5 =	vsel vm9, $0x2710, v5  }
0x24: {  	[tilespmem:s13+$0x7710] =	vst v5;
	vm10 =	veq.s32 v2, v3  }
0x25: {  	[tilespmem:s13+$0x7690] =	vst v4;
	v4 =	vsel vm10, $0x0, v1  }
0x26: {  	[tilespmem:v2+s2+$0x0] =	vst.idx.add.f32.msk $0xffff, v4  }
0x27: {  	v4 =	vld [tilespmem:s13+$0x27B0]  }
0x28: {  	v5 =	vld [tilespmem:s13+$0x2830];
	_ =	sdelay $0x3  }
0x29: {  	v3 =	vsel vm10, $0x2710, v3  }
0x2a: {  	[tilespmem:s13+$0x7720] =	vst v3;
	vm11 =	veq.s32 v4, v5  }
0x2b: {  	[tilespmem:s13+$0x76A0] =	vst v2;
	v2 =	vsel vm11, $0x0, v1  }
0x2c: {  	[tilespmem:v4+s2+$0x0] =	vst.idx.add.f32.msk $0xffff, v2  }
0x2d: {  	v2 =	vsel vm11, $0x2710, v5;
	v3 =	vld [tilespmem:s13+$0x27C0]  }
0x2e: {  	[tilespmem:s13+$0x7730] =	vst v2;
	v2 =	vld [tilespmem:s13+$0x2840];
	_ =	sdelay $0x4  }
0x2f: {  	vm12 =	veq.s32 v3, v2  }
0x30: {  	[tilespmem:s13+$0x76B0] =	vst v4;
	v4 =	vsel vm12, $0x0, v1  }
0x31: {  	[tilespmem:v3+s2+$0x0] =	vst.idx.add.f32.msk $0xffff, v4  }
0x32: {  	v2 =	vsel vm12, $0x2710, v2;
	[tilespmem:s13+$0x76C0] =	vst v3;
	v3 =	vld [tilespmem:s13+$0x27D0]  }
0x33: {  	[tilespmem:s13+$0x7740] =	vst v2;
	v2 =	vld [tilespmem:s13+$0x2850];
	_ =	sdelay $0x4  }
0x34: {  	vm13 =	veq.s32 v3, v2  }
0x35: {  	v4 =	vsel vm13, $0x0, v1  }
0x36: {  	[tilespmem:v3+s2+$0x0] =	vst.idx.add.f32.msk $0xffff, v4  }
0x37: {  	v2 =	vsel vm13, $0x2710, v2;
	[tilespmem:s13+$0x76D0] =	vst v3;
	v3 =	vld [tilespmem:s13+$0x27E0]  }
0x38: {  	[tilespmem:s13+$0x7750] =	vst v2;
	v2 =	vld [tilespmem:s13+$0x2860];
	_ =	sdelay $0x4  }
0x39: {  	vm14 =	veq.s32 v3, v2  }
0x3a: {  	v4 =	vsel vm14, $0x0, v1  }
0x3b: {  	[tilespmem:v3+s2+$0x0] =	vst.idx.add.f32.msk $0xffff, v4  }
0x3c: {  	[tilespmem:s13+$0x76E0] =	vst v3;
	v3 =	vsel vm14, $0x2710, v2;
	v2 =	vld [tilespmem:s13+$0x27F0]  }
0x3d: {  	[tilespmem:s13+$0x7760] =	vst v3;
	v3 =	vld [tilespmem:s13+$0x2870];
	_ =	sdelay $0x4  }
0x3e: {  	vm15 =	veq.s32 v2, v3  }
0x3f: {  	v4 =	vsel vm15, $0x0, v1  }
0x40: {  	s14 =	simm.s32 $0x800;
	s16 =	simm.s32 $0x100;
	v3 =	vsel vm15, $0x2710, v3;
	[tilespmem:v2+s2+$0x0] =	vst.idx.add.f32.msk $0xffff, v4  }
.LBB2_4:
0x41: {  	p0 =	sne.s32 s14, $0x13800;
	v4 =	vld [tilespmem:s16+$0x2780];
	[tilespmem:s13+$0x76F0] =	vst v2;
	s15 =	smov.u32 s14;
	s14 =	sadd.s32 $0x400, s14  }
0x42: {  	v2 =	vld [tilespmem:s16+$0x2800];
	[tilespmem:s13+$0x7770] =	vst v3;
	s13 =	smov.u32 s16;
	_ =	sdelay $0x4  }
0x43: {  	vm0 =	veq.s32 v4, v2  }
0x44: {  	v3 =	vsel vm0, $0x0, v1;
	v2 =	vsel vm0, $0x2710, v2  }
0x45: {  	[tilespmem:v4+s2+$0x0] =	vst.idx.add.f32.msk $0xffff, v3  }
0x46: {  	v3 =	vld [tilespmem:s13+$0x2790]  }
0x47: {  	v5 =	vld [tilespmem:s13+$0x2810];
	_ =	sdelay $0x4  }
0x48: {  	[tilespmem:s13+$0x7700] =	vst v2;
	vm0 =	veq.s32 v3, v5  }
0x49: {  	[tilespmem:s13+$0x7680] =	vst v4;
	v2 =	vsel vm0, $0x0, v1;
	v4 =	vsel vm0, $0x2710, v5  }
0x4a: {  	[tilespmem:v3+s2+$0x0] =	vst.idx.add.f32.msk $0xffff, v2  }
0x4b: {  	v2 =	vld [tilespmem:s13+$0x27A0]  }
0x4c: {  	v5 =	vld [tilespmem:s13+$0x2820];
	_ =	sdelay $0x4  }
0x4d: {  	[tilespmem:s13+$0x7710] =	vst v4;
	vm0 =	veq.s32 v2, v5  }
0x4e: {  	[tilespmem:s13+$0x7690] =	vst v3;
	v3 =	vsel vm0, $0x0, v1;
	v4 =	vsel vm0, $0x2710, v5  }
0x4f: {  	[tilespmem:v2+s2+$0x0] =	vst.idx.add.f32.msk $0xffff, v3  }
0x50: {  	v3 =	vld [tilespmem:s13+$0x27B0]  }
0x51: {  	v5 =	vld [tilespmem:s13+$0x2830];
	_ =	sdelay $0x4  }
0x52: {  	[tilespmem:s13+$0x7720] =	vst v4;
	vm0 =	veq.s32 v3, v5  }
0x53: {  	[tilespmem:s13+$0x76A0] =	vst v2;
	v2 =	vsel vm0, $0x0, v1;
	v4 =	vsel vm0, $0x2710, v5  }
0x54: {  	[tilespmem:v3+s2+$0x0] =	vst.idx.add.f32.msk $0xffff, v2  }
0x55: {  	[tilespmem:s13+$0x76B0] =	vst v3;
	v2 =	vld [tilespmem:s13+$0x27C0]  }
0x56: {  	[tilespmem:s13+$0x7730] =	vst v4;
	v3 =	vld [tilespmem:s13+$0x2840];
	_ =	sdelay $0x4  }
0x57: {  	vm0 =	veq.s32 v2, v3  }
0x58: {  	v4 =	vsel vm0, $0x0, v1;
	v3 =	vsel vm0, $0x2710, v3  }
0x59: {  	[tilespmem:v2+s2+$0x0] =	vst.idx.add.f32.msk $0xffff, v4  }
0x5a: {  	[tilespmem:s13+$0x76C0] =	vst v2;
	v2 =	vld [tilespmem:s13+$0x27D0]  }
0x5b: {  	[tilespmem:s13+$0x7740] =	vst v3;
	v3 =	vld [tilespmem:s13+$0x2850];
	_ =	sdelay $0x4  }
0x5c: {  	vm0 =	veq.s32 v2, v3  }
0x5d: {  	v4 =	vsel vm0, $0x0, v1;
	v3 =	vsel vm0, $0x2710, v3  }
0x5e: {  	[tilespmem:v2+s2+$0x0] =	vst.idx.add.f32.msk $0xffff, v4  }
0x5f: {  	[tilespmem:s13+$0x76D0] =	vst v2;
	v2 =	vld [tilespmem:s13+$0x27E0]  }
0x60: {  	[tilespmem:s13+$0x7750] =	vst v3;
	v3 =	vld [tilespmem:s13+$0x2860];
	_ =	sdelay $0x4  }
0x61: {  	vm0 =	veq.s32 v2, v3  }
0x62: {  	v4 =	vsel vm0, $0x0, v1;
	v3 =	vsel vm0, $0x2710, v3  }
0x63: {  	[tilespmem:v2+s2+$0x0] =	vst.idx.add.f32.msk $0xffff, v4  }
0x64: {  	[tilespmem:s13+$0x76E0] =	vst v2;
	v2 =	vld [tilespmem:s13+$0x27F0]  }
0x65: {  	[tilespmem:s13+$0x7760] =	vst v3;
	v3 =	vld [tilespmem:s13+$0x2870];
	_ =	sdelay $0x2  }
.Ltmp1:
0x66: {  	(pc) =	sbr.rel @p0 .LBB2_4-.Ltmp1, $4  }
0x67: {  	_ = 	snop  }
0x68: {  	vm0 =	veq.s32 v2, v3  }
0x69: {  	v4 =	vsel vm0, $0x0, v1;
	v3 =	vsel vm0, $0x2710, v3  }
0x6a: {  	s16 =	sshra.s32 s15, $0x2;
	[tilespmem:v2+s2+$0x0] =	vst.idx.add.f32.msk $0xffff, v4  }
0x6b: {  	v4 =	vld [tilespmem:s16+$0x2780];
	[tilespmem:s13+$0x76F0] =	vst v2  }
0x6c: {  	v2 =	vld [tilespmem:s16+$0x2800];
	_ =	sdelay $0x4  }
0x6d: {  	vm0 =	veq.s32 v4, v2  }
0x6e: {  	[tilespmem:s13+$0x7770] =	vst v3;
	v3 =	vsel vm0, $0x0, v1  }
0x6f: {  	[tilespmem:v4+s2+$0x0] =	vst.idx.add.f32.msk $0xffff, v3  }
0x70: {  	v3 =	vld [tilespmem:s16+$0x2790]  }
0x71: {  	v5 =	vld [tilespmem:s16+$0x2810];
	_ =	sdelay $0x3  }
0x72: {  	v2 =	vsel vm0, $0x2710, v2  }
0x73: {  	[tilespmem:s16+$0x7700] =	vst v2;
	vm9 =	veq.s32 v3, v5  }
0x74: {  	[tilespmem:s16+$0x7680] =	vst v4;
	v2 =	vsel vm9, $0x0, v1  }
0x75: {  	[tilespmem:v3+s2+$0x0] =	vst.idx.add.f32.msk $0xffff, v2  }
0x76: {  	v2 =	vld [tilespmem:s16+$0x27A0]  }
0x77: {  	v58 =	vld [tilespmem:s16+$0x2820];
	_ =	sdelay $0x3  }
0x78: {  	v5 =	vsel vm9, $0x2710, v5  }
0x79: {  	[tilespmem:s16+$0x7710] =	vst v5;
	vm10 =	veq.s32 v2, v58  }
0x7a: {  	[tilespmem:s16+$0x7690] =	vst v3;
	v3 =	vsel vm10, $0x0, v1  }
0x7b: {  	[tilespmem:v2+s2+$0x0] =	vst.idx.add.f32.msk $0xffff, v3  }
0x7c: {  	v3 =	vld [tilespmem:s16+$0x27B0]  }
0x7d: {  	v59 =	vld [tilespmem:s16+$0x2830];
	_ =	sdelay $0x3  }
0x7e: {  	v4 =	vsel vm10, $0x2710, v58  }
0x7f: {  	[tilespmem:s16+$0x7720] =	vst v4;
	vm11 =	veq.s32 v3, v59  }
0x80: {  	[tilespmem:s16+$0x76A0] =	vst v2;
	v2 =	vsel vm11, $0x0, v1  }
0x81: {  	[tilespmem:v3+s2+$0x0] =	vst.idx.add.f32.msk $0xffff, v2  }
0x82: {  	v2 =	vsel vm11, $0x2710, v59;
	[tilespmem:s16+$0x76B0] =	vst v3;
	v3 =	vld [tilespmem:s16+$0x27C0]  }
0x83: {  	[tilespmem:s16+$0x7730] =	vst v2;
	v2 =	vld [tilespmem:s16+$0x2840];
	_ =	sdelay $0x4  }
0x84: {  	vm12 =	veq.s32 v3, v2  }
0x85: {  	v60 =	vsel vm12, $0x0, v1  }
0x86: {  	[tilespmem:v3+s2+$0x0] =	vst.idx.add.f32.msk $0xffff, v60  }
0x87: {  	v2 =	vsel vm12, $0x2710, v2;
	[tilespmem:s16+$0x76C0] =	vst v3;
	v3 =	vld [tilespmem:s16+$0x27D0]  }
0x88: {  	[tilespmem:s16+$0x7740] =	vst v2;
	v2 =	vld [tilespmem:s16+$0x2850];
	_ =	sdelay $0x4  }
0x89: {  	vm13 =	veq.s32 v3, v2  }
0x8a: {  	v61 =	vsel vm13, $0x0, v1  }
0x8b: {  	[tilespmem:v3+s2+$0x0] =	vst.idx.add.f32.msk $0xffff, v61  }
0x8c: {  	v2 =	vsel vm13, $0x2710, v2;
	[tilespmem:s16+$0x76D0] =	vst v3;
	v3 =	vld [tilespmem:s16+$0x27E0]  }
0x8d: {  	[tilespmem:s16+$0x7750] =	vst v2;
	v2 =	vld [tilespmem:s16+$0x2860];
	_ =	sdelay $0x4  }
0x8e: {  	vm14 =	veq.s32 v3, v2  }
0x8f: {  	v62 =	vsel vm14, $0x0, v1  }
0x90: {  	[tilespmem:v3+s2+$0x0] =	vst.idx.add.f32.msk $0xffff, v62  }
0x91: {  	v2 =	vsel vm14, $0x2710, v2;
	[tilespmem:s16+$0x76E0] =	vst v3;
	v3 =	vld [tilespmem:s16+$0x27F0]  }
0x92: {  	[tilespmem:s16+$0x7760] =	vst v2;
	v2 =	vld [tilespmem:s16+$0x2870];
	_ =	sdelay $0x4  }
0x93: {  	vm15 =	veq.s32 v3, v2  }
0x94: {  	v63 =	vsel vm15, $0x0, v1  }
0x95: {  	[tilespmem:v3+s2+$0x0] =	vst.idx.add.f32.msk $0xffff, v63  }
0x96: {  	v2 =	vsel vm15, $0x2710, v2;
	[tilespmem:s16+$0x76F0] =	vst v3  }
0x97: {  	[tilespmem:s16+$0x7770] =	vst v2  }
0x98: {  	[hbm4b:s4+s2] =	stream.linear.scatter [tilespmem:s9], [sflag:$0x1], $0x4F00, $0x38;
	[tilespmem:$0xC580] =	vst v63  }
0x99: {  	s12 =	sadd.s32 $0x1, s12;
	_ =	swait.ge [sflag:s8], $0x4F00  }
0x9a: {  	p0 =	sne.s32 s12, s6;
	[sflag:s8] =	ssyncset.done $0x0  }
.Ltmp2:
0x9b: {  	[sflag:s8] =	ssyncadd.s32 $0xFFFFB100;
	(pc) =	sbr.rel @p0 .LBB2_1-.Ltmp2, $4  }
0x9c: {  	[hbm4b:s5+s10] =	stream.strided.scatter [tilespmem:s2], [sflag:$0x1], $0x2780, s11, s10, $0x38;
	[tilespmem:$0xC580] =	vst v63  }
0x9d: {  	_ =	swait.ge [sflag:s8], $0x2780  }
0x9e: {  	[sflag:s8] =	ssyncset.done $0x0  }
0x9f: {  	[sflag:s8] =	ssyncadd.s32 $0xFFFFD880  }
0xa0: {  	_ =	sfence.sel $0x180000  }
0xa1: {  	[bflag:$0x0] =	sbarrier.arrive $0xFFFF  }
0xa2: {  	p0 =	sne.s32 s0, $0x0;
	_ =	strace $0x90000047  }
0xa3: {  	s0 =	sadd.s32 @!p0 $0x100000, s1;
	[bflag:$0x2] =	sbarrier.arrive $0xFFFF  }
0xa4: {  	[sflag:s0] =	ssyncadd.tile.s32 @!p0 $0x1;
	_ =	shalt  }
.Lfunc_end2:
_tile_overlayer_lowered:
.L_overlay_start_2:
0xa5: {  	(tag) =	ssettag $0x2  }
0xa6: {  	s0 =	rddreg [dreg:$0x0];
	s2 =	stileid.u32  }
0xa7: {  	s1 =	rddreg [dreg:$0x1];
	p0 =	sne.s32 s2, $0x0  }
0xa8: {  	s3 =	rddreg [dreg:$0x2];
	[bflag:$0x3] =	sbarrier.arrive $0xFFFF;
	s2 =	simm.s32 @!p0 $0x1C01  }
0xa9: {  	[timem:s3], [sflag:s2] =	dma.local @!p0 [hbm:s0], s1  }
0xaa: {  	s0 =	simm.s32 @!p0 $0x1  }
0xab: {  	_ =	swait.ge @!p0 [sflag:s0], s1  }
0xac: {  	s1 =	ssub.s32 @!p0 $0x0, s1;
	[sflag:s0] =	ssyncset.done @!p0 $0x0  }
0xad: {  	[sflag:s0] =	ssyncadd.s32 @!p0 s1  }
0xae: {  	[bflag:$0x3] =	sbarrier.arrive $0xFFFF  }
0xaf: {  	_ =	shalt  }

// kernel: kernel.16.cloned.1.call-start
scs
__scs_entry_jumppad:
0x0: {  	(pc) =	sbr.rel $0x88, $3  }
0x1: {  	(tag) =	ssettag $0x0;
	lr =	simm.s32 $0x1  }
0x2: {  	[smem:$0x3F8F] =	sst lr;
	_ =	strace $0xD0000000  }
0x3: {  	_ = 	snop  }
0x4: {  	_ = 	snop  }
0x5: {  	_ = 	snop  }
0x6: {  	_ = 	snop  }
0x7: {  	_ = 	snop  }
__scs_overlays_trampoline_lowered:
0x8: {  	[smem:$0x3F9E] =	sst s0  }
0x9: {  	[smem:$0x3F9F] =	sst s1  }
0xa: {  	[smem:$0x3FA0] =	sst s2  }
0xb: {  	[smem:$0x3FA1] =	sst s3  }
0xc: {  	[smem:$0x3FA2] =	sst s4  }
0xd: {  	[smem:$0x3FA3] =	sst s5  }
0xe: {  	[smem:$0x3FA4] =	sst s6  }
0xf: {  	[smem:$0x3FA5] =	sst s7  }
0x10: {  	[smem:$0x3FA6] =	sst s8  }
0x11: {  	[smem:$0x3FA7] =	sst s9;
	s0 =	simm.s32 @!p0 $0x0  }
0x12: {  	s1 =	sld [smem:$0x3F8D];
	s0 =	simm.s32 @p0 $0x1  }
0x13: {  	[smem:$0x3FA8] =	sst s0;
	s0 =	simm.s32 @!p1 $0x0  }
0x14: {  	s2 =	sld [smem:$0x3F8C];
	s0 =	simm.s32 @p1 $0x1  }
0x15: {  	[smem:$0x3FA9] =	sst s0;
	s0 =	simm.s32 @!p2 $0x0  }
0x16: {  	s3 =	sld [smem:$0x3FDB];
	s0 =	simm.s32 @p2 $0x1  }
0x17: {  	s4 =	simm.s32 $0x1BF5;
	[smem:$0x3FAB] =	sst s0  }
0x18: {  	s0 =	sld [smem:$0x3F8E];
	_ =	swait.ge [sflag:s4], $0x0  }
0x19: {  	s7 =	sld [smem:$0x3F8F]  }
0x1a: {  	s8 =	sadd.s32 $0xFFFFE003, lr  }
0x1b: {  	s9 =	sadd.s32 $0xFFFFFEF7, lr;
	s5 =	simm.s32 $0xFFFFFFFF;
	p2 =	slt.u32 s8, $0xFFFFF086  }
0x1c: {  	p1 =	slt.u32 s9, $0xF7A;
	s5 =	simm.s32 @!p2 $0x0  }
0x1d: {  	s5 =	simm.s32 @p1 $0x1;
	p0 =	seq.s32 s7, s2  }
0x1e: {  	s7 =	smul.u32 @!p0 $0xF7A, s2;
	p2 =	seq.s32 @!p0 s5, $0x0  }
0x1f: {  	s9 =	smul.u32 $0xF7A, s1;
	s8 =	simm.s32 @!p0 $0x1BF5;
	p2 =	por !p2, p0  }
0x20: {  	[sflag:s8] =	ssyncset.s32 @!p0 $0xFFFFF086;
	s6 =	sadd.s32 @!p0 s3, s7;
	s7 =	simm.s32 @!p0 $0x108  }
0x21: {  	s3 =	sadd.s32 s3, s9;
	s6 =	sadd.s32 @!p0 $0x88, s6;
	s7 =	simm.s32 @p2 $0x1082  }
0x22: {  	[simem:s7], [sflag:s8] =	dma.local @!p0 [hbm:s6], $0xF7A  }
0x23: {  	s9 =	sor.u32 $0xD0000000, s2;
	s6 =	simm.s32 $0x108;
	_ =	swait.ge @!p0 [sflag:s8], $0x0  }
0x24: {  	s3 =	sadd.s32 $0x88, s3;
	s6 =	simm.s32 @!p1 $0x1082;
	[sflag:s4] =	ssyncset.s32 $0xFFFFF086  }
0x25: {  	[simem:s6], [sflag:s4] =	dma.local [hbm:s3], $0xF7A  }
0x26: {  	[smem:$0x3F8F] =	sst s1;
	(tag) =	ssettag s2;
	_ =	strace s9  }
0x27: {  	s1 =	sld [smem:$0x3F9F]  }
0x28: {  	s2 =	sld [smem:$0x3FA0]  }
0x29: {  	s4 =	sld [smem:$0x3FA2]  }
0x2a: {  	p0 =	seq.s32 s5, $0x0;
	s5 =	sld [smem:$0x3FA3]  }
0x2b: {  	s6 =	sld [smem:$0x3FA4]  }
0x2c: {  	s7 =	sld [smem:$0x3FA5]  }
0x2d: {  	s3 =	simm.s32 $0x108;
	s8 =	sld [smem:$0x3FA6]  }
0x2e: {  	s3 =	simm.s32 @!p0 $0x1082;
	s9 =	sld [smem:$0x3FA7]  }
0x2f: {  	lr =	sadd.s32 s0, s3;
	s0 =	sld [smem:$0x3F9E]  }
0x30: {  	s3 =	sld [smem:$0x3FA1]  }
0x31: {  	[smem:$0x3FAA] =	sst s10  }
0x32: {  	s10 =	sld [smem:$0x3FA8];
	_ =	sdelay $0x3  }
0x33: {  	p0 =	seq.s32 s10, $0x1;
	s10 =	sld [smem:$0x3FAA];
	_ =	sdelay $0x3  }
0x34: {  	[smem:$0x3FAA] =	sst s10  }
0x35: {  	s10 =	sld [smem:$0x3FA9];
	_ =	sdelay $0x3  }
0x36: {  	p1 =	seq.s32 s10, $0x1;
	s10 =	sld [smem:$0x3FAA];
	_ =	sdelay $0x3  }
0x37: {  	[smem:$0x3FAA] =	sst s10  }
0x38: {  	s10 =	sld [smem:$0x3FAB]  }
0x39: {  	_ = 	snop;
	(pc) =	sbr.ind lr, $3  }
0x3a: {  	_ = 	snop  }
0x3b: {  	_ = 	snop  }
0x3c: {  	p2 =	seq.s32 s10, $0x1;
	s10 =	sld [smem:$0x3FAA]  }
0x3d: {  	_ =	shalt  }
0x3e: {  	_ =	shalt  }
0x3f: {  	_ =	shalt  }
0x40: {  	_ =	shalt  }
0x41: {  	_ =	shalt  }
0x42: {  	_ =	shalt  }
0x43: {  	_ =	shalt  }
0x44: {  	_ =	shalt  }
0x45: {  	_ =	shalt  }
0x46: {  	_ =	shalt  }
0x47: {  	_ =	shalt  }
0x48: {  	_ =	shalt  }
0x49: {  	_ =	shalt  }
0x4a: {  	_ =	shalt  }
0x4b: {  	_ =	shalt  }
0x4c: {  	_ =	shalt  }
0x4d: {  	_ =	shalt  }
0x4e: {  	_ =	shalt  }
0x4f: {  	_ =	shalt  }
0x50: {  	_ =	shalt  }
0x51: {  	_ =	shalt  }
0x52: {  	_ =	shalt  }
0x53: {  	_ =	shalt  }
0x54: {  	_ =	shalt  }
0x55: {  	_ =	shalt  }
0x56: {  	_ =	shalt  }
0x57: {  	_ =	shalt  }
0x58: {  	_ =	shalt  }
0x59: {  	_ =	shalt  }
0x5a: {  	_ =	shalt  }
0x5b: {  	_ =	shalt  }
0x5c: {  	_ =	shalt  }
0x5d: {  	_ =	shalt  }
0x5e: {  	_ =	shalt  }
0x5f: {  	_ =	shalt  }
0x60: {  	_ =	shalt  }
0x61: {  	_ =	shalt  }
0x62: {  	_ =	shalt  }
0x63: {  	_ =	shalt  }
0x64: {  	_ =	shalt  }
0x65: {  	_ =	shalt  }
0x66: {  	_ =	shalt  }
0x67: {  	_ =	shalt  }
0x68: {  	_ =	shalt  }
0x69: {  	_ =	shalt  }
0x6a: {  	_ =	shalt  }
0x6b: {  	_ =	shalt  }
0x6c: {  	_ =	shalt  }
0x6d: {  	_ =	shalt  }
0x6e: {  	_ =	shalt  }
0x6f: {  	_ =	shalt  }
0x70: {  	_ =	shalt  }
0x71: {  	_ =	shalt  }
0x72: {  	_ =	shalt  }
0x73: {  	_ =	shalt  }
0x74: {  	_ =	shalt  }
0x75: {  	_ =	shalt  }
0x76: {  	_ =	shalt  }
0x77: {  	_ =	shalt  }
0x78: {  	_ =	shalt  }
0x79: {  	_ =	shalt  }
0x7a: {  	_ =	shalt  }
0x7b: {  	_ =	shalt  }
0x7c: {  	_ =	shalt  }
0x7d: {  	_ =	shalt  }
0x7e: {  	_ =	shalt  }
0x7f: {  	_ =	shalt  }
0x80: {  	_ =	shalt  }
0x81: {  	_ =	shalt  }
0x82: {  	_ =	shalt  }
0x83: {  	_ =	shalt  }
0x84: {  	_ =	shalt  }
0x85: {  	_ =	shalt  }
0x86: {  	_ =	shalt  }
0x87: {  	_ =	shalt  }
.Lfunc_end0:
.L_simem_size_0:
called_computation.1_lowered:
.L_overlay_start_0:
0x88: {  	s2 =	sld [smem:$0x3FD9]  }
0x89: {  	s3 =	sld [smem:$0x3FFE];
	_ =	sdelay $0x1  }
0x8a: {  	s1 =	srdreg.scid  }
0x8b: {  	s0 =	sand.u32 $0x1, s1  }
0x8c: {  	s16 =	sshll.u32 s0, $0xA;
	s2 =	sadd.s32 s3, s2  }
0x8d: {  	s2 =	sadd.s32 s2, s16  }
0x8e: {  	[smem:$0x3FB6] =	sst s2  }
0x8f: {  	_ = 	snop  }
0x90: {  	(tm) =	ssettm $0x1  }
0x91: {  	s17 =	sld [smem:$0x3FFB];
	_ =	sdelay $0x3  }
0x92: {  	_ =	strace s17  }
0x93: {  	s2 =	sld [smem:$0x3FFC];
	_ =	sdelay $0x3  }
0x94: {  	_ =	strace s2  }
0x95: {  	s2 =	sld [smem:$0x3FFD];
	_ =	sdelay $0x3  }
0x96: {  	_ =	strace s2  }
0x97: {  	_ =	strace $0x8FFFFFFF  }
0x98: {  	s18 =	sld [smem:$0x3FDB];
	_ =	sdelay $0x1  }
0x99: {  	s19 =	simm.s32 $_scs_section_size  }
0x9a: {  	s4 =	simm.s32 $_size__tile_overlayer_lowered;
	s5 =	simm.s32 $_tile_overlayer_lowered  }
0x9b: {  	s22 =	simm.s32 $0x1BFF;
	s21 =	sshll.u32 s5, $0x1;
	s2 =	sadd.s32 s19, s18  }
0x9c: {  	s6 =	simm.s32 $0x0;
	s20 =	sshll.u32 s4, $0x1;
	s4 =	sadd.s32 s21, s2  }
0x9d: {  	[timem:s6], [sflag:s22] =	dma.local [hbm:s4], s20  }
0x9e: {  	_ =	swait.ge [sflag:s22], s20  }
0x9f: {  	s3 =	ssub.s32 $0x0, s20;
	[sflag:s22] =	ssyncset.done $0x0  }
0xa0: {  	[sflag:s22] =	ssyncadd.s32 s3;
	_ =	sdelay $0x1  }
0xa1: {  	s23 =	simm.s32 $0x1B8B  }
0xa2: {  	_ =	swait.ge [sflag:s23], $0x1  }
0xa3: {  	[sflag:s23] =	ssyncset.done $0x0  }
0xa4: {  	s25 =	simm.s32 $0x1B8E;
	s24 =	sld [smem:$0x3FFE];
	[sflag:s23] =	ssyncadd.s32 $0xFFFFFFFF  }
0xa5: {  	s26 =	simm.s32 $execute0_lowered;
	[smem:$0x3FD2] =	sst s25  }
0xa6: {  	s4 =	sshll.u32 s26, $0x1;
	_ =	strace $0x80000049;
	[dreg:$0x1] =	wrdreg $0xFFFFFFFF  }
0xa7: {  	s28 =	simm.s32 $_size_execute0_lowered;
	s2 =	sadd.s32 s2, s4;
	[dreg:$0x0] =	wrdreg $0x0  }
0xa8: {  	s4 =	sshll.u32 s28, $0x1;
	[dreg:$0x2] =	wrdreg s2  }
0xa9: {  	[dreg:$0x3] =	wrdreg s4  }
0xaa: {  	[dreg:$0x4] =	wrdreg $0xC0  }
0xab: {  	_ =	task [dreg:s6], $0x5FFFF  }
0xac: {  	[dreg:$0x1] =	wrdreg $0xFFFFFFFF  }
0xad: {  	[dreg:$0x0] =	wrdreg $0x60  }
0xae: {  	[dreg:$0x2] =	wrdreg s24  }
0xaf: {  	[dreg:$0x3] =	wrdreg $0x0  }
0xb0: {  	[dreg:$0x4] =	wrdreg $0x9  }
0xb1: {  	_ =	task.clear_ibuf [dreg:s6], $0x5FFFF;
	_ =	strace $0x90000049  }
0xb2: {  	s29 =	simm.s32 $0x9;
	_ =	strace $0x8000004E  }
0xb3: {  	_ =	swait.ge [sflag:s29], $0x1  }
0xb4: {  	[sflag:s29] =	ssyncadd.s32 $0xFFFFFFFF  }
0xb5: {  	_ =	strace $0x9000004E  }
0xb6: {  	_ =	sfence  }
0xb7: {  	s30 =	sld [smem:$0x0];
	_ =	sdelay $0x2  }
0xb8: {  	s31 =	sshll.u32 s1, $0xD;
	s1 =	sshrl.u32 s1, $0x2  }
0xb9: {  	s3 =	sand.u32 $0x4000, s31;
	s1 =	sadd.s32 s1, s30  }
0xba: {  	s0 =	sor.u32 s3, s0;
	s1 =	sshll.u32 s1, $0x11  }
0xbb: {  	s0 =	sor.u32 s1, s0  }
0xbc: {  	s0 =	sadd.s32 $0x8F2B, s0  }
0xbd: {  	[sflag:s0] =	ssyncadd.remote.s32 $0x1  }
0xbe: {  	_ =	sfence.sel $0xFFFF  }
0xbf: {  	[dreg:$0x0] =	wrdreg $0xFFFFFFFF;
	(pc) =	sbr.abs _section_cstart, $3  }
0xc0: {  	[dreg:$0x1] =	wrdreg $0xFFFFFFFF  }
0xc1: {  	_ =	task.clear_ibuf [dreg:s6], $0x2FFFF;
	_ =	strace $0x9FFFFFFF  }
0xc2: {  	(tm) =	ssettm $0x7FFFFFFF  }
0xc3: {  	_ =	shalt  }
tec
execute0_lowered:
.L_overlay_start_1:
0x0: {  	(tag) =	ssettag $0x1  }
0x1: {  	s0 =	rddreg [dreg:$0x0]  }
0x2: {  	s1 =	rddreg [dreg:$0x1];
	s2 =	simm.s32 $0x0  }
0x3: {  	s3 =	srdreg.scid;
	s11 =	stileid.u32;
	s10 =	simm.s32 $0x8B  }
0x4: {  	s28 =	simm.s32 $0x14000;
	s29 =	simm.s32 $0x3;
	s30 =	simm.s32 $0x80  }
0x5: {  	s31 =	simm.s32 $0x14100;
	[smem:$0x7FF] =	sst s2;
	s6 =	smul.u32 $0x13, s11  }
0x6: {  	s4 =	sadd.s32 $0x5F000, s0;
	s5 =	sadd.s32 $0x24200, s0;
	s8 =	smul.u32 $0x8B, s11  }
0x7: {  	s3 =	sand.u32 $0x1, s3;
	s0 =	sadd.s32 $0x86200, s0;
	s23 =	smul.u32 $0x50000, s11  }
0x8: {  	s14 =	smul.u32 $0x14000, s11;
	s11 =	simm.s32 $0x14180;
	_ =	strace $0x8000004A  }
0x9: {  	s7 =	ssub.s32 $0x2, s3;
	p0 =	seq.s32 s3, $0x0;
	s3 =	smul.u32 $0x140000, s3  }
0xa: {  	s9 =	sshrl.u32 s7, $0x1;
	s6 =	sadd.s32 $0x8B0, s6;
	s10 =	simm.s32 @!p0 $0x13  }
0xb: {  	s19 =	sadd.s32 $0x4000, s14;
	s6 =	smov.u32 @p0 s8;
	s7 =	ssub.s32 s7, s9  }
0xc: {  	s8 =	sshrl.u32 s23, $0x2;
	s13 =	sadd.s32 $0xFFFFFFFD, s10;
	s18 =	sadd.s32 s3, s14  }
0xd: {  	s21 =	sadd.s32 s3, s19;
	s23 =	sadd.s32 $0x8000, s14;
	s24 =	sshll.u32 s6, $0x5  }
0xe: {  	s25 =	sadd.s32 s6, s10;
	s6 =	sadd.s32 s8, s1;
	s8 =	sshrl.u32 s13, $0x1  }
0xf: {  	s7 =	smax.u32 s7, $0x1;
	s22 =	sshrl.u32 s21, $0x3;
	s10 =	simm.s32 $0x2  }
0x10: {  	s12 =	sadd.s32 s5, s24;
	s9 =	sshll.u32 s25, $0x5;
	[dreg:$0x5] =	wrdreg s7  }
0x11: {  	s15 =	sadd.s32 $0x4000, s6;
	s16 =	sadd.s32 $0x8000, s6;
	s17 =	sadd.s32 $0xC000, s6  }
0x12: {  	s20 =	sadd.s32 $0x10000, s6;
	s7 =	sshrl.u32 s18, $0x3;
	[dreg:$0x6] =	wrdreg s15  }
0x13: {  	s24 =	sadd.s32 s3, s23;
	s18 =	sadd.s32 s23, s1;
	[dreg:$0x7] =	wrdreg s16  }
0x14: {  	s25 =	sadd.s32 $0xC000, s14;
	s26 =	sadd.s32 $0x20, s12;
	[dreg:$0x8] =	wrdreg s17  }
0x15: {  	s5 =	sadd.s32 s5, s9;
	[dreg:$0x9] =	wrdreg s20;
	s7 =	sadd.s32 s0, s7  }
0x16: {  	s9 =	sadd.s32 s19, s1;
	s17 =	sadd.s32 s0, s22;
	[dreg:$0x3] =	wrdreg s26  }
0x17: {  	s20 =	sadd.s32 s25, s1;
	s16 =	smov.u32 s12;
	[dreg:$0xa] =	wrdreg s7  }
0x18: {  	s5 =	sadd.s32 $0xFFFFFFE0, s5;
	[dreg:$0xb] =	wrdreg s9;
	s7 =	sshrl.u32 s24, $0x3  }
0x19: {  	s26 =	sadd.s32 s3, s25;
	s25 =	simm.s32 $0x14200;
	s9 =	simm.s32 $0x14080  }
0x1a: {  	[dreg:$0x4] =	wrdreg s5;
	s19 =	sadd.s32 s0, s7;
	s5 =	sadd.s32 $0x10000, s14  }
0x1b: {  	s7 =	sshrl.u32 s26, $0x3;
	s26 =	simm.s32 $0x5;
	s3 =	sadd.s32 s3, s5  }
0x1c: {  	s21 =	sadd.s32 s0, s7;
	s22 =	sadd.s32 s5, s1;
	s5 =	sadd.s32 $0x60, s12  }
0x1d: {  	s7 =	simm.s32 $0x1;
	s12 =	simm.s32 $0x0;
	s3 =	sshrl.u32 s3, $0x3  }
0x1e: {  	v0 =	vimm.f32 $0.0e+00;
	s23 =	sadd.s32 s0, s3;
	s0 =	simm.s32 $0x4;
	s3 =	simm.s32 $0x18200  }
.LBB2_1:
0x1f: {  	s13 =	sand.u32 $0xFE00, s2  }
0x20: {  	_ =	strace $0x8000004B;
	s14 =	sand.u32 $0x70, s2;
	s24 =	sshrl.u32 s13, $0x2  }
0x21: {  	s13 =	simm.s32 $0x40;
	s24 =	sor.u32 s14, s24;
	s14 =	simm.s32 $0x0  }
.LBB2_2:
0x22: {  	p0 =	sne.s32 s13, $0xFFC0  }
0x23: {  	[tilespmem:s24+$0x14200] =	vst v0;
	s14 =	sadd.s32 $0x10, s14;
	s24 =	smov.u32 s13;
	s13 =	sadd.s32 $0x40, s13  }
.Ltmp0:
0x24: {  	(pc) =	sbr.rel @p0 .LBB2_2-.Ltmp0, $4  }
0x25: {  	_ = 	snop  }
0x26: {  	s24 =	sand.u32 $0xFE00, s24  }
0x27: {  	s15 =	sand.u32 $0x70, s14;
	s24 =	sshrl.u32 s24, $0x2  }
0x28: {  	s24 =	sor.u32 s15, s24  }
0x29: {  	[tilespmem:s24+$0x14200] =	vst v0  }
0x2a: {  	[spmem:s6] =	stream.linear.scatter [tilespmem:s25], [sflag:$0x5], $0x4000, $0x200038;
	[tilespmem:$0x1C200] =	vst v63  }
0x2b: {  	_ =	swait.ge [sflag:s26], $0x4000  }
0x2c: {  	[sflag:s26] =	ssyncset.done $0x0  }
0x2d: {  	s13 =	rddreg [dreg:$0x6];
	[sflag:s26] =	ssyncadd.s32 $0xFFFFC000  }
0x2e: {  	[spmem:s13] =	stream.linear.scatter [tilespmem:s25], [sflag:$0x5], $0x4000, $0x200038;
	[tilespmem:$0x1C200] =	vst v63  }
0x2f: {  	_ =	swait.ge [sflag:s26], $0x4000  }
0x30: {  	[sflag:s26] =	ssyncset.done $0x0  }
0x31: {  	s15 =	rddreg [dreg:$0x7];
	[sflag:s26] =	ssyncadd.s32 $0xFFFFC000  }
0x32: {  	[spmem:s15] =	stream.linear.scatter [tilespmem:s25], [sflag:$0x5], $0x4000, $0x200038;
	[tilespmem:$0x1C200] =	vst v63  }
0x33: {  	_ =	swait.ge [sflag:s26], $0x4000  }
0x34: {  	[sflag:s26] =	ssyncset.done $0x0  }
0x35: {  	s24 =	rddreg [dreg:$0x8];
	[sflag:s26] =	ssyncadd.s32 $0xFFFFC000  }
0x36: {  	[spmem:s24] =	stream.linear.scatter [tilespmem:s25], [sflag:$0x5], $0x4000, $0x200038;
	[tilespmem:$0x1C200] =	vst v63  }
0x37: {  	_ =	swait.ge [sflag:s26], $0x4000  }
0x38: {  	[sflag:s26] =	ssyncset.done $0x0  }
0x39: {  	s14 =	rddreg [dreg:$0x9];
	[sflag:s26] =	ssyncadd.s32 $0xFFFFC000  }
0x3a: {  	[spmem:s14] =	stream.linear.scatter [tilespmem:s25], [sflag:$0x5], $0x4000, $0x200038;
	[tilespmem:$0x1C200] =	vst v63  }
0x3b: {  	_ =	swait.ge [sflag:s26], $0x4000  }
0x3c: {  	[sflag:s26] =	ssyncset.done $0x0  }
0x3d: {  	[sflag:s26] =	ssyncadd.s32 $0xFFFFC000  }
0x3e: {  	[bflag:$0x0] =	sbarrier.arrive $0xFFFF  }
0x3f: {  	_ =	strace $0x9000004B  }
0x40: {  	_ =	strace $0x8000004C  }
0x41: {  	[tilespmem:s28], [sflag:$0x3] =	stream.linear.gather [hbm4b:s16+s2], $0x100, $0x200038;
	[tilespmem:$0x1C200] =	vst v63  }
0x42: {  	_ =	swait.ge [sflag:s29], $0x100  }
0x43: {  	[sflag:s29] =	ssyncset.done $0x0  }
0x44: {  	[sflag:s29] =	ssyncadd.s32 $0xFFFFFF00  }
0x45: {  	[tilespmem:s25], [sflag:$0x1] =	stream.indirect.gather [hbm4b:s4+s30], $0x80, s28, s30, $0x2000b8;
	[tilespmem:$0x1C200] =	vst v63  }
0x46: {  	s15 =	rddreg [dreg:$0x3]  }
0x47: {  	[tilespmem:s31], [sflag:$0x4] =	stream.linear.gather [hbm4b:s15+s2], $0x100, $0x200038;
	[tilespmem:$0x1C200] =	vst v63  }
0x48: {  	_ =	swait.ge [sflag:s0], $0x100  }
0x49: {  	[sflag:s0] =	ssyncset.done $0x0  }
0x4a: {  	[sflag:s0] =	ssyncadd.s32 $0xFFFFFF00  }
0x4b: {  	[tilespmem:s3], [sflag:$0x2] =	stream.indirect.gather [hbm4b:s4+s30], $0x80, s31, s30, $0x2000b8;
	[tilespmem:$0x1C200] =	vst v63  }
0x4c: {  	_ =	swait.ge [sflag:s7], $0x4000  }
0x4d: {  	[sflag:s7] =	ssyncset.done $0x0  }
0x4e: {  	[sflag:s7] =	ssyncadd.s32 $0xFFFFC000  }
0x4f: {  	[spmem:s1] =	stream.indirect.scatter.add.f32 [tilespmem:s25], [sflag:$0x5], $0x80, s9, s30, $0x2000b8;
	[tilespmem:$0x1C200] =	vst v63  }
0x50: {  	_ =	swait.ge [sflag:s26], $0x4000  }
0x51: {  	[sflag:s26] =	ssyncset.done $0x0  }
0x52: {  	s24 =	sadd.s32 $0xFFFFFFE0, s5;
	[sflag:s26] =	ssyncadd.s32 $0xFFFFC000  }
0x53: {  	[tilespmem:s28], [sflag:$0x3] =	stream.linear.gather [hbm4b:s24+s2], $0x100, $0x200038;
	[tilespmem:$0x1C200] =	vst v63  }
0x54: {  	_ =	swait.ge [sflag:s29], $0x100  }
0x55: {  	[sflag:s29] =	ssyncset.done $0x0  }
0x56: {  	[sflag:s29] =	ssyncadd.s32 $0xFFFFFF00  }
0x57: {  	[tilespmem:s25], [sflag:$0x1] =	stream.indirect.gather [hbm4b:s4+s30], $0x80, s28, s30, $0x2000b8;
	[tilespmem:$0x1C200] =	vst v63  }
0x58: {  	_ =	swait.ge [sflag:s10], $0x4000  }
0x59: {  	p0 =	sne.s32 s8, $0x1;
	[sflag:s10] =	ssyncset.done $0x0  }
.Ltmp1:
0x5a: {  	[sflag:s10] =	ssyncadd.s32 $0xFFFFC000;
	(pc) =	sbr.rel @!p0 .LBB2_5-.Ltmp1, $4  }
0x5b: {  	[spmem:s1] =	stream.indirect.scatter.add.f32 [tilespmem:s3], [sflag:$0x5], $0x80, s11, s30, $0x2000b8;
	[tilespmem:$0x1C200] =	vst v63  }
0x5c: {  	_ =	swait.ge [sflag:s26], $0x4000  }
0x5d: {  	s13 =	sadd.s32 $0xFFFFFFFF, s8;
	[sflag:s26] =	ssyncset.done $0x0  }
0x5e: {  	s14 =	sadd.s32 $0x40, s5;
	s24 =	smov.u32 s5;
	[sflag:s26] =	ssyncadd.s32 $0xFFFFC000  }
.LBB2_4:
0x5f: {  	[tilespmem:s31], [sflag:$0x4] =	stream.linear.gather [hbm4b:s24+s2], $0x100, $0x200038;
	[tilespmem:$0x1C200] =	vst v63  }
0x60: {  	p0 =	sne.s32 s13, $0x1;
	s13 =	sadd.s32 $0xFFFFFFFF, s13;
	_ =	swait.ge [sflag:s0], $0x100  }
0x61: {  	s24 =	smov.u32 s14;
	[sflag:s0] =	ssyncset.done $0x0  }
0x62: {  	[sflag:s0] =	ssyncadd.s32 $0xFFFFFF00  }
0x63: {  	[tilespmem:s3], [sflag:$0x2] =	stream.indirect.gather [hbm4b:s4+s30], $0x80, s31, s30, $0x2000b8;
	[tilespmem:$0x1C200] =	vst v63  }
0x64: {  	_ =	swait.ge [sflag:s7], $0x4000  }
0x65: {  	[sflag:s7] =	ssyncset.done $0x0  }
0x66: {  	[sflag:s7] =	ssyncadd.s32 $0xFFFFC000  }
0x67: {  	[spmem:s1] =	stream.indirect.scatter.add.f32 [tilespmem:s25], [sflag:$0x5], $0x80, s9, s30, $0x2000b8;
	[tilespmem:$0x1C200] =	vst v63  }
0x68: {  	_ =	swait.ge [sflag:s26], $0x4000  }
0x69: {  	[sflag:s26] =	ssyncset.done $0x0  }
0x6a: {  	s15 =	sadd.s32 $0xFFFFFFE0, s14;
	[sflag:s26] =	ssyncadd.s32 $0xFFFFC000  }
0x6b: {  	[tilespmem:s28], [sflag:$0x3] =	stream.linear.gather [hbm4b:s15+s2], $0x100, $0x200038;
	[tilespmem:$0x1C200] =	vst v63  }
0x6c: {  	_ =	swait.ge [sflag:s29], $0x100  }
0x6d: {  	[sflag:s29] =	ssyncset.done $0x0  }
0x6e: {  	[sflag:s29] =	ssyncadd.s32 $0xFFFFFF00  }
0x6f: {  	[tilespmem:s25], [sflag:$0x1] =	stream.indirect.gather [hbm4b:s4+s30], $0x80, s28, s30, $0x2000b8;
	[tilespmem:$0x1C200] =	vst v63  }
0x70: {  	_ =	swait.ge [sflag:s10], $0x4000  }
0x71: {  	[sflag:s10] =	ssyncset.done $0x0  }
.Ltmp2:
0x72: {  	[sflag:s10] =	ssyncadd.s32 $0xFFFFC000;
	(pc) =	sbr.rel @p0 .LBB2_4-.Ltmp2, $4  }
0x73: {  	[spmem:s1] =	stream.indirect.scatter.add.f32 [tilespmem:s3], [sflag:$0x5], $0x80, s11, s30, $0x2000b8;
	[tilespmem:$0x1C200] =	vst v63  }
0x74: {  	_ =	swait.ge [sflag:s26], $0x4000  }
0x75: {  	[sflag:s26] =	ssyncset.done $0x0  }
0x76: {  	s14 =	sadd.s32 $0x40, s14;
	[sflag:s26] =	ssyncadd.s32 $0xFFFFC000  }
.LBB2_5:
0x77: {  	[tilespmem:s31], [sflag:$0x4] =	stream.linear.gather [hbm4b:s24+s2], $0x100, $0x200038;
	[tilespmem:$0x1C200] =	vst v63  }
0x78: {  	_ =	swait.ge [sflag:s0], $0x100  }
0x79: {  	[sflag:s0] =	ssyncset.done $0x0  }
0x7a: {  	[sflag:s0] =	ssyncadd.s32 $0xFFFFFF00  }
0x7b: {  	[tilespmem:s3], [sflag:$0x2] =	stream.indirect.gather [hbm4b:s4+s30], $0x80, s31, s30, $0x2000b8;
	[tilespmem:$0x1C200] =	vst v63  }
0x7c: {  	_ =	swait.ge [sflag:s7], $0x4000  }
0x7d: {  	[sflag:s7] =	ssyncset.done $0x0  }
0x7e: {  	[sflag:s7] =	ssyncadd.s32 $0xFFFFC000  }
0x7f: {  	[spmem:s1] =	stream.indirect.scatter.add.f32 [tilespmem:s25], [sflag:$0x5], $0x80, s9, s30, $0x2000b8;
	[tilespmem:$0x1C200] =	vst v63  }
0x80: {  	_ =	swait.ge [sflag:s26], $0x4000  }
0x81: {  	[sflag:s26] =	ssyncset.done $0x0  }
0x82: {  	s13 =	rddreg [dreg:$0x4];
	[sflag:s26] =	ssyncadd.s32 $0xFFFFC000  }
0x83: {  	[tilespmem:s28], [sflag:$0x3] =	stream.linear.gather [hbm4b:s13+s2], $0x100, $0x200038;
	[tilespmem:$0x1C200] =	vst v63  }
0x84: {  	_ =	swait.ge [sflag:s29], $0x100  }
0x85: {  	[sflag:s29] =	ssyncset.done $0x0  }
0x86: {  	[sflag:s29] =	ssyncadd.s32 $0xFFFFFF00  }
0x87: {  	[tilespmem:s25], [sflag:$0x1] =	stream.indirect.gather [hbm4b:s4+s30], $0x80, s28, s30, $0x2000b8;
	[tilespmem:$0x1C200] =	vst v63  }
0x88: {  	_ =	swait.ge [sflag:s10], $0x4000  }
0x89: {  	[sflag:s10] =	ssyncset.done $0x0  }
0x8a: {  	[sflag:s10] =	ssyncadd.s32 $0xFFFFC000  }
0x8b: {  	[spmem:s1] =	stream.indirect.scatter.add.f32 [tilespmem:s3], [sflag:$0x5], $0x80, s11, s30, $0x2000b8;
	[tilespmem:$0x1C200] =	vst v63  }
0x8c: {  	_ =	swait.ge [sflag:s26], $0x4000  }
0x8d: {  	[sflag:s26] =	ssyncset.done $0x0  }
0x8e: {  	[sflag:s26] =	ssyncadd.s32 $0xFFFFC000  }
0x8f: {  	_ =	swait.ge [sflag:s7], $0x4000  }
0x90: {  	[sflag:s7] =	ssyncset.done $0x0  }
0x91: {  	[sflag:s7] =	ssyncadd.s32 $0xFFFFC000  }
0x92: {  	[spmem:s1] =	stream.indirect.scatter.add.f32 [tilespmem:s25], [sflag:$0x5], $0x80, s9, s30, $0x2000b8;
	[tilespmem:$0x1C200] =	vst v63  }
0x93: {  	_ =	swait.ge [sflag:s26], $0x4000  }
0x94: {  	[sflag:s26] =	ssyncset.done $0x0  }
0x95: {  	[sflag:s26] =	ssyncadd.s32 $0xFFFFC000  }
0x96: {  	_ =	strace $0x9000004C  }
0x97: {  	_ =	strace $0x8000004D  }
0x98: {  	[bflag:$0x0] =	sbarrier.arrive $0xFFFF  }
0x99: {  	[tilespmem:s25], [sflag:$0x5] =	stream.linear.gather [spmem:s6], $0x4000, $0x200038;
	[tilespmem:$0x1C200] =	vst v63  }
0x9a: {  	_ =	swait.ge [sflag:s26], $0x4000  }
0x9b: {  	[sflag:s26] =	ssyncset.done $0x0  }
0x9c: {  	s14 =	rddreg [dreg:$0xa];
	[sflag:s26] =	ssyncadd.s32 $0xFFFFC000  }
0x9d: {  	[hbm4b:s14+s2] =	stream.linear.scatter [tilespmem:s25], [sflag:$0x5], $0x4000, $0x200038;
	[tilespmem:$0x1C200] =	vst v63  }
0x9e: {  	_ =	swait.ge [sflag:s26], $0x4000  }
0x9f: {  	[sflag:s26] =	ssyncset.done $0x0  }
0xa0: {  	s15 =	rddreg [dreg:$0xb];
	[sflag:s26] =	ssyncadd.s32 $0xFFFFC000  }
0xa1: {  	[tilespmem:s25], [sflag:$0x5] =	stream.linear.gather [spmem:s15], $0x4000, $0x200038;
	[tilespmem:$0x1C200] =	vst v63  }
0xa2: {  	_ =	swait.ge [sflag:s26], $0x4000  }
0xa3: {  	[sflag:s26] =	ssyncset.done $0x0  }
0xa4: {  	[sflag:s26] =	ssyncadd.s32 $0xFFFFC000  }
0xa5: {  	[hbm4b:s17+s2] =	stream.linear.scatter [tilespmem:s25], [sflag:$0x5], $0x4000, $0x200038;
	[tilespmem:$0x1C200] =	vst v63  }
0xa6: {  	_ =	swait.ge [sflag:s26], $0x4000  }
0xa7: {  	[sflag:s26] =	ssyncset.done $0x0  }
0xa8: {  	[sflag:s26] =	ssyncadd.s32 $0xFFFFC000  }
0xa9: {  	[tilespmem:s25], [sflag:$0x5] =	stream.linear.gather [spmem:s18], $0x4000, $0x200038;
	[tilespmem:$0x1C200] =	vst v63  }
0xaa: {  	_ =	swait.ge [sflag:s26], $0x4000  }
0xab: {  	[sflag:s26] =	ssyncset.done $0x0  }
0xac: {  	[sflag:s26] =	ssyncadd.s32 $0xFFFFC000  }
0xad: {  	[hbm4b:s19+s2] =	stream.linear.scatter [tilespmem:s25], [sflag:$0x5], $0x4000, $0x200038;
	[tilespmem:$0x1C200] =	vst v63  }
0xae: {  	_ =	swait.ge [sflag:s26], $0x4000  }
0xaf: {  	[sflag:s26] =	ssyncset.done $0x0  }
0xb0: {  	[sflag:s26] =	ssyncadd.s32 $0xFFFFC000  }
0xb1: {  	[tilespmem:s25], [sflag:$0x5] =	stream.linear.gather [spmem:s20], $0x4000, $0x200038;
	[tilespmem:$0x1C200] =	vst v63  }
0xb2: {  	_ =	swait.ge [sflag:s26], $0x4000  }
0xb3: {  	[sflag:s26] =	ssyncset.done $0x0  }
0xb4: {  	[sflag:s26] =	ssyncadd.s32 $0xFFFFC000  }
0xb5: {  	[hbm4b:s21+s2] =	stream.linear.scatter [tilespmem:s25], [sflag:$0x5], $0x4000, $0x200038;
	[tilespmem:$0x1C200] =	vst v63  }
0xb6: {  	_ =	swait.ge [sflag:s26], $0x4000  }
0xb7: {  	[sflag:s26] =	ssyncset.done $0x0  }
0xb8: {  	[sflag:s26] =	ssyncadd.s32 $0xFFFFC000  }
0xb9: {  	[tilespmem:s25], [sflag:$0x5] =	stream.linear.gather [spmem:s22], $0x4000, $0x200038;
	[tilespmem:$0x1C200] =	vst v63  }
0xba: {  	_ =	swait.ge [sflag:s26], $0x4000  }
0xbb: {  	[sflag:s26] =	ssyncset.done $0x0  }
0xbc: {  	[sflag:s26] =	ssyncadd.s32 $0xFFFFC000  }
0xbd: {  	[hbm4b:s23+s2] =	stream.linear.scatter [tilespmem:s25], [sflag:$0x5], $0x4000, $0x200038;
	[tilespmem:$0x1C200] =	vst v63  }
0xbe: {  	_ =	swait.ge [sflag:s26], $0x4000  }
0xbf: {  	s12 =	sadd.s32 $0x1, s12;
	s24 =	rddreg [dreg:$0x5]  }
0xc0: {  	p0 =	sne.s32 s12, s24  }
.Ltmp3:
0xc1: {  	_ = 	snop;
	(pc) =	sbr.rel @p0 .LBB2_1-.Ltmp3, $4  }
0xc2: {  	_ = 	snop  }
0xc3: {  	[sflag:s26] =	ssyncset.done $0x0  }
0xc4: {  	[sflag:s26] =	ssyncadd.s32 $0xFFFFC000  }
0xc5: {  	_ =	strace $0x9000004D  }
0xc6: {  	_ =	sfence.sel $0x180000  }
0xc7: {  	[bflag:$0x0] =	sbarrier.arrive $0xFFFF  }
0xc8: {  	_ =	strace $0x9000004A  }
0xc9: {  	s0 =	stileid.u32;
	[bflag:$0x2] =	sbarrier.arrive $0xFFFF  }
0xca: {  	p0 =	sne.s32 s0, $0x0;
	s0 =	rddreg [dreg:$0x2]  }
0xcb: {  	s0 =	sadd.s32 @!p0 $0x100000, s0  }
0xcc: {  	[sflag:s0] =	ssyncadd.tile.s32 @!p0 $0x1;
	_ =	shalt  }
.Lfunc_end2:
_tile_overlayer_lowered:
.L_overlay_start_2:
0xcd: {  	(tag) =	ssettag $0x2  }
0xce: {  	s0 =	rddreg [dreg:$0x0];
	s2 =	stileid.u32  }
0xcf: {  	s1 =	rddreg [dreg:$0x1];
	p0 =	sne.s32 s2, $0x0  }
0xd0: {  	s3 =	rddreg [dreg:$0x2];
	[bflag:$0x3] =	sbarrier.arrive $0xFFFF;
	s2 =	simm.s32 @!p0 $0x1C05  }
0xd1: {  	[timem:s3], [sflag:s2] =	dma.local @!p0 [hbm:s0], s1  }
0xd2: {  	s0 =	simm.s32 @!p0 $0x5  }
0xd3: {  	_ =	swait.ge @!p0 [sflag:s0], s1  }
0xd4: {  	s1 =	ssub.s32 @!p0 $0x0, s1;
	[sflag:s0] =	ssyncset.done @!p0 $0x0  }
0xd5: {  	[sflag:s0] =	ssyncadd.s32 @!p0 s1  }
0xd6: {  	[bflag:$0x3] =	sbarrier.arrive $0xFFFF  }
0xd7: {  	_ =	shalt  }

// kernel: kernel.19.cloned.1.call-start
scs
__scs_entry_jumppad:
0x0: {  	(pc) =	sbr.rel $0x88, $3  }
0x1: {  	(tag) =	ssettag $0x0;
	lr =	simm.s32 $0x1  }
0x2: {  	[smem:$0x3F8F] =	sst lr;
	_ =	strace $0xD0000000  }
0x3: {  	_ = 	snop  }
0x4: {  	_ = 	snop  }
0x5: {  	_ = 	snop  }
0x6: {  	_ = 	snop  }
0x7: {  	_ = 	snop  }
__scs_overlays_trampoline_lowered:
0x8: {  	[smem:$0x3F9E] =	sst s0  }
0x9: {  	[smem:$0x3F9F] =	sst s1  }
0xa: {  	[smem:$0x3FA0] =	sst s2  }
0xb: {  	[smem:$0x3FA1] =	sst s3  }
0xc: {  	[smem:$0x3FA2] =	sst s4  }
0xd: {  	[smem:$0x3FA3] =	sst s5  }
0xe: {  	[smem:$0x3FA4] =	sst s6  }
0xf: {  	[smem:$0x3FA5] =	sst s7  }
0x10: {  	[smem:$0x3FA6] =	sst s8  }
0x11: {  	[smem:$0x3FA7] =	sst s9;
	s0 =	simm.s32 @!p0 $0x0  }
0x12: {  	s1 =	sld [smem:$0x3F8D];
	s0 =	simm.s32 @p0 $0x1  }
0x13: {  	[smem:$0x3FA8] =	sst s0;
	s0 =	simm.s32 @!p1 $0x0  }
0x14: {  	s2 =	sld [smem:$0x3F8C];
	s0 =	simm.s32 @p1 $0x1  }
0x15: {  	[smem:$0x3FA9] =	sst s0;
	s0 =	simm.s32 @!p2 $0x0  }
0x16: {  	s3 =	sld [smem:$0x3FDB];
	s0 =	simm.s32 @p2 $0x1  }
0x17: {  	s4 =	simm.s32 $0x1BF5;
	[smem:$0x3FAB] =	sst s0  }
0x18: {  	s0 =	sld [smem:$0x3F8E];
	_ =	swait.ge [sflag:s4], $0x0  }
0x19: {  	s7 =	sld [smem:$0x3F8F]  }
0x1a: {  	s8 =	sadd.s32 $0xFFFFE003, lr  }
0x1b: {  	s9 =	sadd.s32 $0xFFFFFEF7, lr;
	s5 =	simm.s32 $0xFFFFFFFF;
	p2 =	slt.u32 s8, $0xFFFFF086  }
0x1c: {  	p1 =	slt.u32 s9, $0xF7A;
	s5 =	simm.s32 @!p2 $0x0  }
0x1d: {  	s5 =	simm.s32 @p1 $0x1;
	p0 =	seq.s32 s7, s2  }
0x1e: {  	s7 =	smul.u32 @!p0 $0xF7A, s2;
	p2 =	seq.s32 @!p0 s5, $0x0  }
0x1f: {  	s9 =	smul.u32 $0xF7A, s1;
	s8 =	simm.s32 @!p0 $0x1BF5;
	p2 =	por !p2, p0  }
0x20: {  	[sflag:s8] =	ssyncset.s32 @!p0 $0xFFFFF086;
	s6 =	sadd.s32 @!p0 s3, s7;
	s7 =	simm.s32 @!p0 $0x108  }
0x21: {  	s3 =	sadd.s32 s3, s9;
	s6 =	sadd.s32 @!p0 $0x88, s6;
	s7 =	simm.s32 @p2 $0x1082  }
0x22: {  	[simem:s7], [sflag:s8] =	dma.local @!p0 [hbm:s6], $0xF7A  }
0x23: {  	s9 =	sor.u32 $0xD0000000, s2;
	s6 =	simm.s32 $0x108;
	_ =	swait.ge @!p0 [sflag:s8], $0x0  }
0x24: {  	s3 =	sadd.s32 $0x88, s3;
	s6 =	simm.s32 @!p1 $0x1082;
	[sflag:s4] =	ssyncset.s32 $0xFFFFF086  }
0x25: {  	[simem:s6], [sflag:s4] =	dma.local [hbm:s3], $0xF7A  }
0x26: {  	[smem:$0x3F8F] =	sst s1;
	(tag) =	ssettag s2;
	_ =	strace s9  }
0x27: {  	s1 =	sld [smem:$0x3F9F]  }
0x28: {  	s2 =	sld [smem:$0x3FA0]  }
0x29: {  	s4 =	sld [smem:$0x3FA2]  }
0x2a: {  	p0 =	seq.s32 s5, $0x0;
	s5 =	sld [smem:$0x3FA3]  }
0x2b: {  	s6 =	sld [smem:$0x3FA4]  }
0x2c: {  	s7 =	sld [smem:$0x3FA5]  }
0x2d: {  	s3 =	simm.s32 $0x108;
	s8 =	sld [smem:$0x3FA6]  }
0x2e: {  	s3 =	simm.s32 @!p0 $0x1082;
	s9 =	sld [smem:$0x3FA7]  }
0x2f: {  	lr =	sadd.s32 s0, s3;
	s0 =	sld [smem:$0x3F9E]  }
0x30: {  	s3 =	sld [smem:$0x3FA1]  }
0x31: {  	[smem:$0x3FAA] =	sst s10  }
0x32: {  	s10 =	sld [smem:$0x3FA8];
	_ =	sdelay $0x3  }
0x33: {  	p0 =	seq.s32 s10, $0x1;
	s10 =	sld [smem:$0x3FAA];
	_ =	sdelay $0x3  }
0x34: {  	[smem:$0x3FAA] =	sst s10  }
0x35: {  	s10 =	sld [smem:$0x3FA9];
	_ =	sdelay $0x3  }
0x36: {  	p1 =	seq.s32 s10, $0x1;
	s10 =	sld [smem:$0x3FAA];
	_ =	sdelay $0x3  }
0x37: {  	[smem:$0x3FAA] =	sst s10  }
0x38: {  	s10 =	sld [smem:$0x3FAB]  }
0x39: {  	_ = 	snop;
	(pc) =	sbr.ind lr, $3  }
0x3a: {  	_ = 	snop  }
0x3b: {  	_ = 	snop  }
0x3c: {  	p2 =	seq.s32 s10, $0x1;
	s10 =	sld [smem:$0x3FAA]  }
0x3d: {  	_ =	shalt  }
0x3e: {  	_ =	shalt  }
0x3f: {  	_ =	shalt  }
0x40: {  	_ =	shalt  }
0x41: {  	_ =	shalt  }
0x42: {  	_ =	shalt  }
0x43: {  	_ =	shalt  }
0x44: {  	_ =	shalt  }
0x45: {  	_ =	shalt  }
0x46: {  	_ =	shalt  }
0x47: {  	_ =	shalt  }
0x48: {  	_ =	shalt  }
0x49: {  	_ =	shalt  }
0x4a: {  	_ =	shalt  }
0x4b: {  	_ =	shalt  }
0x4c: {  	_ =	shalt  }
0x4d: {  	_ =	shalt  }
0x4e: {  	_ =	shalt  }
0x4f: {  	_ =	shalt  }
0x50: {  	_ =	shalt  }
0x51: {  	_ =	shalt  }
0x52: {  	_ =	shalt  }
0x53: {  	_ =	shalt  }
0x54: {  	_ =	shalt  }
0x55: {  	_ =	shalt  }
0x56: {  	_ =	shalt  }
0x57: {  	_ =	shalt  }
0x58: {  	_ =	shalt  }
0x59: {  	_ =	shalt  }
0x5a: {  	_ =	shalt  }
0x5b: {  	_ =	shalt  }
0x5c: {  	_ =	shalt  }
0x5d: {  	_ =	shalt  }
0x5e: {  	_ =	shalt  }
0x5f: {  	_ =	shalt  }
0x60: {  	_ =	shalt  }
0x61: {  	_ =	shalt  }
0x62: {  	_ =	shalt  }
0x63: {  	_ =	shalt  }
0x64: {  	_ =	shalt  }
0x65: {  	_ =	shalt  }
0x66: {  	_ =	shalt  }
0x67: {  	_ =	shalt  }
0x68: {  	_ =	shalt  }
0x69: {  	_ =	shalt  }
0x6a: {  	_ =	shalt  }
0x6b: {  	_ =	shalt  }
0x6c: {  	_ =	shalt  }
0x6d: {  	_ =	shalt  }
0x6e: {  	_ =	shalt  }
0x6f: {  	_ =	shalt  }
0x70: {  	_ =	shalt  }
0x71: {  	_ =	shalt  }
0x72: {  	_ =	shalt  }
0x73: {  	_ =	shalt  }
0x74: {  	_ =	shalt  }
0x75: {  	_ =	shalt  }
0x76: {  	_ =	shalt  }
0x77: {  	_ =	shalt  }
0x78: {  	_ =	shalt  }
0x79: {  	_ =	shalt  }
0x7a: {  	_ =	shalt  }
0x7b: {  	_ =	shalt  }
0x7c: {  	_ =	shalt  }
0x7d: {  	_ =	shalt  }
0x7e: {  	_ =	shalt  }
0x7f: {  	_ =	shalt  }
0x80: {  	_ =	shalt  }
0x81: {  	_ =	shalt  }
0x82: {  	_ =	shalt  }
0x83: {  	_ =	shalt  }
0x84: {  	_ =	shalt  }
0x85: {  	_ =	shalt  }
0x86: {  	_ =	shalt  }
0x87: {  	_ =	shalt  }
.Lfunc_end0:
.L_simem_size_0:
called_computation.2_lowered:
.L_overlay_start_0:
0x88: {  	s2 =	sld [smem:$0x3FD9]  }
0x89: {  	s3 =	sld [smem:$0x3FFE];
	_ =	sdelay $0x1  }
0x8a: {  	s1 =	srdreg.scid  }
0x8b: {  	s0 =	sand.u32 $0x1, s1  }
0x8c: {  	s16 =	sshll.u32 s0, $0xA;
	s2 =	sadd.s32 s3, s2  }
0x8d: {  	s2 =	sadd.s32 s2, s16  }
0x8e: {  	[smem:$0x3FB6] =	sst s2  }
0x8f: {  	_ = 	snop  }
0x90: {  	(tm) =	ssettm $0x1  }
0x91: {  	s17 =	sld [smem:$0x3FFB];
	_ =	sdelay $0x3  }
0x92: {  	_ =	strace s17  }
0x93: {  	s2 =	sld [smem:$0x3FFC];
	_ =	sdelay $0x3  }
0x94: {  	_ =	strace s2  }
0x95: {  	s2 =	sld [smem:$0x3FFD];
	_ =	sdelay $0x3  }
0x96: {  	_ =	strace s2  }
0x97: {  	_ =	strace $0x8FFFFFFF  }
0x98: {  	s18 =	sld [smem:$0x3FDB];
	_ =	sdelay $0x1  }
0x99: {  	s19 =	simm.s32 $_scs_section_size  }
0x9a: {  	s4 =	simm.s32 $_size__tile_overlayer_lowered;
	s5 =	simm.s32 $_tile_overlayer_lowered  }
0x9b: {  	s22 =	simm.s32 $0x1BFF;
	s21 =	sshll.u32 s5, $0x1;
	s2 =	sadd.s32 s19, s18  }
0x9c: {  	s6 =	simm.s32 $0x0;
	s20 =	sshll.u32 s4, $0x1;
	s4 =	sadd.s32 s21, s2  }
0x9d: {  	[timem:s6], [sflag:s22] =	dma.local [hbm:s4], s20  }
0x9e: {  	_ =	swait.ge [sflag:s22], s20  }
0x9f: {  	s3 =	ssub.s32 $0x0, s20;
	[sflag:s22] =	ssyncset.done $0x0  }
0xa0: {  	[sflag:s22] =	ssyncadd.s32 s3;
	_ =	sdelay $0x1  }
0xa1: {  	s23 =	simm.s32 $0x1B8B  }
0xa2: {  	_ =	swait.ge [sflag:s23], $0x1  }
0xa3: {  	[sflag:s23] =	ssyncset.done $0x0  }
0xa4: {  	s25 =	simm.s32 $0x1B8E;
	s24 =	sld [smem:$0x3FFE];
	[sflag:s23] =	ssyncadd.s32 $0xFFFFFFFF  }
0xa5: {  	s26 =	simm.s32 $execute0_lowered;
	[smem:$0x3FD2] =	sst s25  }
0xa6: {  	s4 =	sshll.u32 s26, $0x1;
	_ =	strace $0x8000004F;
	[dreg:$0x1] =	wrdreg $0xFFFFFFFF  }
0xa7: {  	s28 =	simm.s32 $_size_execute0_lowered;
	s2 =	sadd.s32 s2, s4;
	[dreg:$0x0] =	wrdreg $0x0  }
0xa8: {  	s4 =	sshll.u32 s28, $0x1;
	[dreg:$0x2] =	wrdreg s2  }
0xa9: {  	[dreg:$0x3] =	wrdreg s4  }
0xaa: {  	[dreg:$0x4] =	wrdreg $0xC0  }
0xab: {  	_ =	task [dreg:s6], $0x5FFFF  }
0xac: {  	[dreg:$0x1] =	wrdreg $0xFFFFFFFF  }
0xad: {  	[dreg:$0x0] =	wrdreg $0x60  }
0xae: {  	[dreg:$0x2] =	wrdreg s24  }
0xaf: {  	[dreg:$0x3] =	wrdreg $0x0  }
0xb0: {  	[dreg:$0x4] =	wrdreg $0x9  }
0xb1: {  	_ =	task.clear_ibuf [dreg:s6], $0x5FFFF;
	_ =	strace $0x9000004F  }
0xb2: {  	s29 =	simm.s32 $0x9;
	_ =	strace $0x80000054  }
0xb3: {  	_ =	swait.ge [sflag:s29], $0x1  }
0xb4: {  	[sflag:s29] =	ssyncadd.s32 $0xFFFFFFFF  }
0xb5: {  	_ =	strace $0x90000054  }
0xb6: {  	_ =	sfence  }
0xb7: {  	s30 =	sld [smem:$0x0];
	_ =	sdelay $0x2  }
0xb8: {  	s31 =	sshll.u32 s1, $0xD;
	s1 =	sshrl.u32 s1, $0x2  }
0xb9: {  	s3 =	sand.u32 $0x4000, s31;
	s1 =	sadd.s32 s1, s30  }
0xba: {  	s0 =	sor.u32 s3, s0;
	s1 =	sshll.u32 s1, $0x11  }
0xbb: {  	s0 =	sor.u32 s1, s0  }
0xbc: {  	s0 =	sadd.s32 $0x8F2B, s0  }
0xbd: {  	[sflag:s0] =	ssyncadd.remote.s32 $0x1  }
0xbe: {  	_ =	sfence.sel $0xFFFF  }
0xbf: {  	[dreg:$0x0] =	wrdreg $0xFFFFFFFF;
	(pc) =	sbr.abs _section_cstart, $3  }
0xc0: {  	[dreg:$0x1] =	wrdreg $0xFFFFFFFF  }
0xc1: {  	_ =	task.clear_ibuf [dreg:s6], $0x2FFFF;
	_ =	strace $0x9FFFFFFF  }
0xc2: {  	(tm) =	ssettm $0x7FFFFFFF  }
0xc3: {  	_ =	shalt  }
tec
execute0_lowered:
.L_overlay_start_1:
0x0: {  	(tag) =	ssettag $0x1  }
0x1: {  	s0 =	rddreg [dreg:$0x0]  }
0x2: {  	s1 =	rddreg [dreg:$0x1];
	s2 =	simm.s32 $0x0  }
0x3: {  	s3 =	srdreg.scid;
	s11 =	stileid.u32;
	s10 =	simm.s32 $0x8B  }
0x4: {  	s28 =	simm.s32 $0x14000;
	s29 =	simm.s32 $0x3;
	s30 =	simm.s32 $0x80  }
0x5: {  	s31 =	simm.s32 $0x14100;
	[smem:$0x7FF] =	sst s2;
	s6 =	smul.u32 $0x13, s11  }
0x6: {  	s4 =	sadd.s32 $0x5F000, s0;
	s5 =	sadd.s32 $0x24200, s0;
	s8 =	smul.u32 $0x8B, s11  }
0x7: {  	s3 =	sand.u32 $0x1, s3;
	s0 =	sadd.s32 $0x86200, s0;
	s23 =	smul.u32 $0x50000, s11  }
0x8: {  	s14 =	smul.u32 $0x14000, s11;
	s11 =	simm.s32 $0x14180;
	_ =	strace $0x80000050  }
0x9: {  	s7 =	ssub.s32 $0x2, s3;
	p0 =	seq.s32 s3, $0x0;
	s3 =	smul.u32 $0x140000, s3  }
0xa: {  	s9 =	sshrl.u32 s7, $0x1;
	s6 =	sadd.s32 $0x8B0, s6;
	s10 =	simm.s32 @!p0 $0x13  }
0xb: {  	s19 =	sadd.s32 $0x4000, s14;
	s6 =	smov.u32 @p0 s8;
	s7 =	ssub.s32 s7, s9  }
0xc: {  	s8 =	sshrl.u32 s23, $0x2;
	s13 =	sadd.s32 $0xFFFFFFFD, s10;
	s18 =	sadd.s32 s3, s14  }
0xd: {  	s21 =	sadd.s32 s3, s19;
	s23 =	sadd.s32 $0x8000, s14;
	s24 =	sshll.u32 s6, $0x5  }
0xe: {  	s25 =	sadd.s32 s6, s10;
	s6 =	sadd.s32 s8, s1;
	s8 =	sshrl.u32 s13, $0x1  }
0xf: {  	s7 =	smax.u32 s7, $0x1;
	s22 =	sshrl.u32 s21, $0x3;
	s10 =	simm.s32 $0x2  }
0x10: {  	s12 =	sadd.s32 s5, s24;
	s9 =	sshll.u32 s25, $0x5;
	[dreg:$0x5] =	wrdreg s7  }
0x11: {  	s15 =	sadd.s32 $0x4000, s6;
	s16 =	sadd.s32 $0x8000, s6;
	s17 =	sadd.s32 $0xC000, s6  }
0x12: {  	s20 =	sadd.s32 $0x10000, s6;
	s7 =	sshrl.u32 s18, $0x3;
	[dreg:$0x6] =	wrdreg s15  }
0x13: {  	s24 =	sadd.s32 s3, s23;
	s18 =	sadd.s32 s23, s1;
	[dreg:$0x7] =	wrdreg s16  }
0x14: {  	s25 =	sadd.s32 $0xC000, s14;
	s26 =	sadd.s32 $0x20, s12;
	[dreg:$0x8] =	wrdreg s17  }
0x15: {  	s5 =	sadd.s32 s5, s9;
	[dreg:$0x9] =	wrdreg s20;
	s7 =	sadd.s32 s0, s7  }
0x16: {  	s9 =	sadd.s32 s19, s1;
	s17 =	sadd.s32 s0, s22;
	[dreg:$0x3] =	wrdreg s26  }
0x17: {  	s20 =	sadd.s32 s25, s1;
	s16 =	smov.u32 s12;
	[dreg:$0xa] =	wrdreg s7  }
0x18: {  	s5 =	sadd.s32 $0xFFFFFFE0, s5;
	[dreg:$0xb] =	wrdreg s9;
	s7 =	sshrl.u32 s24, $0x3  }
0x19: {  	s26 =	sadd.s32 s3, s25;
	s25 =	simm.s32 $0x14200;
	s9 =	simm.s32 $0x14080  }
0x1a: {  	[dreg:$0x4] =	wrdreg s5;
	s19 =	sadd.s32 s0, s7;
	s5 =	sadd.s32 $0x10000, s14  }
0x1b: {  	s7 =	sshrl.u32 s26, $0x3;
	s26 =	simm.s32 $0x5;
	s3 =	sadd.s32 s3, s5  }
0x1c: {  	s21 =	sadd.s32 s0, s7;
	s22 =	sadd.s32 s5, s1;
	s5 =	sadd.s32 $0x60, s12  }
0x1d: {  	s7 =	simm.s32 $0x1;
	s12 =	simm.s32 $0x0;
	s3 =	sshrl.u32 s3, $0x3  }
0x1e: {  	v0 =	vimm.f32 $0.0e+00;
	s23 =	sadd.s32 s0, s3;
	s0 =	simm.s32 $0x4;
	s3 =	simm.s32 $0x18200  }
.LBB2_1:
0x1f: {  	s13 =	sand.u32 $0xFE00, s2  }
0x20: {  	_ =	strace $0x80000051;
	s14 =	sand.u32 $0x70, s2;
	s24 =	sshrl.u32 s13, $0x2  }
0x21: {  	s13 =	simm.s32 $0x40;
	s24 =	sor.u32 s14, s24;
	s14 =	simm.s32 $0x0  }
.LBB2_2:
0x22: {  	p0 =	sne.s32 s13, $0xFFC0  }
0x23: {  	[tilespmem:s24+$0x14200] =	vst v0;
	s14 =	sadd.s32 $0x10, s14;
	s24 =	smov.u32 s13;
	s13 =	sadd.s32 $0x40, s13  }
.Ltmp0:
0x24: {  	(pc) =	sbr.rel @p0 .LBB2_2-.Ltmp0, $4  }
0x25: {  	_ = 	snop  }
0x26: {  	s24 =	sand.u32 $0xFE00, s24  }
0x27: {  	s15 =	sand.u32 $0x70, s14;
	s24 =	sshrl.u32 s24, $0x2  }
0x28: {  	s24 =	sor.u32 s15, s24  }
0x29: {  	[tilespmem:s24+$0x14200] =	vst v0  }
0x2a: {  	[spmem:s6] =	stream.linear.scatter [tilespmem:s25], [sflag:$0x5], $0x4000, $0x200038;
	[tilespmem:$0x1C200] =	vst v63  }
0x2b: {  	_ =	swait.ge [sflag:s26], $0x4000  }
0x2c: {  	[sflag:s26] =	ssyncset.done $0x0  }
0x2d: {  	s13 =	rddreg [dreg:$0x6];
	[sflag:s26] =	ssyncadd.s32 $0xFFFFC000  }
0x2e: {  	[spmem:s13] =	stream.linear.scatter [tilespmem:s25], [sflag:$0x5], $0x4000, $0x200038;
	[tilespmem:$0x1C200] =	vst v63  }
0x2f: {  	_ =	swait.ge [sflag:s26], $0x4000  }
0x30: {  	[sflag:s26] =	ssyncset.done $0x0  }
0x31: {  	s15 =	rddreg [dreg:$0x7];
	[sflag:s26] =	ssyncadd.s32 $0xFFFFC000  }
0x32: {  	[spmem:s15] =	stream.linear.scatter [tilespmem:s25], [sflag:$0x5], $0x4000, $0x200038;
	[tilespmem:$0x1C200] =	vst v63  }
0x33: {  	_ =	swait.ge [sflag:s26], $0x4000  }
0x34: {  	[sflag:s26] =	ssyncset.done $0x0  }
0x35: {  	s24 =	rddreg [dreg:$0x8];
	[sflag:s26] =	ssyncadd.s32 $0xFFFFC000  }
0x36: {  	[spmem:s24] =	stream.linear.scatter [tilespmem:s25], [sflag:$0x5], $0x4000, $0x200038;
	[tilespmem:$0x1C200] =	vst v63  }
0x37: {  	_ =	swait.ge [sflag:s26], $0x4000  }
0x38: {  	[sflag:s26] =	ssyncset.done $0x0  }
0x39: {  	s14 =	rddreg [dreg:$0x9];
	[sflag:s26] =	ssyncadd.s32 $0xFFFFC000  }
0x3a: {  	[spmem:s14] =	stream.linear.scatter [tilespmem:s25], [sflag:$0x5], $0x4000, $0x200038;
	[tilespmem:$0x1C200] =	vst v63  }
0x3b: {  	_ =	swait.ge [sflag:s26], $0x4000  }
0x3c: {  	[sflag:s26] =	ssyncset.done $0x0  }
0x3d: {  	[sflag:s26] =	ssyncadd.s32 $0xFFFFC000  }
0x3e: {  	[bflag:$0x0] =	sbarrier.arrive $0xFFFF  }
0x3f: {  	_ =	strace $0x90000051  }
0x40: {  	_ =	strace $0x80000052  }
0x41: {  	[tilespmem:s28], [sflag:$0x3] =	stream.linear.gather [hbm4b:s16+s2], $0x100, $0x200038;
	[tilespmem:$0x1C200] =	vst v63  }
0x42: {  	_ =	swait.ge [sflag:s29], $0x100  }
0x43: {  	[sflag:s29] =	ssyncset.done $0x0  }
0x44: {  	[sflag:s29] =	ssyncadd.s32 $0xFFFFFF00  }
0x45: {  	[tilespmem:s25], [sflag:$0x1] =	stream.indirect.gather [hbm4b:s4+s30], $0x80, s28, s30, $0x2000b8;
	[tilespmem:$0x1C200] =	vst v63  }
0x46: {  	s15 =	rddreg [dreg:$0x3]  }
0x47: {  	[tilespmem:s31], [sflag:$0x4] =	stream.linear.gather [hbm4b:s15+s2], $0x100, $0x200038;
	[tilespmem:$0x1C200] =	vst v63  }
0x48: {  	_ =	swait.ge [sflag:s0], $0x100  }
0x49: {  	[sflag:s0] =	ssyncset.done $0x0  }
0x4a: {  	[sflag:s0] =	ssyncadd.s32 $0xFFFFFF00  }
0x4b: {  	[tilespmem:s3], [sflag:$0x2] =	stream.indirect.gather [hbm4b:s4+s30], $0x80, s31, s30, $0x2000b8;
	[tilespmem:$0x1C200] =	vst v63  }
0x4c: {  	_ =	swait.ge [sflag:s7], $0x4000  }
0x4d: {  	[sflag:s7] =	ssyncset.done $0x0  }
0x4e: {  	[sflag:s7] =	ssyncadd.s32 $0xFFFFC000  }
0x4f: {  	[spmem:s1] =	stream.indirect.scatter.add.f32 [tilespmem:s25], [sflag:$0x5], $0x80, s9, s30, $0x2000b8;
	[tilespmem:$0x1C200] =	vst v63  }
0x50: {  	_ =	swait.ge [sflag:s26], $0x4000  }
0x51: {  	[sflag:s26] =	ssyncset.done $0x0  }
0x52: {  	s24 =	sadd.s32 $0xFFFFFFE0, s5;
	[sflag:s26] =	ssyncadd.s32 $0xFFFFC000  }
0x53: {  	[tilespmem:s28], [sflag:$0x3] =	stream.linear.gather [hbm4b:s24+s2], $0x100, $0x200038;
	[tilespmem:$0x1C200] =	vst v63  }
0x54: {  	_ =	swait.ge [sflag:s29], $0x100  }
0x55: {  	[sflag:s29] =	ssyncset.done $0x0  }
0x56: {  	[sflag:s29] =	ssyncadd.s32 $0xFFFFFF00  }
0x57: {  	[tilespmem:s25], [sflag:$0x1] =	stream.indirect.gather [hbm4b:s4+s30], $0x80, s28, s30, $0x2000b8;
	[tilespmem:$0x1C200] =	vst v63  }
0x58: {  	_ =	swait.ge [sflag:s10], $0x4000  }
0x59: {  	p0 =	sne.s32 s8, $0x1;
	[sflag:s10] =	ssyncset.done $0x0  }
.Ltmp1:
0x5a: {  	[sflag:s10] =	ssyncadd.s32 $0xFFFFC000;
	(pc) =	sbr.rel @!p0 .LBB2_5-.Ltmp1, $4  }
0x5b: {  	[spmem:s1] =	stream.indirect.scatter.add.f32 [tilespmem:s3], [sflag:$0x5], $0x80, s11, s30, $0x2000b8;
	[tilespmem:$0x1C200] =	vst v63  }
0x5c: {  	_ =	swait.ge [sflag:s26], $0x4000  }
0x5d: {  	s13 =	sadd.s32 $0xFFFFFFFF, s8;
	[sflag:s26] =	ssyncset.done $0x0  }
0x5e: {  	s14 =	sadd.s32 $0x40, s5;
	s24 =	smov.u32 s5;
	[sflag:s26] =	ssyncadd.s32 $0xFFFFC000  }
.LBB2_4:
0x5f: {  	[tilespmem:s31], [sflag:$0x4] =	stream.linear.gather [hbm4b:s24+s2], $0x100, $0x200038;
	[tilespmem:$0x1C200] =	vst v63  }
0x60: {  	p0 =	sne.s32 s13, $0x1;
	s13 =	sadd.s32 $0xFFFFFFFF, s13;
	_ =	swait.ge [sflag:s0], $0x100  }
0x61: {  	s24 =	smov.u32 s14;
	[sflag:s0] =	ssyncset.done $0x0  }
0x62: {  	[sflag:s0] =	ssyncadd.s32 $0xFFFFFF00  }
0x63: {  	[tilespmem:s3], [sflag:$0x2] =	stream.indirect.gather [hbm4b:s4+s30], $0x80, s31, s30, $0x2000b8;
	[tilespmem:$0x1C200] =	vst v63  }
0x64: {  	_ =	swait.ge [sflag:s7], $0x4000  }
0x65: {  	[sflag:s7] =	ssyncset.done $0x0  }
0x66: {  	[sflag:s7] =	ssyncadd.s32 $0xFFFFC000  }
0x67: {  	[spmem:s1] =	stream.indirect.scatter.add.f32 [tilespmem:s25], [sflag:$0x5], $0x80, s9, s30, $0x2000b8;
	[tilespmem:$0x1C200] =	vst v63  }
0x68: {  	_ =	swait.ge [sflag:s26], $0x4000  }
0x69: {  	[sflag:s26] =	ssyncset.done $0x0  }
0x6a: {  	s15 =	sadd.s32 $0xFFFFFFE0, s14;
	[sflag:s26] =	ssyncadd.s32 $0xFFFFC000  }
0x6b: {  	[tilespmem:s28], [sflag:$0x3] =	stream.linear.gather [hbm4b:s15+s2], $0x100, $0x200038;
	[tilespmem:$0x1C200] =	vst v63  }
0x6c: {  	_ =	swait.ge [sflag:s29], $0x100  }
0x6d: {  	[sflag:s29] =	ssyncset.done $0x0  }
0x6e: {  	[sflag:s29] =	ssyncadd.s32 $0xFFFFFF00  }
0x6f: {  	[tilespmem:s25], [sflag:$0x1] =	stream.indirect.gather [hbm4b:s4+s30], $0x80, s28, s30, $0x2000b8;
	[tilespmem:$0x1C200] =	vst v63  }
0x70: {  	_ =	swait.ge [sflag:s10], $0x4000  }
0x71: {  	[sflag:s10] =	ssyncset.done $0x0  }
.Ltmp2:
0x72: {  	[sflag:s10] =	ssyncadd.s32 $0xFFFFC000;
	(pc) =	sbr.rel @p0 .LBB2_4-.Ltmp2, $4  }
0x73: {  	[spmem:s1] =	stream.indirect.scatter.add.f32 [tilespmem:s3], [sflag:$0x5], $0x80, s11, s30, $0x2000b8;
	[tilespmem:$0x1C200] =	vst v63  }
0x74: {  	_ =	swait.ge [sflag:s26], $0x4000  }
0x75: {  	[sflag:s26] =	ssyncset.done $0x0  }
0x76: {  	s14 =	sadd.s32 $0x40, s14;
	[sflag:s26] =	ssyncadd.s32 $0xFFFFC000  }
.LBB2_5:
0x77: {  	[tilespmem:s31], [sflag:$0x4] =	stream.linear.gather [hbm4b:s24+s2], $0x100, $0x200038;
	[tilespmem:$0x1C200] =	vst v63  }
0x78: {  	_ =	swait.ge [sflag:s0], $0x100  }
0x79: {  	[sflag:s0] =	ssyncset.done $0x0  }
0x7a: {  	[sflag:s0] =	ssyncadd.s32 $0xFFFFFF00  }
0x7b: {  	[tilespmem:s3], [sflag:$0x2] =	stream.indirect.gather [hbm4b:s4+s30], $0x80, s31, s30, $0x2000b8;
	[tilespmem:$0x1C200] =	vst v63  }
0x7c: {  	_ =	swait.ge [sflag:s7], $0x4000  }
0x7d: {  	[sflag:s7] =	ssyncset.done $0x0  }
0x7e: {  	[sflag:s7] =	ssyncadd.s32 $0xFFFFC000  }
0x7f: {  	[spmem:s1] =	stream.indirect.scatter.add.f32 [tilespmem:s25], [sflag:$0x5], $0x80, s9, s30, $0x2000b8;
	[tilespmem:$0x1C200] =	vst v63  }
0x80: {  	_ =	swait.ge [sflag:s26], $0x4000  }
0x81: {  	[sflag:s26] =	ssyncset.done $0x0  }
0x82: {  	s13 =	rddreg [dreg:$0x4];
	[sflag:s26] =	ssyncadd.s32 $0xFFFFC000  }
0x83: {  	[tilespmem:s28], [sflag:$0x3] =	stream.linear.gather [hbm4b:s13+s2], $0x100, $0x200038;
	[tilespmem:$0x1C200] =	vst v63  }
0x84: {  	_ =	swait.ge [sflag:s29], $0x100  }
0x85: {  	[sflag:s29] =	ssyncset.done $0x0  }
0x86: {  	[sflag:s29] =	ssyncadd.s32 $0xFFFFFF00  }
0x87: {  	[tilespmem:s25], [sflag:$0x1] =	stream.indirect.gather [hbm4b:s4+s30], $0x80, s28, s30, $0x2000b8;
	[tilespmem:$0x1C200] =	vst v63  }
0x88: {  	_ =	swait.ge [sflag:s10], $0x4000  }
0x89: {  	[sflag:s10] =	ssyncset.done $0x0  }
0x8a: {  	[sflag:s10] =	ssyncadd.s32 $0xFFFFC000  }
0x8b: {  	[spmem:s1] =	stream.indirect.scatter.add.f32 [tilespmem:s3], [sflag:$0x5], $0x80, s11, s30, $0x2000b8;
	[tilespmem:$0x1C200] =	vst v63  }
0x8c: {  	_ =	swait.ge [sflag:s26], $0x4000  }
0x8d: {  	[sflag:s26] =	ssyncset.done $0x0  }
0x8e: {  	[sflag:s26] =	ssyncadd.s32 $0xFFFFC000  }
0x8f: {  	_ =	swait.ge [sflag:s7], $0x4000  }
0x90: {  	[sflag:s7] =	ssyncset.done $0x0  }
0x91: {  	[sflag:s7] =	ssyncadd.s32 $0xFFFFC000  }
0x92: {  	[spmem:s1] =	stream.indirect.scatter.add.f32 [tilespmem:s25], [sflag:$0x5], $0x80, s9, s30, $0x2000b8;
	[tilespmem:$0x1C200] =	vst v63  }
0x93: {  	_ =	swait.ge [sflag:s26], $0x4000  }
0x94: {  	[sflag:s26] =	ssyncset.done $0x0  }
0x95: {  	[sflag:s26] =	ssyncadd.s32 $0xFFFFC000  }
0x96: {  	_ =	strace $0x90000052  }
0x97: {  	_ =	strace $0x80000053  }
0x98: {  	[bflag:$0x0] =	sbarrier.arrive $0xFFFF  }
0x99: {  	[tilespmem:s25], [sflag:$0x5] =	stream.linear.gather [spmem:s6], $0x4000, $0x200038;
	[tilespmem:$0x1C200] =	vst v63  }
0x9a: {  	_ =	swait.ge [sflag:s26], $0x4000  }
0x9b: {  	[sflag:s26] =	ssyncset.done $0x0  }
0x9c: {  	s14 =	rddreg [dreg:$0xa];
	[sflag:s26] =	ssyncadd.s32 $0xFFFFC000  }
0x9d: {  	[hbm4b:s14+s2] =	stream.linear.scatter [tilespmem:s25], [sflag:$0x5], $0x4000, $0x200038;
	[tilespmem:$0x1C200] =	vst v63  }
0x9e: {  	_ =	swait.ge [sflag:s26], $0x4000  }
0x9f: {  	[sflag:s26] =	ssyncset.done $0x0  }
0xa0: {  	s15 =	rddreg [dreg:$0xb];
	[sflag:s26] =	ssyncadd.s32 $0xFFFFC000  }
0xa1: {  	[tilespmem:s25], [sflag:$0x5] =	stream.linear.gather [spmem:s15], $0x4000, $0x200038;
	[tilespmem:$0x1C200] =	vst v63  }
0xa2: {  	_ =	swait.ge [sflag:s26], $0x4000  }
0xa3: {  	[sflag:s26] =	ssyncset.done $0x0  }
0xa4: {  	[sflag:s26] =	ssyncadd.s32 $0xFFFFC000  }
0xa5: {  	[hbm4b:s17+s2] =	stream.linear.scatter [tilespmem:s25], [sflag:$0x5], $0x4000, $0x200038;
	[tilespmem:$0x1C200] =	vst v63  }
0xa6: {  	_ =	swait.ge [sflag:s26], $0x4000  }
0xa7: {  	[sflag:s26] =	ssyncset.done $0x0  }
0xa8: {  	[sflag:s26] =	ssyncadd.s32 $0xFFFFC000  }
0xa9: {  	[tilespmem:s25], [sflag:$0x5] =	stream.linear.gather [spmem:s18], $0x4000, $0x200038;
	[tilespmem:$0x1C200] =	vst v63  }
0xaa: {  	_ =	swait.ge [sflag:s26], $0x4000  }
0xab: {  	[sflag:s26] =	ssyncset.done $0x0  }
0xac: {  	[sflag:s26] =	ssyncadd.s32 $0xFFFFC000  }
0xad: {  	[hbm4b:s19+s2] =	stream.linear.scatter [tilespmem:s25], [sflag:$0x5], $0x4000, $0x200038;
	[tilespmem:$0x1C200] =	vst v63  }
0xae: {  	_ =	swait.ge [sflag:s26], $0x4000  }
0xaf: {  	[sflag:s26] =	ssyncset.done $0x0  }
0xb0: {  	[sflag:s26] =	ssyncadd.s32 $0xFFFFC000  }
0xb1: {  	[tilespmem:s25], [sflag:$0x5] =	stream.linear.gather [spmem:s20], $0x4000, $0x200038;
	[tilespmem:$0x1C200] =	vst v63  }
0xb2: {  	_ =	swait.ge [sflag:s26], $0x4000  }
0xb3: {  	[sflag:s26] =	ssyncset.done $0x0  }
0xb4: {  	[sflag:s26] =	ssyncadd.s32 $0xFFFFC000  }
0xb5: {  	[hbm4b:s21+s2] =	stream.linear.scatter [tilespmem:s25], [sflag:$0x5], $0x4000, $0x200038;
	[tilespmem:$0x1C200] =	vst v63  }
0xb6: {  	_ =	swait.ge [sflag:s26], $0x4000  }
0xb7: {  	[sflag:s26] =	ssyncset.done $0x0  }
0xb8: {  	[sflag:s26] =	ssyncadd.s32 $0xFFFFC000  }
0xb9: {  	[tilespmem:s25], [sflag:$0x5] =	stream.linear.gather [spmem:s22], $0x4000, $0x200038;
	[tilespmem:$0x1C200] =	vst v63  }
0xba: {  	_ =	swait.ge [sflag:s26], $0x4000  }
0xbb: {  	[sflag:s26] =	ssyncset.done $0x0  }
0xbc: {  	[sflag:s26] =	ssyncadd.s32 $0xFFFFC000  }
0xbd: {  	[hbm4b:s23+s2] =	stream.linear.scatter [tilespmem:s25], [sflag:$0x5], $0x4000, $0x200038;
	[tilespmem:$0x1C200] =	vst v63  }
0xbe: {  	_ =	swait.ge [sflag:s26], $0x4000  }
0xbf: {  	s12 =	sadd.s32 $0x1, s12;
	s24 =	rddreg [dreg:$0x5]  }
0xc0: {  	p0 =	sne.s32 s12, s24  }
.Ltmp3:
0xc1: {  	_ = 	snop;
	(pc) =	sbr.rel @p0 .LBB2_1-.Ltmp3, $4  }
0xc2: {  	_ = 	snop  }
0xc3: {  	[sflag:s26] =	ssyncset.done $0x0  }
0xc4: {  	[sflag:s26] =	ssyncadd.s32 $0xFFFFC000  }
0xc5: {  	_ =	strace $0x90000053  }
0xc6: {  	_ =	sfence.sel $0x180000  }
0xc7: {  	[bflag:$0x0] =	sbarrier.arrive $0xFFFF  }
0xc8: {  	_ =	strace $0x90000050  }
0xc9: {  	s0 =	stileid.u32;
	[bflag:$0x2] =	sbarrier.arrive $0xFFFF  }
0xca: {  	p0 =	sne.s32 s0, $0x0;
	s0 =	rddreg [dreg:$0x2]  }
0xcb: {  	s0 =	sadd.s32 @!p0 $0x100000, s0  }
0xcc: {  	[sflag:s0] =	ssyncadd.tile.s32 @!p0 $0x1;
	_ =	shalt  }
.Lfunc_end2:
_tile_overlayer_lowered:
.L_overlay_start_2:
0xcd: {  	(tag) =	ssettag $0x2  }
0xce: {  	s0 =	rddreg [dreg:$0x0];
	s2 =	stileid.u32  }
0xcf: {  	s1 =	rddreg [dreg:$0x1];
	p0 =	sne.s32 s2, $0x0  }
0xd0: {  	s3 =	rddreg [dreg:$0x2];
	[bflag:$0x3] =	sbarrier.arrive $0xFFFF;
	s2 =	simm.s32 @!p0 $0x1C05  }
0xd1: {  	[timem:s3], [sflag:s2] =	dma.local @!p0 [hbm:s0], s1  }
0xd2: {  	s0 =	simm.s32 @!p0 $0x5  }
0xd3: {  	_ =	swait.ge @!p0 [sflag:s0], s1  }
0xd4: {  	s1 =	ssub.s32 @!p0 $0x0, s1;
	[sflag:s0] =	ssyncset.done @!p0 $0x0  }
0xd5: {  	[sflag:s0] =	ssyncadd.s32 @!p0 s1  }
0xd6: {  	[bflag:$0x3] =	sbarrier.arrive $0xFFFF  }
0xd7: {  	_ =	shalt  }

// kernel: kernel.22.cloned.1.call-start
scs
__scs_entry_jumppad:
0x0: {  	(pc) =	sbr.rel $0x88, $3  }
0x1: {  	(tag) =	ssettag $0x0;
	lr =	simm.s32 $0x1  }
0x2: {  	[smem:$0x3F8F] =	sst lr;
	_ =	strace $0xD0000000  }
0x3: {  	_ = 	snop  }
0x4: {  	_ = 	snop  }
0x5: {  	_ = 	snop  }
0x6: {  	_ = 	snop  }
0x7: {  	_ = 	snop  }
__scs_overlays_trampoline_lowered:
0x8: {  	[smem:$0x3F9E] =	sst s0  }
0x9: {  	[smem:$0x3F9F] =	sst s1  }
0xa: {  	[smem:$0x3FA0] =	sst s2  }
0xb: {  	[smem:$0x3FA1] =	sst s3  }
0xc: {  	[smem:$0x3FA2] =	sst s4  }
0xd: {  	[smem:$0x3FA3] =	sst s5  }
0xe: {  	[smem:$0x3FA4] =	sst s6  }
0xf: {  	[smem:$0x3FA5] =	sst s7  }
0x10: {  	[smem:$0x3FA6] =	sst s8  }
0x11: {  	[smem:$0x3FA7] =	sst s9;
	s0 =	simm.s32 @!p0 $0x0  }
0x12: {  	s1 =	sld [smem:$0x3F8D];
	s0 =	simm.s32 @p0 $0x1  }
0x13: {  	[smem:$0x3FA8] =	sst s0;
	s0 =	simm.s32 @!p1 $0x0  }
0x14: {  	s2 =	sld [smem:$0x3F8C];
	s0 =	simm.s32 @p1 $0x1  }
0x15: {  	[smem:$0x3FA9] =	sst s0;
	s0 =	simm.s32 @!p2 $0x0  }
0x16: {  	s3 =	sld [smem:$0x3FDB];
	s0 =	simm.s32 @p2 $0x1  }
0x17: {  	s4 =	simm.s32 $0x1BF5;
	[smem:$0x3FAB] =	sst s0  }
0x18: {  	s0 =	sld [smem:$0x3F8E];
	_ =	swait.ge [sflag:s4], $0x0  }
0x19: {  	s7 =	sld [smem:$0x3F8F]  }
0x1a: {  	s8 =	sadd.s32 $0xFFFFE003, lr  }
0x1b: {  	s9 =	sadd.s32 $0xFFFFFEF7, lr;
	s5 =	simm.s32 $0xFFFFFFFF;
	p2 =	slt.u32 s8, $0xFFFFF086  }
0x1c: {  	p1 =	slt.u32 s9, $0xF7A;
	s5 =	simm.s32 @!p2 $0x0  }
0x1d: {  	s5 =	simm.s32 @p1 $0x1;
	p0 =	seq.s32 s7, s2  }
0x1e: {  	s7 =	smul.u32 @!p0 $0xF7A, s2;
	p2 =	seq.s32 @!p0 s5, $0x0  }
0x1f: {  	s9 =	smul.u32 $0xF7A, s1;
	s8 =	simm.s32 @!p0 $0x1BF5;
	p2 =	por !p2, p0  }
0x20: {  	[sflag:s8] =	ssyncset.s32 @!p0 $0xFFFFF086;
	s6 =	sadd.s32 @!p0 s3, s7;
	s7 =	simm.s32 @!p0 $0x108  }
0x21: {  	s3 =	sadd.s32 s3, s9;
	s6 =	sadd.s32 @!p0 $0x88, s6;
	s7 =	simm.s32 @p2 $0x1082  }
0x22: {  	[simem:s7], [sflag:s8] =	dma.local @!p0 [hbm:s6], $0xF7A  }
0x23: {  	s9 =	sor.u32 $0xD0000000, s2;
	s6 =	simm.s32 $0x108;
	_ =	swait.ge @!p0 [sflag:s8], $0x0  }
0x24: {  	s3 =	sadd.s32 $0x88, s3;
	s6 =	simm.s32 @!p1 $0x1082;
	[sflag:s4] =	ssyncset.s32 $0xFFFFF086  }
0x25: {  	[simem:s6], [sflag:s4] =	dma.local [hbm:s3], $0xF7A  }
0x26: {  	[smem:$0x3F8F] =	sst s1;
	(tag) =	ssettag s2;
	_ =	strace s9  }
0x27: {  	s1 =	sld [smem:$0x3F9F]  }
0x28: {  	s2 =	sld [smem:$0x3FA0]  }
0x29: {  	s4 =	sld [smem:$0x3FA2]  }
0x2a: {  	p0 =	seq.s32 s5, $0x0;
	s5 =	sld [smem:$0x3FA3]  }
0x2b: {  	s6 =	sld [smem:$0x3FA4]  }
0x2c: {  	s7 =	sld [smem:$0x3FA5]  }
0x2d: {  	s3 =	simm.s32 $0x108;
	s8 =	sld [smem:$0x3FA6]  }
0x2e: {  	s3 =	simm.s32 @!p0 $0x1082;
	s9 =	sld [smem:$0x3FA7]  }
0x2f: {  	lr =	sadd.s32 s0, s3;
	s0 =	sld [smem:$0x3F9E]  }
0x30: {  	s3 =	sld [smem:$0x3FA1]  }
0x31: {  	[smem:$0x3FAA] =	sst s10  }
0x32: {  	s10 =	sld [smem:$0x3FA8];
	_ =	sdelay $0x3  }
0x33: {  	p0 =	seq.s32 s10, $0x1;
	s10 =	sld [smem:$0x3FAA];
	_ =	sdelay $0x3  }
0x34: {  	[smem:$0x3FAA] =	sst s10  }
0x35: {  	s10 =	sld [smem:$0x3FA9];
	_ =	sdelay $0x3  }
0x36: {  	p1 =	seq.s32 s10, $0x1;
	s10 =	sld [smem:$0x3FAA];
	_ =	sdelay $0x3  }
0x37: {  	[smem:$0x3FAA] =	sst s10  }
0x38: {  	s10 =	sld [smem:$0x3FAB]  }
0x39: {  	_ = 	snop;
	(pc) =	sbr.ind lr, $3  }
0x3a: {  	_ = 	snop  }
0x3b: {  	_ = 	snop  }
0x3c: {  	p2 =	seq.s32 s10, $0x1;
	s10 =	sld [smem:$0x3FAA]  }
0x3d: {  	_ =	shalt  }
0x3e: {  	_ =	shalt  }
0x3f: {  	_ =	shalt  }
0x40: {  	_ =	shalt  }
0x41: {  	_ =	shalt  }
0x42: {  	_ =	shalt  }
0x43: {  	_ =	shalt  }
0x44: {  	_ =	shalt  }
0x45: {  	_ =	shalt  }
0x46: {  	_ =	shalt  }
0x47: {  	_ =	shalt  }
0x48: {  	_ =	shalt  }
0x49: {  	_ =	shalt  }
0x4a: {  	_ =	shalt  }
0x4b: {  	_ =	shalt  }
0x4c: {  	_ =	shalt  }
0x4d: {  	_ =	shalt  }
0x4e: {  	_ =	shalt  }
0x4f: {  	_ =	shalt  }
0x50: {  	_ =	shalt  }
0x51: {  	_ =	shalt  }
0x52: {  	_ =	shalt  }
0x53: {  	_ =	shalt  }
0x54: {  	_ =	shalt  }
0x55: {  	_ =	shalt  }
0x56: {  	_ =	shalt  }
0x57: {  	_ =	shalt  }
0x58: {  	_ =	shalt  }
0x59: {  	_ =	shalt  }
0x5a: {  	_ =	shalt  }
0x5b: {  	_ =	shalt  }
0x5c: {  	_ =	shalt  }
0x5d: {  	_ =	shalt  }
0x5e: {  	_ =	shalt  }
0x5f: {  	_ =	shalt  }
0x60: {  	_ =	shalt  }
0x61: {  	_ =	shalt  }
0x62: {  	_ =	shalt  }
0x63: {  	_ =	shalt  }
0x64: {  	_ =	shalt  }
0x65: {  	_ =	shalt  }
0x66: {  	_ =	shalt  }
0x67: {  	_ =	shalt  }
0x68: {  	_ =	shalt  }
0x69: {  	_ =	shalt  }
0x6a: {  	_ =	shalt  }
0x6b: {  	_ =	shalt  }
0x6c: {  	_ =	shalt  }
0x6d: {  	_ =	shalt  }
0x6e: {  	_ =	shalt  }
0x6f: {  	_ =	shalt  }
0x70: {  	_ =	shalt  }
0x71: {  	_ =	shalt  }
0x72: {  	_ =	shalt  }
0x73: {  	_ =	shalt  }
0x74: {  	_ =	shalt  }
0x75: {  	_ =	shalt  }
0x76: {  	_ =	shalt  }
0x77: {  	_ =	shalt  }
0x78: {  	_ =	shalt  }
0x79: {  	_ =	shalt  }
0x7a: {  	_ =	shalt  }
0x7b: {  	_ =	shalt  }
0x7c: {  	_ =	shalt  }
0x7d: {  	_ =	shalt  }
0x7e: {  	_ =	shalt  }
0x7f: {  	_ =	shalt  }
0x80: {  	_ =	shalt  }
0x81: {  	_ =	shalt  }
0x82: {  	_ =	shalt  }
0x83: {  	_ =	shalt  }
0x84: {  	_ =	shalt  }
0x85: {  	_ =	shalt  }
0x86: {  	_ =	shalt  }
0x87: {  	_ =	shalt  }
.Lfunc_end0:
.L_simem_size_0:
called_computation.3_lowered:
.L_overlay_start_0:
0x88: {  	s2 =	sld [smem:$0x3FD9]  }
0x89: {  	s3 =	sld [smem:$0x3FFE];
	_ =	sdelay $0x1  }
0x8a: {  	s1 =	srdreg.scid  }
0x8b: {  	s0 =	sand.u32 $0x1, s1  }
0x8c: {  	s16 =	sshll.u32 s0, $0xA;
	s2 =	sadd.s32 s3, s2  }
0x8d: {  	s2 =	sadd.s32 s2, s16  }
0x8e: {  	[smem:$0x3FB6] =	sst s2  }
0x8f: {  	_ = 	snop  }
0x90: {  	(tm) =	ssettm $0x1  }
0x91: {  	s17 =	sld [smem:$0x3FFB];
	_ =	sdelay $0x3  }
0x92: {  	_ =	strace s17  }
0x93: {  	s2 =	sld [smem:$0x3FFC];
	_ =	sdelay $0x3  }
0x94: {  	_ =	strace s2  }
0x95: {  	s2 =	sld [smem:$0x3FFD];
	_ =	sdelay $0x3  }
0x96: {  	_ =	strace s2  }
0x97: {  	_ =	strace $0x8FFFFFFF  }
0x98: {  	s18 =	sld [smem:$0x3FDB];
	_ =	sdelay $0x1  }
0x99: {  	s19 =	simm.s32 $_scs_section_size  }
0x9a: {  	s4 =	simm.s32 $_size__tile_overlayer_lowered;
	s5 =	simm.s32 $_tile_overlayer_lowered  }
0x9b: {  	s22 =	simm.s32 $0x1BFF;
	s21 =	sshll.u32 s5, $0x1;
	s2 =	sadd.s32 s19, s18  }
0x9c: {  	s6 =	simm.s32 $0x0;
	s20 =	sshll.u32 s4, $0x1;
	s4 =	sadd.s32 s21, s2  }
0x9d: {  	[timem:s6], [sflag:s22] =	dma.local [hbm:s4], s20  }
0x9e: {  	_ =	swait.ge [sflag:s22], s20  }
0x9f: {  	s3 =	ssub.s32 $0x0, s20;
	[sflag:s22] =	ssyncset.done $0x0  }
0xa0: {  	[sflag:s22] =	ssyncadd.s32 s3;
	_ =	sdelay $0x1  }
0xa1: {  	s23 =	simm.s32 $0x1B8B  }
0xa2: {  	_ =	swait.ge [sflag:s23], $0x1  }
0xa3: {  	[sflag:s23] =	ssyncset.done $0x0  }
0xa4: {  	s25 =	simm.s32 $0x1B8E;
	s24 =	sld [smem:$0x3FFE];
	[sflag:s23] =	ssyncadd.s32 $0xFFFFFFFF  }
0xa5: {  	s26 =	simm.s32 $execute0_lowered;
	[smem:$0x3FD2] =	sst s25  }
0xa6: {  	s4 =	sshll.u32 s26, $0x1;
	_ =	strace $0x80000055;
	[dreg:$0x1] =	wrdreg $0xFFFFFFFF  }
0xa7: {  	s28 =	simm.s32 $_size_execute0_lowered;
	s2 =	sadd.s32 s2, s4;
	[dreg:$0x0] =	wrdreg $0x0  }
0xa8: {  	s4 =	sshll.u32 s28, $0x1;
	[dreg:$0x2] =	wrdreg s2  }
0xa9: {  	[dreg:$0x3] =	wrdreg s4  }
0xaa: {  	[dreg:$0x4] =	wrdreg $0xC0  }
0xab: {  	_ =	task [dreg:s6], $0x5FFFF  }
0xac: {  	[dreg:$0x1] =	wrdreg $0xFFFFFFFF  }
0xad: {  	[dreg:$0x0] =	wrdreg $0x60  }
0xae: {  	[dreg:$0x2] =	wrdreg s24  }
0xaf: {  	[dreg:$0x3] =	wrdreg $0x0  }
0xb0: {  	[dreg:$0x4] =	wrdreg $0x9  }
0xb1: {  	_ =	task.clear_ibuf [dreg:s6], $0x5FFFF;
	_ =	strace $0x90000055  }
0xb2: {  	s29 =	simm.s32 $0x9;
	_ =	strace $0x8000005A  }
0xb3: {  	_ =	swait.ge [sflag:s29], $0x1  }
0xb4: {  	[sflag:s29] =	ssyncadd.s32 $0xFFFFFFFF  }
0xb5: {  	_ =	strace $0x9000005A  }
0xb6: {  	_ =	sfence  }
0xb7: {  	s30 =	sld [smem:$0x0];
	_ =	sdelay $0x2  }
0xb8: {  	s31 =	sshll.u32 s1, $0xD;
	s1 =	sshrl.u32 s1, $0x2  }
0xb9: {  	s3 =	sand.u32 $0x4000, s31;
	s1 =	sadd.s32 s1, s30  }
0xba: {  	s0 =	sor.u32 s3, s0;
	s1 =	sshll.u32 s1, $0x11  }
0xbb: {  	s0 =	sor.u32 s1, s0  }
0xbc: {  	s0 =	sadd.s32 $0x8F2B, s0  }
0xbd: {  	[sflag:s0] =	ssyncadd.remote.s32 $0x1  }
0xbe: {  	_ =	sfence.sel $0xFFFF  }
0xbf: {  	[dreg:$0x0] =	wrdreg $0xFFFFFFFF;
	(pc) =	sbr.abs _section_cstart, $3  }
0xc0: {  	[dreg:$0x1] =	wrdreg $0xFFFFFFFF  }
0xc1: {  	_ =	task.clear_ibuf [dreg:s6], $0x2FFFF;
	_ =	strace $0x9FFFFFFF  }
0xc2: {  	(tm) =	ssettm $0x7FFFFFFF  }
0xc3: {  	_ =	shalt  }
tec
execute0_lowered:
.L_overlay_start_1:
0x0: {  	(tag) =	ssettag $0x1  }
0x1: {  	s0 =	rddreg [dreg:$0x0]  }
0x2: {  	s1 =	rddreg [dreg:$0x1];
	s2 =	simm.s32 $0x0  }
0x3: {  	s3 =	srdreg.scid;
	s11 =	stileid.u32;
	s10 =	simm.s32 $0x8B  }
0x4: {  	s28 =	simm.s32 $0x14000;
	s29 =	simm.s32 $0x3;
	s30 =	simm.s32 $0x80  }
0x5: {  	s31 =	simm.s32 $0x14100;
	[smem:$0x7FF] =	sst s2;
	s6 =	smul.u32 $0x13, s11  }
0x6: {  	s4 =	sadd.s32 $0x5F000, s0;
	s5 =	sadd.s32 $0x24200, s0;
	s8 =	smul.u32 $0x8B, s11  }
0x7: {  	s3 =	sand.u32 $0x1, s3;
	s0 =	sadd.s32 $0x86200, s0;
	s23 =	smul.u32 $0x50000, s11  }
0x8: {  	s14 =	smul.u32 $0x14000, s11;
	s11 =	simm.s32 $0x14180;
	_ =	strace $0x80000056  }
0x9: {  	s7 =	ssub.s32 $0x2, s3;
	p0 =	seq.s32 s3, $0x0;
	s3 =	smul.u32 $0x140000, s3  }
0xa: {  	s9 =	sshrl.u32 s7, $0x1;
	s6 =	sadd.s32 $0x8B0, s6;
	s10 =	simm.s32 @!p0 $0x13  }
0xb: {  	s19 =	sadd.s32 $0x4000, s14;
	s6 =	smov.u32 @p0 s8;
	s7 =	ssub.s32 s7, s9  }
0xc: {  	s8 =	sshrl.u32 s23, $0x2;
	s13 =	sadd.s32 $0xFFFFFFFD, s10;
	s18 =	sadd.s32 s3, s14  }
0xd: {  	s21 =	sadd.s32 s3, s19;
	s23 =	sadd.s32 $0x8000, s14;
	s24 =	sshll.u32 s6, $0x5  }
0xe: {  	s25 =	sadd.s32 s6, s10;
	s6 =	sadd.s32 s8, s1;
	s8 =	sshrl.u32 s13, $0x1  }
0xf: {  	s7 =	smax.u32 s7, $0x1;
	s22 =	sshrl.u32 s21, $0x3;
	s10 =	simm.s32 $0x2  }
0x10: {  	s12 =	sadd.s32 s5, s24;
	s9 =	sshll.u32 s25, $0x5;
	[dreg:$0x5] =	wrdreg s7  }
0x11: {  	s15 =	sadd.s32 $0x4000, s6;
	s16 =	sadd.s32 $0x8000, s6;
	s17 =	sadd.s32 $0xC000, s6  }
0x12: {  	s20 =	sadd.s32 $0x10000, s6;
	s7 =	sshrl.u32 s18, $0x3;
	[dreg:$0x6] =	wrdreg s15  }
0x13: {  	s24 =	sadd.s32 s3, s23;
	s18 =	sadd.s32 s23, s1;
	[dreg:$0x7] =	wrdreg s16  }
0x14: {  	s25 =	sadd.s32 $0xC000, s14;
	s26 =	sadd.s32 $0x20, s12;
	[dreg:$0x8] =	wrdreg s17  }
0x15: {  	s5 =	sadd.s32 s5, s9;
	[dreg:$0x9] =	wrdreg s20;
	s7 =	sadd.s32 s0, s7  }
0x16: {  	s9 =	sadd.s32 s19, s1;
	s17 =	sadd.s32 s0, s22;
	[dreg:$0x3] =	wrdreg s26  }
0x17: {  	s20 =	sadd.s32 s25, s1;
	s16 =	smov.u32 s12;
	[dreg:$0xa] =	wrdreg s7  }
0x18: {  	s5 =	sadd.s32 $0xFFFFFFE0, s5;
	[dreg:$0xb] =	wrdreg s9;
	s7 =	sshrl.u32 s24, $0x3  }
0x19: {  	s26 =	sadd.s32 s3, s25;
	s25 =	simm.s32 $0x14200;
	s9 =	simm.s32 $0x14080  }
0x1a: {  	[dreg:$0x4] =	wrdreg s5;
	s19 =	sadd.s32 s0, s7;
	s5 =	sadd.s32 $0x10000, s14  }
0x1b: {  	s7 =	sshrl.u32 s26, $0x3;
	s26 =	simm.s32 $0x5;
	s3 =	sadd.s32 s3, s5  }
0x1c: {  	s21 =	sadd.s32 s0, s7;
	s22 =	sadd.s32 s5, s1;
	s5 =	sadd.s32 $0x60, s12  }
0x1d: {  	s7 =	simm.s32 $0x1;
	s12 =	simm.s32 $0x0;
	s3 =	sshrl.u32 s3, $0x3  }
0x1e: {  	v0 =	vimm.f32 $0.0e+00;
	s23 =	sadd.s32 s0, s3;
	s0 =	simm.s32 $0x4;
	s3 =	simm.s32 $0x18200  }
.LBB2_1:
0x1f: {  	s13 =	sand.u32 $0xFE00, s2  }
0x20: {  	_ =	strace $0x80000057;
	s14 =	sand.u32 $0x70, s2;
	s24 =	sshrl.u32 s13, $0x2  }
0x21: {  	s13 =	simm.s32 $0x40;
	s24 =	sor.u32 s14, s24;
	s14 =	simm.s32 $0x0  }
.LBB2_2:
0x22: {  	p0 =	sne.s32 s13, $0xFFC0  }
0x23: {  	[tilespmem:s24+$0x14200] =	vst v0;
	s14 =	sadd.s32 $0x10, s14;
	s24 =	smov.u32 s13;
	s13 =	sadd.s32 $0x40, s13  }
.Ltmp0:
0x24: {  	(pc) =	sbr.rel @p0 .LBB2_2-.Ltmp0, $4  }
0x25: {  	_ = 	snop  }
0x26: {  	s24 =	sand.u32 $0xFE00, s24  }
0x27: {  	s15 =	sand.u32 $0x70, s14;
	s24 =	sshrl.u32 s24, $0x2  }
0x28: {  	s24 =	sor.u32 s15, s24  }
0x29: {  	[tilespmem:s24+$0x14200] =	vst v0  }
0x2a: {  	[spmem:s6] =	stream.linear.scatter [tilespmem:s25], [sflag:$0x5], $0x4000, $0x200038;
	[tilespmem:$0x1C200] =	vst v63  }
0x2b: {  	_ =	swait.ge [sflag:s26], $0x4000  }
0x2c: {  	[sflag:s26] =	ssyncset.done $0x0  }
0x2d: {  	s13 =	rddreg [dreg:$0x6];
	[sflag:s26] =	ssyncadd.s32 $0xFFFFC000  }
0x2e: {  	[spmem:s13] =	stream.linear.scatter [tilespmem:s25], [sflag:$0x5], $0x4000, $0x200038;
	[tilespmem:$0x1C200] =	vst v63  }
0x2f: {  	_ =	swait.ge [sflag:s26], $0x4000  }
0x30: {  	[sflag:s26] =	ssyncset.done $0x0  }
0x31: {  	s15 =	rddreg [dreg:$0x7];
	[sflag:s26] =	ssyncadd.s32 $0xFFFFC000  }
0x32: {  	[spmem:s15] =	stream.linear.scatter [tilespmem:s25], [sflag:$0x5], $0x4000, $0x200038;
	[tilespmem:$0x1C200] =	vst v63  }
0x33: {  	_ =	swait.ge [sflag:s26], $0x4000  }
0x34: {  	[sflag:s26] =	ssyncset.done $0x0  }
0x35: {  	s24 =	rddreg [dreg:$0x8];
	[sflag:s26] =	ssyncadd.s32 $0xFFFFC000  }
0x36: {  	[spmem:s24] =	stream.linear.scatter [tilespmem:s25], [sflag:$0x5], $0x4000, $0x200038;
	[tilespmem:$0x1C200] =	vst v63  }
0x37: {  	_ =	swait.ge [sflag:s26], $0x4000  }
0x38: {  	[sflag:s26] =	ssyncset.done $0x0  }
0x39: {  	s14 =	rddreg [dreg:$0x9];
	[sflag:s26] =	ssyncadd.s32 $0xFFFFC000  }
0x3a: {  	[spmem:s14] =	stream.linear.scatter [tilespmem:s25], [sflag:$0x5], $0x4000, $0x200038;
	[tilespmem:$0x1C200] =	vst v63  }
0x3b: {  	_ =	swait.ge [sflag:s26], $0x4000  }
0x3c: {  	[sflag:s26] =	ssyncset.done $0x0  }
0x3d: {  	[sflag:s26] =	ssyncadd.s32 $0xFFFFC000  }
0x3e: {  	[bflag:$0x0] =	sbarrier.arrive $0xFFFF  }
0x3f: {  	_ =	strace $0x90000057  }
0x40: {  	_ =	strace $0x80000058  }
0x41: {  	[tilespmem:s28], [sflag:$0x3] =	stream.linear.gather [hbm4b:s16+s2], $0x100, $0x200038;
	[tilespmem:$0x1C200] =	vst v63  }
0x42: {  	_ =	swait.ge [sflag:s29], $0x100  }
0x43: {  	[sflag:s29] =	ssyncset.done $0x0  }
0x44: {  	[sflag:s29] =	ssyncadd.s32 $0xFFFFFF00  }
0x45: {  	[tilespmem:s25], [sflag:$0x1] =	stream.indirect.gather [hbm4b:s4+s30], $0x80, s28, s30, $0x2000b8;
	[tilespmem:$0x1C200] =	vst v63  }
0x46: {  	s15 =	rddreg [dreg:$0x3]  }
0x47: {  	[tilespmem:s31], [sflag:$0x4] =	stream.linear.gather [hbm4b:s15+s2], $0x100, $0x200038;
	[tilespmem:$0x1C200] =	vst v63  }
0x48: {  	_ =	swait.ge [sflag:s0], $0x100  }
0x49: {  	[sflag:s0] =	ssyncset.done $0x0  }
0x4a: {  	[sflag:s0] =	ssyncadd.s32 $0xFFFFFF00  }
0x4b: {  	[tilespmem:s3], [sflag:$0x2] =	stream.indirect.gather [hbm4b:s4+s30], $0x80, s31, s30, $0x2000b8;
	[tilespmem:$0x1C200] =	vst v63  }
0x4c: {  	_ =	swait.ge [sflag:s7], $0x4000  }
0x4d: {  	[sflag:s7] =	ssyncset.done $0x0  }
0x4e: {  	[sflag:s7] =	ssyncadd.s32 $0xFFFFC000  }
0x4f: {  	[spmem:s1] =	stream.indirect.scatter.add.f32 [tilespmem:s25], [sflag:$0x5], $0x80, s9, s30, $0x2000b8;
	[tilespmem:$0x1C200] =	vst v63  }
0x50: {  	_ =	swait.ge [sflag:s26], $0x4000  }
0x51: {  	[sflag:s26] =	ssyncset.done $0x0  }
0x52: {  	s24 =	sadd.s32 $0xFFFFFFE0, s5;
	[sflag:s26] =	ssyncadd.s32 $0xFFFFC000  }
0x53: {  	[tilespmem:s28], [sflag:$0x3] =	stream.linear.gather [hbm4b:s24+s2], $0x100, $0x200038;
	[tilespmem:$0x1C200] =	vst v63  }
0x54: {  	_ =	swait.ge [sflag:s29], $0x100  }
0x55: {  	[sflag:s29] =	ssyncset.done $0x0  }
0x56: {  	[sflag:s29] =	ssyncadd.s32 $0xFFFFFF00  }
0x57: {  	[tilespmem:s25], [sflag:$0x1] =	stream.indirect.gather [hbm4b:s4+s30], $0x80, s28, s30, $0x2000b8;
	[tilespmem:$0x1C200] =	vst v63  }
0x58: {  	_ =	swait.ge [sflag:s10], $0x4000  }
0x59: {  	p0 =	sne.s32 s8, $0x1;
	[sflag:s10] =	ssyncset.done $0x0  }
.Ltmp1:
0x5a: {  	[sflag:s10] =	ssyncadd.s32 $0xFFFFC000;
	(pc) =	sbr.rel @!p0 .LBB2_5-.Ltmp1, $4  }
0x5b: {  	[spmem:s1] =	stream.indirect.scatter.add.f32 [tilespmem:s3], [sflag:$0x5], $0x80, s11, s30, $0x2000b8;
	[tilespmem:$0x1C200] =	vst v63  }
0x5c: {  	_ =	swait.ge [sflag:s26], $0x4000  }
0x5d: {  	s13 =	sadd.s32 $0xFFFFFFFF, s8;
	[sflag:s26] =	ssyncset.done $0x0  }
0x5e: {  	s14 =	sadd.s32 $0x40, s5;
	s24 =	smov.u32 s5;
	[sflag:s26] =	ssyncadd.s32 $0xFFFFC000  }
.LBB2_4:
0x5f: {  	[tilespmem:s31], [sflag:$0x4] =	stream.linear.gather [hbm4b:s24+s2], $0x100, $0x200038;
	[tilespmem:$0x1C200] =	vst v63  }
0x60: {  	p0 =	sne.s32 s13, $0x1;
	s13 =	sadd.s32 $0xFFFFFFFF, s13;
	_ =	swait.ge [sflag:s0], $0x100  }
0x61: {  	s24 =	smov.u32 s14;
	[sflag:s0] =	ssyncset.done $0x0  }
0x62: {  	[sflag:s0] =	ssyncadd.s32 $0xFFFFFF00  }
0x63: {  	[tilespmem:s3], [sflag:$0x2] =	stream.indirect.gather [hbm4b:s4+s30], $0x80, s31, s30, $0x2000b8;
	[tilespmem:$0x1C200] =	vst v63  }
0x64: {  	_ =	swait.ge [sflag:s7], $0x4000  }
0x65: {  	[sflag:s7] =	ssyncset.done $0x0  }
0x66: {  	[sflag:s7] =	ssyncadd.s32 $0xFFFFC000  }
0x67: {  	[spmem:s1] =	stream.indirect.scatter.add.f32 [tilespmem:s25], [sflag:$0x5], $0x80, s9, s30, $0x2000b8;
	[tilespmem:$0x1C200] =	vst v63  }
0x68: {  	_ =	swait.ge [sflag:s26], $0x4000  }
0x69: {  	[sflag:s26] =	ssyncset.done $0x0  }
0x6a: {  	s15 =	sadd.s32 $0xFFFFFFE0, s14;
	[sflag:s26] =	ssyncadd.s32 $0xFFFFC000  }
0x6b: {  	[tilespmem:s28], [sflag:$0x3] =	stream.linear.gather [hbm4b:s15+s2], $0x100, $0x200038;
	[tilespmem:$0x1C200] =	vst v63  }
0x6c: {  	_ =	swait.ge [sflag:s29], $0x100  }
0x6d: {  	[sflag:s29] =	ssyncset.done $0x0  }
0x6e: {  	[sflag:s29] =	ssyncadd.s32 $0xFFFFFF00  }
0x6f: {  	[tilespmem:s25], [sflag:$0x1] =	stream.indirect.gather [hbm4b:s4+s30], $0x80, s28, s30, $0x2000b8;
	[tilespmem:$0x1C200] =	vst v63  }
0x70: {  	_ =	swait.ge [sflag:s10], $0x4000  }
0x71: {  	[sflag:s10] =	ssyncset.done $0x0  }
.Ltmp2:
0x72: {  	[sflag:s10] =	ssyncadd.s32 $0xFFFFC000;
	(pc) =	sbr.rel @p0 .LBB2_4-.Ltmp2, $4  }
0x73: {  	[spmem:s1] =	stream.indirect.scatter.add.f32 [tilespmem:s3], [sflag:$0x5], $0x80, s11, s30, $0x2000b8;
	[tilespmem:$0x1C200] =	vst v63  }
0x74: {  	_ =	swait.ge [sflag:s26], $0x4000  }
0x75: {  	[sflag:s26] =	ssyncset.done $0x0  }
0x76: {  	s14 =	sadd.s32 $0x40, s14;
	[sflag:s26] =	ssyncadd.s32 $0xFFFFC000  }
.LBB2_5:
0x77: {  	[tilespmem:s31], [sflag:$0x4] =	stream.linear.gather [hbm4b:s24+s2], $0x100, $0x200038;
	[tilespmem:$0x1C200] =	vst v63  }
0x78: {  	_ =	swait.ge [sflag:s0], $0x100  }
0x79: {  	[sflag:s0] =	ssyncset.done $0x0  }
0x7a: {  	[sflag:s0] =	ssyncadd.s32 $0xFFFFFF00  }
0x7b: {  	[tilespmem:s3], [sflag:$0x2] =	stream.indirect.gather [hbm4b:s4+s30], $0x80, s31, s30, $0x2000b8;
	[tilespmem:$0x1C200] =	vst v63  }
0x7c: {  	_ =	swait.ge [sflag:s7], $0x4000  }
0x7d: {  	[sflag:s7] =	ssyncset.done $0x0  }
0x7e: {  	[sflag:s7] =	ssyncadd.s32 $0xFFFFC000  }
0x7f: {  	[spmem:s1] =	stream.indirect.scatter.add.f32 [tilespmem:s25], [sflag:$0x5], $0x80, s9, s30, $0x2000b8;
	[tilespmem:$0x1C200] =	vst v63  }
0x80: {  	_ =	swait.ge [sflag:s26], $0x4000  }
0x81: {  	[sflag:s26] =	ssyncset.done $0x0  }
0x82: {  	s13 =	rddreg [dreg:$0x4];
	[sflag:s26] =	ssyncadd.s32 $0xFFFFC000  }
0x83: {  	[tilespmem:s28], [sflag:$0x3] =	stream.linear.gather [hbm4b:s13+s2], $0x100, $0x200038;
	[tilespmem:$0x1C200] =	vst v63  }
0x84: {  	_ =	swait.ge [sflag:s29], $0x100  }
0x85: {  	[sflag:s29] =	ssyncset.done $0x0  }
0x86: {  	[sflag:s29] =	ssyncadd.s32 $0xFFFFFF00  }
0x87: {  	[tilespmem:s25], [sflag:$0x1] =	stream.indirect.gather [hbm4b:s4+s30], $0x80, s28, s30, $0x2000b8;
	[tilespmem:$0x1C200] =	vst v63  }
0x88: {  	_ =	swait.ge [sflag:s10], $0x4000  }
0x89: {  	[sflag:s10] =	ssyncset.done $0x0  }
0x8a: {  	[sflag:s10] =	ssyncadd.s32 $0xFFFFC000  }
0x8b: {  	[spmem:s1] =	stream.indirect.scatter.add.f32 [tilespmem:s3], [sflag:$0x5], $0x80, s11, s30, $0x2000b8;
	[tilespmem:$0x1C200] =	vst v63  }
0x8c: {  	_ =	swait.ge [sflag:s26], $0x4000  }
0x8d: {  	[sflag:s26] =	ssyncset.done $0x0  }
0x8e: {  	[sflag:s26] =	ssyncadd.s32 $0xFFFFC000  }
0x8f: {  	_ =	swait.ge [sflag:s7], $0x4000  }
0x90: {  	[sflag:s7] =	ssyncset.done $0x0  }
0x91: {  	[sflag:s7] =	ssyncadd.s32 $0xFFFFC000  }
0x92: {  	[spmem:s1] =	stream.indirect.scatter.add.f32 [tilespmem:s25], [sflag:$0x5], $0x80, s9, s30, $0x2000b8;
	[tilespmem:$0x1C200] =	vst v63  }
0x93: {  	_ =	swait.ge [sflag:s26], $0x4000  }
0x94: {  	[sflag:s26] =	ssyncset.done $0x0  }
0x95: {  	[sflag:s26] =	ssyncadd.s32 $0xFFFFC000  }
0x96: {  	_ =	strace $0x90000058  }
0x97: {  	_ =	strace $0x80000059  }
0x98: {  	[bflag:$0x0] =	sbarrier.arrive $0xFFFF  }
0x99: {  	[tilespmem:s25], [sflag:$0x5] =	stream.linear.gather [spmem:s6], $0x4000, $0x200038;
	[tilespmem:$0x1C200] =	vst v63  }
0x9a: {  	_ =	swait.ge [sflag:s26], $0x4000  }
0x9b: {  	[sflag:s26] =	ssyncset.done $0x0  }
0x9c: {  	s14 =	rddreg [dreg:$0xa];
	[sflag:s26] =	ssyncadd.s32 $0xFFFFC000  }
0x9d: {  	[hbm4b:s14+s2] =	stream.linear.scatter [tilespmem:s25], [sflag:$0x5], $0x4000, $0x200038;
	[tilespmem:$0x1C200] =	vst v63  }
0x9e: {  	_ =	swait.ge [sflag:s26], $0x4000  }
0x9f: {  	[sflag:s26] =	ssyncset.done $0x0  }
0xa0: {  	s15 =	rddreg [dreg:$0xb];
	[sflag:s26] =	ssyncadd.s32 $0xFFFFC000  }
0xa1: {  	[tilespmem:s25], [sflag:$0x5] =	stream.linear.gather [spmem:s15], $0x4000, $0x200038;
	[tilespmem:$0x1C200] =	vst v63  }
0xa2: {  	_ =	swait.ge [sflag:s26], $0x4000  }
0xa3: {  	[sflag:s26] =	ssyncset.done $0x0  }
0xa4: {  	[sflag:s26] =	ssyncadd.s32 $0xFFFFC000  }
0xa5: {  	[hbm4b:s17+s2] =	stream.linear.scatter [tilespmem:s25], [sflag:$0x5], $0x4000, $0x200038;
	[tilespmem:$0x1C200] =	vst v63  }
0xa6: {  	_ =	swait.ge [sflag:s26], $0x4000  }
0xa7: {  	[sflag:s26] =	ssyncset.done $0x0  }
0xa8: {  	[sflag:s26] =	ssyncadd.s32 $0xFFFFC000  }
0xa9: {  	[tilespmem:s25], [sflag:$0x5] =	stream.linear.gather [spmem:s18], $0x4000, $0x200038;
	[tilespmem:$0x1C200] =	vst v63  }
0xaa: {  	_ =	swait.ge [sflag:s26], $0x4000  }
0xab: {  	[sflag:s26] =	ssyncset.done $0x0  }
0xac: {  	[sflag:s26] =	ssyncadd.s32 $0xFFFFC000  }
0xad: {  	[hbm4b:s19+s2] =	stream.linear.scatter [tilespmem:s25], [sflag:$0x5], $0x4000, $0x200038;
	[tilespmem:$0x1C200] =	vst v63  }
0xae: {  	_ =	swait.ge [sflag:s26], $0x4000  }
0xaf: {  	[sflag:s26] =	ssyncset.done $0x0  }
0xb0: {  	[sflag:s26] =	ssyncadd.s32 $0xFFFFC000  }
0xb1: {  	[tilespmem:s25], [sflag:$0x5] =	stream.linear.gather [spmem:s20], $0x4000, $0x200038;
	[tilespmem:$0x1C200] =	vst v63  }
0xb2: {  	_ =	swait.ge [sflag:s26], $0x4000  }
0xb3: {  	[sflag:s26] =	ssyncset.done $0x0  }
0xb4: {  	[sflag:s26] =	ssyncadd.s32 $0xFFFFC000  }
0xb5: {  	[hbm4b:s21+s2] =	stream.linear.scatter [tilespmem:s25], [sflag:$0x5], $0x4000, $0x200038;
	[tilespmem:$0x1C200] =	vst v63  }
0xb6: {  	_ =	swait.ge [sflag:s26], $0x4000  }
0xb7: {  	[sflag:s26] =	ssyncset.done $0x0  }
0xb8: {  	[sflag:s26] =	ssyncadd.s32 $0xFFFFC000  }
0xb9: {  	[tilespmem:s25], [sflag:$0x5] =	stream.linear.gather [spmem:s22], $0x4000, $0x200038;
	[tilespmem:$0x1C200] =	vst v63  }
0xba: {  	_ =	swait.ge [sflag:s26], $0x4000  }
0xbb: {  	[sflag:s26] =	ssyncset.done $0x0  }
0xbc: {  	[sflag:s26] =	ssyncadd.s32 $0xFFFFC000  }
0xbd: {  	[hbm4b:s23+s2] =	stream.linear.scatter [tilespmem:s25], [sflag:$0x5], $0x4000, $0x200038;
	[tilespmem:$0x1C200] =	vst v63  }
0xbe: {  	_ =	swait.ge [sflag:s26], $0x4000  }
0xbf: {  	s12 =	sadd.s32 $0x1, s12;
	s24 =	rddreg [dreg:$0x5]  }
0xc0: {  	p0 =	sne.s32 s12, s24  }
.Ltmp3:
0xc1: {  	_ = 	snop;
	(pc) =	sbr.rel @p0 .LBB2_1-.Ltmp3, $4  }
0xc2: {  	_ = 	snop  }
0xc3: {  	[sflag:s26] =	ssyncset.done $0x0  }
0xc4: {  	[sflag:s26] =	ssyncadd.s32 $0xFFFFC000  }
0xc5: {  	_ =	strace $0x90000059  }
0xc6: {  	_ =	sfence.sel $0x180000  }
0xc7: {  	[bflag:$0x0] =	sbarrier.arrive $0xFFFF  }
0xc8: {  	_ =	strace $0x90000056  }
0xc9: {  	s0 =	stileid.u32;
	[bflag:$0x2] =	sbarrier.arrive $0xFFFF  }
0xca: {  	p0 =	sne.s32 s0, $0x0;
	s0 =	rddreg [dreg:$0x2]  }
0xcb: {  	s0 =	sadd.s32 @!p0 $0x100000, s0  }
0xcc: {  	[sflag:s0] =	ssyncadd.tile.s32 @!p0 $0x1;
	_ =	shalt  }
.Lfunc_end2:
_tile_overlayer_lowered:
.L_overlay_start_2:
0xcd: {  	(tag) =	ssettag $0x2  }
0xce: {  	s0 =	rddreg [dreg:$0x0];
	s2 =	stileid.u32  }
0xcf: {  	s1 =	rddreg [dreg:$0x1];
	p0 =	sne.s32 s2, $0x0  }
0xd0: {  	s3 =	rddreg [dreg:$0x2];
	[bflag:$0x3] =	sbarrier.arrive $0xFFFF;
	s2 =	simm.s32 @!p0 $0x1C05  }
0xd1: {  	[timem:s3], [sflag:s2] =	dma.local @!p0 [hbm:s0], s1  }
0xd2: {  	s0 =	simm.s32 @!p0 $0x5  }
0xd3: {  	_ =	swait.ge @!p0 [sflag:s0], s1  }
0xd4: {  	s1 =	ssub.s32 @!p0 $0x0, s1;
	[sflag:s0] =	ssyncset.done @!p0 $0x0  }
0xd5: {  	[sflag:s0] =	ssyncadd.s32 @!p0 s1  }
0xd6: {  	[bflag:$0x3] =	sbarrier.arrive $0xFFFF  }
0xd7: {  	_ =	shalt  }

</sc_bundles>
